<compile_context>
chip_gen: v7x
topology: tpu7x:2x2x1
jax: 0.10.2.dev20260603
libtpu: 0.0.44.dev20260713+nightly
codegen_flags: <defaults>
</compile_context>

<pallas_src>
import functools

import jax
import jax.numpy as jnp
from jax import lax
from jax.experimental import pallas as pl
from jax.experimental.pallas import tpu as pltpu
from jax.experimental.pallas import tpu_sc as plsc

N = 10000
E = 320000
IN_FEATS = 128
HID = 32

NC = 2
NS = 16
NW = NC * NS
CH = 128
CPT = 79
EPT = CH * CPT
E_PAD = NW * EPT
N_PAD = 10240
ROWS_PER_TILE = N_PAD // NS
STAGE_ROWS = 160
N_SUB = ROWS_PER_TILE // STAGE_ROWS

_mesh = plsc.VectorSubcoreMesh(core_axis_name="c", subcore_axis_name="s")



@functools.partial(
    pl.kernel,
    mesh=_mesh,
    compiler_params=pltpu.CompilerParams(use_tc_tiling_on_sc=False, needs_layout_passes=False),
    out_type=jax.ShapeDtypeStruct((NC, N_PAD, HID), jnp.float32),
    scratch_types=[
        pltpu.VMEM((CPT, CH), jnp.int32),
        pltpu.VMEM((CPT, CH), jnp.int32),
        pltpu.VMEM((CH, HID), jnp.float32),
        pltpu.VMEM((CH, HID), jnp.float32),
        pltpu.VMEM((STAGE_ROWS, HID), jnp.float32),
        pltpu.VMEM((16,), jnp.float32),
        pltpu.VMEM_SHARED((N_PAD, HID), jnp.float32),
        pltpu.SemaphoreType.DMA,
        pltpu.SemaphoreType.DMA,
    ],
)
def _sc_message_pass(h_hbm, src_hbm, dst_hbm, zeros_hbm, ones_hbm, mode_hbm,
                     out_hbm, srcv, dstv, rows_a, rows_b, stage_v, mode_v,
                     agg_sh, sem_a, sem_b):
    cid = lax.axis_index("c")
    sid = lax.axis_index("s")
    wid = sid * NC + cid
    r0 = sid * ROWS_PER_TILE
    pltpu.sync_copy(zeros_hbm, stage_v)
    for k in range(N_SUB):
        pltpu.sync_copy(stage_v,
                        agg_sh.at[pl.ds(r0 + k * STAGE_ROWS, STAGE_ROWS)])
    pltpu.sync_copy(mode_hbm, mode_v)
    pltpu.sync_copy(dst_hbm.at[wid], dstv)
    is_deg = jnp.sum(mode_v[...]) > 0.5
    plsc.subcore_barrier()

    @pl.when(jnp.logical_not(is_deg))
    def _mp_loop():
        pltpu.sync_copy(src_hbm.at[wid], srcv)
        pltpu.make_async_copy(h_hbm.at[srcv.at[0]], rows_a, sem_a).start()

        def pair(i, c):
            j = 1 + 2 * i
            pltpu.make_async_copy(h_hbm.at[srcv.at[j]], rows_b,
                                  sem_b).start()
            pltpu.make_async_copy(h_hbm.at[srcv.at[j - 1]], rows_a,
                                  sem_a).wait()
            pltpu.sync_copy(rows_a, agg_sh.at[dstv.at[j - 1]], add=True)
            pltpu.make_async_copy(h_hbm.at[srcv.at[j + 1]], rows_a,
                                  sem_a).start()
            pltpu.make_async_copy(h_hbm.at[srcv.at[j]], rows_b,
                                  sem_b).wait()
            pltpu.sync_copy(rows_b, agg_sh.at[dstv.at[j]], add=True)
            return c

        lax.fori_loop(0, (CPT - 1) // 2, pair, 0)
        pltpu.make_async_copy(h_hbm.at[srcv.at[CPT - 1]], rows_a,
                              sem_a).wait()
        pltpu.sync_copy(rows_a, agg_sh.at[dstv.at[CPT - 1]], add=True)

    @pl.when(is_deg)
    def _deg_loop():
        pltpu.sync_copy(ones_hbm, rows_a)

        def scatter_shard(idx_hbm, w):
            pltpu.sync_copy(idx_hbm.at[w], dstv)

            def dpair(i, c):
                j = 2 * i
                sa = pltpu.make_async_copy(rows_a, agg_sh.at[dstv.at[j]],
                                           sem_a)
                sb = pltpu.make_async_copy(rows_a, agg_sh.at[dstv.at[j + 1]],
                                           sem_b)
                sa.start(add=True)
                sb.start(add=True)
                sa.wait()
                sb.wait()
                return c

            lax.fori_loop(0, (CPT - 1) // 2, dpair, 0)
            pltpu.sync_copy(rows_a, agg_sh.at[dstv.at[CPT - 1]], add=True)

        @pl.when(cid == 0)
        def _in_degrees():
            scatter_shard(dst_hbm, sid)
            scatter_shard(dst_hbm, sid + NS)

        @pl.when(cid == 1)
        def _out_degrees():
            scatter_shard(src_hbm, sid)
            scatter_shard(src_hbm, sid + NS)

    plsc.subcore_barrier()
    for k in range(N_SUB):
        sub = pl.ds(r0 + k * STAGE_ROWS, STAGE_ROWS)
        pltpu.sync_copy(agg_sh.at[sub], stage_v)
        pltpu.sync_copy(stage_v, out_hbm.at[cid, sub])



RB = 1000


def _gated_rsqrt(d):
    return jnp.where(d > 0.0, lax.rsqrt(jnp.maximum(d, 1.0)), 0.0)


def _tc1_body(x_ref, w_ref, h_ref):
    h_ref[...] = jnp.dot(x_ref[...], w_ref[...],
                         preferred_element_type=jnp.float32)


def _tcs_body(h_ref, dout_ref, o_ref):
    o_ref[...] = h_ref[...] * _gated_rsqrt(dout_ref[...][0])



def _tc2_body(p_ref, din_ref, dout_ref, b1_ref, w2_ref, h2_ref):
    p = p_ref[...]
    ndst = _gated_rsqrt(din_ref[...][0])
    nsrc = _gated_rsqrt(dout_ref[...][0])
    h = (p[0] + p[1]) * ndst + b1_ref[...]
    h = jnp.maximum(h, 0.0)
    h = h * nsrc
    h2_ref[...] = jnp.dot(h, w2_ref[...], preferred_element_type=jnp.float32)


def _tc3_body(p_ref, din_ref, b2_ref, o_ref):
    p = p_ref[...]
    ndst = _gated_rsqrt(din_ref[...][0])
    o_ref[...] = (p[0] + p[1]) * ndst + b2_ref[...]


_G = N // RB
NF = N_PAD // 4
HF = 4 * HID
RBF = 512
_GF = NF // RBF

_tc1 = pl.pallas_call(
    _tc1_body,
    grid=(_G,),
    in_specs=[
        pl.BlockSpec((RB, IN_FEATS), lambda i: (i, 0)),
        pl.BlockSpec((IN_FEATS, HID), lambda i: (0, 0)),
    ],
    out_specs=pl.BlockSpec((RB, HID), lambda i: (i, 0)),
    out_shape=jax.ShapeDtypeStruct((N_PAD, HID), jnp.float32),
)

_tcs = pl.pallas_call(
    _tcs_body,
    grid=(NF // RBF,),
    in_specs=[
        pl.BlockSpec((RBF, HF), lambda i: (i, 0)),
        pl.BlockSpec((1, RBF, HF), lambda i: (1, i, 0)),
    ],
    out_specs=pl.BlockSpec((RBF, HF), lambda i: (i, 0)),
    out_shape=jax.ShapeDtypeStruct((NF, HF), jnp.float32),
)

_tc2 = pl.pallas_call(
    _tc2_body,
    grid=(_GF,),
    in_specs=[
        pl.BlockSpec((NC, RBF, HF), lambda i: (0, i, 0)),
        pl.BlockSpec((1, RBF, HF), lambda i: (0, i, 0)),
        pl.BlockSpec((1, RBF, HF), lambda i: (1, i, 0)),
        pl.BlockSpec((1, HF), lambda i: (0, 0)),
        pl.BlockSpec((HF, HF), lambda i: (0, 0)),
    ],
    out_specs=pl.BlockSpec((RBF, HF), lambda i: (i, 0)),
    out_shape=jax.ShapeDtypeStruct((NF, HF), jnp.float32),
)

_tc3 = pl.pallas_call(
    _tc3_body,
    grid=(_GF,),
    in_specs=[
        pl.BlockSpec((NC, RBF, HF), lambda i: (0, i, 0)),
        pl.BlockSpec((1, RBF, HF), lambda i: (0, i, 0)),
        pl.BlockSpec((1, HF), lambda i: (0, 0)),
    ],
    out_specs=pl.BlockSpec((RBF, HF), lambda i: (i, 0)),
    out_shape=jax.ShapeDtypeStruct((NF, HF), jnp.float32),
)



def kernel(x, edge_index, W1, b1, W2, b2):
    src = edge_index[0]
    dst = edge_index[1]
    pad_tmpl = ((jnp.arange(E_PAD, dtype=jnp.int32) % (N_PAD - N)) + N)
    src_p = lax.dynamic_update_slice(pad_tmpl, src, (0,)).reshape(
        NW, CPT, CH)
    dst_p = lax.dynamic_update_slice(pad_tmpl, dst, (0,)).reshape(
        NW, CPT, CH)

    zeros_f = jnp.zeros((STAGE_ROWS, HID), jnp.float32)
    ones_r = jnp.ones((CH, HID), jnp.float32)
    dummy_t = jnp.zeros((N_PAD, HID), jnp.float32)
    mode_mp = jnp.zeros((16,), jnp.float32)
    mode_deg = jnp.ones((16,), jnp.float32)

    degf = _sc_message_pass(dummy_t, src_p, dst_p, zeros_f, ones_r,
                            mode_deg)

    degff = degf.reshape(NC, NF, HF)

    mm1 = _tc1(x, W1)
    h1 = _tcs(mm1.reshape(NF, HF), degff).reshape(N_PAD, HID)
    agg1 = _sc_message_pass(h1, src_p, dst_p, zeros_f, ones_r, mode_mp)
    h2f = _tc2(agg1.reshape(NC, NF, HF), degff, degff,
               jnp.tile(b1, 4).reshape(1, HF), jnp.kron(jnp.eye(4), W2))
    h2 = h2f.reshape(N_PAD, HID)
    agg2 = _sc_message_pass(h2, src_p, dst_p, zeros_f, ones_r, mode_mp)
    outf = _tc3(agg2.reshape(NC, NF, HF), degff,
                jnp.tile(b2, 4).reshape(1, HF))
    return outf.reshape(N_PAD, HID)[:N]

# --- scband reference (transcript-rebuilt; emitter-appended) ---
"""Pipeline reference for scband-gcn-full-58909771432681 (READ-ONLY COPY).

The authoritative reference and input builder live on the scoring server;
editing this copy changes nothing except your own understanding.
"""

import jax, jax.numpy as jnp
import numpy as np

N = 10000
E = 320000
IN_FEATS = 128
N_HIDDEN = 32
N_CLASSES = 32


def setup_inputs(seed: int = 0) -> dict:
    key = jax.random.key(seed)
    k1, k2, k3, k4, k5, k6 = jax.random.split(key, 6)
    x = jax.random.normal(k1, (N, IN_FEATS), dtype=jnp.float32)
    edge_index = jax.random.randint(k2, (2, E), 0, N, dtype=jnp.int32)
    # Glorot-initialized weights for the two GraphConv layers
    W1 = jax.random.normal(k3, (IN_FEATS, N_HIDDEN), dtype=jnp.float32) * (1.0 / np.sqrt(IN_FEATS))
    b1 = jnp.zeros((N_HIDDEN,), dtype=jnp.float32)
    W2 = jax.random.normal(k4, (N_HIDDEN, N_CLASSES), dtype=jnp.float32) * (1.0 / np.sqrt(N_HIDDEN))
    b2 = jnp.zeros((N_CLASSES,), dtype=jnp.float32)
    return {"x": x, "edge_index": edge_index, "W1": W1, "b1": b1, "W2": W2, "b2": b2}


def _graph_conv(x, src, dst, W, b):
    # DGL GraphConv with norm='both': h = D_in^{-1/2} A D_out^{-1/2} x W + b
    n = x.shape[0]
    ones = jnp.ones((src.shape[0],), dtype=x.dtype)
    deg_out = jnp.zeros((n,), dtype=x.dtype).at[src].add(ones)
    deg_in = jnp.zeros((n,), dtype=x.dtype).at[dst].add(ones)
    norm_src = jnp.where(deg_out > 0, 1.0 / jnp.sqrt(jnp.maximum(deg_out, 1.0)), 0.0)
    norm_dst = jnp.where(deg_in > 0, 1.0 / jnp.sqrt(jnp.maximum(deg_in, 1.0)), 0.0)
    h = x * norm_src[:, None]
    # apply weight first (in_feats >= out_feats path in DGL; math-equivalent)
    h = h @ W
    msg = jnp.take(h, src, axis=0)                       # gather along edges
    agg = jnp.zeros((n, h.shape[1]), dtype=x.dtype).at[dst].add(msg)  # scatter-add
    agg = agg * norm_dst[:, None]
    return agg + b


def reference(x, edge_index, W1, b1, W2, b2):
    src = edge_index[0]
    dst = edge_index[1]
    # dropout(p=0.0) is identity
    h = _graph_conv(x, src, dst, W1, b1)
    h = jax.nn.relu(h)  # GraphConv internal activation
    h = jax.nn.relu(h)  # extra F.relu in forward (idempotent)
    h = _graph_conv(h, src, dst, W2, b2)  # final layer, no activation
    return h

if __name__ == "__main__":
    import jax
    _d = setup_inputs()
    print(jax.jit(kernel)(*tuple(_d.values())))

</pallas_src>

<mosaic_0001>
#map = affine_map<(d0, d1) -> (0, 0)>
#map1 = affine_map<(d0, d1) -> (0, 0, 0)>
#map2 = affine_map<(d0, d1) -> (0)>
module attributes {stable_mosaic.version = 14 : i64} {
  func.func @_sc_message_pass(%arg0: i32, %arg1: i32, %arg2: memref<10240x32xf32, #tpu.memory_space<hbm>>, %arg3: memref<32x79x128xi32, #tpu.memory_space<hbm>>, %arg4: memref<32x79x128xi32, #tpu.memory_space<hbm>>, %arg5: memref<160x32xf32, #tpu.memory_space<hbm>>, %arg6: memref<128x32xf32, #tpu.memory_space<hbm>>, %arg7: memref<16xf32, #tpu.memory_space<hbm>>, %arg8: memref<2x10240x32xf32, #tpu.memory_space<hbm>>, %arg9: memref<79x128xi32, #tpu.memory_space<vmem>>, %arg10: memref<79x128xi32, #tpu.memory_space<vmem>>, %arg11: memref<128x32xf32, #tpu.memory_space<vmem>>, %arg12: memref<128x32xf32, #tpu.memory_space<vmem>>, %arg13: memref<160x32xf32, #tpu.memory_space<vmem>>, %arg14: memref<16xf32, #tpu.memory_space<vmem>>, %arg15: memref<10240x32xf32, #tpu.memory_space<vmem_shared>>, %arg16: memref<!tpu.dma_semaphore, #tpu.memory_space<semaphore_mem>>, %arg17: memref<!tpu.dma_semaphore, #tpu.memory_space<semaphore_mem>>) attributes {dimension_semantics = [#tpu.dimension_semantics<core_parallel>, #tpu.dimension_semantics<subcore_parallel>], iteration_bounds = array<i64: 2, 16>, scalar_prefetch = 0 : i64, scratch_operands = 9 : i64, tpu.core_type = #tpu.core_type<sc_vector_subcore>, window_params = [{transform_indices = #map}, {transform_indices = #map1}, {transform_indices = #map1}, {transform_indices = #map}, {transform_indices = #map}, {transform_indices = #map2}, {transform_indices = #map1}]} {
    %mul3A = arith.constant 2 : i32
    %mul3A_0 = arith.muli %arg1, %mul3A : i32
    %add3A = arith.addi %mul3A_0, %arg0 : i32
    %mul3A_1 = arith.constant 640 : i32
    %mul3A_2 = arith.muli %arg1, %mul3A_1 : i32
    "tpu.region"() ({
      %run_scoped3A = tpu.sem_alloc : memref<!tpu.dma_semaphore, #tpu.memory_space<semaphore_mem>>
      tpu.enqueue_dma source(%arg5 : memref<160x32xf32, #tpu.memory_space<hbm>>) target(%arg13 : memref<160x32xf32, #tpu.memory_space<vmem>>) target_semaphore(%run_scoped3A : memref<!tpu.dma_semaphore, #tpu.memory_space<semaphore_mem>>)
      tpu.wait_dma2 semaphore(%run_scoped3A : memref<!tpu.dma_semaphore, #tpu.memory_space<semaphore_mem>>) src(%arg5 : memref<160x32xf32, #tpu.memory_space<hbm>>) dst(%arg13 : memref<160x32xf32, #tpu.memory_space<vmem>>)
      tpu.yield
    }) : () -> ()
    %add3A_3 = arith.constant 0 : i32
    %add3A_4 = arith.addi %mul3A_2, %add3A_3 : i32
    "tpu.region"() ({
      %run_scoped3A = tpu.sem_alloc : memref<!tpu.dma_semaphore, #tpu.memory_space<semaphore_mem>>
      %dma_start3A = arith.constant 0 : i32
      %dma_start3A_30 = tpu.memref_slice %arg15[%add3A_4, %dma_start3A] : memref<10240x32xf32, #tpu.memory_space<vmem_shared>> -> memref<160x32xf32, #tpu.memory_space<vmem_shared>>
      %dma_start3A_31 = arith.constant 0 : i32
      %dma_start3A_32 = tpu.memref_slice %arg15[%add3A_4, %dma_start3A_31] : memref<10240x32xf32, #tpu.memory_space<vmem_shared>> -> memref<160x32xf32, #tpu.memory_space<vmem_shared>>
      tpu.enqueue_dma source(%arg13 : memref<160x32xf32, #tpu.memory_space<vmem>>) target(%dma_start3A_32 : memref<160x32xf32, #tpu.memory_space<vmem_shared>>) target_semaphore(%run_scoped3A : memref<!tpu.dma_semaphore, #tpu.memory_space<semaphore_mem>>)
      %dma_wait3A = arith.constant 0 : i32
      %dma_wait3A_33 = tpu.memref_slice %arg15[%add3A_4, %dma_wait3A] : memref<10240x32xf32, #tpu.memory_space<vmem_shared>> -> memref<160x32xf32, #tpu.memory_space<vmem_shared>>
      %dma_wait3A_34 = arith.constant 0 : i32
      %dma_wait3A_35 = tpu.memref_slice %arg15[%add3A_4, %dma_wait3A_34] : memref<10240x32xf32, #tpu.memory_space<vmem_shared>> -> memref<160x32xf32, #tpu.memory_space<vmem_shared>>
      tpu.wait_dma2 semaphore(%run_scoped3A : memref<!tpu.dma_semaphore, #tpu.memory_space<semaphore_mem>>) src(%arg13 : memref<160x32xf32, #tpu.memory_space<vmem>>) dst(%dma_wait3A_35 : memref<160x32xf32, #tpu.memory_space<vmem_shared>>)
      tpu.yield
    }) : () -> ()
    %add3A_5 = arith.constant 160 : i32
    %add3A_6 = arith.addi %mul3A_2, %add3A_5 : i32
    "tpu.region"() ({
      %run_scoped3A = tpu.sem_alloc : memref<!tpu.dma_semaphore, #tpu.memory_space<semaphore_mem>>
      %dma_start3A = arith.constant 0 : i32
      %dma_start3A_30 = tpu.memref_slice %arg15[%add3A_6, %dma_start3A] : memref<10240x32xf32, #tpu.memory_space<vmem_shared>> -> memref<160x32xf32, #tpu.memory_space<vmem_shared>>
      %dma_start3A_31 = arith.constant 0 : i32
      %dma_start3A_32 = tpu.memref_slice %arg15[%add3A_6, %dma_start3A_31] : memref<10240x32xf32, #tpu.memory_space<vmem_shared>> -> memref<160x32xf32, #tpu.memory_space<vmem_shared>>
      tpu.enqueue_dma source(%arg13 : memref<160x32xf32, #tpu.memory_space<vmem>>) target(%dma_start3A_32 : memref<160x32xf32, #tpu.memory_space<vmem_shared>>) target_semaphore(%run_scoped3A : memref<!tpu.dma_semaphore, #tpu.memory_space<semaphore_mem>>)
      %dma_wait3A = arith.constant 0 : i32
      %dma_wait3A_33 = tpu.memref_slice %arg15[%add3A_6, %dma_wait3A] : memref<10240x32xf32, #tpu.memory_space<vmem_shared>> -> memref<160x32xf32, #tpu.memory_space<vmem_shared>>
      %dma_wait3A_34 = arith.constant 0 : i32
      %dma_wait3A_35 = tpu.memref_slice %arg15[%add3A_6, %dma_wait3A_34] : memref<10240x32xf32, #tpu.memory_space<vmem_shared>> -> memref<160x32xf32, #tpu.memory_space<vmem_shared>>
      tpu.wait_dma2 semaphore(%run_scoped3A : memref<!tpu.dma_semaphore, #tpu.memory_space<semaphore_mem>>) src(%arg13 : memref<160x32xf32, #tpu.memory_space<vmem>>) dst(%dma_wait3A_35 : memref<160x32xf32, #tpu.memory_space<vmem_shared>>)
      tpu.yield
    }) : () -> ()
    %add3A_7 = arith.constant 320 : i32
    %add3A_8 = arith.addi %mul3A_2, %add3A_7 : i32
    "tpu.region"() ({
      %run_scoped3A = tpu.sem_alloc : memref<!tpu.dma_semaphore, #tpu.memory_space<semaphore_mem>>
      %dma_start3A = arith.constant 0 : i32
      %dma_start3A_30 = tpu.memref_slice %arg15[%add3A_8, %dma_start3A] : memref<10240x32xf32, #tpu.memory_space<vmem_shared>> -> memref<160x32xf32, #tpu.memory_space<vmem_shared>>
      %dma_start3A_31 = arith.constant 0 : i32
      %dma_start3A_32 = tpu.memref_slice %arg15[%add3A_8, %dma_start3A_31] : memref<10240x32xf32, #tpu.memory_space<vmem_shared>> -> memref<160x32xf32, #tpu.memory_space<vmem_shared>>
      tpu.enqueue_dma source(%arg13 : memref<160x32xf32, #tpu.memory_space<vmem>>) target(%dma_start3A_32 : memref<160x32xf32, #tpu.memory_space<vmem_shared>>) target_semaphore(%run_scoped3A : memref<!tpu.dma_semaphore, #tpu.memory_space<semaphore_mem>>)
      %dma_wait3A = arith.constant 0 : i32
      %dma_wait3A_33 = tpu.memref_slice %arg15[%add3A_8, %dma_wait3A] : memref<10240x32xf32, #tpu.memory_space<vmem_shared>> -> memref<160x32xf32, #tpu.memory_space<vmem_shared>>
      %dma_wait3A_34 = arith.constant 0 : i32
      %dma_wait3A_35 = tpu.memref_slice %arg15[%add3A_8, %dma_wait3A_34] : memref<10240x32xf32, #tpu.memory_space<vmem_shared>> -> memref<160x32xf32, #tpu.memory_space<vmem_shared>>
      tpu.wait_dma2 semaphore(%run_scoped3A : memref<!tpu.dma_semaphore, #tpu.memory_space<semaphore_mem>>) src(%arg13 : memref<160x32xf32, #tpu.memory_space<vmem>>) dst(%dma_wait3A_35 : memref<160x32xf32, #tpu.memory_space<vmem_shared>>)
      tpu.yield
    }) : () -> ()
    %add3A_9 = arith.constant 480 : i32
    %add3A_10 = arith.addi %mul3A_2, %add3A_9 : i32
    "tpu.region"() ({
      %run_scoped3A = tpu.sem_alloc : memref<!tpu.dma_semaphore, #tpu.memory_space<semaphore_mem>>
      %dma_start3A = arith.constant 0 : i32
      %dma_start3A_30 = tpu.memref_slice %arg15[%add3A_10, %dma_start3A] : memref<10240x32xf32, #tpu.memory_space<vmem_shared>> -> memref<160x32xf32, #tpu.memory_space<vmem_shared>>
      %dma_start3A_31 = arith.constant 0 : i32
      %dma_start3A_32 = tpu.memref_slice %arg15[%add3A_10, %dma_start3A_31] : memref<10240x32xf32, #tpu.memory_space<vmem_shared>> -> memref<160x32xf32, #tpu.memory_space<vmem_shared>>
      tpu.enqueue_dma source(%arg13 : memref<160x32xf32, #tpu.memory_space<vmem>>) target(%dma_start3A_32 : memref<160x32xf32, #tpu.memory_space<vmem_shared>>) target_semaphore(%run_scoped3A : memref<!tpu.dma_semaphore, #tpu.memory_space<semaphore_mem>>)
      %dma_wait3A = arith.constant 0 : i32
      %dma_wait3A_33 = tpu.memref_slice %arg15[%add3A_10, %dma_wait3A] : memref<10240x32xf32, #tpu.memory_space<vmem_shared>> -> memref<160x32xf32, #tpu.memory_space<vmem_shared>>
      %dma_wait3A_34 = arith.constant 0 : i32
      %dma_wait3A_35 = tpu.memref_slice %arg15[%add3A_10, %dma_wait3A_34] : memref<10240x32xf32, #tpu.memory_space<vmem_shared>> -> memref<160x32xf32, #tpu.memory_space<vmem_shared>>
      tpu.wait_dma2 semaphore(%run_scoped3A : memref<!tpu.dma_semaphore, #tpu.memory_space<semaphore_mem>>) src(%arg13 : memref<160x32xf32, #tpu.memory_space<vmem>>) dst(%dma_wait3A_35 : memref<160x32xf32, #tpu.memory_space<vmem_shared>>)
      tpu.yield
    }) : () -> ()
    "tpu.region"() ({
      %run_scoped3A = tpu.sem_alloc : memref<!tpu.dma_semaphore, #tpu.memory_space<semaphore_mem>>
      tpu.enqueue_dma source(%arg7 : memref<16xf32, #tpu.memory_space<hbm>>) target(%arg14 : memref<16xf32, #tpu.memory_space<vmem>>) target_semaphore(%run_scoped3A : memref<!tpu.dma_semaphore, #tpu.memory_space<semaphore_mem>>)
      tpu.wait_dma2 semaphore(%run_scoped3A : memref<!tpu.dma_semaphore, #tpu.memory_space<semaphore_mem>>) src(%arg7 : memref<16xf32, #tpu.memory_space<hbm>>) dst(%arg14 : memref<16xf32, #tpu.memory_space<vmem>>)
      tpu.yield
    }) : () -> ()
    "tpu.region"() ({
      %run_scoped3A = tpu.sem_alloc : memref<!tpu.dma_semaphore, #tpu.memory_space<semaphore_mem>>
      %dma_start3A = arith.constant 0 : i32
      %dma_start3A_30 = arith.constant 0 : i32
      %dma_start3A_31 = tpu.memref_slice %arg4[%add3A, %dma_start3A, %dma_start3A_30] : memref<32x79x128xi32, #tpu.memory_space<hbm>> -> memref<1x79x128xi32, #tpu.memory_space<hbm>>
      %dma_start3A_32 = tpu.memref_squeeze %dma_start3A_31 : memref<1x79x128xi32, #tpu.memory_space<hbm>> -> memref<79x128xi32, #tpu.memory_space<hbm>>
      %dma_start3A_33 = arith.constant 0 : i32
      %dma_start3A_34 = arith.constant 0 : i32
      %dma_start3A_35 = tpu.memref_slice %arg4[%add3A, %dma_start3A_33, %dma_start3A_34] : memref<32x79x128xi32, #tpu.memory_space<hbm>> -> memref<1x79x128xi32, #tpu.memory_space<hbm>>
      %dma_start3A_36 = tpu.memref_squeeze %dma_start3A_35 : memref<1x79x128xi32, #tpu.memory_space<hbm>> -> memref<79x128xi32, #tpu.memory_space<hbm>>
      tpu.enqueue_dma source(%dma_start3A_36 : memref<79x128xi32, #tpu.memory_space<hbm>>) target(%arg10 : memref<79x128xi32, #tpu.memory_space<vmem>>) target_semaphore(%run_scoped3A : memref<!tpu.dma_semaphore, #tpu.memory_space<semaphore_mem>>)
      %dma_wait3A = arith.constant 0 : i32
      %dma_wait3A_37 = arith.constant 0 : i32
      %dma_wait3A_38 = tpu.memref_slice %arg4[%add3A, %dma_wait3A, %dma_wait3A_37] : memref<32x79x128xi32, #tpu.memory_space<hbm>> -> memref<1x79x128xi32, #tpu.memory_space<hbm>>
      %dma_wait3A_39 = tpu.memref_squeeze %dma_wait3A_38 : memref<1x79x128xi32, #tpu.memory_space<hbm>> -> memref<79x128xi32, #tpu.memory_space<hbm>>
      %dma_wait3A_40 = arith.constant 0 : i32
      %dma_wait3A_41 = arith.constant 0 : i32
      %dma_wait3A_42 = tpu.memref_slice %arg4[%add3A, %dma_wait3A_40, %dma_wait3A_41] : memref<32x79x128xi32, #tpu.memory_space<hbm>> -> memref<1x79x128xi32, #tpu.memory_space<hbm>>
      %dma_wait3A_43 = tpu.memref_squeeze %dma_wait3A_42 : memref<1x79x128xi32, #tpu.memory_space<hbm>> -> memref<79x128xi32, #tpu.memory_space<hbm>>
      tpu.wait_dma2 semaphore(%run_scoped3A : memref<!tpu.dma_semaphore, #tpu.memory_space<semaphore_mem>>) src(%dma_wait3A_43 : memref<79x128xi32, #tpu.memory_space<hbm>>) dst(%arg10 : memref<79x128xi32, #tpu.memory_space<vmem>>)
      tpu.yield
    }) : () -> ()
    %get3A = arith.constant 0 : index
    %get3A_11 = tpu.vector_load %arg14[%get3A] {strides = array<i32>} : memref<16xf32, #tpu.memory_space<vmem>>, vector<16xf32>,
    %reduce_sum3A = arith.constant true
    %reduce_sum3A_12 = vector.broadcast %reduce_sum3A : i1 to vector<16xi1>
    %reduce_sum3A_13 = tpu.scan <sum>, %get3A_11 masked %reduce_sum3A_12 : vector<16xf32>, vector<16xi1> -> vector<16xf32>
    %reduce_sum3A_14 = vector.extract %reduce_sum3A_13[15] : f32 from vector<16xf32>
    %gt3A = arith.constant 5.000000e-01 : f32
    %gt3A_15 = arith.cmpf ogt, %reduce_sum3A_14, %gt3A : f32
    %barrier3A = arith.constant 0 : index
    tpu.barrier barrier_id(%barrier3A)
    %not3A = arith.constant true
    %not3A_16 = arith.xori %gt3A_15, %not3A : i1
    %convert_element_type3A = arith.extui %not3A_16 : i1 to i32
    %cond3A = arith.constant 0 : i32
    %cond3A_17 = arith.cmpi ne, %convert_element_type3A, %cond3A : i32
    scf.if %cond3A_17 {
      "tpu.region"() ({
        %run_scoped3A_47 = tpu.sem_alloc : memref<!tpu.dma_semaphore, #tpu.memory_space<semaphore_mem>>
        %dma_start3A_48 = arith.constant 0 : i32
        %dma_start3A_49 = arith.constant 0 : i32
        %dma_start3A_50 = tpu.memref_slice %arg3[%add3A, %dma_start3A_48, %dma_start3A_49] : memref<32x79x128xi32, #tpu.memory_space<hbm>> -> memref<1x79x128xi32, #tpu.memory_space<hbm>>
        %dma_start3A_51 = tpu.memref_squeeze %dma_start3A_50 : memref<1x79x128xi32, #tpu.memory_space<hbm>> -> memref<79x128xi32, #tpu.memory_space<hbm>>
        %dma_start3A_52 = arith.constant 0 : i32
        %dma_start3A_53 = arith.constant 0 : i32
        %dma_start3A_54 = tpu.memref_slice %arg3[%add3A, %dma_start3A_52, %dma_start3A_53] : memref<32x79x128xi32, #tpu.memory_space<hbm>> -> memref<1x79x128xi32, #tpu.memory_space<hbm>>
        %dma_start3A_55 = tpu.memref_squeeze %dma_start3A_54 : memref<1x79x128xi32, #tpu.memory_space<hbm>> -> memref<79x128xi32, #tpu.memory_space<hbm>>
        tpu.enqueue_dma source(%dma_start3A_55 : memref<79x128xi32, #tpu.memory_space<hbm>>) target(%arg9 : memref<79x128xi32, #tpu.memory_space<vmem>>) target_semaphore(%run_scoped3A_47 : memref<!tpu.dma_semaphore, #tpu.memory_space<semaphore_mem>>)
        %dma_wait3A_56 = arith.constant 0 : i32
        %dma_wait3A_57 = arith.constant 0 : i32
        %dma_wait3A_58 = tpu.memref_slice %arg3[%add3A, %dma_wait3A_56, %dma_wait3A_57] : memref<32x79x128xi32, #tpu.memory_space<hbm>> -> memref<1x79x128xi32, #tpu.memory_space<hbm>>
        %dma_wait3A_59 = tpu.memref_squeeze %dma_wait3A_58 : memref<1x79x128xi32, #tpu.memory_space<hbm>> -> memref<79x128xi32, #tpu.memory_space<hbm>>
        %dma_wait3A_60 = arith.constant 0 : i32
        %dma_wait3A_61 = arith.constant 0 : i32
        %dma_wait3A_62 = tpu.memref_slice %arg3[%add3A, %dma_wait3A_60, %dma_wait3A_61] : memref<32x79x128xi32, #tpu.memory_space<hbm>> -> memref<1x79x128xi32, #tpu.memory_space<hbm>>
        %dma_wait3A_63 = tpu.memref_squeeze %dma_wait3A_62 : memref<1x79x128xi32, #tpu.memory_space<hbm>> -> memref<79x128xi32, #tpu.memory_space<hbm>>
        tpu.wait_dma2 semaphore(%run_scoped3A_47 : memref<!tpu.dma_semaphore, #tpu.memory_space<semaphore_mem>>) src(%dma_wait3A_63 : memref<79x128xi32, #tpu.memory_space<hbm>>) dst(%arg9 : memref<79x128xi32, #tpu.memory_space<vmem>>)
        tpu.yield
      }) : () -> ()
      %dma_start3A = arith.constant 0 : i32
      %dma_start3A_30 = arith.constant 0 : i32
      %dma_start3A_31 = tpu.memref_slice %arg9[%dma_start3A, %dma_start3A_30] : memref<79x128xi32, #tpu.memory_space<vmem>> -> memref<1x128xi32, #tpu.memory_space<vmem>>
      %dma_start3A_32 = tpu.memref_squeeze %dma_start3A_31 : memref<1x128xi32, #tpu.memory_space<vmem>> -> memref<128xi32, #tpu.memory_space<vmem>>
      %dma_start3A_33 = arith.constant 0 : i32
      %dma_start3A_34 = arith.constant 0 : i32
      %dma_start3A_35 = tpu.memref_slice %arg2[%dma_start3A_33, %dma_start3A_34] : memref<10240x32xf32, #tpu.memory_space<hbm>> -> memref<10240x32xf32, #tpu.memory_space<hbm>>
      tpu.enqueue_indirect_dma source(%dma_start3A_35 : memref<10240x32xf32, #tpu.memory_space<hbm>>) target(%arg11 : memref<128x32xf32, #tpu.memory_space<vmem>>) offsets(%dma_start3A_32 : memref<128xi32, #tpu.memory_space<vmem>>) semaphore(%arg16 : memref<!tpu.dma_semaphore, #tpu.memory_space<semaphore_mem>>)
      %scan3A = arith.constant 0 : i32
      %scan3A_36 = arith.constant 0 : i32
      %scan3A_37 = arith.constant 39 : i32
      %scan3A_38 = arith.addi %scan3A_36, %scan3A_37 : i32
      %scan3A_39 = arith.constant 1 : i32
      scf.for %scan3A_47 = %scan3A_36 to %scan3A_38 step %scan3A_39  : i32 {
        %mul3A_48 = arith.constant 2 : i32
        %mul3A_49 = arith.muli %mul3A_48, %scan3A_47 : i32
        %add3A_50 = arith.constant 1 : i32
        %add3A_51 = arith.addi %add3A_50, %mul3A_49 : i32
        %dma_start3A_52 = arith.constant 0 : i32
        %dma_start3A_53 = tpu.memref_slice %arg9[%add3A_51, %dma_start3A_52] : memref<79x128xi32, #tpu.memory_space<vmem>> -> memref<1x128xi32, #tpu.memory_space<vmem>>
        %dma_start3A_54 = tpu.memref_squeeze %dma_start3A_53 : memref<1x128xi32, #tpu.memory_space<vmem>> -> memref<128xi32, #tpu.memory_space<vmem>>
        %dma_start3A_55 = arith.constant 0 : i32
        %dma_start3A_56 = arith.constant 0 : i32
        %dma_start3A_57 = tpu.memref_slice %arg2[%dma_start3A_55, %dma_start3A_56] : memref<10240x32xf32, #tpu.memory_space<hbm>> -> memref<10240x32xf32, #tpu.memory_space<hbm>>
        tpu.enqueue_indirect_dma source(%dma_start3A_57 : memref<10240x32xf32, #tpu.memory_space<hbm>>) target(%arg12 : memref<128x32xf32, #tpu.memory_space<vmem>>) offsets(%dma_start3A_54 : memref<128xi32, #tpu.memory_space<vmem>>) semaphore(%arg17 : memref<!tpu.dma_semaphore, #tpu.memory_space<semaphore_mem>>)
        %sub3A = arith.constant 1 : i32
        %sub3A_58 = arith.subi %add3A_51, %sub3A : i32
        %dma_wait3A_59 = arith.constant 0 : i32
        %dma_wait3A_60 = tpu.memref_slice %arg9[%sub3A_58, %dma_wait3A_59] : memref<79x128xi32, #tpu.memory_space<vmem>> -> memref<1x128xi32, #tpu.memory_space<vmem>>
        %dma_wait3A_61 = tpu.memref_squeeze %dma_wait3A_60 : memref<1x128xi32, #tpu.memory_space<vmem>> -> memref<128xi32, #tpu.memory_space<vmem>>
        %dma_wait3A_62 = arith.constant 0 : i32
        %dma_wait3A_63 = arith.constant 0 : i32
        %dma_wait3A_64 = tpu.memref_slice %arg2[%dma_wait3A_62, %dma_wait3A_63] : memref<10240x32xf32, #tpu.memory_space<hbm>> -> memref<10240x32xf32, #tpu.memory_space<hbm>>
        tpu.wait_indirect_dma semaphore(%arg16 : memref<!tpu.dma_semaphore, #tpu.memory_space<semaphore_mem>>) src(%dma_wait3A_64 : memref<10240x32xf32, #tpu.memory_space<hbm>>) dst(%arg11 : memref<128x32xf32, #tpu.memory_space<vmem>>)
        %sub3A_65 = arith.constant 1 : i32
        %sub3A_66 = arith.subi %add3A_51, %sub3A_65 : i32
        "tpu.region"() ({
          %run_scoped3A_81 = tpu.sem_alloc : memref<!tpu.dma_semaphore, #tpu.memory_space<semaphore_mem>>
          %dma_start3A_82 = arith.constant 0 : i32
          %dma_start3A_83 = tpu.memref_slice %arg10[%sub3A_66, %dma_start3A_82] : memref<79x128xi32, #tpu.memory_space<vmem>> -> memref<1x128xi32, #tpu.memory_space<vmem>>
          %dma_start3A_84 = tpu.memref_squeeze %dma_start3A_83 : memref<1x128xi32, #tpu.memory_space<vmem>> -> memref<128xi32, #tpu.memory_space<vmem>>
          %dma_start3A_85 = arith.constant 0 : i32
          %dma_start3A_86 = arith.constant 0 : i32
          %dma_start3A_87 = tpu.memref_slice %arg15[%dma_start3A_85, %dma_start3A_86] : memref<10240x32xf32, #tpu.memory_space<vmem_shared>> -> memref<10240x32xf32, #tpu.memory_space<vmem_shared>>
          tpu.enqueue_indirect_dma source(%arg11 : memref<128x32xf32, #tpu.memory_space<vmem>>) target(%dma_start3A_87 : memref<10240x32xf32, #tpu.memory_space<vmem_shared>>) offsets(%dma_start3A_84 : memref<128xi32, #tpu.memory_space<vmem>>) semaphore(%run_scoped3A_81 : memref<!tpu.dma_semaphore, #tpu.memory_space<semaphore_mem>>) {add = true}
          %dma_wait3A_88 = arith.constant 0 : i32
          %dma_wait3A_89 = tpu.memref_slice %arg10[%sub3A_66, %dma_wait3A_88] : memref<79x128xi32, #tpu.memory_space<vmem>> -> memref<1x128xi32, #tpu.memory_space<vmem>>
          %dma_wait3A_90 = tpu.memref_squeeze %dma_wait3A_89 : memref<1x128xi32, #tpu.memory_space<vmem>> -> memref<128xi32, #tpu.memory_space<vmem>>
          %dma_wait3A_91 = arith.constant 0 : i32
          %dma_wait3A_92 = arith.constant 0 : i32
          %dma_wait3A_93 = tpu.memref_slice %arg15[%dma_wait3A_91, %dma_wait3A_92] : memref<10240x32xf32, #tpu.memory_space<vmem_shared>> -> memref<10240x32xf32, #tpu.memory_space<vmem_shared>>
          tpu.wait_indirect_dma semaphore(%run_scoped3A_81 : memref<!tpu.dma_semaphore, #tpu.memory_space<semaphore_mem>>) src(%arg11 : memref<128x32xf32, #tpu.memory_space<vmem>>) dst(%dma_wait3A_93 : memref<10240x32xf32, #tpu.memory_space<vmem_shared>>)
          tpu.yield
        }) : () -> ()
        %add3A_67 = arith.constant 1 : i32
        %add3A_68 = arith.addi %add3A_51, %add3A_67 : i32
        %dma_start3A_69 = arith.constant 0 : i32
        %dma_start3A_70 = tpu.memref_slice %arg9[%add3A_68, %dma_start3A_69] : memref<79x128xi32, #tpu.memory_space<vmem>> -> memref<1x128xi32, #tpu.memory_space<vmem>>
        %dma_start3A_71 = tpu.memref_squeeze %dma_start3A_70 : memref<1x128xi32, #tpu.memory_space<vmem>> -> memref<128xi32, #tpu.memory_space<vmem>>
        %dma_start3A_72 = arith.constant 0 : i32
        %dma_start3A_73 = arith.constant 0 : i32
        %dma_start3A_74 = tpu.memref_slice %arg2[%dma_start3A_72, %dma_start3A_73] : memref<10240x32xf32, #tpu.memory_space<hbm>> -> memref<10240x32xf32, #tpu.memory_space<hbm>>
        tpu.enqueue_indirect_dma source(%dma_start3A_74 : memref<10240x32xf32, #tpu.memory_space<hbm>>) target(%arg11 : memref<128x32xf32, #tpu.memory_space<vmem>>) offsets(%dma_start3A_71 : memref<128xi32, #tpu.memory_space<vmem>>) semaphore(%arg16 : memref<!tpu.dma_semaphore, #tpu.memory_space<semaphore_mem>>)
        %dma_wait3A_75 = arith.constant 0 : i32
        %dma_wait3A_76 = tpu.memref_slice %arg9[%add3A_51, %dma_wait3A_75] : memref<79x128xi32, #tpu.memory_space<vmem>> -> memref<1x128xi32, #tpu.memory_space<vmem>>
        %dma_wait3A_77 = tpu.memref_squeeze %dma_wait3A_76 : memref<1x128xi32, #tpu.memory_space<vmem>> -> memref<128xi32, #tpu.memory_space<vmem>>
        %dma_wait3A_78 = arith.constant 0 : i32
        %dma_wait3A_79 = arith.constant 0 : i32
        %dma_wait3A_80 = tpu.memref_slice %arg2[%dma_wait3A_78, %dma_wait3A_79] : memref<10240x32xf32, #tpu.memory_space<hbm>> -> memref<10240x32xf32, #tpu.memory_space<hbm>>
        tpu.wait_indirect_dma semaphore(%arg17 : memref<!tpu.dma_semaphore, #tpu.memory_space<semaphore_mem>>) src(%dma_wait3A_80 : memref<10240x32xf32, #tpu.memory_space<hbm>>) dst(%arg12 : memref<128x32xf32, #tpu.memory_space<vmem>>)
        "tpu.region"() ({
          %run_scoped3A_81 = tpu.sem_alloc : memref<!tpu.dma_semaphore, #tpu.memory_space<semaphore_mem>>
          %dma_start3A_82 = arith.constant 0 : i32
          %dma_start3A_83 = tpu.memref_slice %arg10[%add3A_51, %dma_start3A_82] : memref<79x128xi32, #tpu.memory_space<vmem>> -> memref<1x128xi32, #tpu.memory_space<vmem>>
          %dma_start3A_84 = tpu.memref_squeeze %dma_start3A_83 : memref<1x128xi32, #tpu.memory_space<vmem>> -> memref<128xi32, #tpu.memory_space<vmem>>
          %dma_start3A_85 = arith.constant 0 : i32
          %dma_start3A_86 = arith.constant 0 : i32
          %dma_start3A_87 = tpu.memref_slice %arg15[%dma_start3A_85, %dma_start3A_86] : memref<10240x32xf32, #tpu.memory_space<vmem_shared>> -> memref<10240x32xf32, #tpu.memory_space<vmem_shared>>
          tpu.enqueue_indirect_dma source(%arg12 : memref<128x32xf32, #tpu.memory_space<vmem>>) target(%dma_start3A_87 : memref<10240x32xf32, #tpu.memory_space<vmem_shared>>) offsets(%dma_start3A_84 : memref<128xi32, #tpu.memory_space<vmem>>) semaphore(%run_scoped3A_81 : memref<!tpu.dma_semaphore, #tpu.memory_space<semaphore_mem>>) {add = true}
          %dma_wait3A_88 = arith.constant 0 : i32
          %dma_wait3A_89 = tpu.memref_slice %arg10[%add3A_51, %dma_wait3A_88] : memref<79x128xi32, #tpu.memory_space<vmem>> -> memref<1x128xi32, #tpu.memory_space<vmem>>
          %dma_wait3A_90 = tpu.memref_squeeze %dma_wait3A_89 : memref<1x128xi32, #tpu.memory_space<vmem>> -> memref<128xi32, #tpu.memory_space<vmem>>
          %dma_wait3A_91 = arith.constant 0 : i32
          %dma_wait3A_92 = arith.constant 0 : i32
          %dma_wait3A_93 = tpu.memref_slice %arg15[%dma_wait3A_91, %dma_wait3A_92] : memref<10240x32xf32, #tpu.memory_space<vmem_shared>> -> memref<10240x32xf32, #tpu.memory_space<vmem_shared>>
          tpu.wait_indirect_dma semaphore(%run_scoped3A_81 : memref<!tpu.dma_semaphore, #tpu.memory_space<semaphore_mem>>) src(%arg12 : memref<128x32xf32, #tpu.memory_space<vmem>>) dst(%dma_wait3A_93 : memref<10240x32xf32, #tpu.memory_space<vmem_shared>>)
          tpu.yield
        }) : () -> ()
      }
      %scan3A_40 = arith.constant 39 : i32
      %dma_wait3A = arith.constant 78 : i32
      %dma_wait3A_41 = arith.constant 0 : i32
      %dma_wait3A_42 = tpu.memref_slice %arg9[%dma_wait3A, %dma_wait3A_41] : memref<79x128xi32, #tpu.memory_space<vmem>> -> memref<1x128xi32, #tpu.memory_space<vmem>>
      %dma_wait3A_43 = tpu.memref_squeeze %dma_wait3A_42 : memref<1x128xi32, #tpu.memory_space<vmem>> -> memref<128xi32, #tpu.memory_space<vmem>>
      %dma_wait3A_44 = arith.constant 0 : i32
      %dma_wait3A_45 = arith.constant 0 : i32
      %dma_wait3A_46 = tpu.memref_slice %arg2[%dma_wait3A_44, %dma_wait3A_45] : memref<10240x32xf32, #tpu.memory_space<hbm>> -> memref<10240x32xf32, #tpu.memory_space<hbm>>
      tpu.wait_indirect_dma semaphore(%arg16 : memref<!tpu.dma_semaphore, #tpu.memory_space<semaphore_mem>>) src(%dma_wait3A_46 : memref<10240x32xf32, #tpu.memory_space<hbm>>) dst(%arg11 : memref<128x32xf32, #tpu.memory_space<vmem>>)
      %run_scoped3A = arith.constant 78 : i32
      "tpu.region"() ({
        %run_scoped3A_47 = tpu.sem_alloc : memref<!tpu.dma_semaphore, #tpu.memory_space<semaphore_mem>>
        %dma_start3A_48 = arith.constant 0 : i32
        %dma_start3A_49 = tpu.memref_slice %arg10[%run_scoped3A, %dma_start3A_48] : memref<79x128xi32, #tpu.memory_space<vmem>> -> memref<1x128xi32, #tpu.memory_space<vmem>>
        %dma_start3A_50 = tpu.memref_squeeze %dma_start3A_49 : memref<1x128xi32, #tpu.memory_space<vmem>> -> memref<128xi32, #tpu.memory_space<vmem>>
        %dma_start3A_51 = arith.constant 0 : i32
        %dma_start3A_52 = arith.constant 0 : i32
        %dma_start3A_53 = tpu.memref_slice %arg15[%dma_start3A_51, %dma_start3A_52] : memref<10240x32xf32, #tpu.memory_space<vmem_shared>> -> memref<10240x32xf32, #tpu.memory_space<vmem_shared>>
        tpu.enqueue_indirect_dma source(%arg11 : memref<128x32xf32, #tpu.memory_space<vmem>>) target(%dma_start3A_53 : memref<10240x32xf32, #tpu.memory_space<vmem_shared>>) offsets(%dma_start3A_50 : memref<128xi32, #tpu.memory_space<vmem>>) semaphore(%run_scoped3A_47 : memref<!tpu.dma_semaphore, #tpu.memory_space<semaphore_mem>>) {add = true}
        %dma_wait3A_54 = arith.constant 0 : i32
        %dma_wait3A_55 = tpu.memref_slice %arg10[%run_scoped3A, %dma_wait3A_54] : memref<79x128xi32, #tpu.memory_space<vmem>> -> memref<1x128xi32, #tpu.memory_space<vmem>>
        %dma_wait3A_56 = tpu.memref_squeeze %dma_wait3A_55 : memref<1x128xi32, #tpu.memory_space<vmem>> -> memref<128xi32, #tpu.memory_space<vmem>>
        %dma_wait3A_57 = arith.constant 0 : i32
        %dma_wait3A_58 = arith.constant 0 : i32
        %dma_wait3A_59 = tpu.memref_slice %arg15[%dma_wait3A_57, %dma_wait3A_58] : memref<10240x32xf32, #tpu.memory_space<vmem_shared>> -> memref<10240x32xf32, #tpu.memory_space<vmem_shared>>
        tpu.wait_indirect_dma semaphore(%run_scoped3A_47 : memref<!tpu.dma_semaphore, #tpu.memory_space<semaphore_mem>>) src(%arg11 : memref<128x32xf32, #tpu.memory_space<vmem>>) dst(%dma_wait3A_59 : memref<10240x32xf32, #tpu.memory_space<vmem_shared>>)
        tpu.yield
      }) : () -> ()
    } else {
    }
    %convert_element_type3A_18 = arith.extui %gt3A_15 : i1 to i32
    %cond3A_19 = arith.constant 0 : i32
    %cond3A_20 = arith.cmpi ne, %convert_element_type3A_18, %cond3A_19 : i32
    scf.if %cond3A_20 {
      "tpu.region"() ({
        %run_scoped3A = tpu.sem_alloc : memref<!tpu.dma_semaphore, #tpu.memory_space<semaphore_mem>>
        tpu.enqueue_dma source(%arg6 : memref<128x32xf32, #tpu.memory_space<hbm>>) target(%arg11 : memref<128x32xf32, #tpu.memory_space<vmem>>) target_semaphore(%run_scoped3A : memref<!tpu.dma_semaphore, #tpu.memory_space<semaphore_mem>>)
        tpu.wait_dma2 semaphore(%run_scoped3A : memref<!tpu.dma_semaphore, #tpu.memory_space<semaphore_mem>>) src(%arg6 : memref<128x32xf32, #tpu.memory_space<hbm>>) dst(%arg11 : memref<128x32xf32, #tpu.memory_space<vmem>>)
        tpu.yield
      }) : () -> ()
      %eq3A = arith.constant 0 : i32
      %eq3A_30 = arith.cmpi eq, %arg0, %eq3A : i32
      %convert_element_type3A_31 = arith.extui %eq3A_30 : i1 to i32
      %cond3A_32 = arith.constant 0 : i32
      %cond3A_33 = arith.cmpi ne, %convert_element_type3A_31, %cond3A_32 : i32
      scf.if %cond3A_33 {
        "tpu.region"() ({
          %run_scoped3A_53 = tpu.sem_alloc : memref<!tpu.dma_semaphore, #tpu.memory_space<semaphore_mem>>
          %dma_start3A = arith.constant 0 : i32
          %dma_start3A_54 = arith.constant 0 : i32
          %dma_start3A_55 = tpu.memref_slice %arg4[%arg1, %dma_start3A, %dma_start3A_54] : memref<32x79x128xi32, #tpu.memory_space<hbm>> -> memref<1x79x128xi32, #tpu.memory_space<hbm>>
          %dma_start3A_56 = tpu.memref_squeeze %dma_start3A_55 : memref<1x79x128xi32, #tpu.memory_space<hbm>> -> memref<79x128xi32, #tpu.memory_space<hbm>>
          %dma_start3A_57 = arith.constant 0 : i32
          %dma_start3A_58 = arith.constant 0 : i32
          %dma_start3A_59 = tpu.memref_slice %arg4[%arg1, %dma_start3A_57, %dma_start3A_58] : memref<32x79x128xi32, #tpu.memory_space<hbm>> -> memref<1x79x128xi32, #tpu.memory_space<hbm>>
          %dma_start3A_60 = tpu.memref_squeeze %dma_start3A_59 : memref<1x79x128xi32, #tpu.memory_space<hbm>> -> memref<79x128xi32, #tpu.memory_space<hbm>>
          tpu.enqueue_dma source(%dma_start3A_60 : memref<79x128xi32, #tpu.memory_space<hbm>>) target(%arg10 : memref<79x128xi32, #tpu.memory_space<vmem>>) target_semaphore(%run_scoped3A_53 : memref<!tpu.dma_semaphore, #tpu.memory_space<semaphore_mem>>)
          %dma_wait3A = arith.constant 0 : i32
          %dma_wait3A_61 = arith.constant 0 : i32
          %dma_wait3A_62 = tpu.memref_slice %arg4[%arg1, %dma_wait3A, %dma_wait3A_61] : memref<32x79x128xi32, #tpu.memory_space<hbm>> -> memref<1x79x128xi32, #tpu.memory_space<hbm>>
          %dma_wait3A_63 = tpu.memref_squeeze %dma_wait3A_62 : memref<1x79x128xi32, #tpu.memory_space<hbm>> -> memref<79x128xi32, #tpu.memory_space<hbm>>
          %dma_wait3A_64 = arith.constant 0 : i32
          %dma_wait3A_65 = arith.constant 0 : i32
          %dma_wait3A_66 = tpu.memref_slice %arg4[%arg1, %dma_wait3A_64, %dma_wait3A_65] : memref<32x79x128xi32, #tpu.memory_space<hbm>> -> memref<1x79x128xi32, #tpu.memory_space<hbm>>
          %dma_wait3A_67 = tpu.memref_squeeze %dma_wait3A_66 : memref<1x79x128xi32, #tpu.memory_space<hbm>> -> memref<79x128xi32, #tpu.memory_space<hbm>>
          tpu.wait_dma2 semaphore(%run_scoped3A_53 : memref<!tpu.dma_semaphore, #tpu.memory_space<semaphore_mem>>) src(%dma_wait3A_67 : memref<79x128xi32, #tpu.memory_space<hbm>>) dst(%arg10 : memref<79x128xi32, #tpu.memory_space<vmem>>)
          tpu.yield
        }) : () -> ()
        %scan3A = arith.constant 0 : i32
        %scan3A_39 = arith.constant 0 : i32
        %scan3A_40 = arith.constant 39 : i32
        %scan3A_41 = arith.addi %scan3A_39, %scan3A_40 : i32
        %scan3A_42 = arith.constant 1 : i32
        scf.for %scan3A_53 = %scan3A_39 to %scan3A_41 step %scan3A_42  : i32 {
          %mul3A_54 = arith.constant 2 : i32
          %mul3A_55 = arith.muli %mul3A_54, %scan3A_53 : i32
          %add3A_56 = arith.constant 1 : i32
          %add3A_57 = arith.addi %mul3A_55, %add3A_56 : i32
          %dma_start3A = arith.constant 0 : i32
          %dma_start3A_58 = tpu.memref_slice %arg10[%mul3A_55, %dma_start3A] : memref<79x128xi32, #tpu.memory_space<vmem>> -> memref<1x128xi32, #tpu.memory_space<vmem>>
          %dma_start3A_59 = tpu.memref_squeeze %dma_start3A_58 : memref<1x128xi32, #tpu.memory_space<vmem>> -> memref<128xi32, #tpu.memory_space<vmem>>
          %dma_start3A_60 = arith.constant 0 : i32
          %dma_start3A_61 = arith.constant 0 : i32
          %dma_start3A_62 = tpu.memref_slice %arg15[%dma_start3A_60, %dma_start3A_61] : memref<10240x32xf32, #tpu.memory_space<vmem_shared>> -> memref<10240x32xf32, #tpu.memory_space<vmem_shared>>
          tpu.enqueue_indirect_dma source(%arg11 : memref<128x32xf32, #tpu.memory_space<vmem>>) target(%dma_start3A_62 : memref<10240x32xf32, #tpu.memory_space<vmem_shared>>) offsets(%dma_start3A_59 : memref<128xi32, #tpu.memory_space<vmem>>) semaphore(%arg16 : memref<!tpu.dma_semaphore, #tpu.memory_space<semaphore_mem>>) {add = true}
          %dma_start3A_63 = arith.constant 0 : i32
          %dma_start3A_64 = tpu.memref_slice %arg10[%add3A_57, %dma_start3A_63] : memref<79x128xi32, #tpu.memory_space<vmem>> -> memref<1x128xi32, #tpu.memory_space<vmem>>
          %dma_start3A_65 = tpu.memref_squeeze %dma_start3A_64 : memref<1x128xi32, #tpu.memory_space<vmem>> -> memref<128xi32, #tpu.memory_space<vmem>>
          %dma_start3A_66 = arith.constant 0 : i32
          %dma_start3A_67 = arith.constant 0 : i32
          %dma_start3A_68 = tpu.memref_slice %arg15[%dma_start3A_66, %dma_start3A_67] : memref<10240x32xf32, #tpu.memory_space<vmem_shared>> -> memref<10240x32xf32, #tpu.memory_space<vmem_shared>>
          tpu.enqueue_indirect_dma source(%arg11 : memref<128x32xf32, #tpu.memory_space<vmem>>) target(%dma_start3A_68 : memref<10240x32xf32, #tpu.memory_space<vmem_shared>>) offsets(%dma_start3A_65 : memref<128xi32, #tpu.memory_space<vmem>>) semaphore(%arg17 : memref<!tpu.dma_semaphore, #tpu.memory_space<semaphore_mem>>) {add = true}
          %dma_wait3A = arith.constant 0 : i32
          %dma_wait3A_69 = tpu.memref_slice %arg10[%mul3A_55, %dma_wait3A] : memref<79x128xi32, #tpu.memory_space<vmem>> -> memref<1x128xi32, #tpu.memory_space<vmem>>
          %dma_wait3A_70 = tpu.memref_squeeze %dma_wait3A_69 : memref<1x128xi32, #tpu.memory_space<vmem>> -> memref<128xi32, #tpu.memory_space<vmem>>
          %dma_wait3A_71 = arith.constant 0 : i32
          %dma_wait3A_72 = arith.constant 0 : i32
          %dma_wait3A_73 = tpu.memref_slice %arg15[%dma_wait3A_71, %dma_wait3A_72] : memref<10240x32xf32, #tpu.memory_space<vmem_shared>> -> memref<10240x32xf32, #tpu.memory_space<vmem_shared>>
          tpu.wait_indirect_dma semaphore(%arg16 : memref<!tpu.dma_semaphore, #tpu.memory_space<semaphore_mem>>) src(%arg11 : memref<128x32xf32, #tpu.memory_space<vmem>>) dst(%dma_wait3A_73 : memref<10240x32xf32, #tpu.memory_space<vmem_shared>>)
          %dma_wait3A_74 = arith.constant 0 : i32
          %dma_wait3A_75 = tpu.memref_slice %arg10[%add3A_57, %dma_wait3A_74] : memref<79x128xi32, #tpu.memory_space<vmem>> -> memref<1x128xi32, #tpu.memory_space<vmem>>
          %dma_wait3A_76 = tpu.memref_squeeze %dma_wait3A_75 : memref<1x128xi32, #tpu.memory_space<vmem>> -> memref<128xi32, #tpu.memory_space<vmem>>
          %dma_wait3A_77 = arith.constant 0 : i32
          %dma_wait3A_78 = arith.constant 0 : i32
          %dma_wait3A_79 = tpu.memref_slice %arg15[%dma_wait3A_77, %dma_wait3A_78] : memref<10240x32xf32, #tpu.memory_space<vmem_shared>> -> memref<10240x32xf32, #tpu.memory_space<vmem_shared>>
          tpu.wait_indirect_dma semaphore(%arg17 : memref<!tpu.dma_semaphore, #tpu.memory_space<semaphore_mem>>) src(%arg11 : memref<128x32xf32, #tpu.memory_space<vmem>>) dst(%dma_wait3A_79 : memref<10240x32xf32, #tpu.memory_space<vmem_shared>>)
        }
        %scan3A_43 = arith.constant 39 : i32
        %run_scoped3A = arith.constant 78 : i32
        "tpu.region"() ({
          %run_scoped3A_53 = tpu.sem_alloc : memref<!tpu.dma_semaphore, #tpu.memory_space<semaphore_mem>>
          %dma_start3A = arith.constant 0 : i32
          %dma_start3A_54 = tpu.memref_slice %arg10[%run_scoped3A, %dma_start3A] : memref<79x128xi32, #tpu.memory_space<vmem>> -> memref<1x128xi32, #tpu.memory_space<vmem>>
          %dma_start3A_55 = tpu.memref_squeeze %dma_start3A_54 : memref<1x128xi32, #tpu.memory_space<vmem>> -> memref<128xi32, #tpu.memory_space<vmem>>
          %dma_start3A_56 = arith.constant 0 : i32
          %dma_start3A_57 = arith.constant 0 : i32
          %dma_start3A_58 = tpu.memref_slice %arg15[%dma_start3A_56, %dma_start3A_57] : memref<10240x32xf32, #tpu.memory_space<vmem_shared>> -> memref<10240x32xf32, #tpu.memory_space<vmem_shared>>
          tpu.enqueue_indirect_dma source(%arg11 : memref<128x32xf32, #tpu.memory_space<vmem>>) target(%dma_start3A_58 : memref<10240x32xf32, #tpu.memory_space<vmem_shared>>) offsets(%dma_start3A_55 : memref<128xi32, #tpu.memory_space<vmem>>) semaphore(%run_scoped3A_53 : memref<!tpu.dma_semaphore, #tpu.memory_space<semaphore_mem>>) {add = true}
          %dma_wait3A = arith.constant 0 : i32
          %dma_wait3A_59 = tpu.memref_slice %arg10[%run_scoped3A, %dma_wait3A] : memref<79x128xi32, #tpu.memory_space<vmem>> -> memref<1x128xi32, #tpu.memory_space<vmem>>
          %dma_wait3A_60 = tpu.memref_squeeze %dma_wait3A_59 : memref<1x128xi32, #tpu.memory_space<vmem>> -> memref<128xi32, #tpu.memory_space<vmem>>
          %dma_wait3A_61 = arith.constant 0 : i32
          %dma_wait3A_62 = arith.constant 0 : i32
          %dma_wait3A_63 = tpu.memref_slice %arg15[%dma_wait3A_61, %dma_wait3A_62] : memref<10240x32xf32, #tpu.memory_space<vmem_shared>> -> memref<10240x32xf32, #tpu.memory_space<vmem_shared>>
          tpu.wait_indirect_dma semaphore(%run_scoped3A_53 : memref<!tpu.dma_semaphore, #tpu.memory_space<semaphore_mem>>) src(%arg11 : memref<128x32xf32, #tpu.memory_space<vmem>>) dst(%dma_wait3A_63 : memref<10240x32xf32, #tpu.memory_space<vmem_shared>>)
          tpu.yield
        }) : () -> ()
        %add3A_44 = arith.constant 16 : i32
        %add3A_45 = arith.addi %arg1, %add3A_44 : i32
        "tpu.region"() ({
          %run_scoped3A_53 = tpu.sem_alloc : memref<!tpu.dma_semaphore, #tpu.memory_space<semaphore_mem>>
          %dma_start3A = arith.constant 0 : i32
          %dma_start3A_54 = arith.constant 0 : i32
          %dma_start3A_55 = tpu.memref_slice %arg4[%add3A_45, %dma_start3A, %dma_start3A_54] : memref<32x79x128xi32, #tpu.memory_space<hbm>> -> memref<1x79x128xi32, #tpu.memory_space<hbm>>
          %dma_start3A_56 = tpu.memref_squeeze %dma_start3A_55 : memref<1x79x128xi32, #tpu.memory_space<hbm>> -> memref<79x128xi32, #tpu.memory_space<hbm>>
          %dma_start3A_57 = arith.constant 0 : i32
          %dma_start3A_58 = arith.constant 0 : i32
          %dma_start3A_59 = tpu.memref_slice %arg4[%add3A_45, %dma_start3A_57, %dma_start3A_58] : memref<32x79x128xi32, #tpu.memory_space<hbm>> -> memref<1x79x128xi32, #tpu.memory_space<hbm>>
          %dma_start3A_60 = tpu.memref_squeeze %dma_start3A_59 : memref<1x79x128xi32, #tpu.memory_space<hbm>> -> memref<79x128xi32, #tpu.memory_space<hbm>>
          tpu.enqueue_dma source(%dma_start3A_60 : memref<79x128xi32, #tpu.memory_space<hbm>>) target(%arg10 : memref<79x128xi32, #tpu.memory_space<vmem>>) target_semaphore(%run_scoped3A_53 : memref<!tpu.dma_semaphore, #tpu.memory_space<semaphore_mem>>)
          %dma_wait3A = arith.constant 0 : i32
          %dma_wait3A_61 = arith.constant 0 : i32
          %dma_wait3A_62 = tpu.memref_slice %arg4[%add3A_45, %dma_wait3A, %dma_wait3A_61] : memref<32x79x128xi32, #tpu.memory_space<hbm>> -> memref<1x79x128xi32, #tpu.memory_space<hbm>>
          %dma_wait3A_63 = tpu.memref_squeeze %dma_wait3A_62 : memref<1x79x128xi32, #tpu.memory_space<hbm>> -> memref<79x128xi32, #tpu.memory_space<hbm>>
          %dma_wait3A_64 = arith.constant 0 : i32
          %dma_wait3A_65 = arith.constant 0 : i32
          %dma_wait3A_66 = tpu.memref_slice %arg4[%add3A_45, %dma_wait3A_64, %dma_wait3A_65] : memref<32x79x128xi32, #tpu.memory_space<hbm>> -> memref<1x79x128xi32, #tpu.memory_space<hbm>>
          %dma_wait3A_67 = tpu.memref_squeeze %dma_wait3A_66 : memref<1x79x128xi32, #tpu.memory_space<hbm>> -> memref<79x128xi32, #tpu.memory_space<hbm>>
          tpu.wait_dma2 semaphore(%run_scoped3A_53 : memref<!tpu.dma_semaphore, #tpu.memory_space<semaphore_mem>>) src(%dma_wait3A_67 : memref<79x128xi32, #tpu.memory_space<hbm>>) dst(%arg10 : memref<79x128xi32, #tpu.memory_space<vmem>>)
          tpu.yield
        }) : () -> ()
        %scan3A_46 = arith.constant 0 : i32
        %scan3A_47 = arith.constant 0 : i32
        %scan3A_48 = arith.constant 39 : i32
        %scan3A_49 = arith.addi %scan3A_47, %scan3A_48 : i32
        %scan3A_50 = arith.constant 1 : i32
        scf.for %scan3A_53 = %scan3A_47 to %scan3A_49 step %scan3A_50  : i32 {
          %mul3A_54 = arith.constant 2 : i32
          %mul3A_55 = arith.muli %mul3A_54, %scan3A_53 : i32
          %add3A_56 = arith.constant 1 : i32
          %add3A_57 = arith.addi %mul3A_55, %add3A_56 : i32
          %dma_start3A = arith.constant 0 : i32
          %dma_start3A_58 = tpu.memref_slice %arg10[%mul3A_55, %dma_start3A] : memref<79x128xi32, #tpu.memory_space<vmem>> -> memref<1x128xi32, #tpu.memory_space<vmem>>
          %dma_start3A_59 = tpu.memref_squeeze %dma_start3A_58 : memref<1x128xi32, #tpu.memory_space<vmem>> -> memref<128xi32, #tpu.memory_space<vmem>>
          %dma_start3A_60 = arith.constant 0 : i32
          %dma_start3A_61 = arith.constant 0 : i32
          %dma_start3A_62 = tpu.memref_slice %arg15[%dma_start3A_60, %dma_start3A_61] : memref<10240x32xf32, #tpu.memory_space<vmem_shared>> -> memref<10240x32xf32, #tpu.memory_space<vmem_shared>>
          tpu.enqueue_indirect_dma source(%arg11 : memref<128x32xf32, #tpu.memory_space<vmem>>) target(%dma_start3A_62 : memref<10240x32xf32, #tpu.memory_space<vmem_shared>>) offsets(%dma_start3A_59 : memref<128xi32, #tpu.memory_space<vmem>>) semaphore(%arg16 : memref<!tpu.dma_semaphore, #tpu.memory_space<semaphore_mem>>) {add = true}
          %dma_start3A_63 = arith.constant 0 : i32
          %dma_start3A_64 = tpu.memref_slice %arg10[%add3A_57, %dma_start3A_63] : memref<79x128xi32, #tpu.memory_space<vmem>> -> memref<1x128xi32, #tpu.memory_space<vmem>>
          %dma_start3A_65 = tpu.memref_squeeze %dma_start3A_64 : memref<1x128xi32, #tpu.memory_space<vmem>> -> memref<128xi32, #tpu.memory_space<vmem>>
          %dma_start3A_66 = arith.constant 0 : i32
          %dma_start3A_67 = arith.constant 0 : i32
          %dma_start3A_68 = tpu.memref_slice %arg15[%dma_start3A_66, %dma_start3A_67] : memref<10240x32xf32, #tpu.memory_space<vmem_shared>> -> memref<10240x32xf32, #tpu.memory_space<vmem_shared>>
          tpu.enqueue_indirect_dma source(%arg11 : memref<128x32xf32, #tpu.memory_space<vmem>>) target(%dma_start3A_68 : memref<10240x32xf32, #tpu.memory_space<vmem_shared>>) offsets(%dma_start3A_65 : memref<128xi32, #tpu.memory_space<vmem>>) semaphore(%arg17 : memref<!tpu.dma_semaphore, #tpu.memory_space<semaphore_mem>>) {add = true}
          %dma_wait3A = arith.constant 0 : i32
          %dma_wait3A_69 = tpu.memref_slice %arg10[%mul3A_55, %dma_wait3A] : memref<79x128xi32, #tpu.memory_space<vmem>> -> memref<1x128xi32, #tpu.memory_space<vmem>>
          %dma_wait3A_70 = tpu.memref_squeeze %dma_wait3A_69 : memref<1x128xi32, #tpu.memory_space<vmem>> -> memref<128xi32, #tpu.memory_space<vmem>>
          %dma_wait3A_71 = arith.constant 0 : i32
          %dma_wait3A_72 = arith.constant 0 : i32
          %dma_wait3A_73 = tpu.memref_slice %arg15[%dma_wait3A_71, %dma_wait3A_72] : memref<10240x32xf32, #tpu.memory_space<vmem_shared>> -> memref<10240x32xf32, #tpu.memory_space<vmem_shared>>
          tpu.wait_indirect_dma semaphore(%arg16 : memref<!tpu.dma_semaphore, #tpu.memory_space<semaphore_mem>>) src(%arg11 : memref<128x32xf32, #tpu.memory_space<vmem>>) dst(%dma_wait3A_73 : memref<10240x32xf32, #tpu.memory_space<vmem_shared>>)
          %dma_wait3A_74 = arith.constant 0 : i32
          %dma_wait3A_75 = tpu.memref_slice %arg10[%add3A_57, %dma_wait3A_74] : memref<79x128xi32, #tpu.memory_space<vmem>> -> memref<1x128xi32, #tpu.memory_space<vmem>>
          %dma_wait3A_76 = tpu.memref_squeeze %dma_wait3A_75 : memref<1x128xi32, #tpu.memory_space<vmem>> -> memref<128xi32, #tpu.memory_space<vmem>>
          %dma_wait3A_77 = arith.constant 0 : i32
          %dma_wait3A_78 = arith.constant 0 : i32
          %dma_wait3A_79 = tpu.memref_slice %arg15[%dma_wait3A_77, %dma_wait3A_78] : memref<10240x32xf32, #tpu.memory_space<vmem_shared>> -> memref<10240x32xf32, #tpu.memory_space<vmem_shared>>
          tpu.wait_indirect_dma semaphore(%arg17 : memref<!tpu.dma_semaphore, #tpu.memory_space<semaphore_mem>>) src(%arg11 : memref<128x32xf32, #tpu.memory_space<vmem>>) dst(%dma_wait3A_79 : memref<10240x32xf32, #tpu.memory_space<vmem_shared>>)
        }
        %scan3A_51 = arith.constant 39 : i32
        %run_scoped3A_52 = arith.constant 78 : i32
        "tpu.region"() ({
          %run_scoped3A_53 = tpu.sem_alloc : memref<!tpu.dma_semaphore, #tpu.memory_space<semaphore_mem>>
          %dma_start3A = arith.constant 0 : i32
          %dma_start3A_54 = tpu.memref_slice %arg10[%run_scoped3A_52, %dma_start3A] : memref<79x128xi32, #tpu.memory_space<vmem>> -> memref<1x128xi32, #tpu.memory_space<vmem>>
          %dma_start3A_55 = tpu.memref_squeeze %dma_start3A_54 : memref<1x128xi32, #tpu.memory_space<vmem>> -> memref<128xi32, #tpu.memory_space<vmem>>
          %dma_start3A_56 = arith.constant 0 : i32
          %dma_start3A_57 = arith.constant 0 : i32
          %dma_start3A_58 = tpu.memref_slice %arg15[%dma_start3A_56, %dma_start3A_57] : memref<10240x32xf32, #tpu.memory_space<vmem_shared>> -> memref<10240x32xf32, #tpu.memory_space<vmem_shared>>
          tpu.enqueue_indirect_dma source(%arg11 : memref<128x32xf32, #tpu.memory_space<vmem>>) target(%dma_start3A_58 : memref<10240x32xf32, #tpu.memory_space<vmem_shared>>) offsets(%dma_start3A_55 : memref<128xi32, #tpu.memory_space<vmem>>) semaphore(%run_scoped3A_53 : memref<!tpu.dma_semaphore, #tpu.memory_space<semaphore_mem>>) {add = true}
          %dma_wait3A = arith.constant 0 : i32
          %dma_wait3A_59 = tpu.memref_slice %arg10[%run_scoped3A_52, %dma_wait3A] : memref<79x128xi32, #tpu.memory_space<vmem>> -> memref<1x128xi32, #tpu.memory_space<vmem>>
          %dma_wait3A_60 = tpu.memref_squeeze %dma_wait3A_59 : memref<1x128xi32, #tpu.memory_space<vmem>> -> memref<128xi32, #tpu.memory_space<vmem>>
          %dma_wait3A_61 = arith.constant 0 : i32
          %dma_wait3A_62 = arith.constant 0 : i32
          %dma_wait3A_63 = tpu.memref_slice %arg15[%dma_wait3A_61, %dma_wait3A_62] : memref<10240x32xf32, #tpu.memory_space<vmem_shared>> -> memref<10240x32xf32, #tpu.memory_space<vmem_shared>>
          tpu.wait_indirect_dma semaphore(%run_scoped3A_53 : memref<!tpu.dma_semaphore, #tpu.memory_space<semaphore_mem>>) src(%arg11 : memref<128x32xf32, #tpu.memory_space<vmem>>) dst(%dma_wait3A_63 : memref<10240x32xf32, #tpu.memory_space<vmem_shared>>)
          tpu.yield
        }) : () -> ()
      } else {
      }
      %eq3A_34 = arith.constant 1 : i32
      %eq3A_35 = arith.cmpi eq, %arg0, %eq3A_34 : i32
      %convert_element_type3A_36 = arith.extui %eq3A_35 : i1 to i32
      %cond3A_37 = arith.constant 0 : i32
      %cond3A_38 = arith.cmpi ne, %convert_element_type3A_36, %cond3A_37 : i32
      scf.if %cond3A_38 {
        "tpu.region"() ({
          %run_scoped3A_53 = tpu.sem_alloc : memref<!tpu.dma_semaphore, #tpu.memory_space<semaphore_mem>>
          %dma_start3A = arith.constant 0 : i32
          %dma_start3A_54 = arith.constant 0 : i32
          %dma_start3A_55 = tpu.memref_slice %arg3[%arg1, %dma_start3A, %dma_start3A_54] : memref<32x79x128xi32, #tpu.memory_space<hbm>> -> memref<1x79x128xi32, #tpu.memory_space<hbm>>
          %dma_start3A_56 = tpu.memref_squeeze %dma_start3A_55 : memref<1x79x128xi32, #tpu.memory_space<hbm>> -> memref<79x128xi32, #tpu.memory_space<hbm>>
          %dma_start3A_57 = arith.constant 0 : i32
          %dma_start3A_58 = arith.constant 0 : i32
          %dma_start3A_59 = tpu.memref_slice %arg3[%arg1, %dma_start3A_57, %dma_start3A_58] : memref<32x79x128xi32, #tpu.memory_space<hbm>> -> memref<1x79x128xi32, #tpu.memory_space<hbm>>
          %dma_start3A_60 = tpu.memref_squeeze %dma_start3A_59 : memref<1x79x128xi32, #tpu.memory_space<hbm>> -> memref<79x128xi32, #tpu.memory_space<hbm>>
          tpu.enqueue_dma source(%dma_start3A_60 : memref<79x128xi32, #tpu.memory_space<hbm>>) target(%arg10 : memref<79x128xi32, #tpu.memory_space<vmem>>) target_semaphore(%run_scoped3A_53 : memref<!tpu.dma_semaphore, #tpu.memory_space<semaphore_mem>>)
          %dma_wait3A = arith.constant 0 : i32
          %dma_wait3A_61 = arith.constant 0 : i32
          %dma_wait3A_62 = tpu.memref_slice %arg3[%arg1, %dma_wait3A, %dma_wait3A_61] : memref<32x79x128xi32, #tpu.memory_space<hbm>> -> memref<1x79x128xi32, #tpu.memory_space<hbm>>
          %dma_wait3A_63 = tpu.memref_squeeze %dma_wait3A_62 : memref<1x79x128xi32, #tpu.memory_space<hbm>> -> memref<79x128xi32, #tpu.memory_space<hbm>>
          %dma_wait3A_64 = arith.constant 0 : i32
          %dma_wait3A_65 = arith.constant 0 : i32
          %dma_wait3A_66 = tpu.memref_slice %arg3[%arg1, %dma_wait3A_64, %dma_wait3A_65] : memref<32x79x128xi32, #tpu.memory_space<hbm>> -> memref<1x79x128xi32, #tpu.memory_space<hbm>>
          %dma_wait3A_67 = tpu.memref_squeeze %dma_wait3A_66 : memref<1x79x128xi32, #tpu.memory_space<hbm>> -> memref<79x128xi32, #tpu.memory_space<hbm>>
          tpu.wait_dma2 semaphore(%run_scoped3A_53 : memref<!tpu.dma_semaphore, #tpu.memory_space<semaphore_mem>>) src(%dma_wait3A_67 : memref<79x128xi32, #tpu.memory_space<hbm>>) dst(%arg10 : memref<79x128xi32, #tpu.memory_space<vmem>>)
          tpu.yield
        }) : () -> ()
        %scan3A = arith.constant 0 : i32
        %scan3A_39 = arith.constant 0 : i32
        %scan3A_40 = arith.constant 39 : i32
        %scan3A_41 = arith.addi %scan3A_39, %scan3A_40 : i32
        %scan3A_42 = arith.constant 1 : i32
        scf.for %scan3A_53 = %scan3A_39 to %scan3A_41 step %scan3A_42  : i32 {
          %mul3A_54 = arith.constant 2 : i32
          %mul3A_55 = arith.muli %mul3A_54, %scan3A_53 : i32
          %add3A_56 = arith.constant 1 : i32
          %add3A_57 = arith.addi %mul3A_55, %add3A_56 : i32
          %dma_start3A = arith.constant 0 : i32
          %dma_start3A_58 = tpu.memref_slice %arg10[%mul3A_55, %dma_start3A] : memref<79x128xi32, #tpu.memory_space<vmem>> -> memref<1x128xi32, #tpu.memory_space<vmem>>
          %dma_start3A_59 = tpu.memref_squeeze %dma_start3A_58 : memref<1x128xi32, #tpu.memory_space<vmem>> -> memref<128xi32, #tpu.memory_space<vmem>>
          %dma_start3A_60 = arith.constant 0 : i32
          %dma_start3A_61 = arith.constant 0 : i32
          %dma_start3A_62 = tpu.memref_slice %arg15[%dma_start3A_60, %dma_start3A_61] : memref<10240x32xf32, #tpu.memory_space<vmem_shared>> -> memref<10240x32xf32, #tpu.memory_space<vmem_shared>>
          tpu.enqueue_indirect_dma source(%arg11 : memref<128x32xf32, #tpu.memory_space<vmem>>) target(%dma_start3A_62 : memref<10240x32xf32, #tpu.memory_space<vmem_shared>>) offsets(%dma_start3A_59 : memref<128xi32, #tpu.memory_space<vmem>>) semaphore(%arg16 : memref<!tpu.dma_semaphore, #tpu.memory_space<semaphore_mem>>) {add = true}
          %dma_start3A_63 = arith.constant 0 : i32
          %dma_start3A_64 = tpu.memref_slice %arg10[%add3A_57, %dma_start3A_63] : memref<79x128xi32, #tpu.memory_space<vmem>> -> memref<1x128xi32, #tpu.memory_space<vmem>>
          %dma_start3A_65 = tpu.memref_squeeze %dma_start3A_64 : memref<1x128xi32, #tpu.memory_space<vmem>> -> memref<128xi32, #tpu.memory_space<vmem>>
          %dma_start3A_66 = arith.constant 0 : i32
          %dma_start3A_67 = arith.constant 0 : i32
          %dma_start3A_68 = tpu.memref_slice %arg15[%dma_start3A_66, %dma_start3A_67] : memref<10240x32xf32, #tpu.memory_space<vmem_shared>> -> memref<10240x32xf32, #tpu.memory_space<vmem_shared>>
          tpu.enqueue_indirect_dma source(%arg11 : memref<128x32xf32, #tpu.memory_space<vmem>>) target(%dma_start3A_68 : memref<10240x32xf32, #tpu.memory_space<vmem_shared>>) offsets(%dma_start3A_65 : memref<128xi32, #tpu.memory_space<vmem>>) semaphore(%arg17 : memref<!tpu.dma_semaphore, #tpu.memory_space<semaphore_mem>>) {add = true}
          %dma_wait3A = arith.constant 0 : i32
          %dma_wait3A_69 = tpu.memref_slice %arg10[%mul3A_55, %dma_wait3A] : memref<79x128xi32, #tpu.memory_space<vmem>> -> memref<1x128xi32, #tpu.memory_space<vmem>>
          %dma_wait3A_70 = tpu.memref_squeeze %dma_wait3A_69 : memref<1x128xi32, #tpu.memory_space<vmem>> -> memref<128xi32, #tpu.memory_space<vmem>>
          %dma_wait3A_71 = arith.constant 0 : i32
          %dma_wait3A_72 = arith.constant 0 : i32
          %dma_wait3A_73 = tpu.memref_slice %arg15[%dma_wait3A_71, %dma_wait3A_72] : memref<10240x32xf32, #tpu.memory_space<vmem_shared>> -> memref<10240x32xf32, #tpu.memory_space<vmem_shared>>
          tpu.wait_indirect_dma semaphore(%arg16 : memref<!tpu.dma_semaphore, #tpu.memory_space<semaphore_mem>>) src(%arg11 : memref<128x32xf32, #tpu.memory_space<vmem>>) dst(%dma_wait3A_73 : memref<10240x32xf32, #tpu.memory_space<vmem_shared>>)
          %dma_wait3A_74 = arith.constant 0 : i32
          %dma_wait3A_75 = tpu.memref_slice %arg10[%add3A_57, %dma_wait3A_74] : memref<79x128xi32, #tpu.memory_space<vmem>> -> memref<1x128xi32, #tpu.memory_space<vmem>>
          %dma_wait3A_76 = tpu.memref_squeeze %dma_wait3A_75 : memref<1x128xi32, #tpu.memory_space<vmem>> -> memref<128xi32, #tpu.memory_space<vmem>>
          %dma_wait3A_77 = arith.constant 0 : i32
          %dma_wait3A_78 = arith.constant 0 : i32
          %dma_wait3A_79 = tpu.memref_slice %arg15[%dma_wait3A_77, %dma_wait3A_78] : memref<10240x32xf32, #tpu.memory_space<vmem_shared>> -> memref<10240x32xf32, #tpu.memory_space<vmem_shared>>
          tpu.wait_indirect_dma semaphore(%arg17 : memref<!tpu.dma_semaphore, #tpu.memory_space<semaphore_mem>>) src(%arg11 : memref<128x32xf32, #tpu.memory_space<vmem>>) dst(%dma_wait3A_79 : memref<10240x32xf32, #tpu.memory_space<vmem_shared>>)
        }
        %scan3A_43 = arith.constant 39 : i32
        %run_scoped3A = arith.constant 78 : i32
        "tpu.region"() ({
          %run_scoped3A_53 = tpu.sem_alloc : memref<!tpu.dma_semaphore, #tpu.memory_space<semaphore_mem>>
          %dma_start3A = arith.constant 0 : i32
          %dma_start3A_54 = tpu.memref_slice %arg10[%run_scoped3A, %dma_start3A] : memref<79x128xi32, #tpu.memory_space<vmem>> -> memref<1x128xi32, #tpu.memory_space<vmem>>
          %dma_start3A_55 = tpu.memref_squeeze %dma_start3A_54 : memref<1x128xi32, #tpu.memory_space<vmem>> -> memref<128xi32, #tpu.memory_space<vmem>>
          %dma_start3A_56 = arith.constant 0 : i32
          %dma_start3A_57 = arith.constant 0 : i32
          %dma_start3A_58 = tpu.memref_slice %arg15[%dma_start3A_56, %dma_start3A_57] : memref<10240x32xf32, #tpu.memory_space<vmem_shared>> -> memref<10240x32xf32, #tpu.memory_space<vmem_shared>>
          tpu.enqueue_indirect_dma source(%arg11 : memref<128x32xf32, #tpu.memory_space<vmem>>) target(%dma_start3A_58 : memref<10240x32xf32, #tpu.memory_space<vmem_shared>>) offsets(%dma_start3A_55 : memref<128xi32, #tpu.memory_space<vmem>>) semaphore(%run_scoped3A_53 : memref<!tpu.dma_semaphore, #tpu.memory_space<semaphore_mem>>) {add = true}
          %dma_wait3A = arith.constant 0 : i32
          %dma_wait3A_59 = tpu.memref_slice %arg10[%run_scoped3A, %dma_wait3A] : memref<79x128xi32, #tpu.memory_space<vmem>> -> memref<1x128xi32, #tpu.memory_space<vmem>>
          %dma_wait3A_60 = tpu.memref_squeeze %dma_wait3A_59 : memref<1x128xi32, #tpu.memory_space<vmem>> -> memref<128xi32, #tpu.memory_space<vmem>>
          %dma_wait3A_61 = arith.constant 0 : i32
          %dma_wait3A_62 = arith.constant 0 : i32
          %dma_wait3A_63 = tpu.memref_slice %arg15[%dma_wait3A_61, %dma_wait3A_62] : memref<10240x32xf32, #tpu.memory_space<vmem_shared>> -> memref<10240x32xf32, #tpu.memory_space<vmem_shared>>
          tpu.wait_indirect_dma semaphore(%run_scoped3A_53 : memref<!tpu.dma_semaphore, #tpu.memory_space<semaphore_mem>>) src(%arg11 : memref<128x32xf32, #tpu.memory_space<vmem>>) dst(%dma_wait3A_63 : memref<10240x32xf32, #tpu.memory_space<vmem_shared>>)
          tpu.yield
        }) : () -> ()
        %add3A_44 = arith.constant 16 : i32
        %add3A_45 = arith.addi %arg1, %add3A_44 : i32
        "tpu.region"() ({
          %run_scoped3A_53 = tpu.sem_alloc : memref<!tpu.dma_semaphore, #tpu.memory_space<semaphore_mem>>
          %dma_start3A = arith.constant 0 : i32
          %dma_start3A_54 = arith.constant 0 : i32
          %dma_start3A_55 = tpu.memref_slice %arg3[%add3A_45, %dma_start3A, %dma_start3A_54] : memref<32x79x128xi32, #tpu.memory_space<hbm>> -> memref<1x79x128xi32, #tpu.memory_space<hbm>>
          %dma_start3A_56 = tpu.memref_squeeze %dma_start3A_55 : memref<1x79x128xi32, #tpu.memory_space<hbm>> -> memref<79x128xi32, #tpu.memory_space<hbm>>
          %dma_start3A_57 = arith.constant 0 : i32
          %dma_start3A_58 = arith.constant 0 : i32
          %dma_start3A_59 = tpu.memref_slice %arg3[%add3A_45, %dma_start3A_57, %dma_start3A_58] : memref<32x79x128xi32, #tpu.memory_space<hbm>> -> memref<1x79x128xi32, #tpu.memory_space<hbm>>
          %dma_start3A_60 = tpu.memref_squeeze %dma_start3A_59 : memref<1x79x128xi32, #tpu.memory_space<hbm>> -> memref<79x128xi32, #tpu.memory_space<hbm>>
          tpu.enqueue_dma source(%dma_start3A_60 : memref<79x128xi32, #tpu.memory_space<hbm>>) target(%arg10 : memref<79x128xi32, #tpu.memory_space<vmem>>) target_semaphore(%run_scoped3A_53 : memref<!tpu.dma_semaphore, #tpu.memory_space<semaphore_mem>>)
          %dma_wait3A = arith.constant 0 : i32
          %dma_wait3A_61 = arith.constant 0 : i32
          %dma_wait3A_62 = tpu.memref_slice %arg3[%add3A_45, %dma_wait3A, %dma_wait3A_61] : memref<32x79x128xi32, #tpu.memory_space<hbm>> -> memref<1x79x128xi32, #tpu.memory_space<hbm>>
          %dma_wait3A_63 = tpu.memref_squeeze %dma_wait3A_62 : memref<1x79x128xi32, #tpu.memory_space<hbm>> -> memref<79x128xi32, #tpu.memory_space<hbm>>
          %dma_wait3A_64 = arith.constant 0 : i32
          %dma_wait3A_65 = arith.constant 0 : i32
          %dma_wait3A_66 = tpu.memref_slice %arg3[%add3A_45, %dma_wait3A_64, %dma_wait3A_65] : memref<32x79x128xi32, #tpu.memory_space<hbm>> -> memref<1x79x128xi32, #tpu.memory_space<hbm>>
          %dma_wait3A_67 = tpu.memref_squeeze %dma_wait3A_66 : memref<1x79x128xi32, #tpu.memory_space<hbm>> -> memref<79x128xi32, #tpu.memory_space<hbm>>
          tpu.wait_dma2 semaphore(%run_scoped3A_53 : memref<!tpu.dma_semaphore, #tpu.memory_space<semaphore_mem>>) src(%dma_wait3A_67 : memref<79x128xi32, #tpu.memory_space<hbm>>) dst(%arg10 : memref<79x128xi32, #tpu.memory_space<vmem>>)
          tpu.yield
        }) : () -> ()
        %scan3A_46 = arith.constant 0 : i32
        %scan3A_47 = arith.constant 0 : i32
        %scan3A_48 = arith.constant 39 : i32
        %scan3A_49 = arith.addi %scan3A_47, %scan3A_48 : i32
        %scan3A_50 = arith.constant 1 : i32
        scf.for %scan3A_53 = %scan3A_47 to %scan3A_49 step %scan3A_50  : i32 {
          %mul3A_54 = arith.constant 2 : i32
          %mul3A_55 = arith.muli %mul3A_54, %scan3A_53 : i32
          %add3A_56 = arith.constant 1 : i32
          %add3A_57 = arith.addi %mul3A_55, %add3A_56 : i32
          %dma_start3A = arith.constant 0 : i32
          %dma_start3A_58 = tpu.memref_slice %arg10[%mul3A_55, %dma_start3A] : memref<79x128xi32, #tpu.memory_space<vmem>> -> memref<1x128xi32, #tpu.memory_space<vmem>>
          %dma_start3A_59 = tpu.memref_squeeze %dma_start3A_58 : memref<1x128xi32, #tpu.memory_space<vmem>> -> memref<128xi32, #tpu.memory_space<vmem>>
          %dma_start3A_60 = arith.constant 0 : i32
          %dma_start3A_61 = arith.constant 0 : i32
          %dma_start3A_62 = tpu.memref_slice %arg15[%dma_start3A_60, %dma_start3A_61] : memref<10240x32xf32, #tpu.memory_space<vmem_shared>> -> memref<10240x32xf32, #tpu.memory_space<vmem_shared>>
          tpu.enqueue_indirect_dma source(%arg11 : memref<128x32xf32, #tpu.memory_space<vmem>>) target(%dma_start3A_62 : memref<10240x32xf32, #tpu.memory_space<vmem_shared>>) offsets(%dma_start3A_59 : memref<128xi32, #tpu.memory_space<vmem>>) semaphore(%arg16 : memref<!tpu.dma_semaphore, #tpu.memory_space<semaphore_mem>>) {add = true}
          %dma_start3A_63 = arith.constant 0 : i32
          %dma_start3A_64 = tpu.memref_slice %arg10[%add3A_57, %dma_start3A_63] : memref<79x128xi32, #tpu.memory_space<vmem>> -> memref<1x128xi32, #tpu.memory_space<vmem>>
          %dma_start3A_65 = tpu.memref_squeeze %dma_start3A_64 : memref<1x128xi32, #tpu.memory_space<vmem>> -> memref<128xi32, #tpu.memory_space<vmem>>
          %dma_start3A_66 = arith.constant 0 : i32
          %dma_start3A_67 = arith.constant 0 : i32
          %dma_start3A_68 = tpu.memref_slice %arg15[%dma_start3A_66, %dma_start3A_67] : memref<10240x32xf32, #tpu.memory_space<vmem_shared>> -> memref<10240x32xf32, #tpu.memory_space<vmem_shared>>
          tpu.enqueue_indirect_dma source(%arg11 : memref<128x32xf32, #tpu.memory_space<vmem>>) target(%dma_start3A_68 : memref<10240x32xf32, #tpu.memory_space<vmem_shared>>) offsets(%dma_start3A_65 : memref<128xi32, #tpu.memory_space<vmem>>) semaphore(%arg17 : memref<!tpu.dma_semaphore, #tpu.memory_space<semaphore_mem>>) {add = true}
          %dma_wait3A = arith.constant 0 : i32
          %dma_wait3A_69 = tpu.memref_slice %arg10[%mul3A_55, %dma_wait3A] : memref<79x128xi32, #tpu.memory_space<vmem>> -> memref<1x128xi32, #tpu.memory_space<vmem>>
          %dma_wait3A_70 = tpu.memref_squeeze %dma_wait3A_69 : memref<1x128xi32, #tpu.memory_space<vmem>> -> memref<128xi32, #tpu.memory_space<vmem>>
          %dma_wait3A_71 = arith.constant 0 : i32
          %dma_wait3A_72 = arith.constant 0 : i32
          %dma_wait3A_73 = tpu.memref_slice %arg15[%dma_wait3A_71, %dma_wait3A_72] : memref<10240x32xf32, #tpu.memory_space<vmem_shared>> -> memref<10240x32xf32, #tpu.memory_space<vmem_shared>>
          tpu.wait_indirect_dma semaphore(%arg16 : memref<!tpu.dma_semaphore, #tpu.memory_space<semaphore_mem>>) src(%arg11 : memref<128x32xf32, #tpu.memory_space<vmem>>) dst(%dma_wait3A_73 : memref<10240x32xf32, #tpu.memory_space<vmem_shared>>)
          %dma_wait3A_74 = arith.constant 0 : i32
          %dma_wait3A_75 = tpu.memref_slice %arg10[%add3A_57, %dma_wait3A_74] : memref<79x128xi32, #tpu.memory_space<vmem>> -> memref<1x128xi32, #tpu.memory_space<vmem>>
          %dma_wait3A_76 = tpu.memref_squeeze %dma_wait3A_75 : memref<1x128xi32, #tpu.memory_space<vmem>> -> memref<128xi32, #tpu.memory_space<vmem>>
          %dma_wait3A_77 = arith.constant 0 : i32
          %dma_wait3A_78 = arith.constant 0 : i32
          %dma_wait3A_79 = tpu.memref_slice %arg15[%dma_wait3A_77, %dma_wait3A_78] : memref<10240x32xf32, #tpu.memory_space<vmem_shared>> -> memref<10240x32xf32, #tpu.memory_space<vmem_shared>>
          tpu.wait_indirect_dma semaphore(%arg17 : memref<!tpu.dma_semaphore, #tpu.memory_space<semaphore_mem>>) src(%arg11 : memref<128x32xf32, #tpu.memory_space<vmem>>) dst(%dma_wait3A_79 : memref<10240x32xf32, #tpu.memory_space<vmem_shared>>)
        }
        %scan3A_51 = arith.constant 39 : i32
        %run_scoped3A_52 = arith.constant 78 : i32
        "tpu.region"() ({
          %run_scoped3A_53 = tpu.sem_alloc : memref<!tpu.dma_semaphore, #tpu.memory_space<semaphore_mem>>
          %dma_start3A = arith.constant 0 : i32
          %dma_start3A_54 = tpu.memref_slice %arg10[%run_scoped3A_52, %dma_start3A] : memref<79x128xi32, #tpu.memory_space<vmem>> -> memref<1x128xi32, #tpu.memory_space<vmem>>
          %dma_start3A_55 = tpu.memref_squeeze %dma_start3A_54 : memref<1x128xi32, #tpu.memory_space<vmem>> -> memref<128xi32, #tpu.memory_space<vmem>>
          %dma_start3A_56 = arith.constant 0 : i32
          %dma_start3A_57 = arith.constant 0 : i32
          %dma_start3A_58 = tpu.memref_slice %arg15[%dma_start3A_56, %dma_start3A_57] : memref<10240x32xf32, #tpu.memory_space<vmem_shared>> -> memref<10240x32xf32, #tpu.memory_space<vmem_shared>>
          tpu.enqueue_indirect_dma source(%arg11 : memref<128x32xf32, #tpu.memory_space<vmem>>) target(%dma_start3A_58 : memref<10240x32xf32, #tpu.memory_space<vmem_shared>>) offsets(%dma_start3A_55 : memref<128xi32, #tpu.memory_space<vmem>>) semaphore(%run_scoped3A_53 : memref<!tpu.dma_semaphore, #tpu.memory_space<semaphore_mem>>) {add = true}
          %dma_wait3A = arith.constant 0 : i32
          %dma_wait3A_59 = tpu.memref_slice %arg10[%run_scoped3A_52, %dma_wait3A] : memref<79x128xi32, #tpu.memory_space<vmem>> -> memref<1x128xi32, #tpu.memory_space<vmem>>
          %dma_wait3A_60 = tpu.memref_squeeze %dma_wait3A_59 : memref<1x128xi32, #tpu.memory_space<vmem>> -> memref<128xi32, #tpu.memory_space<vmem>>
          %dma_wait3A_61 = arith.constant 0 : i32
          %dma_wait3A_62 = arith.constant 0 : i32
          %dma_wait3A_63 = tpu.memref_slice %arg15[%dma_wait3A_61, %dma_wait3A_62] : memref<10240x32xf32, #tpu.memory_space<vmem_shared>> -> memref<10240x32xf32, #tpu.memory_space<vmem_shared>>
          tpu.wait_indirect_dma semaphore(%run_scoped3A_53 : memref<!tpu.dma_semaphore, #tpu.memory_space<semaphore_mem>>) src(%arg11 : memref<128x32xf32, #tpu.memory_space<vmem>>) dst(%dma_wait3A_63 : memref<10240x32xf32, #tpu.memory_space<vmem_shared>>)
          tpu.yield
        }) : () -> ()
      } else {
      }
    } else {
    }
    %barrier3A_21 = arith.constant 0 : index
    tpu.barrier barrier_id(%barrier3A_21)
    %add3A_22 = arith.constant 0 : i32
    %add3A_23 = arith.addi %mul3A_2, %add3A_22 : i32
    "tpu.region"() ({
      %run_scoped3A = tpu.sem_alloc : memref<!tpu.dma_semaphore, #tpu.memory_space<semaphore_mem>>
      %dma_start3A = arith.constant 0 : i32
      %dma_start3A_30 = tpu.memref_slice %arg15[%add3A_23, %dma_start3A] : memref<10240x32xf32, #tpu.memory_space<vmem_shared>> -> memref<160x32xf32, #tpu.memory_space<vmem_shared>>
      %dma_start3A_31 = arith.constant 0 : i32
      %dma_start3A_32 = tpu.memref_slice %arg15[%add3A_23, %dma_start3A_31] : memref<10240x32xf32, #tpu.memory_space<vmem_shared>> -> memref<160x32xf32, #tpu.memory_space<vmem_shared>>
      tpu.enqueue_dma source(%dma_start3A_32 : memref<160x32xf32, #tpu.memory_space<vmem_shared>>) target(%arg13 : memref<160x32xf32, #tpu.memory_space<vmem>>) target_semaphore(%run_scoped3A : memref<!tpu.dma_semaphore, #tpu.memory_space<semaphore_mem>>)
      %dma_wait3A = arith.constant 0 : i32
      %dma_wait3A_33 = tpu.memref_slice %arg15[%add3A_23, %dma_wait3A] : memref<10240x32xf32, #tpu.memory_space<vmem_shared>> -> memref<160x32xf32, #tpu.memory_space<vmem_shared>>
      %dma_wait3A_34 = arith.constant 0 : i32
      %dma_wait3A_35 = tpu.memref_slice %arg15[%add3A_23, %dma_wait3A_34] : memref<10240x32xf32, #tpu.memory_space<vmem_shared>> -> memref<160x32xf32, #tpu.memory_space<vmem_shared>>
      tpu.wait_dma2 semaphore(%run_scoped3A : memref<!tpu.dma_semaphore, #tpu.memory_space<semaphore_mem>>) src(%dma_wait3A_35 : memref<160x32xf32, #tpu.memory_space<vmem_shared>>) dst(%arg13 : memref<160x32xf32, #tpu.memory_space<vmem>>)
      tpu.yield
    }) : () -> ()
    "tpu.region"() ({
      %run_scoped3A = tpu.sem_alloc : memref<!tpu.dma_semaphore, #tpu.memory_space<semaphore_mem>>
      %dma_start3A = arith.constant 0 : i32
      %dma_start3A_30 = tpu.memref_slice %arg8[%arg0, %add3A_23, %dma_start3A] : memref<2x10240x32xf32, #tpu.memory_space<hbm>> -> memref<1x160x32xf32, #tpu.memory_space<hbm>>
      %dma_start3A_31 = tpu.memref_squeeze %dma_start3A_30 : memref<1x160x32xf32, #tpu.memory_space<hbm>> -> memref<160x32xf32, #tpu.memory_space<hbm>>
      %dma_start3A_32 = arith.constant 0 : i32
      %dma_start3A_33 = tpu.memref_slice %arg8[%arg0, %add3A_23, %dma_start3A_32] : memref<2x10240x32xf32, #tpu.memory_space<hbm>> -> memref<1x160x32xf32, #tpu.memory_space<hbm>>
      %dma_start3A_34 = tpu.memref_squeeze %dma_start3A_33 : memref<1x160x32xf32, #tpu.memory_space<hbm>> -> memref<160x32xf32, #tpu.memory_space<hbm>>
      tpu.enqueue_dma source(%arg13 : memref<160x32xf32, #tpu.memory_space<vmem>>) target(%dma_start3A_34 : memref<160x32xf32, #tpu.memory_space<hbm>>) target_semaphore(%run_scoped3A : memref<!tpu.dma_semaphore, #tpu.memory_space<semaphore_mem>>)
      %dma_wait3A = arith.constant 0 : i32
      %dma_wait3A_35 = tpu.memref_slice %arg8[%arg0, %add3A_23, %dma_wait3A] : memref<2x10240x32xf32, #tpu.memory_space<hbm>> -> memref<1x160x32xf32, #tpu.memory_space<hbm>>
      %dma_wait3A_36 = tpu.memref_squeeze %dma_wait3A_35 : memref<1x160x32xf32, #tpu.memory_space<hbm>> -> memref<160x32xf32, #tpu.memory_space<hbm>>
      %dma_wait3A_37 = arith.constant 0 : i32
      %dma_wait3A_38 = tpu.memref_slice %arg8[%arg0, %add3A_23, %dma_wait3A_37] : memref<2x10240x32xf32, #tpu.memory_space<hbm>> -> memref<1x160x32xf32, #tpu.memory_space<hbm>>
      %dma_wait3A_39 = tpu.memref_squeeze %dma_wait3A_38 : memref<1x160x32xf32, #tpu.memory_space<hbm>> -> memref<160x32xf32, #tpu.memory_space<hbm>>
      tpu.wait_dma2 semaphore(%run_scoped3A : memref<!tpu.dma_semaphore, #tpu.memory_space<semaphore_mem>>) src(%arg13 : memref<160x32xf32, #tpu.memory_space<vmem>>) dst(%dma_wait3A_39 : memref<160x32xf32, #tpu.memory_space<hbm>>)
      tpu.yield
    }) : () -> ()
    %add3A_24 = arith.constant 160 : i32
    %add3A_25 = arith.addi %mul3A_2, %add3A_24 : i32
    "tpu.region"() ({
      %run_scoped3A = tpu.sem_alloc : memref<!tpu.dma_semaphore, #tpu.memory_space<semaphore_mem>>
      %dma_start3A = arith.constant 0 : i32
      %dma_start3A_30 = tpu.memref_slice %arg15[%add3A_25, %dma_start3A] : memref<10240x32xf32, #tpu.memory_space<vmem_shared>> -> memref<160x32xf32, #tpu.memory_space<vmem_shared>>
      %dma_start3A_31 = arith.constant 0 : i32
      %dma_start3A_32 = tpu.memref_slice %arg15[%add3A_25, %dma_start3A_31] : memref<10240x32xf32, #tpu.memory_space<vmem_shared>> -> memref<160x32xf32, #tpu.memory_space<vmem_shared>>
      tpu.enqueue_dma source(%dma_start3A_32 : memref<160x32xf32, #tpu.memory_space<vmem_shared>>) target(%arg13 : memref<160x32xf32, #tpu.memory_space<vmem>>) target_semaphore(%run_scoped3A : memref<!tpu.dma_semaphore, #tpu.memory_space<semaphore_mem>>)
      %dma_wait3A = arith.constant 0 : i32
      %dma_wait3A_33 = tpu.memref_slice %arg15[%add3A_25, %dma_wait3A] : memref<10240x32xf32, #tpu.memory_space<vmem_shared>> -> memref<160x32xf32, #tpu.memory_space<vmem_shared>>
      %dma_wait3A_34 = arith.constant 0 : i32
      %dma_wait3A_35 = tpu.memref_slice %arg15[%add3A_25, %dma_wait3A_34] : memref<10240x32xf32, #tpu.memory_space<vmem_shared>> -> memref<160x32xf32, #tpu.memory_space<vmem_shared>>
      tpu.wait_dma2 semaphore(%run_scoped3A : memref<!tpu.dma_semaphore, #tpu.memory_space<semaphore_mem>>) src(%dma_wait3A_35 : memref<160x32xf32, #tpu.memory_space<vmem_shared>>) dst(%arg13 : memref<160x32xf32, #tpu.memory_space<vmem>>)
      tpu.yield
    }) : () -> ()
    "tpu.region"() ({
      %run_scoped3A = tpu.sem_alloc : memref<!tpu.dma_semaphore, #tpu.memory_space<semaphore_mem>>
      %dma_start3A = arith.constant 0 : i32
      %dma_start3A_30 = tpu.memref_slice %arg8[%arg0, %add3A_25, %dma_start3A] : memref<2x10240x32xf32, #tpu.memory_space<hbm>> -> memref<1x160x32xf32, #tpu.memory_space<hbm>>
      %dma_start3A_31 = tpu.memref_squeeze %dma_start3A_30 : memref<1x160x32xf32, #tpu.memory_space<hbm>> -> memref<160x32xf32, #tpu.memory_space<hbm>>
      %dma_start3A_32 = arith.constant 0 : i32
      %dma_start3A_33 = tpu.memref_slice %arg8[%arg0, %add3A_25, %dma_start3A_32] : memref<2x10240x32xf32, #tpu.memory_space<hbm>> -> memref<1x160x32xf32, #tpu.memory_space<hbm>>
      %dma_start3A_34 = tpu.memref_squeeze %dma_start3A_33 : memref<1x160x32xf32, #tpu.memory_space<hbm>> -> memref<160x32xf32, #tpu.memory_space<hbm>>
      tpu.enqueue_dma source(%arg13 : memref<160x32xf32, #tpu.memory_space<vmem>>) target(%dma_start3A_34 : memref<160x32xf32, #tpu.memory_space<hbm>>) target_semaphore(%run_scoped3A : memref<!tpu.dma_semaphore, #tpu.memory_space<semaphore_mem>>)
      %dma_wait3A = arith.constant 0 : i32
      %dma_wait3A_35 = tpu.memref_slice %arg8[%arg0, %add3A_25, %dma_wait3A] : memref<2x10240x32xf32, #tpu.memory_space<hbm>> -> memref<1x160x32xf32, #tpu.memory_space<hbm>>
      %dma_wait3A_36 = tpu.memref_squeeze %dma_wait3A_35 : memref<1x160x32xf32, #tpu.memory_space<hbm>> -> memref<160x32xf32, #tpu.memory_space<hbm>>
      %dma_wait3A_37 = arith.constant 0 : i32
      %dma_wait3A_38 = tpu.memref_slice %arg8[%arg0, %add3A_25, %dma_wait3A_37] : memref<2x10240x32xf32, #tpu.memory_space<hbm>> -> memref<1x160x32xf32, #tpu.memory_space<hbm>>
      %dma_wait3A_39 = tpu.memref_squeeze %dma_wait3A_38 : memref<1x160x32xf32, #tpu.memory_space<hbm>> -> memref<160x32xf32, #tpu.memory_space<hbm>>
      tpu.wait_dma2 semaphore(%run_scoped3A : memref<!tpu.dma_semaphore, #tpu.memory_space<semaphore_mem>>) src(%arg13 : memref<160x32xf32, #tpu.memory_space<vmem>>) dst(%dma_wait3A_39 : memref<160x32xf32, #tpu.memory_space<hbm>>)
      tpu.yield
    }) : () -> ()
    %add3A_26 = arith.constant 320 : i32
    %add3A_27 = arith.addi %mul3A_2, %add3A_26 : i32
    "tpu.region"() ({
      %run_scoped3A = tpu.sem_alloc : memref<!tpu.dma_semaphore, #tpu.memory_space<semaphore_mem>>
      %dma_start3A = arith.constant 0 : i32
      %dma_start3A_30 = tpu.memref_slice %arg15[%add3A_27, %dma_start3A] : memref<10240x32xf32, #tpu.memory_space<vmem_shared>> -> memref<160x32xf32, #tpu.memory_space<vmem_shared>>
      %dma_start3A_31 = arith.constant 0 : i32
      %dma_start3A_32 = tpu.memref_slice %arg15[%add3A_27, %dma_start3A_31] : memref<10240x32xf32, #tpu.memory_space<vmem_shared>> -> memref<160x32xf32, #tpu.memory_space<vmem_shared>>
      tpu.enqueue_dma source(%dma_start3A_32 : memref<160x32xf32, #tpu.memory_space<vmem_shared>>) target(%arg13 : memref<160x32xf32, #tpu.memory_space<vmem>>) target_semaphore(%run_scoped3A : memref<!tpu.dma_semaphore, #tpu.memory_space<semaphore_mem>>)
      %dma_wait3A = arith.constant 0 : i32
      %dma_wait3A_33 = tpu.memref_slice %arg15[%add3A_27, %dma_wait3A] : memref<10240x32xf32, #tpu.memory_space<vmem_shared>> -> memref<160x32xf32, #tpu.memory_space<vmem_shared>>
      %dma_wait3A_34 = arith.constant 0 : i32
      %dma_wait3A_35 = tpu.memref_slice %arg15[%add3A_27, %dma_wait3A_34] : memref<10240x32xf32, #tpu.memory_space<vmem_shared>> -> memref<160x32xf32, #tpu.memory_space<vmem_shared>>
      tpu.wait_dma2 semaphore(%run_scoped3A : memref<!tpu.dma_semaphore, #tpu.memory_space<semaphore_mem>>) src(%dma_wait3A_35 : memref<160x32xf32, #tpu.memory_space<vmem_shared>>) dst(%arg13 : memref<160x32xf32, #tpu.memory_space<vmem>>)
      tpu.yield
    }) : () -> ()
    "tpu.region"() ({
      %run_scoped3A = tpu.sem_alloc : memref<!tpu.dma_semaphore, #tpu.memory_space<semaphore_mem>>
      %dma_start3A = arith.constant 0 : i32
      %dma_start3A_30 = tpu.memref_slice %arg8[%arg0, %add3A_27, %dma_start3A] : memref<2x10240x32xf32, #tpu.memory_space<hbm>> -> memref<1x160x32xf32, #tpu.memory_space<hbm>>
      %dma_start3A_31 = tpu.memref_squeeze %dma_start3A_30 : memref<1x160x32xf32, #tpu.memory_space<hbm>> -> memref<160x32xf32, #tpu.memory_space<hbm>>
      %dma_start3A_32 = arith.constant 0 : i32
      %dma_start3A_33 = tpu.memref_slice %arg8[%arg0, %add3A_27, %dma_start3A_32] : memref<2x10240x32xf32, #tpu.memory_space<hbm>> -> memref<1x160x32xf32, #tpu.memory_space<hbm>>
      %dma_start3A_34 = tpu.memref_squeeze %dma_start3A_33 : memref<1x160x32xf32, #tpu.memory_space<hbm>> -> memref<160x32xf32, #tpu.memory_space<hbm>>
      tpu.enqueue_dma source(%arg13 : memref<160x32xf32, #tpu.memory_space<vmem>>) target(%dma_start3A_34 : memref<160x32xf32, #tpu.memory_space<hbm>>) target_semaphore(%run_scoped3A : memref<!tpu.dma_semaphore, #tpu.memory_space<semaphore_mem>>)
      %dma_wait3A = arith.constant 0 : i32
      %dma_wait3A_35 = tpu.memref_slice %arg8[%arg0, %add3A_27, %dma_wait3A] : memref<2x10240x32xf32, #tpu.memory_space<hbm>> -> memref<1x160x32xf32, #tpu.memory_space<hbm>>
      %dma_wait3A_36 = tpu.memref_squeeze %dma_wait3A_35 : memref<1x160x32xf32, #tpu.memory_space<hbm>> -> memref<160x32xf32, #tpu.memory_space<hbm>>
      %dma_wait3A_37 = arith.constant 0 : i32
      %dma_wait3A_38 = tpu.memref_slice %arg8[%arg0, %add3A_27, %dma_wait3A_37] : memref<2x10240x32xf32, #tpu.memory_space<hbm>> -> memref<1x160x32xf32, #tpu.memory_space<hbm>>
      %dma_wait3A_39 = tpu.memref_squeeze %dma_wait3A_38 : memref<1x160x32xf32, #tpu.memory_space<hbm>> -> memref<160x32xf32, #tpu.memory_space<hbm>>
      tpu.wait_dma2 semaphore(%run_scoped3A : memref<!tpu.dma_semaphore, #tpu.memory_space<semaphore_mem>>) src(%arg13 : memref<160x32xf32, #tpu.memory_space<vmem>>) dst(%dma_wait3A_39 : memref<160x32xf32, #tpu.memory_space<hbm>>)
      tpu.yield
    }) : () -> ()
    %add3A_28 = arith.constant 480 : i32
    %add3A_29 = arith.addi %mul3A_2, %add3A_28 : i32
    "tpu.region"() ({
      %run_scoped3A = tpu.sem_alloc : memref<!tpu.dma_semaphore, #tpu.memory_space<semaphore_mem>>
      %dma_start3A = arith.constant 0 : i32
      %dma_start3A_30 = tpu.memref_slice %arg15[%add3A_29, %dma_start3A] : memref<10240x32xf32, #tpu.memory_space<vmem_shared>> -> memref<160x32xf32, #tpu.memory_space<vmem_shared>>
      %dma_start3A_31 = arith.constant 0 : i32
      %dma_start3A_32 = tpu.memref_slice %arg15[%add3A_29, %dma_start3A_31] : memref<10240x32xf32, #tpu.memory_space<vmem_shared>> -> memref<160x32xf32, #tpu.memory_space<vmem_shared>>
      tpu.enqueue_dma source(%dma_start3A_32 : memref<160x32xf32, #tpu.memory_space<vmem_shared>>) target(%arg13 : memref<160x32xf32, #tpu.memory_space<vmem>>) target_semaphore(%run_scoped3A : memref<!tpu.dma_semaphore, #tpu.memory_space<semaphore_mem>>)
      %dma_wait3A = arith.constant 0 : i32
      %dma_wait3A_33 = tpu.memref_slice %arg15[%add3A_29, %dma_wait3A] : memref<10240x32xf32, #tpu.memory_space<vmem_shared>> -> memref<160x32xf32, #tpu.memory_space<vmem_shared>>
      %dma_wait3A_34 = arith.constant 0 : i32
      %dma_wait3A_35 = tpu.memref_slice %arg15[%add3A_29, %dma_wait3A_34] : memref<10240x32xf32, #tpu.memory_space<vmem_shared>> -> memref<160x32xf32, #tpu.memory_space<vmem_shared>>
      tpu.wait_dma2 semaphore(%run_scoped3A : memref<!tpu.dma_semaphore, #tpu.memory_space<semaphore_mem>>) src(%dma_wait3A_35 : memref<160x32xf32, #tpu.memory_space<vmem_shared>>) dst(%arg13 : memref<160x32xf32, #tpu.memory_space<vmem>>)
      tpu.yield
    }) : () -> ()
    "tpu.region"() ({
      %run_scoped3A = tpu.sem_alloc : memref<!tpu.dma_semaphore, #tpu.memory_space<semaphore_mem>>
      %dma_start3A = arith.constant 0 : i32
      %dma_start3A_30 = tpu.memref_slice %arg8[%arg0, %add3A_29, %dma_start3A] : memref<2x10240x32xf32, #tpu.memory_space<hbm>> -> memref<1x160x32xf32, #tpu.memory_space<hbm>>
      %dma_start3A_31 = tpu.memref_squeeze %dma_start3A_30 : memref<1x160x32xf32, #tpu.memory_space<hbm>> -> memref<160x32xf32, #tpu.memory_space<hbm>>
      %dma_start3A_32 = arith.constant 0 : i32
      %dma_start3A_33 = tpu.memref_slice %arg8[%arg0, %add3A_29, %dma_start3A_32] : memref<2x10240x32xf32, #tpu.memory_space<hbm>> -> memref<1x160x32xf32, #tpu.memory_space<hbm>>
      %dma_start3A_34 = tpu.memref_squeeze %dma_start3A_33 : memref<1x160x32xf32, #tpu.memory_space<hbm>> -> memref<160x32xf32, #tpu.memory_space<hbm>>
      tpu.enqueue_dma source(%arg13 : memref<160x32xf32, #tpu.memory_space<vmem>>) target(%dma_start3A_34 : memref<160x32xf32, #tpu.memory_space<hbm>>) target_semaphore(%run_scoped3A : memref<!tpu.dma_semaphore, #tpu.memory_space<semaphore_mem>>)
      %dma_wait3A = arith.constant 0 : i32
      %dma_wait3A_35 = tpu.memref_slice %arg8[%arg0, %add3A_29, %dma_wait3A] : memref<2x10240x32xf32, #tpu.memory_space<hbm>> -> memref<1x160x32xf32, #tpu.memory_space<hbm>>
      %dma_wait3A_36 = tpu.memref_squeeze %dma_wait3A_35 : memref<1x160x32xf32, #tpu.memory_space<hbm>> -> memref<160x32xf32, #tpu.memory_space<hbm>>
      %dma_wait3A_37 = arith.constant 0 : i32
      %dma_wait3A_38 = tpu.memref_slice %arg8[%arg0, %add3A_29, %dma_wait3A_37] : memref<2x10240x32xf32, #tpu.memory_space<hbm>> -> memref<1x160x32xf32, #tpu.memory_space<hbm>>
      %dma_wait3A_39 = tpu.memref_squeeze %dma_wait3A_38 : memref<1x160x32xf32, #tpu.memory_space<hbm>> -> memref<160x32xf32, #tpu.memory_space<hbm>>
      tpu.wait_dma2 semaphore(%run_scoped3A : memref<!tpu.dma_semaphore, #tpu.memory_space<semaphore_mem>>) src(%arg13 : memref<160x32xf32, #tpu.memory_space<vmem>>) dst(%dma_wait3A_39 : memref<160x32xf32, #tpu.memory_space<hbm>>)
      tpu.yield
    }) : () -> ()
    return
  }
}

#map = affine_map<(d0, d1) -> (0, 0)>
#map1 = affine_map<(d0, d1) -> (0, 0, 0)>
#map2 = affine_map<(d0, d1) -> (0)>
module attributes {stable_mosaic.version = 14 : i64} {
  func.func @_sc_message_pass(%arg0: i32, %arg1: i32, %arg2: memref<10240x32xf32, #tpu.memory_space<hbm>>, %arg3: memref<32x79x128xi32, #tpu.memory_space<hbm>>, %arg4: memref<32x79x128xi32, #tpu.memory_space<hbm>>, %arg5: memref<160x32xf32, #tpu.memory_space<hbm>>, %arg6: memref<128x32xf32, #tpu.memory_space<hbm>>, %arg7: memref<16xf32, #tpu.memory_space<hbm>>, %arg8: memref<2x10240x32xf32, #tpu.memory_space<hbm>>, %arg9: memref<79x128xi32, #tpu.memory_space<vmem>>, %arg10: memref<79x128xi32, #tpu.memory_space<vmem>>, %arg11: memref<128x32xf32, #tpu.memory_space<vmem>>, %arg12: memref<128x32xf32, #tpu.memory_space<vmem>>, %arg13: memref<160x32xf32, #tpu.memory_space<vmem>>, %arg14: memref<16xf32, #tpu.memory_space<vmem>>, %arg15: memref<10240x32xf32, #tpu.memory_space<vmem_shared>>, %arg16: memref<!tpu.dma_semaphore, #tpu.memory_space<semaphore_mem>>, %arg17: memref<!tpu.dma_semaphore, #tpu.memory_space<semaphore_mem>>) attributes {dimension_semantics = [#tpu.dimension_semantics<core_parallel>, #tpu.dimension_semantics<subcore_parallel>], iteration_bounds = array<i64: 2, 16>, scalar_prefetch = 0 : i64, scratch_operands = 9 : i64, tpu.core_type = #tpu.core_type<sc_vector_subcore>, window_params = [{transform_indices = #map}, {transform_indices = #map1}, {transform_indices = #map1}, {transform_indices = #map}, {transform_indices = #map}, {transform_indices = #map2}, {transform_indices = #map1}]} {
    %mul3A = arith.constant 2 : i32
    %mul3A_0 = arith.muli %arg1, %mul3A : i32
    %add3A = arith.addi %mul3A_0, %arg0 : i32
    %mul3A_1 = arith.constant 640 : i32
    %mul3A_2 = arith.muli %arg1, %mul3A_1 : i32
    "tpu.region"() ({
      %run_scoped3A = tpu.sem_alloc : memref<!tpu.dma_semaphore, #tpu.memory_space<semaphore_mem>>
      tpu.enqueue_dma source(%arg5 : memref<160x32xf32, #tpu.memory_space<hbm>>) target(%arg13 : memref<160x32xf32, #tpu.memory_space<vmem>>) target_semaphore(%run_scoped3A : memref<!tpu.dma_semaphore, #tpu.memory_space<semaphore_mem>>)
      tpu.wait_dma2 semaphore(%run_scoped3A : memref<!tpu.dma_semaphore, #tpu.memory_space<semaphore_mem>>) src(%arg5 : memref<160x32xf32, #tpu.memory_space<hbm>>) dst(%arg13 : memref<160x32xf32, #tpu.memory_space<vmem>>)
      tpu.yield
    }) : () -> ()
    %add3A_3 = arith.constant 0 : i32
    %add3A_4 = arith.addi %mul3A_2, %add3A_3 : i32
    "tpu.region"() ({
      %run_scoped3A = tpu.sem_alloc : memref<!tpu.dma_semaphore, #tpu.memory_space<semaphore_mem>>
      %dma_start3A = arith.constant 0 : i32
      %dma_start3A_30 = tpu.memref_slice %arg15[%add3A_4, %dma_start3A] : memref<10240x32xf32, #tpu.memory_space<vmem_shared>> -> memref<160x32xf32, #tpu.memory_space<vmem_shared>>
      %dma_start3A_31 = arith.constant 0 : i32
      %dma_start3A_32 = tpu.memref_slice %arg15[%add3A_4, %dma_start3A_31] : memref<10240x32xf32, #tpu.memory_space<vmem_shared>> -> memref<160x32xf32, #tpu.memory_space<vmem_shared>>
      tpu.enqueue_dma source(%arg13 : memref<160x32xf32, #tpu.memory_space<vmem>>) target(%dma_start3A_32 : memref<160x32xf32, #tpu.memory_space<vmem_shared>>) target_semaphore(%run_scoped3A : memref<!tpu.dma_semaphore, #tpu.memory_space<semaphore_mem>>)
      %dma_wait3A = arith.constant 0 : i32
      %dma_wait3A_33 = tpu.memref_slice %arg15[%add3A_4, %dma_wait3A] : memref<10240x32xf32, #tpu.memory_space<vmem_shared>> -> memref<160x32xf32, #tpu.memory_space<vmem_shared>>
      %dma_wait3A_34 = arith.constant 0 : i32
      %dma_wait3A_35 = tpu.memref_slice %arg15[%add3A_4, %dma_wait3A_34] : memref<10240x32xf32, #tpu.memory_space<vmem_shared>> -> memref<160x32xf32, #tpu.memory_space<vmem_shared>>
      tpu.wait_dma2 semaphore(%run_scoped3A : memref<!tpu.dma_semaphore, #tpu.memory_space<semaphore_mem>>) src(%arg13 : memref<160x32xf32, #tpu.memory_space<vmem>>) dst(%dma_wait3A_35 : memref<160x32xf32, #tpu.memory_space<vmem_shared>>)
      tpu.yield
    }) : () -> ()
    %add3A_5 = arith.constant 160 : i32
    %add3A_6 = arith.addi %mul3A_2, %add3A_5 : i32
    "tpu.region"() ({
      %run_scoped3A = tpu.sem_alloc : memref<!tpu.dma_semaphore, #tpu.memory_space<semaphore_mem>>
      %dma_start3A = arith.constant 0 : i32
      %dma_start3A_30 = tpu.memref_slice %arg15[%add3A_6, %dma_start3A] : memref<10240x32xf32, #tpu.memory_space<vmem_shared>> -> memref<160x32xf32, #tpu.memory_space<vmem_shared>>
      %dma_start3A_31 = arith.constant 0 : i32
      %dma_start3A_32 = tpu.memref_slice %arg15[%add3A_6, %dma_start3A_31] : memref<10240x32xf32, #tpu.memory_space<vmem_shared>> -> memref<160x32xf32, #tpu.memory_space<vmem_shared>>
      tpu.enqueue_dma source(%arg13 : memref<160x32xf32, #tpu.memory_space<vmem>>) target(%dma_start3A_32 : memref<160x32xf32, #tpu.memory_space<vmem_shared>>) target_semaphore(%run_scoped3A : memref<!tpu.dma_semaphore, #tpu.memory_space<semaphore_mem>>)
      %dma_wait3A = arith.constant 0 : i32
      %dma_wait3A_33 = tpu.memref_slice %arg15[%add3A_6, %dma_wait3A] : memref<10240x32xf32, #tpu.memory_space<vmem_shared>> -> memref<160x32xf32, #tpu.memory_space<vmem_shared>>
      %dma_wait3A_34 = arith.constant 0 : i32
      %dma_wait3A_35 = tpu.memref_slice %arg15[%add3A_6, %dma_wait3A_34] : memref<10240x32xf32, #tpu.memory_space<vmem_shared>> -> memref<160x32xf32, #tpu.memory_space<vmem_shared>>
      tpu.wait_dma2 semaphore(%run_scoped3A : memref<!tpu.dma_semaphore, #tpu.memory_space<semaphore_mem>>) src(%arg13 : memref<160x32xf32, #tpu.memory_space<vmem>>) dst(%dma_wait3A_35 : memref<160x32xf32, #tpu.memory_space<vmem_shared>>)
      tpu.yield
    }) : () -> ()
    %add3A_7 = arith.constant 320 : i32
    %add3A_8 = arith.addi %mul3A_2, %add3A_7 : i32
    "tpu.region"() ({
      %run_scoped3A = tpu.sem_alloc : memref<!tpu.dma_semaphore, #tpu.memory_space<semaphore_mem>>
      %dma_start3A = arith.constant 0 : i32
      %dma_start3A_30 = tpu.memref_slice %arg15[%add3A_8, %dma_start3A] : memref<10240x32xf32, #tpu.memory_space<vmem_shared>> -> memref<160x32xf32, #tpu.memory_space<vmem_shared>>
      %dma_start3A_31 = arith.constant 0 : i32
      %dma_start3A_32 = tpu.memref_slice %arg15[%add3A_8, %dma_start3A_31] : memref<10240x32xf32, #tpu.memory_space<vmem_shared>> -> memref<160x32xf32, #tpu.memory_space<vmem_shared>>
      tpu.enqueue_dma source(%arg13 : memref<160x32xf32, #tpu.memory_space<vmem>>) target(%dma_start3A_32 : memref<160x32xf32, #tpu.memory_space<vmem_shared>>) target_semaphore(%run_scoped3A : memref<!tpu.dma_semaphore, #tpu.memory_space<semaphore_mem>>)
      %dma_wait3A = arith.constant 0 : i32
      %dma_wait3A_33 = tpu.memref_slice %arg15[%add3A_8, %dma_wait3A] : memref<10240x32xf32, #tpu.memory_space<vmem_shared>> -> memref<160x32xf32, #tpu.memory_space<vmem_shared>>
      %dma_wait3A_34 = arith.constant 0 : i32
      %dma_wait3A_35 = tpu.memref_slice %arg15[%add3A_8, %dma_wait3A_34] : memref<10240x32xf32, #tpu.memory_space<vmem_shared>> -> memref<160x32xf32, #tpu.memory_space<vmem_shared>>
      tpu.wait_dma2 semaphore(%run_scoped3A : memref<!tpu.dma_semaphore, #tpu.memory_space<semaphore_mem>>) src(%arg13 : memref<160x32xf32, #tpu.memory_space<vmem>>) dst(%dma_wait3A_35 : memref<160x32xf32, #tpu.memory_space<vmem_shared>>)
      tpu.yield
    }) : () -> ()
    %add3A_9 = arith.constant 480 : i32
    %add3A_10 = arith.addi %mul3A_2, %add3A_9 : i32
    "tpu.region"() ({
      %run_scoped3A = tpu.sem_alloc : memref<!tpu.dma_semaphore, #tpu.memory_space<semaphore_mem>>
      %dma_start3A = arith.constant 0 : i32
      %dma_start3A_30 = tpu.memref_slice %arg15[%add3A_10, %dma_start3A] : memref<10240x32xf32, #tpu.memory_space<vmem_shared>> -> memref<160x32xf32, #tpu.memory_space<vmem_shared>>
      %dma_start3A_31 = arith.constant 0 : i32
      %dma_start3A_32 = tpu.memref_slice %arg15[%add3A_10, %dma_start3A_31] : memref<10240x32xf32, #tpu.memory_space<vmem_shared>> -> memref<160x32xf32, #tpu.memory_space<vmem_shared>>
      tpu.enqueue_dma source(%arg13 : memref<160x32xf32, #tpu.memory_space<vmem>>) target(%dma_start3A_32 : memref<160x32xf32, #tpu.memory_space<vmem_shared>>) target_semaphore(%run_scoped3A : memref<!tpu.dma_semaphore, #tpu.memory_space<semaphore_mem>>)
      %dma_wait3A = arith.constant 0 : i32
      %dma_wait3A_33 = tpu.memref_slice %arg15[%add3A_10, %dma_wait3A] : memref<10240x32xf32, #tpu.memory_space<vmem_shared>> -> memref<160x32xf32, #tpu.memory_space<vmem_shared>>
      %dma_wait3A_34 = arith.constant 0 : i32
      %dma_wait3A_35 = tpu.memref_slice %arg15[%add3A_10, %dma_wait3A_34] : memref<10240x32xf32, #tpu.memory_space<vmem_shared>> -> memref<160x32xf32, #tpu.memory_space<vmem_shared>>
      tpu.wait_dma2 semaphore(%run_scoped3A : memref<!tpu.dma_semaphore, #tpu.memory_space<semaphore_mem>>) src(%arg13 : memref<160x32xf32, #tpu.memory_space<vmem>>) dst(%dma_wait3A_35 : memref<160x32xf32, #tpu.memory_space<vmem_shared>>)
      tpu.yield
    }) : () -> ()
    "tpu.region"() ({
      %run_scoped3A = tpu.sem_alloc : memref<!tpu.dma_semaphore, #tpu.memory_space<semaphore_mem>>
      tpu.enqueue_dma source(%arg7 : memref<16xf32, #tpu.memory_space<hbm>>) target(%arg14 : memref<16xf32, #tpu.memory_space<vmem>>) target_semaphore(%run_scoped3A : memref<!tpu.dma_semaphore, #tpu.memory_space<semaphore_mem>>)
      tpu.wait_dma2 semaphore(%run_scoped3A : memref<!tpu.dma_semaphore, #tpu.memory_space<semaphore_mem>>) src(%arg7 : memref<16xf32, #tpu.memory_space<hbm>>) dst(%arg14 : memref<16xf32, #tpu.memory_space<vmem>>)
      tpu.yield
    }) : () -> ()
    "tpu.region"() ({
      %run_scoped3A = tpu.sem_alloc : memref<!tpu.dma_semaphore, #tpu.memory_space<semaphore_mem>>
      %dma_start3A = arith.constant 0 : i32
      %dma_start3A_30 = arith.constant 0 : i32
      %dma_start3A_31 = tpu.memref_slice %arg4[%add3A, %dma_start3A, %dma_start3A_30] : memref<32x79x128xi32, #tpu.memory_space<hbm>> -> memref<1x79x128xi32, #tpu.memory_space<hbm>>
      %dma_start3A_32 = tpu.memref_squeeze %dma_start3A_31 : memref<1x79x128xi32, #tpu.memory_space<hbm>> -> memref<79x128xi32, #tpu.memory_space<hbm>>
      %dma_start3A_33 = arith.constant 0 : i32
      %dma_start3A_34 = arith.constant 0 : i32
      %dma_start3A_35 = tpu.memref_slice %arg4[%add3A, %dma_start3A_33, %dma_start3A_34] : memref<32x79x128xi32, #tpu.memory_space<hbm>> -> memref<1x79x128xi32, #tpu.memory_space<hbm>>
      %dma_start3A_36 = tpu.memref_squeeze %dma_start3A_35 : memref<1x79x128xi32, #tpu.memory_space<hbm>> -> memref<79x128xi32, #tpu.memory_space<hbm>>
      tpu.enqueue_dma source(%dma_start3A_36 : memref<79x128xi32, #tpu.memory_space<hbm>>) target(%arg10 : memref<79x128xi32, #tpu.memory_space<vmem>>) target_semaphore(%run_scoped3A : memref<!tpu.dma_semaphore, #tpu.memory_space<semaphore_mem>>)
      %dma_wait3A = arith.constant 0 : i32
      %dma_wait3A_37 = arith.constant 0 : i32
      %dma_wait3A_38 = tpu.memref_slice %arg4[%add3A, %dma_wait3A, %dma_wait3A_37] : memref<32x79x128xi32, #tpu.memory_space<hbm>> -> memref<1x79x128xi32, #tpu.memory_space<hbm>>
      %dma_wait3A_39 = tpu.memref_squeeze %dma_wait3A_38 : memref<1x79x128xi32, #tpu.memory_space<hbm>> -> memref<79x128xi32, #tpu.memory_space<hbm>>
      %dma_wait3A_40 = arith.constant 0 : i32
      %dma_wait3A_41 = arith.constant 0 : i32
      %dma_wait3A_42 = tpu.memref_slice %arg4[%add3A, %dma_wait3A_40, %dma_wait3A_41] : memref<32x79x128xi32, #tpu.memory_space<hbm>> -> memref<1x79x128xi32, #tpu.memory_space<hbm>>
      %dma_wait3A_43 = tpu.memref_squeeze %dma_wait3A_42 : memref<1x79x128xi32, #tpu.memory_space<hbm>> -> memref<79x128xi32, #tpu.memory_space<hbm>>
      tpu.wait_dma2 semaphore(%run_scoped3A : memref<!tpu.dma_semaphore, #tpu.memory_space<semaphore_mem>>) src(%dma_wait3A_43 : memref<79x128xi32, #tpu.memory_space<hbm>>) dst(%arg10 : memref<79x128xi32, #tpu.memory_space<vmem>>)
      tpu.yield
    }) : () -> ()
    %get3A = arith.constant 0 : index
    %get3A_11 = tpu.vector_load %arg14[%get3A] {strides = array<i32>} : memref<16xf32, #tpu.memory_space<vmem>>, vector<16xf32>,
    %reduce_sum3A = arith.constant true
    %reduce_sum3A_12 = vector.broadcast %reduce_sum3A : i1 to vector<16xi1>
    %reduce_sum3A_13 = tpu.scan <sum>, %get3A_11 masked %reduce_sum3A_12 : vector<16xf32>, vector<16xi1> -> vector<16xf32>
    %reduce_sum3A_14 = vector.extract %reduce_sum3A_13[15] : f32 from vector<16xf32>
    %gt3A = arith.constant 5.000000e-01 : f32
    %gt3A_15 = arith.cmpf ogt, %reduce_sum3A_14, %gt3A : f32
    %barrier3A = arith.constant 0 : index
    tpu.barrier barrier_id(%barrier3A)
    %not3A = arith.constant true
    %not3A_16 = arith.xori %gt3A_15, %not3A : i1
    %convert_element_type3A = arith.extui %not3A_16 : i1 to i32
    %cond3A = arith.constant 0 : i32
    %cond3A_17 = arith.cmpi ne, %convert_element_type3A, %cond3A : i32
    scf.if %cond3A_17 {
      "tpu.region"() ({
        %run_scoped3A_47 = tpu.sem_alloc : memref<!tpu.dma_semaphore, #tpu.memory_space<semaphore_mem>>
        %dma_start3A_48 = arith.constant 0 : i32
        %dma_start3A_49 = arith.constant 0 : i32
        %dma_start3A_50 = tpu.memref_slice %arg3[%add3A, %dma_start3A_48, %dma_start3A_49] : memref<32x79x128xi32, #tpu.memory_space<hbm>> -> memref<1x79x128xi32, #tpu.memory_space<hbm>>
        %dma_start3A_51 = tpu.memref_squeeze %dma_start3A_50 : memref<1x79x128xi32, #tpu.memory_space<hbm>> -> memref<79x128xi32, #tpu.memory_space<hbm>>
        %dma_start3A_52 = arith.constant 0 : i32
        %dma_start3A_53 = arith.constant 0 : i32
        %dma_start3A_54 = tpu.memref_slice %arg3[%add3A, %dma_start3A_52, %dma_start3A_53] : memref<32x79x128xi32, #tpu.memory_space<hbm>> -> memref<1x79x128xi32, #tpu.memory_space<hbm>>
        %dma_start3A_55 = tpu.memref_squeeze %dma_start3A_54 : memref<1x79x128xi32, #tpu.memory_space<hbm>> -> memref<79x128xi32, #tpu.memory_space<hbm>>
        tpu.enqueue_dma source(%dma_start3A_55 : memref<79x128xi32, #tpu.memory_space<hbm>>) target(%arg9 : memref<79x128xi32, #tpu.memory_space<vmem>>) target_semaphore(%run_scoped3A_47 : memref<!tpu.dma_semaphore, #tpu.memory_space<semaphore_mem>>)
        %dma_wait3A_56 = arith.constant 0 : i32
        %dma_wait3A_57 = arith.constant 0 : i32
        %dma_wait3A_58 = tpu.memref_slice %arg3[%add3A, %dma_wait3A_56, %dma_wait3A_57] : memref<32x79x128xi32, #tpu.memory_space<hbm>> -> memref<1x79x128xi32, #tpu.memory_space<hbm>>
        %dma_wait3A_59 = tpu.memref_squeeze %dma_wait3A_58 : memref<1x79x128xi32, #tpu.memory_space<hbm>> -> memref<79x128xi32, #tpu.memory_space<hbm>>
        %dma_wait3A_60 = arith.constant 0 : i32
        %dma_wait3A_61 = arith.constant 0 : i32
        %dma_wait3A_62 = tpu.memref_slice %arg3[%add3A, %dma_wait3A_60, %dma_wait3A_61] : memref<32x79x128xi32, #tpu.memory_space<hbm>> -> memref<1x79x128xi32, #tpu.memory_space<hbm>>
        %dma_wait3A_63 = tpu.memref_squeeze %dma_wait3A_62 : memref<1x79x128xi32, #tpu.memory_space<hbm>> -> memref<79x128xi32, #tpu.memory_space<hbm>>
        tpu.wait_dma2 semaphore(%run_scoped3A_47 : memref<!tpu.dma_semaphore, #tpu.memory_space<semaphore_mem>>) src(%dma_wait3A_63 : memref<79x128xi32, #tpu.memory_space<hbm>>) dst(%arg9 : memref<79x128xi32, #tpu.memory_space<vmem>>)
        tpu.yield
      }) : () -> ()
      %dma_start3A = arith.constant 0 : i32
      %dma_start3A_30 = arith.constant 0 : i32
      %dma_start3A_31 = tpu.memref_slice %arg9[%dma_start3A, %dma_start3A_30] : memref<79x128xi32, #tpu.memory_space<vmem>> -> memref<1x128xi32, #tpu.memory_space<vmem>>
      %dma_start3A_32 = tpu.memref_squeeze %dma_start3A_31 : memref<1x128xi32, #tpu.memory_space<vmem>> -> memref<128xi32, #tpu.memory_space<vmem>>
      %dma_start3A_33 = arith.constant 0 : i32
      %dma_start3A_34 = arith.constant 0 : i32
      %dma_start3A_35 = tpu.memref_slice %arg2[%dma_start3A_33, %dma_start3A_34] : memref<10240x32xf32, #tpu.memory_space<hbm>> -> memref<10240x32xf32, #tpu.memory_space<hbm>>
      tpu.enqueue_indirect_dma source(%dma_start3A_35 : memref<10240x32xf32, #tpu.memory_space<hbm>>) target(%arg11 : memref<128x32xf32, #tpu.memory_space<vmem>>) offsets(%dma_start3A_32 : memref<128xi32, #tpu.memory_space<vmem>>) semaphore(%arg16 : memref<!tpu.dma_semaphore, #tpu.memory_space<semaphore_mem>>)
      %scan3A = arith.constant 0 : i32
      %scan3A_36 = arith.constant 0 : i32
      %scan3A_37 = arith.constant 39 : i32
      %scan3A_38 = arith.addi %scan3A_36, %scan3A_37 : i32
      %scan3A_39 = arith.constant 1 : i32
      scf.for %scan3A_47 = %scan3A_36 to %scan3A_38 step %scan3A_39  : i32 {
        %mul3A_48 = arith.constant 2 : i32
        %mul3A_49 = arith.muli %mul3A_48, %scan3A_47 : i32
        %add3A_50 = arith.constant 1 : i32
        %add3A_51 = arith.addi %add3A_50, %mul3A_49 : i32
        %dma_start3A_52 = arith.constant 0 : i32
        %dma_start3A_53 = tpu.memref_slice %arg9[%add3A_51, %dma_start3A_52] : memref<79x128xi32, #tpu.memory_space<vmem>> -> memref<1x128xi32, #tpu.memory_space<vmem>>
        %dma_start3A_54 = tpu.memref_squeeze %dma_start3A_53 : memref<1x128xi32, #tpu.memory_space<vmem>> -> memref<128xi32, #tpu.memory_space<vmem>>
        %dma_start3A_55 = arith.constant 0 : i32
        %dma_start3A_56 = arith.constant 0 : i32
        %dma_start3A_57 = tpu.memref_slice %arg2[%dma_start3A_55, %dma_start3A_56] : memref<10240x32xf32, #tpu.memory_space<hbm>> -> memref<10240x32xf32, #tpu.memory_space<hbm>>
        tpu.enqueue_indirect_dma source(%dma_start3A_57 : memref<10240x32xf32, #tpu.memory_space<hbm>>) target(%arg12 : memref<128x32xf32, #tpu.memory_space<vmem>>) offsets(%dma_start3A_54 : memref<128xi32, #tpu.memory_space<vmem>>) semaphore(%arg17 : memref<!tpu.dma_semaphore, #tpu.memory_space<semaphore_mem>>)
        %sub3A = arith.constant 1 : i32
        %sub3A_58 = arith.subi %add3A_51, %sub3A : i32
        %dma_wait3A_59 = arith.constant 0 : i32
        %dma_wait3A_60 = tpu.memref_slice %arg9[%sub3A_58, %dma_wait3A_59] : memref<79x128xi32, #tpu.memory_space<vmem>> -> memref<1x128xi32, #tpu.memory_space<vmem>>
        %dma_wait3A_61 = tpu.memref_squeeze %dma_wait3A_60 : memref<1x128xi32, #tpu.memory_space<vmem>> -> memref<128xi32, #tpu.memory_space<vmem>>
        %dma_wait3A_62 = arith.constant 0 : i32
        %dma_wait3A_63 = arith.constant 0 : i32
        %dma_wait3A_64 = tpu.memref_slice %arg2[%dma_wait3A_62, %dma_wait3A_63] : memref<10240x32xf32, #tpu.memory_space<hbm>> -> memref<10240x32xf32, #tpu.memory_space<hbm>>
        tpu.wait_indirect_dma semaphore(%arg16 : memref<!tpu.dma_semaphore, #tpu.memory_space<semaphore_mem>>) src(%dma_wait3A_64 : memref<10240x32xf32, #tpu.memory_space<hbm>>) dst(%arg11 : memref<128x32xf32, #tpu.memory_space<vmem>>)
        %sub3A_65 = arith.constant 1 : i32
        %sub3A_66 = arith.subi %add3A_51, %sub3A_65 : i32
        "tpu.region"() ({
          %run_scoped3A_81 = tpu.sem_alloc : memref<!tpu.dma_semaphore, #tpu.memory_space<semaphore_mem>>
          %dma_start3A_82 = arith.constant 0 : i32
          %dma_start3A_83 = tpu.memref_slice %arg10[%sub3A_66, %dma_start3A_82] : memref<79x128xi32, #tpu.memory_space<vmem>> -> memref<1x128xi32, #tpu.memory_space<vmem>>
          %dma_start3A_84 = tpu.memref_squeeze %dma_start3A_83 : memref<1x128xi32, #tpu.memory_space<vmem>> -> memref<128xi32, #tpu.memory_space<vmem>>
          %dma_start3A_85 = arith.constant 0 : i32
          %dma_start3A_86 = arith.constant 0 : i32
          %dma_start3A_87 = tpu.memref_slice %arg15[%dma_start3A_85, %dma_start3A_86] : memref<10240x32xf32, #tpu.memory_space<vmem_shared>> -> memref<10240x32xf32, #tpu.memory_space<vmem_shared>>
          tpu.enqueue_indirect_dma source(%arg11 : memref<128x32xf32, #tpu.memory_space<vmem>>) target(%dma_start3A_87 : memref<10240x32xf32, #tpu.memory_space<vmem_shared>>) offsets(%dma_start3A_84 : memref<128xi32, #tpu.memory_space<vmem>>) semaphore(%run_scoped3A_81 : memref<!tpu.dma_semaphore, #tpu.memory_space<semaphore_mem>>) {add = true}
          %dma_wait3A_88 = arith.constant 0 : i32
          %dma_wait3A_89 = tpu.memref_slice %arg10[%sub3A_66, %dma_wait3A_88] : memref<79x128xi32, #tpu.memory_space<vmem>> -> memref<1x128xi32, #tpu.memory_space<vmem>>
          %dma_wait3A_90 = tpu.memref_squeeze %dma_wait3A_89 : memref<1x128xi32, #tpu.memory_space<vmem>> -> memref<128xi32, #tpu.memory_space<vmem>>
          %dma_wait3A_91 = arith.constant 0 : i32
          %dma_wait3A_92 = arith.constant 0 : i32
          %dma_wait3A_93 = tpu.memref_slice %arg15[%dma_wait3A_91, %dma_wait3A_92] : memref<10240x32xf32, #tpu.memory_space<vmem_shared>> -> memref<10240x32xf32, #tpu.memory_space<vmem_shared>>
          tpu.wait_indirect_dma semaphore(%run_scoped3A_81 : memref<!tpu.dma_semaphore, #tpu.memory_space<semaphore_mem>>) src(%arg11 : memref<128x32xf32, #tpu.memory_space<vmem>>) dst(%dma_wait3A_93 : memref<10240x32xf32, #tpu.memory_space<vmem_shared>>)
          tpu.yield
        }) : () -> ()
        %add3A_67 = arith.constant 1 : i32
        %add3A_68 = arith.addi %add3A_51, %add3A_67 : i32
        %dma_start3A_69 = arith.constant 0 : i32
        %dma_start3A_70 = tpu.memref_slice %arg9[%add3A_68, %dma_start3A_69] : memref<79x128xi32, #tpu.memory_space<vmem>> -> memref<1x128xi32, #tpu.memory_space<vmem>>
        %dma_start3A_71 = tpu.memref_squeeze %dma_start3A_70 : memref<1x128xi32, #tpu.memory_space<vmem>> -> memref<128xi32, #tpu.memory_space<vmem>>
        %dma_start3A_72 = arith.constant 0 : i32
        %dma_start3A_73 = arith.constant 0 : i32
        %dma_start3A_74 = tpu.memref_slice %arg2[%dma_start3A_72, %dma_start3A_73] : memref<10240x32xf32, #tpu.memory_space<hbm>> -> memref<10240x32xf32, #tpu.memory_space<hbm>>
        tpu.enqueue_indirect_dma source(%dma_start3A_74 : memref<10240x32xf32, #tpu.memory_space<hbm>>) target(%arg11 : memref<128x32xf32, #tpu.memory_space<vmem>>) offsets(%dma_start3A_71 : memref<128xi32, #tpu.memory_space<vmem>>) semaphore(%arg16 : memref<!tpu.dma_semaphore, #tpu.memory_space<semaphore_mem>>)
        %dma_wait3A_75 = arith.constant 0 : i32
        %dma_wait3A_76 = tpu.memref_slice %arg9[%add3A_51, %dma_wait3A_75] : memref<79x128xi32, #tpu.memory_space<vmem>> -> memref<1x128xi32, #tpu.memory_space<vmem>>
        %dma_wait3A_77 = tpu.memref_squeeze %dma_wait3A_76 : memref<1x128xi32, #tpu.memory_space<vmem>> -> memref<128xi32, #tpu.memory_space<vmem>>
        %dma_wait3A_78 = arith.constant 0 : i32
        %dma_wait3A_79 = arith.constant 0 : i32
        %dma_wait3A_80 = tpu.memref_slice %arg2[%dma_wait3A_78, %dma_wait3A_79] : memref<10240x32xf32, #tpu.memory_space<hbm>> -> memref<10240x32xf32, #tpu.memory_space<hbm>>
        tpu.wait_indirect_dma semaphore(%arg17 : memref<!tpu.dma_semaphore, #tpu.memory_space<semaphore_mem>>) src(%dma_wait3A_80 : memref<10240x32xf32, #tpu.memory_space<hbm>>) dst(%arg12 : memref<128x32xf32, #tpu.memory_space<vmem>>)
        "tpu.region"() ({
          %run_scoped3A_81 = tpu.sem_alloc : memref<!tpu.dma_semaphore, #tpu.memory_space<semaphore_mem>>
          %dma_start3A_82 = arith.constant 0 : i32
          %dma_start3A_83 = tpu.memref_slice %arg10[%add3A_51, %dma_start3A_82] : memref<79x128xi32, #tpu.memory_space<vmem>> -> memref<1x128xi32, #tpu.memory_space<vmem>>
          %dma_start3A_84 = tpu.memref_squeeze %dma_start3A_83 : memref<1x128xi32, #tpu.memory_space<vmem>> -> memref<128xi32, #tpu.memory_space<vmem>>
          %dma_start3A_85 = arith.constant 0 : i32
          %dma_start3A_86 = arith.constant 0 : i32
          %dma_start3A_87 = tpu.memref_slice %arg15[%dma_start3A_85, %dma_start3A_86] : memref<10240x32xf32, #tpu.memory_space<vmem_shared>> -> memref<10240x32xf32, #tpu.memory_space<vmem_shared>>
          tpu.enqueue_indirect_dma source(%arg12 : memref<128x32xf32, #tpu.memory_space<vmem>>) target(%dma_start3A_87 : memref<10240x32xf32, #tpu.memory_space<vmem_shared>>) offsets(%dma_start3A_84 : memref<128xi32, #tpu.memory_space<vmem>>) semaphore(%run_scoped3A_81 : memref<!tpu.dma_semaphore, #tpu.memory_space<semaphore_mem>>) {add = true}
          %dma_wait3A_88 = arith.constant 0 : i32
          %dma_wait3A_89 = tpu.memref_slice %arg10[%add3A_51, %dma_wait3A_88] : memref<79x128xi32, #tpu.memory_space<vmem>> -> memref<1x128xi32, #tpu.memory_space<vmem>>
          %dma_wait3A_90 = tpu.memref_squeeze %dma_wait3A_89 : memref<1x128xi32, #tpu.memory_space<vmem>> -> memref<128xi32, #tpu.memory_space<vmem>>
          %dma_wait3A_91 = arith.constant 0 : i32
          %dma_wait3A_92 = arith.constant 0 : i32
          %dma_wait3A_93 = tpu.memref_slice %arg15[%dma_wait3A_91, %dma_wait3A_92] : memref<10240x32xf32, #tpu.memory_space<vmem_shared>> -> memref<10240x32xf32, #tpu.memory_space<vmem_shared>>
          tpu.wait_indirect_dma semaphore(%run_scoped3A_81 : memref<!tpu.dma_semaphore, #tpu.memory_space<semaphore_mem>>) src(%arg12 : memref<128x32xf32, #tpu.memory_space<vmem>>) dst(%dma_wait3A_93 : memref<10240x32xf32, #tpu.memory_space<vmem_shared>>)
          tpu.yield
        }) : () -> ()
      }
      %scan3A_40 = arith.constant 39 : i32
      %dma_wait3A = arith.constant 78 : i32
      %dma_wait3A_41 = arith.constant 0 : i32
      %dma_wait3A_42 = tpu.memref_slice %arg9[%dma_wait3A, %dma_wait3A_41] : memref<79x128xi32, #tpu.memory_space<vmem>> -> memref<1x128xi32, #tpu.memory_space<vmem>>
      %dma_wait3A_43 = tpu.memref_squeeze %dma_wait3A_42 : memref<1x128xi32, #tpu.memory_space<vmem>> -> memref<128xi32, #tpu.memory_space<vmem>>
      %dma_wait3A_44 = arith.constant 0 : i32
      %dma_wait3A_45 = arith.constant 0 : i32
      %dma_wait3A_46 = tpu.memref_slice %arg2[%dma_wait3A_44, %dma_wait3A_45] : memref<10240x32xf32, #tpu.memory_space<hbm>> -> memref<10240x32xf32, #tpu.memory_space<hbm>>
      tpu.wait_indirect_dma semaphore(%arg16 : memref<!tpu.dma_semaphore, #tpu.memory_space<semaphore_mem>>) src(%dma_wait3A_46 : memref<10240x32xf32, #tpu.memory_space<hbm>>) dst(%arg11 : memref<128x32xf32, #tpu.memory_space<vmem>>)
      %run_scoped3A = arith.constant 78 : i32
      "tpu.region"() ({
        %run_scoped3A_47 = tpu.sem_alloc : memref<!tpu.dma_semaphore, #tpu.memory_space<semaphore_mem>>
        %dma_start3A_48 = arith.constant 0 : i32
        %dma_start3A_49 = tpu.memref_slice %arg10[%run_scoped3A, %dma_start3A_48] : memref<79x128xi32, #tpu.memory_space<vmem>> -> memref<1x128xi32, #tpu.memory_space<vmem>>
        %dma_start3A_50 = tpu.memref_squeeze %dma_start3A_49 : memref<1x128xi32, #tpu.memory_space<vmem>> -> memref<128xi32, #tpu.memory_space<vmem>>
        %dma_start3A_51 = arith.constant 0 : i32
        %dma_start3A_52 = arith.constant 0 : i32
        %dma_start3A_53 = tpu.memref_slice %arg15[%dma_start3A_51, %dma_start3A_52] : memref<10240x32xf32, #tpu.memory_space<vmem_shared>> -> memref<10240x32xf32, #tpu.memory_space<vmem_shared>>
        tpu.enqueue_indirect_dma source(%arg11 : memref<128x32xf32, #tpu.memory_space<vmem>>) target(%dma_start3A_53 : memref<10240x32xf32, #tpu.memory_space<vmem_shared>>) offsets(%dma_start3A_50 : memref<128xi32, #tpu.memory_space<vmem>>) semaphore(%run_scoped3A_47 : memref<!tpu.dma_semaphore, #tpu.memory_space<semaphore_mem>>) {add = true}
        %dma_wait3A_54 = arith.constant 0 : i32
        %dma_wait3A_55 = tpu.memref_slice %arg10[%run_scoped3A, %dma_wait3A_54] : memref<79x128xi32, #tpu.memory_space<vmem>> -> memref<1x128xi32, #tpu.memory_space<vmem>>
        %dma_wait3A_56 = tpu.memref_squeeze %dma_wait3A_55 : memref<1x128xi32, #tpu.memory_space<vmem>> -> memref<128xi32, #tpu.memory_space<vmem>>
        %dma_wait3A_57 = arith.constant 0 : i32
        %dma_wait3A_58 = arith.constant 0 : i32
        %dma_wait3A_59 = tpu.memref_slice %arg15[%dma_wait3A_57, %dma_wait3A_58] : memref<10240x32xf32, #tpu.memory_space<vmem_shared>> -> memref<10240x32xf32, #tpu.memory_space<vmem_shared>>
        tpu.wait_indirect_dma semaphore(%run_scoped3A_47 : memref<!tpu.dma_semaphore, #tpu.memory_space<semaphore_mem>>) src(%arg11 : memref<128x32xf32, #tpu.memory_space<vmem>>) dst(%dma_wait3A_59 : memref<10240x32xf32, #tpu.memory_space<vmem_shared>>)
        tpu.yield
      }) : () -> ()
    } else {
    }
    %convert_element_type3A_18 = arith.extui %gt3A_15 : i1 to i32
    %cond3A_19 = arith.constant 0 : i32
    %cond3A_20 = arith.cmpi ne, %convert_element_type3A_18, %cond3A_19 : i32
    scf.if %cond3A_20 {
      "tpu.region"() ({
        %run_scoped3A = tpu.sem_alloc : memref<!tpu.dma_semaphore, #tpu.memory_space<semaphore_mem>>
        tpu.enqueue_dma source(%arg6 : memref<128x32xf32, #tpu.memory_space<hbm>>) target(%arg11 : memref<128x32xf32, #tpu.memory_space<vmem>>) target_semaphore(%run_scoped3A : memref<!tpu.dma_semaphore, #tpu.memory_space<semaphore_mem>>)
        tpu.wait_dma2 semaphore(%run_scoped3A : memref<!tpu.dma_semaphore, #tpu.memory_space<semaphore_mem>>) src(%arg6 : memref<128x32xf32, #tpu.memory_space<hbm>>) dst(%arg11 : memref<128x32xf32, #tpu.memory_space<vmem>>)
        tpu.yield
      }) : () -> ()
      %eq3A = arith.constant 0 : i32
      %eq3A_30 = arith.cmpi eq, %arg0, %eq3A : i32
      %convert_element_type3A_31 = arith.extui %eq3A_30 : i1 to i32
      %cond3A_32 = arith.constant 0 : i32
      %cond3A_33 = arith.cmpi ne, %convert_element_type3A_31, %cond3A_32 : i32
      scf.if %cond3A_33 {
        "tpu.region"() ({
          %run_scoped3A_53 = tpu.sem_alloc : memref<!tpu.dma_semaphore, #tpu.memory_space<semaphore_mem>>
          %dma_start3A = arith.constant 0 : i32
          %dma_start3A_54 = arith.constant 0 : i32
          %dma_start3A_55 = tpu.memref_slice %arg4[%arg1, %dma_start3A, %dma_start3A_54] : memref<32x79x128xi32, #tpu.memory_space<hbm>> -> memref<1x79x128xi32, #tpu.memory_space<hbm>>
          %dma_start3A_56 = tpu.memref_squeeze %dma_start3A_55 : memref<1x79x128xi32, #tpu.memory_space<hbm>> -> memref<79x128xi32, #tpu.memory_space<hbm>>
          %dma_start3A_57 = arith.constant 0 : i32
          %dma_start3A_58 = arith.constant 0 : i32
          %dma_start3A_59 = tpu.memref_slice %arg4[%arg1, %dma_start3A_57, %dma_start3A_58] : memref<32x79x128xi32, #tpu.memory_space<hbm>> -> memref<1x79x128xi32, #tpu.memory_space<hbm>>
          %dma_start3A_60 = tpu.memref_squeeze %dma_start3A_59 : memref<1x79x128xi32, #tpu.memory_space<hbm>> -> memref<79x128xi32, #tpu.memory_space<hbm>>
          tpu.enqueue_dma source(%dma_start3A_60 : memref<79x128xi32, #tpu.memory_space<hbm>>) target(%arg10 : memref<79x128xi32, #tpu.memory_space<vmem>>) target_semaphore(%run_scoped3A_53 : memref<!tpu.dma_semaphore, #tpu.memory_space<semaphore_mem>>)
          %dma_wait3A = arith.constant 0 : i32
          %dma_wait3A_61 = arith.constant 0 : i32
          %dma_wait3A_62 = tpu.memref_slice %arg4[%arg1, %dma_wait3A, %dma_wait3A_61] : memref<32x79x128xi32, #tpu.memory_space<hbm>> -> memref<1x79x128xi32, #tpu.memory_space<hbm>>
          %dma_wait3A_63 = tpu.memref_squeeze %dma_wait3A_62 : memref<1x79x128xi32, #tpu.memory_space<hbm>> -> memref<79x128xi32, #tpu.memory_space<hbm>>
          %dma_wait3A_64 = arith.constant 0 : i32
          %dma_wait3A_65 = arith.constant 0 : i32
          %dma_wait3A_66 = tpu.memref_slice %arg4[%arg1, %dma_wait3A_64, %dma_wait3A_65] : memref<32x79x128xi32, #tpu.memory_space<hbm>> -> memref<1x79x128xi32, #tpu.memory_space<hbm>>
          %dma_wait3A_67 = tpu.memref_squeeze %dma_wait3A_66 : memref<1x79x128xi32, #tpu.memory_space<hbm>> -> memref<79x128xi32, #tpu.memory_space<hbm>>
          tpu.wait_dma2 semaphore(%run_scoped3A_53 : memref<!tpu.dma_semaphore, #tpu.memory_space<semaphore_mem>>) src(%dma_wait3A_67 : memref<79x128xi32, #tpu.memory_space<hbm>>) dst(%arg10 : memref<79x128xi32, #tpu.memory_space<vmem>>)
          tpu.yield
        }) : () -> ()
        %scan3A = arith.constant 0 : i32
        %scan3A_39 = arith.constant 0 : i32
        %scan3A_40 = arith.constant 39 : i32
        %scan3A_41 = arith.addi %scan3A_39, %scan3A_40 : i32
        %scan3A_42 = arith.constant 1 : i32
        scf.for %scan3A_53 = %scan3A_39 to %scan3A_41 step %scan3A_42  : i32 {
          %mul3A_54 = arith.constant 2 : i32
          %mul3A_55 = arith.muli %mul3A_54, %scan3A_53 : i32
          %add3A_56 = arith.constant 1 : i32
          %add3A_57 = arith.addi %mul3A_55, %add3A_56 : i32
          %dma_start3A = arith.constant 0 : i32
          %dma_start3A_58 = tpu.memref_slice %arg10[%mul3A_55, %dma_start3A] : memref<79x128xi32, #tpu.memory_space<vmem>> -> memref<1x128xi32, #tpu.memory_space<vmem>>
          %dma_start3A_59 = tpu.memref_squeeze %dma_start3A_58 : memref<1x128xi32, #tpu.memory_space<vmem>> -> memref<128xi32, #tpu.memory_space<vmem>>
          %dma_start3A_60 = arith.constant 0 : i32
          %dma_start3A_61 = arith.constant 0 : i32
          %dma_start3A_62 = tpu.memref_slice %arg15[%dma_start3A_60, %dma_start3A_61] : memref<10240x32xf32, #tpu.memory_space<vmem_shared>> -> memref<10240x32xf32, #tpu.memory_space<vmem_shared>>
          tpu.enqueue_indirect_dma source(%arg11 : memref<128x32xf32, #tpu.memory_space<vmem>>) target(%dma_start3A_62 : memref<10240x32xf32, #tpu.memory_space<vmem_shared>>) offsets(%dma_start3A_59 : memref<128xi32, #tpu.memory_space<vmem>>) semaphore(%arg16 : memref<!tpu.dma_semaphore, #tpu.memory_space<semaphore_mem>>) {add = true}
          %dma_start3A_63 = arith.constant 0 : i32
          %dma_start3A_64 = tpu.memref_slice %arg10[%add3A_57, %dma_start3A_63] : memref<79x128xi32, #tpu.memory_space<vmem>> -> memref<1x128xi32, #tpu.memory_space<vmem>>
          %dma_start3A_65 = tpu.memref_squeeze %dma_start3A_64 : memref<1x128xi32, #tpu.memory_space<vmem>> -> memref<128xi32, #tpu.memory_space<vmem>>
          %dma_start3A_66 = arith.constant 0 : i32
          %dma_start3A_67 = arith.constant 0 : i32
          %dma_start3A_68 = tpu.memref_slice %arg15[%dma_start3A_66, %dma_start3A_67] : memref<10240x32xf32, #tpu.memory_space<vmem_shared>> -> memref<10240x32xf32, #tpu.memory_space<vmem_shared>>
          tpu.enqueue_indirect_dma source(%arg11 : memref<128x32xf32, #tpu.memory_space<vmem>>) target(%dma_start3A_68 : memref<10240x32xf32, #tpu.memory_space<vmem_shared>>) offsets(%dma_start3A_65 : memref<128xi32, #tpu.memory_space<vmem>>) semaphore(%arg17 : memref<!tpu.dma_semaphore, #tpu.memory_space<semaphore_mem>>) {add = true}
          %dma_wait3A = arith.constant 0 : i32
          %dma_wait3A_69 = tpu.memref_slice %arg10[%mul3A_55, %dma_wait3A] : memref<79x128xi32, #tpu.memory_space<vmem>> -> memref<1x128xi32, #tpu.memory_space<vmem>>
          %dma_wait3A_70 = tpu.memref_squeeze %dma_wait3A_69 : memref<1x128xi32, #tpu.memory_space<vmem>> -> memref<128xi32, #tpu.memory_space<vmem>>
          %dma_wait3A_71 = arith.constant 0 : i32
          %dma_wait3A_72 = arith.constant 0 : i32
          %dma_wait3A_73 = tpu.memref_slice %arg15[%dma_wait3A_71, %dma_wait3A_72] : memref<10240x32xf32, #tpu.memory_space<vmem_shared>> -> memref<10240x32xf32, #tpu.memory_space<vmem_shared>>
          tpu.wait_indirect_dma semaphore(%arg16 : memref<!tpu.dma_semaphore, #tpu.memory_space<semaphore_mem>>) src(%arg11 : memref<128x32xf32, #tpu.memory_space<vmem>>) dst(%dma_wait3A_73 : memref<10240x32xf32, #tpu.memory_space<vmem_shared>>)
          %dma_wait3A_74 = arith.constant 0 : i32
          %dma_wait3A_75 = tpu.memref_slice %arg10[%add3A_57, %dma_wait3A_74] : memref<79x128xi32, #tpu.memory_space<vmem>> -> memref<1x128xi32, #tpu.memory_space<vmem>>
          %dma_wait3A_76 = tpu.memref_squeeze %dma_wait3A_75 : memref<1x128xi32, #tpu.memory_space<vmem>> -> memref<128xi32, #tpu.memory_space<vmem>>
          %dma_wait3A_77 = arith.constant 0 : i32
          %dma_wait3A_78 = arith.constant 0 : i32
          %dma_wait3A_79 = tpu.memref_slice %arg15[%dma_wait3A_77, %dma_wait3A_78] : memref<10240x32xf32, #tpu.memory_space<vmem_shared>> -> memref<10240x32xf32, #tpu.memory_space<vmem_shared>>
          tpu.wait_indirect_dma semaphore(%arg17 : memref<!tpu.dma_semaphore, #tpu.memory_space<semaphore_mem>>) src(%arg11 : memref<128x32xf32, #tpu.memory_space<vmem>>) dst(%dma_wait3A_79 : memref<10240x32xf32, #tpu.memory_space<vmem_shared>>)
        }
        %scan3A_43 = arith.constant 39 : i32
        %run_scoped3A = arith.constant 78 : i32
        "tpu.region"() ({
          %run_scoped3A_53 = tpu.sem_alloc : memref<!tpu.dma_semaphore, #tpu.memory_space<semaphore_mem>>
          %dma_start3A = arith.constant 0 : i32
          %dma_start3A_54 = tpu.memref_slice %arg10[%run_scoped3A, %dma_start3A] : memref<79x128xi32, #tpu.memory_space<vmem>> -> memref<1x128xi32, #tpu.memory_space<vmem>>
          %dma_start3A_55 = tpu.memref_squeeze %dma_start3A_54 : memref<1x128xi32, #tpu.memory_space<vmem>> -> memref<128xi32, #tpu.memory_space<vmem>>
          %dma_start3A_56 = arith.constant 0 : i32
          %dma_start3A_57 = arith.constant 0 : i32
          %dma_start3A_58 = tpu.memref_slice %arg15[%dma_start3A_56, %dma_start3A_57] : memref<10240x32xf32, #tpu.memory_space<vmem_shared>> -> memref<10240x32xf32, #tpu.memory_space<vmem_shared>>
          tpu.enqueue_indirect_dma source(%arg11 : memref<128x32xf32, #tpu.memory_space<vmem>>) target(%dma_start3A_58 : memref<10240x32xf32, #tpu.memory_space<vmem_shared>>) offsets(%dma_start3A_55 : memref<128xi32, #tpu.memory_space<vmem>>) semaphore(%run_scoped3A_53 : memref<!tpu.dma_semaphore, #tpu.memory_space<semaphore_mem>>) {add = true}
          %dma_wait3A = arith.constant 0 : i32
          %dma_wait3A_59 = tpu.memref_slice %arg10[%run_scoped3A, %dma_wait3A] : memref<79x128xi32, #tpu.memory_space<vmem>> -> memref<1x128xi32, #tpu.memory_space<vmem>>
          %dma_wait3A_60 = tpu.memref_squeeze %dma_wait3A_59 : memref<1x128xi32, #tpu.memory_space<vmem>> -> memref<128xi32, #tpu.memory_space<vmem>>
          %dma_wait3A_61 = arith.constant 0 : i32
          %dma_wait3A_62 = arith.constant 0 : i32
          %dma_wait3A_63 = tpu.memref_slice %arg15[%dma_wait3A_61, %dma_wait3A_62] : memref<10240x32xf32, #tpu.memory_space<vmem_shared>> -> memref<10240x32xf32, #tpu.memory_space<vmem_shared>>
          tpu.wait_indirect_dma semaphore(%run_scoped3A_53 : memref<!tpu.dma_semaphore, #tpu.memory_space<semaphore_mem>>) src(%arg11 : memref<128x32xf32, #tpu.memory_space<vmem>>) dst(%dma_wait3A_63 : memref<10240x32xf32, #tpu.memory_space<vmem_shared>>)
          tpu.yield
        }) : () -> ()
        %add3A_44 = arith.constant 16 : i32
        %add3A_45 = arith.addi %arg1, %add3A_44 : i32
        "tpu.region"() ({
          %run_scoped3A_53 = tpu.sem_alloc : memref<!tpu.dma_semaphore, #tpu.memory_space<semaphore_mem>>
          %dma_start3A = arith.constant 0 : i32
          %dma_start3A_54 = arith.constant 0 : i32
          %dma_start3A_55 = tpu.memref_slice %arg4[%add3A_45, %dma_start3A, %dma_start3A_54] : memref<32x79x128xi32, #tpu.memory_space<hbm>> -> memref<1x79x128xi32, #tpu.memory_space<hbm>>
          %dma_start3A_56 = tpu.memref_squeeze %dma_start3A_55 : memref<1x79x128xi32, #tpu.memory_space<hbm>> -> memref<79x128xi32, #tpu.memory_space<hbm>>
          %dma_start3A_57 = arith.constant 0 : i32
          %dma_start3A_58 = arith.constant 0 : i32
          %dma_start3A_59 = tpu.memref_slice %arg4[%add3A_45, %dma_start3A_57, %dma_start3A_58] : memref<32x79x128xi32, #tpu.memory_space<hbm>> -> memref<1x79x128xi32, #tpu.memory_space<hbm>>
          %dma_start3A_60 = tpu.memref_squeeze %dma_start3A_59 : memref<1x79x128xi32, #tpu.memory_space<hbm>> -> memref<79x128xi32, #tpu.memory_space<hbm>>
          tpu.enqueue_dma source(%dma_start3A_60 : memref<79x128xi32, #tpu.memory_space<hbm>>) target(%arg10 : memref<79x128xi32, #tpu.memory_space<vmem>>) target_semaphore(%run_scoped3A_53 : memref<!tpu.dma_semaphore, #tpu.memory_space<semaphore_mem>>)
          %dma_wait3A = arith.constant 0 : i32
          %dma_wait3A_61 = arith.constant 0 : i32
          %dma_wait3A_62 = tpu.memref_slice %arg4[%add3A_45, %dma_wait3A, %dma_wait3A_61] : memref<32x79x128xi32, #tpu.memory_space<hbm>> -> memref<1x79x128xi32, #tpu.memory_space<hbm>>
          %dma_wait3A_63 = tpu.memref_squeeze %dma_wait3A_62 : memref<1x79x128xi32, #tpu.memory_space<hbm>> -> memref<79x128xi32, #tpu.memory_space<hbm>>
          %dma_wait3A_64 = arith.constant 0 : i32
          %dma_wait3A_65 = arith.constant 0 : i32
          %dma_wait3A_66 = tpu.memref_slice %arg4[%add3A_45, %dma_wait3A_64, %dma_wait3A_65] : memref<32x79x128xi32, #tpu.memory_space<hbm>> -> memref<1x79x128xi32, #tpu.memory_space<hbm>>
          %dma_wait3A_67 = tpu.memref_squeeze %dma_wait3A_66 : memref<1x79x128xi32, #tpu.memory_space<hbm>> -> memref<79x128xi32, #tpu.memory_space<hbm>>
          tpu.wait_dma2 semaphore(%run_scoped3A_53 : memref<!tpu.dma_semaphore, #tpu.memory_space<semaphore_mem>>) src(%dma_wait3A_67 : memref<79x128xi32, #tpu.memory_space<hbm>>) dst(%arg10 : memref<79x128xi32, #tpu.memory_space<vmem>>)
          tpu.yield
        }) : () -> ()
        %scan3A_46 = arith.constant 0 : i32
        %scan3A_47 = arith.constant 0 : i32
        %scan3A_48 = arith.constant 39 : i32
        %scan3A_49 = arith.addi %scan3A_47, %scan3A_48 : i32
        %scan3A_50 = arith.constant 1 : i32
        scf.for %scan3A_53 = %scan3A_47 to %scan3A_49 step %scan3A_50  : i32 {
          %mul3A_54 = arith.constant 2 : i32
          %mul3A_55 = arith.muli %mul3A_54, %scan3A_53 : i32
          %add3A_56 = arith.constant 1 : i32
          %add3A_57 = arith.addi %mul3A_55, %add3A_56 : i32
          %dma_start3A = arith.constant 0 : i32
          %dma_start3A_58 = tpu.memref_slice %arg10[%mul3A_55, %dma_start3A] : memref<79x128xi32, #tpu.memory_space<vmem>> -> memref<1x128xi32, #tpu.memory_space<vmem>>
          %dma_start3A_59 = tpu.memref_squeeze %dma_start3A_58 : memref<1x128xi32, #tpu.memory_space<vmem>> -> memref<128xi32, #tpu.memory_space<vmem>>
          %dma_start3A_60 = arith.constant 0 : i32
          %dma_start3A_61 = arith.constant 0 : i32
          %dma_start3A_62 = tpu.memref_slice %arg15[%dma_start3A_60, %dma_start3A_61] : memref<10240x32xf32, #tpu.memory_space<vmem_shared>> -> memref<10240x32xf32, #tpu.memory_space<vmem_shared>>
          tpu.enqueue_indirect_dma source(%arg11 : memref<128x32xf32, #tpu.memory_space<vmem>>) target(%dma_start3A_62 : memref<10240x32xf32, #tpu.memory_space<vmem_shared>>) offsets(%dma_start3A_59 : memref<128xi32, #tpu.memory_space<vmem>>) semaphore(%arg16 : memref<!tpu.dma_semaphore, #tpu.memory_space<semaphore_mem>>) {add = true}
          %dma_start3A_63 = arith.constant 0 : i32
          %dma_start3A_64 = tpu.memref_slice %arg10[%add3A_57, %dma_start3A_63] : memref<79x128xi32, #tpu.memory_space<vmem>> -> memref<1x128xi32, #tpu.memory_space<vmem>>
          %dma_start3A_65 = tpu.memref_squeeze %dma_start3A_64 : memref<1x128xi32, #tpu.memory_space<vmem>> -> memref<128xi32, #tpu.memory_space<vmem>>
          %dma_start3A_66 = arith.constant 0 : i32
          %dma_start3A_67 = arith.constant 0 : i32
          %dma_start3A_68 = tpu.memref_slice %arg15[%dma_start3A_66, %dma_start3A_67] : memref<10240x32xf32, #tpu.memory_space<vmem_shared>> -> memref<10240x32xf32, #tpu.memory_space<vmem_shared>>
          tpu.enqueue_indirect_dma source(%arg11 : memref<128x32xf32, #tpu.memory_space<vmem>>) target(%dma_start3A_68 : memref<10240x32xf32, #tpu.memory_space<vmem_shared>>) offsets(%dma_start3A_65 : memref<128xi32, #tpu.memory_space<vmem>>) semaphore(%arg17 : memref<!tpu.dma_semaphore, #tpu.memory_space<semaphore_mem>>) {add = true}
          %dma_wait3A = arith.constant 0 : i32
          %dma_wait3A_69 = tpu.memref_slice %arg10[%mul3A_55, %dma_wait3A] : memref<79x128xi32, #tpu.memory_space<vmem>> -> memref<1x128xi32, #tpu.memory_space<vmem>>
          %dma_wait3A_70 = tpu.memref_squeeze %dma_wait3A_69 : memref<1x128xi32, #tpu.memory_space<vmem>> -> memref<128xi32, #tpu.memory_space<vmem>>
          %dma_wait3A_71 = arith.constant 0 : i32
          %dma_wait3A_72 = arith.constant 0 : i32
          %dma_wait3A_73 = tpu.memref_slice %arg15[%dma_wait3A_71, %dma_wait3A_72] : memref<10240x32xf32, #tpu.memory_space<vmem_shared>> -> memref<10240x32xf32, #tpu.memory_space<vmem_shared>>
          tpu.wait_indirect_dma semaphore(%arg16 : memref<!tpu.dma_semaphore, #tpu.memory_space<semaphore_mem>>) src(%arg11 : memref<128x32xf32, #tpu.memory_space<vmem>>) dst(%dma_wait3A_73 : memref<10240x32xf32, #tpu.memory_space<vmem_shared>>)
          %dma_wait3A_74 = arith.constant 0 : i32
          %dma_wait3A_75 = tpu.memref_slice %arg10[%add3A_57, %dma_wait3A_74] : memref<79x128xi32, #tpu.memory_space<vmem>> -> memref<1x128xi32, #tpu.memory_space<vmem>>
          %dma_wait3A_76 = tpu.memref_squeeze %dma_wait3A_75 : memref<1x128xi32, #tpu.memory_space<vmem>> -> memref<128xi32, #tpu.memory_space<vmem>>
          %dma_wait3A_77 = arith.constant 0 : i32
          %dma_wait3A_78 = arith.constant 0 : i32
          %dma_wait3A_79 = tpu.memref_slice %arg15[%dma_wait3A_77, %dma_wait3A_78] : memref<10240x32xf32, #tpu.memory_space<vmem_shared>> -> memref<10240x32xf32, #tpu.memory_space<vmem_shared>>
          tpu.wait_indirect_dma semaphore(%arg17 : memref<!tpu.dma_semaphore, #tpu.memory_space<semaphore_mem>>) src(%arg11 : memref<128x32xf32, #tpu.memory_space<vmem>>) dst(%dma_wait3A_79 : memref<10240x32xf32, #tpu.memory_space<vmem_shared>>)
        }
        %scan3A_51 = arith.constant 39 : i32
        %run_scoped3A_52 = arith.constant 78 : i32
        "tpu.region"() ({
          %run_scoped3A_53 = tpu.sem_alloc : memref<!tpu.dma_semaphore, #tpu.memory_space<semaphore_mem>>
          %dma_start3A = arith.constant 0 : i32
          %dma_start3A_54 = tpu.memref_slice %arg10[%run_scoped3A_52, %dma_start3A] : memref<79x128xi32, #tpu.memory_space<vmem>> -> memref<1x128xi32, #tpu.memory_space<vmem>>
          %dma_start3A_55 = tpu.memref_squeeze %dma_start3A_54 : memref<1x128xi32, #tpu.memory_space<vmem>> -> memref<128xi32, #tpu.memory_space<vmem>>
          %dma_start3A_56 = arith.constant 0 : i32
          %dma_start3A_57 = arith.constant 0 : i32
          %dma_start3A_58 = tpu.memref_slice %arg15[%dma_start3A_56, %dma_start3A_57] : memref<10240x32xf32, #tpu.memory_space<vmem_shared>> -> memref<10240x32xf32, #tpu.memory_space<vmem_shared>>
          tpu.enqueue_indirect_dma source(%arg11 : memref<128x32xf32, #tpu.memory_space<vmem>>) target(%dma_start3A_58 : memref<10240x32xf32, #tpu.memory_space<vmem_shared>>) offsets(%dma_start3A_55 : memref<128xi32, #tpu.memory_space<vmem>>) semaphore(%run_scoped3A_53 : memref<!tpu.dma_semaphore, #tpu.memory_space<semaphore_mem>>) {add = true}
          %dma_wait3A = arith.constant 0 : i32
          %dma_wait3A_59 = tpu.memref_slice %arg10[%run_scoped3A_52, %dma_wait3A] : memref<79x128xi32, #tpu.memory_space<vmem>> -> memref<1x128xi32, #tpu.memory_space<vmem>>
          %dma_wait3A_60 = tpu.memref_squeeze %dma_wait3A_59 : memref<1x128xi32, #tpu.memory_space<vmem>> -> memref<128xi32, #tpu.memory_space<vmem>>
          %dma_wait3A_61 = arith.constant 0 : i32
          %dma_wait3A_62 = arith.constant 0 : i32
          %dma_wait3A_63 = tpu.memref_slice %arg15[%dma_wait3A_61, %dma_wait3A_62] : memref<10240x32xf32, #tpu.memory_space<vmem_shared>> -> memref<10240x32xf32, #tpu.memory_space<vmem_shared>>
          tpu.wait_indirect_dma semaphore(%run_scoped3A_53 : memref<!tpu.dma_semaphore, #tpu.memory_space<semaphore_mem>>) src(%arg11 : memref<128x32xf32, #tpu.memory_space<vmem>>) dst(%dma_wait3A_63 : memref<10240x32xf32, #tpu.memory_space<vmem_shared>>)
          tpu.yield
        }) : () -> ()
      } else {
      }
      %eq3A_34 = arith.constant 1 : i32
      %eq3A_35 = arith.cmpi eq, %arg0, %eq3A_34 : i32
      %convert_element_type3A_36 = arith.extui %eq3A_35 : i1 to i32
      %cond3A_37 = arith.constant 0 : i32
      %cond3A_38 = arith.cmpi ne, %convert_element_type3A_36, %cond3A_37 : i32
      scf.if %cond3A_38 {
        "tpu.region"() ({
          %run_scoped3A_53 = tpu.sem_alloc : memref<!tpu.dma_semaphore, #tpu.memory_space<semaphore_mem>>
          %dma_start3A = arith.constant 0 : i32
          %dma_start3A_54 = arith.constant 0 : i32
          %dma_start3A_55 = tpu.memref_slice %arg3[%arg1, %dma_start3A, %dma_start3A_54] : memref<32x79x128xi32, #tpu.memory_space<hbm>> -> memref<1x79x128xi32, #tpu.memory_space<hbm>>
          %dma_start3A_56 = tpu.memref_squeeze %dma_start3A_55 : memref<1x79x128xi32, #tpu.memory_space<hbm>> -> memref<79x128xi32, #tpu.memory_space<hbm>>
          %dma_start3A_57 = arith.constant 0 : i32
          %dma_start3A_58 = arith.constant 0 : i32
          %dma_start3A_59 = tpu.memref_slice %arg3[%arg1, %dma_start3A_57, %dma_start3A_58] : memref<32x79x128xi32, #tpu.memory_space<hbm>> -> memref<1x79x128xi32, #tpu.memory_space<hbm>>
          %dma_start3A_60 = tpu.memref_squeeze %dma_start3A_59 : memref<1x79x128xi32, #tpu.memory_space<hbm>> -> memref<79x128xi32, #tpu.memory_space<hbm>>
          tpu.enqueue_dma source(%dma_start3A_60 : memref<79x128xi32, #tpu.memory_space<hbm>>) target(%arg10 : memref<79x128xi32, #tpu.memory_space<vmem>>) target_semaphore(%run_scoped3A_53 : memref<!tpu.dma_semaphore, #tpu.memory_space<semaphore_mem>>)
          %dma_wait3A = arith.constant 0 : i32
          %dma_wait3A_61 = arith.constant 0 : i32
          %dma_wait3A_62 = tpu.memref_slice %arg3[%arg1, %dma_wait3A, %dma_wait3A_61] : memref<32x79x128xi32, #tpu.memory_space<hbm>> -> memref<1x79x128xi32, #tpu.memory_space<hbm>>
          %dma_wait3A_63 = tpu.memref_squeeze %dma_wait3A_62 : memref<1x79x128xi32, #tpu.memory_space<hbm>> -> memref<79x128xi32, #tpu.memory_space<hbm>>
          %dma_wait3A_64 = arith.constant 0 : i32
          %dma_wait3A_65 = arith.constant 0 : i32
          %dma_wait3A_66 = tpu.memref_slice %arg3[%arg1, %dma_wait3A_64, %dma_wait3A_65] : memref<32x79x128xi32, #tpu.memory_space<hbm>> -> memref<1x79x128xi32, #tpu.memory_space<hbm>>
          %dma_wait3A_67 = tpu.memref_squeeze %dma_wait3A_66 : memref<1x79x128xi32, #tpu.memory_space<hbm>> -> memref<79x128xi32, #tpu.memory_space<hbm>>
          tpu.wait_dma2 semaphore(%run_scoped3A_53 : memref<!tpu.dma_semaphore, #tpu.memory_space<semaphore_mem>>) src(%dma_wait3A_67 : memref<79x128xi32, #tpu.memory_space<hbm>>) dst(%arg10 : memref<79x128xi32, #tpu.memory_space<vmem>>)
          tpu.yield
        }) : () -> ()
        %scan3A = arith.constant 0 : i32
        %scan3A_39 = arith.constant 0 : i32
        %scan3A_40 = arith.constant 39 : i32
        %scan3A_41 = arith.addi %scan3A_39, %scan3A_40 : i32
        %scan3A_42 = arith.constant 1 : i32
        scf.for %scan3A_53 = %scan3A_39 to %scan3A_41 step %scan3A_42  : i32 {
          %mul3A_54 = arith.constant 2 : i32
          %mul3A_55 = arith.muli %mul3A_54, %scan3A_53 : i32
          %add3A_56 = arith.constant 1 : i32
          %add3A_57 = arith.addi %mul3A_55, %add3A_56 : i32
          %dma_start3A = arith.constant 0 : i32
          %dma_start3A_58 = tpu.memref_slice %arg10[%mul3A_55, %dma_start3A] : memref<79x128xi32, #tpu.memory_space<vmem>> -> memref<1x128xi32, #tpu.memory_space<vmem>>
          %dma_start3A_59 = tpu.memref_squeeze %dma_start3A_58 : memref<1x128xi32, #tpu.memory_space<vmem>> -> memref<128xi32, #tpu.memory_space<vmem>>
          %dma_start3A_60 = arith.constant 0 : i32
          %dma_start3A_61 = arith.constant 0 : i32
          %dma_start3A_62 = tpu.memref_slice %arg15[%dma_start3A_60, %dma_start3A_61] : memref<10240x32xf32, #tpu.memory_space<vmem_shared>> -> memref<10240x32xf32, #tpu.memory_space<vmem_shared>>
          tpu.enqueue_indirect_dma source(%arg11 : memref<128x32xf32, #tpu.memory_space<vmem>>) target(%dma_start3A_62 : memref<10240x32xf32, #tpu.memory_space<vmem_shared>>) offsets(%dma_start3A_59 : memref<128xi32, #tpu.memory_space<vmem>>) semaphore(%arg16 : memref<!tpu.dma_semaphore, #tpu.memory_space<semaphore_mem>>) {add = true}
          %dma_start3A_63 = arith.constant 0 : i32
          %dma_start3A_64 = tpu.memref_slice %arg10[%add3A_57, %dma_start3A_63] : memref<79x128xi32, #tpu.memory_space<vmem>> -> memref<1x128xi32, #tpu.memory_space<vmem>>
          %dma_start3A_65 = tpu.memref_squeeze %dma_start3A_64 : memref<1x128xi32, #tpu.memory_space<vmem>> -> memref<128xi32, #tpu.memory_space<vmem>>
          %dma_start3A_66 = arith.constant 0 : i32
          %dma_start3A_67 = arith.constant 0 : i32
          %dma_start3A_68 = tpu.memref_slice %arg15[%dma_start3A_66, %dma_start3A_67] : memref<10240x32xf32, #tpu.memory_space<vmem_shared>> -> memref<10240x32xf32, #tpu.memory_space<vmem_shared>>
          tpu.enqueue_indirect_dma source(%arg11 : memref<128x32xf32, #tpu.memory_space<vmem>>) target(%dma_start3A_68 : memref<10240x32xf32, #tpu.memory_space<vmem_shared>>) offsets(%dma_start3A_65 : memref<128xi32, #tpu.memory_space<vmem>>) semaphore(%arg17 : memref<!tpu.dma_semaphore, #tpu.memory_space<semaphore_mem>>) {add = true}
          %dma_wait3A = arith.constant 0 : i32
          %dma_wait3A_69 = tpu.memref_slice %arg10[%mul3A_55, %dma_wait3A] : memref<79x128xi32, #tpu.memory_space<vmem>> -> memref<1x128xi32, #tpu.memory_space<vmem>>
          %dma_wait3A_70 = tpu.memref_squeeze %dma_wait3A_69 : memref<1x128xi32, #tpu.memory_space<vmem>> -> memref<128xi32, #tpu.memory_space<vmem>>
          %dma_wait3A_71 = arith.constant 0 : i32
          %dma_wait3A_72 = arith.constant 0 : i32
          %dma_wait3A_73 = tpu.memref_slice %arg15[%dma_wait3A_71, %dma_wait3A_72] : memref<10240x32xf32, #tpu.memory_space<vmem_shared>> -> memref<10240x32xf32, #tpu.memory_space<vmem_shared>>
          tpu.wait_indirect_dma semaphore(%arg16 : memref<!tpu.dma_semaphore, #tpu.memory_space<semaphore_mem>>) src(%arg11 : memref<128x32xf32, #tpu.memory_space<vmem>>) dst(%dma_wait3A_73 : memref<10240x32xf32, #tpu.memory_space<vmem_shared>>)
          %dma_wait3A_74 = arith.constant 0 : i32
          %dma_wait3A_75 = tpu.memref_slice %arg10[%add3A_57, %dma_wait3A_74] : memref<79x128xi32, #tpu.memory_space<vmem>> -> memref<1x128xi32, #tpu.memory_space<vmem>>
          %dma_wait3A_76 = tpu.memref_squeeze %dma_wait3A_75 : memref<1x128xi32, #tpu.memory_space<vmem>> -> memref<128xi32, #tpu.memory_space<vmem>>
          %dma_wait3A_77 = arith.constant 0 : i32
          %dma_wait3A_78 = arith.constant 0 : i32
          %dma_wait3A_79 = tpu.memref_slice %arg15[%dma_wait3A_77, %dma_wait3A_78] : memref<10240x32xf32, #tpu.memory_space<vmem_shared>> -> memref<10240x32xf32, #tpu.memory_space<vmem_shared>>
          tpu.wait_indirect_dma semaphore(%arg17 : memref<!tpu.dma_semaphore, #tpu.memory_space<semaphore_mem>>) src(%arg11 : memref<128x32xf32, #tpu.memory_space<vmem>>) dst(%dma_wait3A_79 : memref<10240x32xf32, #tpu.memory_space<vmem_shared>>)
        }
        %scan3A_43 = arith.constant 39 : i32
        %run_scoped3A = arith.constant 78 : i32
        "tpu.region"() ({
          %run_scoped3A_53 = tpu.sem_alloc : memref<!tpu.dma_semaphore, #tpu.memory_space<semaphore_mem>>
          %dma_start3A = arith.constant 0 : i32
          %dma_start3A_54 = tpu.memref_slice %arg10[%run_scoped3A, %dma_start3A] : memref<79x128xi32, #tpu.memory_space<vmem>> -> memref<1x128xi32, #tpu.memory_space<vmem>>
          %dma_start3A_55 = tpu.memref_squeeze %dma_start3A_54 : memref<1x128xi32, #tpu.memory_space<vmem>> -> memref<128xi32, #tpu.memory_space<vmem>>
          %dma_start3A_56 = arith.constant 0 : i32
          %dma_start3A_57 = arith.constant 0 : i32
          %dma_start3A_58 = tpu.memref_slice %arg15[%dma_start3A_56, %dma_start3A_57] : memref<10240x32xf32, #tpu.memory_space<vmem_shared>> -> memref<10240x32xf32, #tpu.memory_space<vmem_shared>>
          tpu.enqueue_indirect_dma source(%arg11 : memref<128x32xf32, #tpu.memory_space<vmem>>) target(%dma_start3A_58 : memref<10240x32xf32, #tpu.memory_space<vmem_shared>>) offsets(%dma_start3A_55 : memref<128xi32, #tpu.memory_space<vmem>>) semaphore(%run_scoped3A_53 : memref<!tpu.dma_semaphore, #tpu.memory_space<semaphore_mem>>) {add = true}
          %dma_wait3A = arith.constant 0 : i32
          %dma_wait3A_59 = tpu.memref_slice %arg10[%run_scoped3A, %dma_wait3A] : memref<79x128xi32, #tpu.memory_space<vmem>> -> memref<1x128xi32, #tpu.memory_space<vmem>>
          %dma_wait3A_60 = tpu.memref_squeeze %dma_wait3A_59 : memref<1x128xi32, #tpu.memory_space<vmem>> -> memref<128xi32, #tpu.memory_space<vmem>>
          %dma_wait3A_61 = arith.constant 0 : i32
          %dma_wait3A_62 = arith.constant 0 : i32
          %dma_wait3A_63 = tpu.memref_slice %arg15[%dma_wait3A_61, %dma_wait3A_62] : memref<10240x32xf32, #tpu.memory_space<vmem_shared>> -> memref<10240x32xf32, #tpu.memory_space<vmem_shared>>
          tpu.wait_indirect_dma semaphore(%run_scoped3A_53 : memref<!tpu.dma_semaphore, #tpu.memory_space<semaphore_mem>>) src(%arg11 : memref<128x32xf32, #tpu.memory_space<vmem>>) dst(%dma_wait3A_63 : memref<10240x32xf32, #tpu.memory_space<vmem_shared>>)
          tpu.yield
        }) : () -> ()
        %add3A_44 = arith.constant 16 : i32
        %add3A_45 = arith.addi %arg1, %add3A_44 : i32
        "tpu.region"() ({
          %run_scoped3A_53 = tpu.sem_alloc : memref<!tpu.dma_semaphore, #tpu.memory_space<semaphore_mem>>
          %dma_start3A = arith.constant 0 : i32
          %dma_start3A_54 = arith.constant 0 : i32
          %dma_start3A_55 = tpu.memref_slice %arg3[%add3A_45, %dma_start3A, %dma_start3A_54] : memref<32x79x128xi32, #tpu.memory_space<hbm>> -> memref<1x79x128xi32, #tpu.memory_space<hbm>>
          %dma_start3A_56 = tpu.memref_squeeze %dma_start3A_55 : memref<1x79x128xi32, #tpu.memory_space<hbm>> -> memref<79x128xi32, #tpu.memory_space<hbm>>
          %dma_start3A_57 = arith.constant 0 : i32
          %dma_start3A_58 = arith.constant 0 : i32
          %dma_start3A_59 = tpu.memref_slice %arg3[%add3A_45, %dma_start3A_57, %dma_start3A_58] : memref<32x79x128xi32, #tpu.memory_space<hbm>> -> memref<1x79x128xi32, #tpu.memory_space<hbm>>
          %dma_start3A_60 = tpu.memref_squeeze %dma_start3A_59 : memref<1x79x128xi32, #tpu.memory_space<hbm>> -> memref<79x128xi32, #tpu.memory_space<hbm>>
          tpu.enqueue_dma source(%dma_start3A_60 : memref<79x128xi32, #tpu.memory_space<hbm>>) target(%arg10 : memref<79x128xi32, #tpu.memory_space<vmem>>) target_semaphore(%run_scoped3A_53 : memref<!tpu.dma_semaphore, #tpu.memory_space<semaphore_mem>>)
          %dma_wait3A = arith.constant 0 : i32
          %dma_wait3A_61 = arith.constant 0 : i32
          %dma_wait3A_62 = tpu.memref_slice %arg3[%add3A_45, %dma_wait3A, %dma_wait3A_61] : memref<32x79x128xi32, #tpu.memory_space<hbm>> -> memref<1x79x128xi32, #tpu.memory_space<hbm>>
          %dma_wait3A_63 = tpu.memref_squeeze %dma_wait3A_62 : memref<1x79x128xi32, #tpu.memory_space<hbm>> -> memref<79x128xi32, #tpu.memory_space<hbm>>
          %dma_wait3A_64 = arith.constant 0 : i32
          %dma_wait3A_65 = arith.constant 0 : i32
          %dma_wait3A_66 = tpu.memref_slice %arg3[%add3A_45, %dma_wait3A_64, %dma_wait3A_65] : memref<32x79x128xi32, #tpu.memory_space<hbm>> -> memref<1x79x128xi32, #tpu.memory_space<hbm>>
          %dma_wait3A_67 = tpu.memref_squeeze %dma_wait3A_66 : memref<1x79x128xi32, #tpu.memory_space<hbm>> -> memref<79x128xi32, #tpu.memory_space<hbm>>
          tpu.wait_dma2 semaphore(%run_scoped3A_53 : memref<!tpu.dma_semaphore, #tpu.memory_space<semaphore_mem>>) src(%dma_wait3A_67 : memref<79x128xi32, #tpu.memory_space<hbm>>) dst(%arg10 : memref<79x128xi32, #tpu.memory_space<vmem>>)
          tpu.yield
        }) : () -> ()
        %scan3A_46 = arith.constant 0 : i32
        %scan3A_47 = arith.constant 0 : i32
        %scan3A_48 = arith.constant 39 : i32
        %scan3A_49 = arith.addi %scan3A_47, %scan3A_48 : i32
        %scan3A_50 = arith.constant 1 : i32
        scf.for %scan3A_53 = %scan3A_47 to %scan3A_49 step %scan3A_50  : i32 {
          %mul3A_54 = arith.constant 2 : i32
          %mul3A_55 = arith.muli %mul3A_54, %scan3A_53 : i32
          %add3A_56 = arith.constant 1 : i32
          %add3A_57 = arith.addi %mul3A_55, %add3A_56 : i32
          %dma_start3A = arith.constant 0 : i32
          %dma_start3A_58 = tpu.memref_slice %arg10[%mul3A_55, %dma_start3A] : memref<79x128xi32, #tpu.memory_space<vmem>> -> memref<1x128xi32, #tpu.memory_space<vmem>>
          %dma_start3A_59 = tpu.memref_squeeze %dma_start3A_58 : memref<1x128xi32, #tpu.memory_space<vmem>> -> memref<128xi32, #tpu.memory_space<vmem>>
          %dma_start3A_60 = arith.constant 0 : i32
          %dma_start3A_61 = arith.constant 0 : i32
          %dma_start3A_62 = tpu.memref_slice %arg15[%dma_start3A_60, %dma_start3A_61] : memref<10240x32xf32, #tpu.memory_space<vmem_shared>> -> memref<10240x32xf32, #tpu.memory_space<vmem_shared>>
          tpu.enqueue_indirect_dma source(%arg11 : memref<128x32xf32, #tpu.memory_space<vmem>>) target(%dma_start3A_62 : memref<10240x32xf32, #tpu.memory_space<vmem_shared>>) offsets(%dma_start3A_59 : memref<128xi32, #tpu.memory_space<vmem>>) semaphore(%arg16 : memref<!tpu.dma_semaphore, #tpu.memory_space<semaphore_mem>>) {add = true}
          %dma_start3A_63 = arith.constant 0 : i32
          %dma_start3A_64 = tpu.memref_slice %arg10[%add3A_57, %dma_start3A_63] : memref<79x128xi32, #tpu.memory_space<vmem>> -> memref<1x128xi32, #tpu.memory_space<vmem>>
          %dma_start3A_65 = tpu.memref_squeeze %dma_start3A_64 : memref<1x128xi32, #tpu.memory_space<vmem>> -> memref<128xi32, #tpu.memory_space<vmem>>
          %dma_start3A_66 = arith.constant 0 : i32
          %dma_start3A_67 = arith.constant 0 : i32
          %dma_start3A_68 = tpu.memref_slice %arg15[%dma_start3A_66, %dma_start3A_67] : memref<10240x32xf32, #tpu.memory_space<vmem_shared>> -> memref<10240x32xf32, #tpu.memory_space<vmem_shared>>
          tpu.enqueue_indirect_dma source(%arg11 : memref<128x32xf32, #tpu.memory_space<vmem>>) target(%dma_start3A_68 : memref<10240x32xf32, #tpu.memory_space<vmem_shared>>) offsets(%dma_start3A_65 : memref<128xi32, #tpu.memory_space<vmem>>) semaphore(%arg17 : memref<!tpu.dma_semaphore, #tpu.memory_space<semaphore_mem>>) {add = true}
          %dma_wait3A = arith.constant 0 : i32
          %dma_wait3A_69 = tpu.memref_slice %arg10[%mul3A_55, %dma_wait3A] : memref<79x128xi32, #tpu.memory_space<vmem>> -> memref<1x128xi32, #tpu.memory_space<vmem>>
          %dma_wait3A_70 = tpu.memref_squeeze %dma_wait3A_69 : memref<1x128xi32, #tpu.memory_space<vmem>> -> memref<128xi32, #tpu.memory_space<vmem>>
          %dma_wait3A_71 = arith.constant 0 : i32
          %dma_wait3A_72 = arith.constant 0 : i32
          %dma_wait3A_73 = tpu.memref_slice %arg15[%dma_wait3A_71, %dma_wait3A_72] : memref<10240x32xf32, #tpu.memory_space<vmem_shared>> -> memref<10240x32xf32, #tpu.memory_space<vmem_shared>>
          tpu.wait_indirect_dma semaphore(%arg16 : memref<!tpu.dma_semaphore, #tpu.memory_space<semaphore_mem>>) src(%arg11 : memref<128x32xf32, #tpu.memory_space<vmem>>) dst(%dma_wait3A_73 : memref<10240x32xf32, #tpu.memory_space<vmem_shared>>)
          %dma_wait3A_74 = arith.constant 0 : i32
          %dma_wait3A_75 = tpu.memref_slice %arg10[%add3A_57, %dma_wait3A_74] : memref<79x128xi32, #tpu.memory_space<vmem>> -> memref<1x128xi32, #tpu.memory_space<vmem>>
          %dma_wait3A_76 = tpu.memref_squeeze %dma_wait3A_75 : memref<1x128xi32, #tpu.memory_space<vmem>> -> memref<128xi32, #tpu.memory_space<vmem>>
          %dma_wait3A_77 = arith.constant 0 : i32
          %dma_wait3A_78 = arith.constant 0 : i32
          %dma_wait3A_79 = tpu.memref_slice %arg15[%dma_wait3A_77, %dma_wait3A_78] : memref<10240x32xf32, #tpu.memory_space<vmem_shared>> -> memref<10240x32xf32, #tpu.memory_space<vmem_shared>>
          tpu.wait_indirect_dma semaphore(%arg17 : memref<!tpu.dma_semaphore, #tpu.memory_space<semaphore_mem>>) src(%arg11 : memref<128x32xf32, #tpu.memory_space<vmem>>) dst(%dma_wait3A_79 : memref<10240x32xf32, #tpu.memory_space<vmem_shared>>)
        }
        %scan3A_51 = arith.constant 39 : i32
        %run_scoped3A_52 = arith.constant 78 : i32
        "tpu.region"() ({
          %run_scoped3A_53 = tpu.sem_alloc : memref<!tpu.dma_semaphore, #tpu.memory_space<semaphore_mem>>
          %dma_start3A = arith.constant 0 : i32
          %dma_start3A_54 = tpu.memref_slice %arg10[%run_scoped3A_52, %dma_start3A] : memref<79x128xi32, #tpu.memory_space<vmem>> -> memref<1x128xi32, #tpu.memory_space<vmem>>
          %dma_start3A_55 = tpu.memref_squeeze %dma_start3A_54 : memref<1x128xi32, #tpu.memory_space<vmem>> -> memref<128xi32, #tpu.memory_space<vmem>>
          %dma_start3A_56 = arith.constant 0 : i32
          %dma_start3A_57 = arith.constant 0 : i32
          %dma_start3A_58 = tpu.memref_slice %arg15[%dma_start3A_56, %dma_start3A_57] : memref<10240x32xf32, #tpu.memory_space<vmem_shared>> -> memref<10240x32xf32, #tpu.memory_space<vmem_shared>>
          tpu.enqueue_indirect_dma source(%arg11 : memref<128x32xf32, #tpu.memory_space<vmem>>) target(%dma_start3A_58 : memref<10240x32xf32, #tpu.memory_space<vmem_shared>>) offsets(%dma_start3A_55 : memref<128xi32, #tpu.memory_space<vmem>>) semaphore(%run_scoped3A_53 : memref<!tpu.dma_semaphore, #tpu.memory_space<semaphore_mem>>) {add = true}
          %dma_wait3A = arith.constant 0 : i32
          %dma_wait3A_59 = tpu.memref_slice %arg10[%run_scoped3A_52, %dma_wait3A] : memref<79x128xi32, #tpu.memory_space<vmem>> -> memref<1x128xi32, #tpu.memory_space<vmem>>
          %dma_wait3A_60 = tpu.memref_squeeze %dma_wait3A_59 : memref<1x128xi32, #tpu.memory_space<vmem>> -> memref<128xi32, #tpu.memory_space<vmem>>
          %dma_wait3A_61 = arith.constant 0 : i32
          %dma_wait3A_62 = arith.constant 0 : i32
          %dma_wait3A_63 = tpu.memref_slice %arg15[%dma_wait3A_61, %dma_wait3A_62] : memref<10240x32xf32, #tpu.memory_space<vmem_shared>> -> memref<10240x32xf32, #tpu.memory_space<vmem_shared>>
          tpu.wait_indirect_dma semaphore(%run_scoped3A_53 : memref<!tpu.dma_semaphore, #tpu.memory_space<semaphore_mem>>) src(%arg11 : memref<128x32xf32, #tpu.memory_space<vmem>>) dst(%dma_wait3A_63 : memref<10240x32xf32, #tpu.memory_space<vmem_shared>>)
          tpu.yield
        }) : () -> ()
      } else {
      }
    } else {
    }
    %barrier3A_21 = arith.constant 0 : index
    tpu.barrier barrier_id(%barrier3A_21)
    %add3A_22 = arith.constant 0 : i32
    %add3A_23 = arith.addi %mul3A_2, %add3A_22 : i32
    "tpu.region"() ({
      %run_scoped3A = tpu.sem_alloc : memref<!tpu.dma_semaphore, #tpu.memory_space<semaphore_mem>>
      %dma_start3A = arith.constant 0 : i32
      %dma_start3A_30 = tpu.memref_slice %arg15[%add3A_23, %dma_start3A] : memref<10240x32xf32, #tpu.memory_space<vmem_shared>> -> memref<160x32xf32, #tpu.memory_space<vmem_shared>>
      %dma_start3A_31 = arith.constant 0 : i32
      %dma_start3A_32 = tpu.memref_slice %arg15[%add3A_23, %dma_start3A_31] : memref<10240x32xf32, #tpu.memory_space<vmem_shared>> -> memref<160x32xf32, #tpu.memory_space<vmem_shared>>
      tpu.enqueue_dma source(%dma_start3A_32 : memref<160x32xf32, #tpu.memory_space<vmem_shared>>) target(%arg13 : memref<160x32xf32, #tpu.memory_space<vmem>>) target_semaphore(%run_scoped3A : memref<!tpu.dma_semaphore, #tpu.memory_space<semaphore_mem>>)
      %dma_wait3A = arith.constant 0 : i32
      %dma_wait3A_33 = tpu.memref_slice %arg15[%add3A_23, %dma_wait3A] : memref<10240x32xf32, #tpu.memory_space<vmem_shared>> -> memref<160x32xf32, #tpu.memory_space<vmem_shared>>
      %dma_wait3A_34 = arith.constant 0 : i32
      %dma_wait3A_35 = tpu.memref_slice %arg15[%add3A_23, %dma_wait3A_34] : memref<10240x32xf32, #tpu.memory_space<vmem_shared>> -> memref<160x32xf32, #tpu.memory_space<vmem_shared>>
      tpu.wait_dma2 semaphore(%run_scoped3A : memref<!tpu.dma_semaphore, #tpu.memory_space<semaphore_mem>>) src(%dma_wait3A_35 : memref<160x32xf32, #tpu.memory_space<vmem_shared>>) dst(%arg13 : memref<160x32xf32, #tpu.memory_space<vmem>>)
      tpu.yield
    }) : () -> ()
    "tpu.region"() ({
      %run_scoped3A = tpu.sem_alloc : memref<!tpu.dma_semaphore, #tpu.memory_space<semaphore_mem>>
      %dma_start3A = arith.constant 0 : i32
      %dma_start3A_30 = tpu.memref_slice %arg8[%arg0, %add3A_23, %dma_start3A] : memref<2x10240x32xf32, #tpu.memory_space<hbm>> -> memref<1x160x32xf32, #tpu.memory_space<hbm>>
      %dma_start3A_31 = tpu.memref_squeeze %dma_start3A_30 : memref<1x160x32xf32, #tpu.memory_space<hbm>> -> memref<160x32xf32, #tpu.memory_space<hbm>>
      %dma_start3A_32 = arith.constant 0 : i32
      %dma_start3A_33 = tpu.memref_slice %arg8[%arg0, %add3A_23, %dma_start3A_32] : memref<2x10240x32xf32, #tpu.memory_space<hbm>> -> memref<1x160x32xf32, #tpu.memory_space<hbm>>
      %dma_start3A_34 = tpu.memref_squeeze %dma_start3A_33 : memref<1x160x32xf32, #tpu.memory_space<hbm>> -> memref<160x32xf32, #tpu.memory_space<hbm>>
      tpu.enqueue_dma source(%arg13 : memref<160x32xf32, #tpu.memory_space<vmem>>) target(%dma_start3A_34 : memref<160x32xf32, #tpu.memory_space<hbm>>) target_semaphore(%run_scoped3A : memref<!tpu.dma_semaphore, #tpu.memory_space<semaphore_mem>>)
      %dma_wait3A = arith.constant 0 : i32
      %dma_wait3A_35 = tpu.memref_slice %arg8[%arg0, %add3A_23, %dma_wait3A] : memref<2x10240x32xf32, #tpu.memory_space<hbm>> -> memref<1x160x32xf32, #tpu.memory_space<hbm>>
      %dma_wait3A_36 = tpu.memref_squeeze %dma_wait3A_35 : memref<1x160x32xf32, #tpu.memory_space<hbm>> -> memref<160x32xf32, #tpu.memory_space<hbm>>
      %dma_wait3A_37 = arith.constant 0 : i32
      %dma_wait3A_38 = tpu.memref_slice %arg8[%arg0, %add3A_23, %dma_wait3A_37] : memref<2x10240x32xf32, #tpu.memory_space<hbm>> -> memref<1x160x32xf32, #tpu.memory_space<hbm>>
      %dma_wait3A_39 = tpu.memref_squeeze %dma_wait3A_38 : memref<1x160x32xf32, #tpu.memory_space<hbm>> -> memref<160x32xf32, #tpu.memory_space<hbm>>
      tpu.wait_dma2 semaphore(%run_scoped3A : memref<!tpu.dma_semaphore, #tpu.memory_space<semaphore_mem>>) src(%arg13 : memref<160x32xf32, #tpu.memory_space<vmem>>) dst(%dma_wait3A_39 : memref<160x32xf32, #tpu.memory_space<hbm>>)
      tpu.yield
    }) : () -> ()
    %add3A_24 = arith.constant 160 : i32
    %add3A_25 = arith.addi %mul3A_2, %add3A_24 : i32
    "tpu.region"() ({
      %run_scoped3A = tpu.sem_alloc : memref<!tpu.dma_semaphore, #tpu.memory_space<semaphore_mem>>
      %dma_start3A = arith.constant 0 : i32
      %dma_start3A_30 = tpu.memref_slice %arg15[%add3A_25, %dma_start3A] : memref<10240x32xf32, #tpu.memory_space<vmem_shared>> -> memref<160x32xf32, #tpu.memory_space<vmem_shared>>
      %dma_start3A_31 = arith.constant 0 : i32
      %dma_start3A_32 = tpu.memref_slice %arg15[%add3A_25, %dma_start3A_31] : memref<10240x32xf32, #tpu.memory_space<vmem_shared>> -> memref<160x32xf32, #tpu.memory_space<vmem_shared>>
      tpu.enqueue_dma source(%dma_start3A_32 : memref<160x32xf32, #tpu.memory_space<vmem_shared>>) target(%arg13 : memref<160x32xf32, #tpu.memory_space<vmem>>) target_semaphore(%run_scoped3A : memref<!tpu.dma_semaphore, #tpu.memory_space<semaphore_mem>>)
      %dma_wait3A = arith.constant 0 : i32
      %dma_wait3A_33 = tpu.memref_slice %arg15[%add3A_25, %dma_wait3A] : memref<10240x32xf32, #tpu.memory_space<vmem_shared>> -> memref<160x32xf32, #tpu.memory_space<vmem_shared>>
      %dma_wait3A_34 = arith.constant 0 : i32
      %dma_wait3A_35 = tpu.memref_slice %arg15[%add3A_25, %dma_wait3A_34] : memref<10240x32xf32, #tpu.memory_space<vmem_shared>> -> memref<160x32xf32, #tpu.memory_space<vmem_shared>>
      tpu.wait_dma2 semaphore(%run_scoped3A : memref<!tpu.dma_semaphore, #tpu.memory_space<semaphore_mem>>) src(%dma_wait3A_35 : memref<160x32xf32, #tpu.memory_space<vmem_shared>>) dst(%arg13 : memref<160x32xf32, #tpu.memory_space<vmem>>)
      tpu.yield
    }) : () -> ()
    "tpu.region"() ({
      %run_scoped3A = tpu.sem_alloc : memref<!tpu.dma_semaphore, #tpu.memory_space<semaphore_mem>>
      %dma_start3A = arith.constant 0 : i32
      %dma_start3A_30 = tpu.memref_slice %arg8[%arg0, %add3A_25, %dma_start3A] : memref<2x10240x32xf32, #tpu.memory_space<hbm>> -> memref<1x160x32xf32, #tpu.memory_space<hbm>>
      %dma_start3A_31 = tpu.memref_squeeze %dma_start3A_30 : memref<1x160x32xf32, #tpu.memory_space<hbm>> -> memref<160x32xf32, #tpu.memory_space<hbm>>
      %dma_start3A_32 = arith.constant 0 : i32
      %dma_start3A_33 = tpu.memref_slice %arg8[%arg0, %add3A_25, %dma_start3A_32] : memref<2x10240x32xf32, #tpu.memory_space<hbm>> -> memref<1x160x32xf32, #tpu.memory_space<hbm>>
      %dma_start3A_34 = tpu.memref_squeeze %dma_start3A_33 : memref<1x160x32xf32, #tpu.memory_space<hbm>> -> memref<160x32xf32, #tpu.memory_space<hbm>>
      tpu.enqueue_dma source(%arg13 : memref<160x32xf32, #tpu.memory_space<vmem>>) target(%dma_start3A_34 : memref<160x32xf32, #tpu.memory_space<hbm>>) target_semaphore(%run_scoped3A : memref<!tpu.dma_semaphore, #tpu.memory_space<semaphore_mem>>)
      %dma_wait3A = arith.constant 0 : i32
      %dma_wait3A_35 = tpu.memref_slice %arg8[%arg0, %add3A_25, %dma_wait3A] : memref<2x10240x32xf32, #tpu.memory_space<hbm>> -> memref<1x160x32xf32, #tpu.memory_space<hbm>>
      %dma_wait3A_36 = tpu.memref_squeeze %dma_wait3A_35 : memref<1x160x32xf32, #tpu.memory_space<hbm>> -> memref<160x32xf32, #tpu.memory_space<hbm>>
      %dma_wait3A_37 = arith.constant 0 : i32
      %dma_wait3A_38 = tpu.memref_slice %arg8[%arg0, %add3A_25, %dma_wait3A_37] : memref<2x10240x32xf32, #tpu.memory_space<hbm>> -> memref<1x160x32xf32, #tpu.memory_space<hbm>>
      %dma_wait3A_39 = tpu.memref_squeeze %dma_wait3A_38 : memref<1x160x32xf32, #tpu.memory_space<hbm>> -> memref<160x32xf32, #tpu.memory_space<hbm>>
      tpu.wait_dma2 semaphore(%run_scoped3A : memref<!tpu.dma_semaphore, #tpu.memory_space<semaphore_mem>>) src(%arg13 : memref<160x32xf32, #tpu.memory_space<vmem>>) dst(%dma_wait3A_39 : memref<160x32xf32, #tpu.memory_space<hbm>>)
      tpu.yield
    }) : () -> ()
    %add3A_26 = arith.constant 320 : i32
    %add3A_27 = arith.addi %mul3A_2, %add3A_26 : i32
    "tpu.region"() ({
      %run_scoped3A = tpu.sem_alloc : memref<!tpu.dma_semaphore, #tpu.memory_space<semaphore_mem>>
      %dma_start3A = arith.constant 0 : i32
      %dma_start3A_30 = tpu.memref_slice %arg15[%add3A_27, %dma_start3A] : memref<10240x32xf32, #tpu.memory_space<vmem_shared>> -> memref<160x32xf32, #tpu.memory_space<vmem_shared>>
      %dma_start3A_31 = arith.constant 0 : i32
      %dma_start3A_32 = tpu.memref_slice %arg15[%add3A_27, %dma_start3A_31] : memref<10240x32xf32, #tpu.memory_space<vmem_shared>> -> memref<160x32xf32, #tpu.memory_space<vmem_shared>>
      tpu.enqueue_dma source(%dma_start3A_32 : memref<160x32xf32, #tpu.memory_space<vmem_shared>>) target(%arg13 : memref<160x32xf32, #tpu.memory_space<vmem>>) target_semaphore(%run_scoped3A : memref<!tpu.dma_semaphore, #tpu.memory_space<semaphore_mem>>)
      %dma_wait3A = arith.constant 0 : i32
      %dma_wait3A_33 = tpu.memref_slice %arg15[%add3A_27, %dma_wait3A] : memref<10240x32xf32, #tpu.memory_space<vmem_shared>> -> memref<160x32xf32, #tpu.memory_space<vmem_shared>>
      %dma_wait3A_34 = arith.constant 0 : i32
      %dma_wait3A_35 = tpu.memref_slice %arg15[%add3A_27, %dma_wait3A_34] : memref<10240x32xf32, #tpu.memory_space<vmem_shared>> -> memref<160x32xf32, #tpu.memory_space<vmem_shared>>
      tpu.wait_dma2 semaphore(%run_scoped3A : memref<!tpu.dma_semaphore, #tpu.memory_space<semaphore_mem>>) src(%dma_wait3A_35 : memref<160x32xf32, #tpu.memory_space<vmem_shared>>) dst(%arg13 : memref<160x32xf32, #tpu.memory_space<vmem>>)
      tpu.yield
    }) : () -> ()
    "tpu.region"() ({
      %run_scoped3A = tpu.sem_alloc : memref<!tpu.dma_semaphore, #tpu.memory_space<semaphore_mem>>
      %dma_start3A = arith.constant 0 : i32
      %dma_start3A_30 = tpu.memref_slice %arg8[%arg0, %add3A_27, %dma_start3A] : memref<2x10240x32xf32, #tpu.memory_space<hbm>> -> memref<1x160x32xf32, #tpu.memory_space<hbm>>
      %dma_start3A_31 = tpu.memref_squeeze %dma_start3A_30 : memref<1x160x32xf32, #tpu.memory_space<hbm>> -> memref<160x32xf32, #tpu.memory_space<hbm>>
      %dma_start3A_32 = arith.constant 0 : i32
      %dma_start3A_33 = tpu.memref_slice %arg8[%arg0, %add3A_27, %dma_start3A_32] : memref<2x10240x32xf32, #tpu.memory_space<hbm>> -> memref<1x160x32xf32, #tpu.memory_space<hbm>>
      %dma_start3A_34 = tpu.memref_squeeze %dma_start3A_33 : memref<1x160x32xf32, #tpu.memory_space<hbm>> -> memref<160x32xf32, #tpu.memory_space<hbm>>
      tpu.enqueue_dma source(%arg13 : memref<160x32xf32, #tpu.memory_space<vmem>>) target(%dma_start3A_34 : memref<160x32xf32, #tpu.memory_space<hbm>>) target_semaphore(%run_scoped3A : memref<!tpu.dma_semaphore, #tpu.memory_space<semaphore_mem>>)
      %dma_wait3A = arith.constant 0 : i32
      %dma_wait3A_35 = tpu.memref_slice %arg8[%arg0, %add3A_27, %dma_wait3A] : memref<2x10240x32xf32, #tpu.memory_space<hbm>> -> memref<1x160x32xf32, #tpu.memory_space<hbm>>
      %dma_wait3A_36 = tpu.memref_squeeze %dma_wait3A_35 : memref<1x160x32xf32, #tpu.memory_space<hbm>> -> memref<160x32xf32, #tpu.memory_space<hbm>>
      %dma_wait3A_37 = arith.constant 0 : i32
      %dma_wait3A_38 = tpu.memref_slice %arg8[%arg0, %add3A_27, %dma_wait3A_37] : memref<2x10240x32xf32, #tpu.memory_space<hbm>> -> memref<1x160x32xf32, #tpu.memory_space<hbm>>
      %dma_wait3A_39 = tpu.memref_squeeze %dma_wait3A_38 : memref<1x160x32xf32, #tpu.memory_space<hbm>> -> memref<160x32xf32, #tpu.memory_space<hbm>>
      tpu.wait_dma2 semaphore(%run_scoped3A : memref<!tpu.dma_semaphore, #tpu.memory_space<semaphore_mem>>) src(%arg13 : memref<160x32xf32, #tpu.memory_space<vmem>>) dst(%dma_wait3A_39 : memref<160x32xf32, #tpu.memory_space<hbm>>)
      tpu.yield
    }) : () -> ()
    %add3A_28 = arith.constant 480 : i32
    %add3A_29 = arith.addi %mul3A_2, %add3A_28 : i32
    "tpu.region"() ({
      %run_scoped3A = tpu.sem_alloc : memref<!tpu.dma_semaphore, #tpu.memory_space<semaphore_mem>>
      %dma_start3A = arith.constant 0 : i32
      %dma_start3A_30 = tpu.memref_slice %arg15[%add3A_29, %dma_start3A] : memref<10240x32xf32, #tpu.memory_space<vmem_shared>> -> memref<160x32xf32, #tpu.memory_space<vmem_shared>>
      %dma_start3A_31 = arith.constant 0 : i32
      %dma_start3A_32 = tpu.memref_slice %arg15[%add3A_29, %dma_start3A_31] : memref<10240x32xf32, #tpu.memory_space<vmem_shared>> -> memref<160x32xf32, #tpu.memory_space<vmem_shared>>
      tpu.enqueue_dma source(%dma_start3A_32 : memref<160x32xf32, #tpu.memory_space<vmem_shared>>) target(%arg13 : memref<160x32xf32, #tpu.memory_space<vmem>>) target_semaphore(%run_scoped3A : memref<!tpu.dma_semaphore, #tpu.memory_space<semaphore_mem>>)
      %dma_wait3A = arith.constant 0 : i32
      %dma_wait3A_33 = tpu.memref_slice %arg15[%add3A_29, %dma_wait3A] : memref<10240x32xf32, #tpu.memory_space<vmem_shared>> -> memref<160x32xf32, #tpu.memory_space<vmem_shared>>
      %dma_wait3A_34 = arith.constant 0 : i32
      %dma_wait3A_35 = tpu.memref_slice %arg15[%add3A_29, %dma_wait3A_34] : memref<10240x32xf32, #tpu.memory_space<vmem_shared>> -> memref<160x32xf32, #tpu.memory_space<vmem_shared>>
      tpu.wait_dma2 semaphore(%run_scoped3A : memref<!tpu.dma_semaphore, #tpu.memory_space<semaphore_mem>>) src(%dma_wait3A_35 : memref<160x32xf32, #tpu.memory_space<vmem_shared>>) dst(%arg13 : memref<160x32xf32, #tpu.memory_space<vmem>>)
      tpu.yield
    }) : () -> ()
    "tpu.region"() ({
      %run_scoped3A = tpu.sem_alloc : memref<!tpu.dma_semaphore, #tpu.memory_space<semaphore_mem>>
      %dma_start3A = arith.constant 0 : i32
      %dma_start3A_30 = tpu.memref_slice %arg8[%arg0, %add3A_29, %dma_start3A] : memref<2x10240x32xf32, #tpu.memory_space<hbm>> -> memref<1x160x32xf32, #tpu.memory_space<hbm>>
      %dma_start3A_31 = tpu.memref_squeeze %dma_start3A_30 : memref<1x160x32xf32, #tpu.memory_space<hbm>> -> memref<160x32xf32, #tpu.memory_space<hbm>>
      %dma_start3A_32 = arith.constant 0 : i32
      %dma_start3A_33 = tpu.memref_slice %arg8[%arg0, %add3A_29, %dma_start3A_32] : memref<2x10240x32xf32, #tpu.memory_space<hbm>> -> memref<1x160x32xf32, #tpu.memory_space<hbm>>
      %dma_start3A_34 = tpu.memref_squeeze %dma_start3A_33 : memref<1x160x32xf32, #tpu.memory_space<hbm>> -> memref<160x32xf32, #tpu.memory_space<hbm>>
      tpu.enqueue_dma source(%arg13 : memref<160x32xf32, #tpu.memory_space<vmem>>) target(%dma_start3A_34 : memref<160x32xf32, #tpu.memory_space<hbm>>) target_semaphore(%run_scoped3A : memref<!tpu.dma_semaphore, #tpu.memory_space<semaphore_mem>>)
      %dma_wait3A = arith.constant 0 : i32
      %dma_wait3A_35 = tpu.memref_slice %arg8[%arg0, %add3A_29, %dma_wait3A] : memref<2x10240x32xf32, #tpu.memory_space<hbm>> -> memref<1x160x32xf32, #tpu.memory_space<hbm>>
      %dma_wait3A_36 = tpu.memref_squeeze %dma_wait3A_35 : memref<1x160x32xf32, #tpu.memory_space<hbm>> -> memref<160x32xf32, #tpu.memory_space<hbm>>
      %dma_wait3A_37 = arith.constant 0 : i32
      %dma_wait3A_38 = tpu.memref_slice %arg8[%arg0, %add3A_29, %dma_wait3A_37] : memref<2x10240x32xf32, #tpu.memory_space<hbm>> -> memref<1x160x32xf32, #tpu.memory_space<hbm>>
      %dma_wait3A_39 = tpu.memref_squeeze %dma_wait3A_38 : memref<1x160x32xf32, #tpu.memory_space<hbm>> -> memref<160x32xf32, #tpu.memory_space<hbm>>
      tpu.wait_dma2 semaphore(%run_scoped3A : memref<!tpu.dma_semaphore, #tpu.memory_space<semaphore_mem>>) src(%arg13 : memref<160x32xf32, #tpu.memory_space<vmem>>) dst(%dma_wait3A_39 : memref<160x32xf32, #tpu.memory_space<hbm>>)
      tpu.yield
    }) : () -> ()
    return
  }
}

#map = affine_map<(d0, d1) -> (0, 0)>
#map1 = affine_map<(d0, d1) -> (0, 0, 0)>
#map2 = affine_map<(d0, d1) -> (0)>
module attributes {stable_mosaic.version = 14 : i64} {
  func.func @_sc_message_pass(%arg0: i32, %arg1: i32, %arg2: memref<10240x32xf32, #tpu.memory_space<hbm>>, %arg3: memref<32x79x128xi32, #tpu.memory_space<hbm>>, %arg4: memref<32x79x128xi32, #tpu.memory_space<hbm>>, %arg5: memref<160x32xf32, #tpu.memory_space<hbm>>, %arg6: memref<128x32xf32, #tpu.memory_space<hbm>>, %arg7: memref<16xf32, #tpu.memory_space<hbm>>, %arg8: memref<2x10240x32xf32, #tpu.memory_space<hbm>>, %arg9: memref<79x128xi32, #tpu.memory_space<vmem>>, %arg10: memref<79x128xi32, #tpu.memory_space<vmem>>, %arg11: memref<128x32xf32, #tpu.memory_space<vmem>>, %arg12: memref<128x32xf32, #tpu.memory_space<vmem>>, %arg13: memref<160x32xf32, #tpu.memory_space<vmem>>, %arg14: memref<16xf32, #tpu.memory_space<vmem>>, %arg15: memref<10240x32xf32, #tpu.memory_space<vmem_shared>>, %arg16: memref<!tpu.dma_semaphore, #tpu.memory_space<semaphore_mem>>, %arg17: memref<!tpu.dma_semaphore, #tpu.memory_space<semaphore_mem>>) attributes {dimension_semantics = [#tpu.dimension_semantics<core_parallel>, #tpu.dimension_semantics<subcore_parallel>], iteration_bounds = array<i64: 2, 16>, scalar_prefetch = 0 : i64, scratch_operands = 9 : i64, tpu.core_type = #tpu.core_type<sc_vector_subcore>, window_params = [{transform_indices = #map}, {transform_indices = #map1}, {transform_indices = #map1}, {transform_indices = #map}, {transform_indices = #map}, {transform_indices = #map2}, {transform_indices = #map1}]} {
    %mul3A = arith.constant 2 : i32
    %mul3A_0 = arith.muli %arg1, %mul3A : i32
    %add3A = arith.addi %mul3A_0, %arg0 : i32
    %mul3A_1 = arith.constant 640 : i32
    %mul3A_2 = arith.muli %arg1, %mul3A_1 : i32
    "tpu.region"() ({
      %run_scoped3A = tpu.sem_alloc : memref<!tpu.dma_semaphore, #tpu.memory_space<semaphore_mem>>
      tpu.enqueue_dma source(%arg5 : memref<160x32xf32, #tpu.memory_space<hbm>>) target(%arg13 : memref<160x32xf32, #tpu.memory_space<vmem>>) target_semaphore(%run_scoped3A : memref<!tpu.dma_semaphore, #tpu.memory_space<semaphore_mem>>)
      tpu.wait_dma2 semaphore(%run_scoped3A : memref<!tpu.dma_semaphore, #tpu.memory_space<semaphore_mem>>) src(%arg5 : memref<160x32xf32, #tpu.memory_space<hbm>>) dst(%arg13 : memref<160x32xf32, #tpu.memory_space<vmem>>)
      tpu.yield
    }) : () -> ()
    %add3A_3 = arith.constant 0 : i32
    %add3A_4 = arith.addi %mul3A_2, %add3A_3 : i32
    "tpu.region"() ({
      %run_scoped3A = tpu.sem_alloc : memref<!tpu.dma_semaphore, #tpu.memory_space<semaphore_mem>>
      %dma_start3A = arith.constant 0 : i32
      %dma_start3A_30 = tpu.memref_slice %arg15[%add3A_4, %dma_start3A] : memref<10240x32xf32, #tpu.memory_space<vmem_shared>> -> memref<160x32xf32, #tpu.memory_space<vmem_shared>>
      %dma_start3A_31 = arith.constant 0 : i32
      %dma_start3A_32 = tpu.memref_slice %arg15[%add3A_4, %dma_start3A_31] : memref<10240x32xf32, #tpu.memory_space<vmem_shared>> -> memref<160x32xf32, #tpu.memory_space<vmem_shared>>
      tpu.enqueue_dma source(%arg13 : memref<160x32xf32, #tpu.memory_space<vmem>>) target(%dma_start3A_32 : memref<160x32xf32, #tpu.memory_space<vmem_shared>>) target_semaphore(%run_scoped3A : memref<!tpu.dma_semaphore, #tpu.memory_space<semaphore_mem>>)
      %dma_wait3A = arith.constant 0 : i32
      %dma_wait3A_33 = tpu.memref_slice %arg15[%add3A_4, %dma_wait3A] : memref<10240x32xf32, #tpu.memory_space<vmem_shared>> -> memref<160x32xf32, #tpu.memory_space<vmem_shared>>
      %dma_wait3A_34 = arith.constant 0 : i32
      %dma_wait3A_35 = tpu.memref_slice %arg15[%add3A_4, %dma_wait3A_34] : memref<10240x32xf32, #tpu.memory_space<vmem_shared>> -> memref<160x32xf32, #tpu.memory_space<vmem_shared>>
      tpu.wait_dma2 semaphore(%run_scoped3A : memref<!tpu.dma_semaphore, #tpu.memory_space<semaphore_mem>>) src(%arg13 : memref<160x32xf32, #tpu.memory_space<vmem>>) dst(%dma_wait3A_35 : memref<160x32xf32, #tpu.memory_space<vmem_shared>>)
      tpu.yield
    }) : () -> ()
    %add3A_5 = arith.constant 160 : i32
    %add3A_6 = arith.addi %mul3A_2, %add3A_5 : i32
    "tpu.region"() ({
      %run_scoped3A = tpu.sem_alloc : memref<!tpu.dma_semaphore, #tpu.memory_space<semaphore_mem>>
      %dma_start3A = arith.constant 0 : i32
      %dma_start3A_30 = tpu.memref_slice %arg15[%add3A_6, %dma_start3A] : memref<10240x32xf32, #tpu.memory_space<vmem_shared>> -> memref<160x32xf32, #tpu.memory_space<vmem_shared>>
      %dma_start3A_31 = arith.constant 0 : i32
      %dma_start3A_32 = tpu.memref_slice %arg15[%add3A_6, %dma_start3A_31] : memref<10240x32xf32, #tpu.memory_space<vmem_shared>> -> memref<160x32xf32, #tpu.memory_space<vmem_shared>>
      tpu.enqueue_dma source(%arg13 : memref<160x32xf32, #tpu.memory_space<vmem>>) target(%dma_start3A_32 : memref<160x32xf32, #tpu.memory_space<vmem_shared>>) target_semaphore(%run_scoped3A : memref<!tpu.dma_semaphore, #tpu.memory_space<semaphore_mem>>)
      %dma_wait3A = arith.constant 0 : i32
      %dma_wait3A_33 = tpu.memref_slice %arg15[%add3A_6, %dma_wait3A] : memref<10240x32xf32, #tpu.memory_space<vmem_shared>> -> memref<160x32xf32, #tpu.memory_space<vmem_shared>>
      %dma_wait3A_34 = arith.constant 0 : i32
      %dma_wait3A_35 = tpu.memref_slice %arg15[%add3A_6, %dma_wait3A_34] : memref<10240x32xf32, #tpu.memory_space<vmem_shared>> -> memref<160x32xf32, #tpu.memory_space<vmem_shared>>
      tpu.wait_dma2 semaphore(%run_scoped3A : memref<!tpu.dma_semaphore, #tpu.memory_space<semaphore_mem>>) src(%arg13 : memref<160x32xf32, #tpu.memory_space<vmem>>) dst(%dma_wait3A_35 : memref<160x32xf32, #tpu.memory_space<vmem_shared>>)
      tpu.yield
    }) : () -> ()
    %add3A_7 = arith.constant 320 : i32
    %add3A_8 = arith.addi %mul3A_2, %add3A_7 : i32
    "tpu.region"() ({
      %run_scoped3A = tpu.sem_alloc : memref<!tpu.dma_semaphore, #tpu.memory_space<semaphore_mem>>
      %dma_start3A = arith.constant 0 : i32
      %dma_start3A_30 = tpu.memref_slice %arg15[%add3A_8, %dma_start3A] : memref<10240x32xf32, #tpu.memory_space<vmem_shared>> -> memref<160x32xf32, #tpu.memory_space<vmem_shared>>
      %dma_start3A_31 = arith.constant 0 : i32
      %dma_start3A_32 = tpu.memref_slice %arg15[%add3A_8, %dma_start3A_31] : memref<10240x32xf32, #tpu.memory_space<vmem_shared>> -> memref<160x32xf32, #tpu.memory_space<vmem_shared>>
      tpu.enqueue_dma source(%arg13 : memref<160x32xf32, #tpu.memory_space<vmem>>) target(%dma_start3A_32 : memref<160x32xf32, #tpu.memory_space<vmem_shared>>) target_semaphore(%run_scoped3A : memref<!tpu.dma_semaphore, #tpu.memory_space<semaphore_mem>>)
      %dma_wait3A = arith.constant 0 : i32
      %dma_wait3A_33 = tpu.memref_slice %arg15[%add3A_8, %dma_wait3A] : memref<10240x32xf32, #tpu.memory_space<vmem_shared>> -> memref<160x32xf32, #tpu.memory_space<vmem_shared>>
      %dma_wait3A_34 = arith.constant 0 : i32
      %dma_wait3A_35 = tpu.memref_slice %arg15[%add3A_8, %dma_wait3A_34] : memref<10240x32xf32, #tpu.memory_space<vmem_shared>> -> memref<160x32xf32, #tpu.memory_space<vmem_shared>>
      tpu.wait_dma2 semaphore(%run_scoped3A : memref<!tpu.dma_semaphore, #tpu.memory_space<semaphore_mem>>) src(%arg13 : memref<160x32xf32, #tpu.memory_space<vmem>>) dst(%dma_wait3A_35 : memref<160x32xf32, #tpu.memory_space<vmem_shared>>)
      tpu.yield
    }) : () -> ()
    %add3A_9 = arith.constant 480 : i32
    %add3A_10 = arith.addi %mul3A_2, %add3A_9 : i32
    "tpu.region"() ({
      %run_scoped3A = tpu.sem_alloc : memref<!tpu.dma_semaphore, #tpu.memory_space<semaphore_mem>>
      %dma_start3A = arith.constant 0 : i32
      %dma_start3A_30 = tpu.memref_slice %arg15[%add3A_10, %dma_start3A] : memref<10240x32xf32, #tpu.memory_space<vmem_shared>> -> memref<160x32xf32, #tpu.memory_space<vmem_shared>>
      %dma_start3A_31 = arith.constant 0 : i32
      %dma_start3A_32 = tpu.memref_slice %arg15[%add3A_10, %dma_start3A_31] : memref<10240x32xf32, #tpu.memory_space<vmem_shared>> -> memref<160x32xf32, #tpu.memory_space<vmem_shared>>
      tpu.enqueue_dma source(%arg13 : memref<160x32xf32, #tpu.memory_space<vmem>>) target(%dma_start3A_32 : memref<160x32xf32, #tpu.memory_space<vmem_shared>>) target_semaphore(%run_scoped3A : memref<!tpu.dma_semaphore, #tpu.memory_space<semaphore_mem>>)
      %dma_wait3A = arith.constant 0 : i32
      %dma_wait3A_33 = tpu.memref_slice %arg15[%add3A_10, %dma_wait3A] : memref<10240x32xf32, #tpu.memory_space<vmem_shared>> -> memref<160x32xf32, #tpu.memory_space<vmem_shared>>
      %dma_wait3A_34 = arith.constant 0 : i32
      %dma_wait3A_35 = tpu.memref_slice %arg15[%add3A_10, %dma_wait3A_34] : memref<10240x32xf32, #tpu.memory_space<vmem_shared>> -> memref<160x32xf32, #tpu.memory_space<vmem_shared>>
      tpu.wait_dma2 semaphore(%run_scoped3A : memref<!tpu.dma_semaphore, #tpu.memory_space<semaphore_mem>>) src(%arg13 : memref<160x32xf32, #tpu.memory_space<vmem>>) dst(%dma_wait3A_35 : memref<160x32xf32, #tpu.memory_space<vmem_shared>>)
      tpu.yield
    }) : () -> ()
    "tpu.region"() ({
      %run_scoped3A = tpu.sem_alloc : memref<!tpu.dma_semaphore, #tpu.memory_space<semaphore_mem>>
      tpu.enqueue_dma source(%arg7 : memref<16xf32, #tpu.memory_space<hbm>>) target(%arg14 : memref<16xf32, #tpu.memory_space<vmem>>) target_semaphore(%run_scoped3A : memref<!tpu.dma_semaphore, #tpu.memory_space<semaphore_mem>>)
      tpu.wait_dma2 semaphore(%run_scoped3A : memref<!tpu.dma_semaphore, #tpu.memory_space<semaphore_mem>>) src(%arg7 : memref<16xf32, #tpu.memory_space<hbm>>) dst(%arg14 : memref<16xf32, #tpu.memory_space<vmem>>)
      tpu.yield
    }) : () -> ()
    "tpu.region"() ({
      %run_scoped3A = tpu.sem_alloc : memref<!tpu.dma_semaphore, #tpu.memory_space<semaphore_mem>>
      %dma_start3A = arith.constant 0 : i32
      %dma_start3A_30 = arith.constant 0 : i32
      %dma_start3A_31 = tpu.memref_slice %arg4[%add3A, %dma_start3A, %dma_start3A_30] : memref<32x79x128xi32, #tpu.memory_space<hbm>> -> memref<1x79x128xi32, #tpu.memory_space<hbm>>
      %dma_start3A_32 = tpu.memref_squeeze %dma_start3A_31 : memref<1x79x128xi32, #tpu.memory_space<hbm>> -> memref<79x128xi32, #tpu.memory_space<hbm>>
      %dma_start3A_33 = arith.constant 0 : i32
      %dma_start3A_34 = arith.constant 0 : i32
      %dma_start3A_35 = tpu.memref_slice %arg4[%add3A, %dma_start3A_33, %dma_start3A_34] : memref<32x79x128xi32, #tpu.memory_space<hbm>> -> memref<1x79x128xi32, #tpu.memory_space<hbm>>
      %dma_start3A_36 = tpu.memref_squeeze %dma_start3A_35 : memref<1x79x128xi32, #tpu.memory_space<hbm>> -> memref<79x128xi32, #tpu.memory_space<hbm>>
      tpu.enqueue_dma source(%dma_start3A_36 : memref<79x128xi32, #tpu.memory_space<hbm>>) target(%arg10 : memref<79x128xi32, #tpu.memory_space<vmem>>) target_semaphore(%run_scoped3A : memref<!tpu.dma_semaphore, #tpu.memory_space<semaphore_mem>>)
      %dma_wait3A = arith.constant 0 : i32
      %dma_wait3A_37 = arith.constant 0 : i32
      %dma_wait3A_38 = tpu.memref_slice %arg4[%add3A, %dma_wait3A, %dma_wait3A_37] : memref<32x79x128xi32, #tpu.memory_space<hbm>> -> memref<1x79x128xi32, #tpu.memory_space<hbm>>
      %dma_wait3A_39 = tpu.memref_squeeze %dma_wait3A_38 : memref<1x79x128xi32, #tpu.memory_space<hbm>> -> memref<79x128xi32, #tpu.memory_space<hbm>>
      %dma_wait3A_40 = arith.constant 0 : i32
      %dma_wait3A_41 = arith.constant 0 : i32
      %dma_wait3A_42 = tpu.memref_slice %arg4[%add3A, %dma_wait3A_40, %dma_wait3A_41] : memref<32x79x128xi32, #tpu.memory_space<hbm>> -> memref<1x79x128xi32, #tpu.memory_space<hbm>>
      %dma_wait3A_43 = tpu.memref_squeeze %dma_wait3A_42 : memref<1x79x128xi32, #tpu.memory_space<hbm>> -> memref<79x128xi32, #tpu.memory_space<hbm>>
      tpu.wait_dma2 semaphore(%run_scoped3A : memref<!tpu.dma_semaphore, #tpu.memory_space<semaphore_mem>>) src(%dma_wait3A_43 : memref<79x128xi32, #tpu.memory_space<hbm>>) dst(%arg10 : memref<79x128xi32, #tpu.memory_space<vmem>>)
      tpu.yield
    }) : () -> ()
    %get3A = arith.constant 0 : index
    %get3A_11 = tpu.vector_load %arg14[%get3A] {strides = array<i32>} : memref<16xf32, #tpu.memory_space<vmem>>, vector<16xf32>,
    %reduce_sum3A = arith.constant true
    %reduce_sum3A_12 = vector.broadcast %reduce_sum3A : i1 to vector<16xi1>
    %reduce_sum3A_13 = tpu.scan <sum>, %get3A_11 masked %reduce_sum3A_12 : vector<16xf32>, vector<16xi1> -> vector<16xf32>
    %reduce_sum3A_14 = vector.extract %reduce_sum3A_13[15] : f32 from vector<16xf32>
    %gt3A = arith.constant 5.000000e-01 : f32
    %gt3A_15 = arith.cmpf ogt, %reduce_sum3A_14, %gt3A : f32
    %barrier3A = arith.constant 0 : index
    tpu.barrier barrier_id(%barrier3A)
    %not3A = arith.constant true
    %not3A_16 = arith.xori %gt3A_15, %not3A : i1
    %convert_element_type3A = arith.extui %not3A_16 : i1 to i32
    %cond3A = arith.constant 0 : i32
    %cond3A_17 = arith.cmpi ne, %convert_element_type3A, %cond3A : i32
    scf.if %cond3A_17 {
      "tpu.region"() ({
        %run_scoped3A_47 = tpu.sem_alloc : memref<!tpu.dma_semaphore, #tpu.memory_space<semaphore_mem>>
        %dma_start3A_48 = arith.constant 0 : i32
        %dma_start3A_49 = arith.constant 0 : i32
        %dma_start3A_50 = tpu.memref_slice %arg3[%add3A, %dma_start3A_48, %dma_start3A_49] : memref<32x79x128xi32, #tpu.memory_space<hbm>> -> memref<1x79x128xi32, #tpu.memory_space<hbm>>
        %dma_start3A_51 = tpu.memref_squeeze %dma_start3A_50 : memref<1x79x128xi32, #tpu.memory_space<hbm>> -> memref<79x128xi32, #tpu.memory_space<hbm>>
        %dma_start3A_52 = arith.constant 0 : i32
        %dma_start3A_53 = arith.constant 0 : i32
        %dma_start3A_54 = tpu.memref_slice %arg3[%add3A, %dma_start3A_52, %dma_start3A_53] : memref<32x79x128xi32, #tpu.memory_space<hbm>> -> memref<1x79x128xi32, #tpu.memory_space<hbm>>
        %dma_start3A_55 = tpu.memref_squeeze %dma_start3A_54 : memref<1x79x128xi32, #tpu.memory_space<hbm>> -> memref<79x128xi32, #tpu.memory_space<hbm>>
        tpu.enqueue_dma source(%dma_start3A_55 : memref<79x128xi32, #tpu.memory_space<hbm>>) target(%arg9 : memref<79x128xi32, #tpu.memory_space<vmem>>) target_semaphore(%run_scoped3A_47 : memref<!tpu.dma_semaphore, #tpu.memory_space<semaphore_mem>>)
        %dma_wait3A_56 = arith.constant 0 : i32
        %dma_wait3A_57 = arith.constant 0 : i32
        %dma_wait3A_58 = tpu.memref_slice %arg3[%add3A, %dma_wait3A_56, %dma_wait3A_57] : memref<32x79x128xi32, #tpu.memory_space<hbm>> -> memref<1x79x128xi32, #tpu.memory_space<hbm>>
        %dma_wait3A_59 = tpu.memref_squeeze %dma_wait3A_58 : memref<1x79x128xi32, #tpu.memory_space<hbm>> -> memref<79x128xi32, #tpu.memory_space<hbm>>
        %dma_wait3A_60 = arith.constant 0 : i32
        %dma_wait3A_61 = arith.constant 0 : i32
        %dma_wait3A_62 = tpu.memref_slice %arg3[%add3A, %dma_wait3A_60, %dma_wait3A_61] : memref<32x79x128xi32, #tpu.memory_space<hbm>> -> memref<1x79x128xi32, #tpu.memory_space<hbm>>
        %dma_wait3A_63 = tpu.memref_squeeze %dma_wait3A_62 : memref<1x79x128xi32, #tpu.memory_space<hbm>> -> memref<79x128xi32, #tpu.memory_space<hbm>>
        tpu.wait_dma2 semaphore(%run_scoped3A_47 : memref<!tpu.dma_semaphore, #tpu.memory_space<semaphore_mem>>) src(%dma_wait3A_63 : memref<79x128xi32, #tpu.memory_space<hbm>>) dst(%arg9 : memref<79x128xi32, #tpu.memory_space<vmem>>)
        tpu.yield
      }) : () -> ()
      %dma_start3A = arith.constant 0 : i32
      %dma_start3A_30 = arith.constant 0 : i32
      %dma_start3A_31 = tpu.memref_slice %arg9[%dma_start3A, %dma_start3A_30] : memref<79x128xi32, #tpu.memory_space<vmem>> -> memref<1x128xi32, #tpu.memory_space<vmem>>
      %dma_start3A_32 = tpu.memref_squeeze %dma_start3A_31 : memref<1x128xi32, #tpu.memory_space<vmem>> -> memref<128xi32, #tpu.memory_space<vmem>>
      %dma_start3A_33 = arith.constant 0 : i32
      %dma_start3A_34 = arith.constant 0 : i32
      %dma_start3A_35 = tpu.memref_slice %arg2[%dma_start3A_33, %dma_start3A_34] : memref<10240x32xf32, #tpu.memory_space<hbm>> -> memref<10240x32xf32, #tpu.memory_space<hbm>>
      tpu.enqueue_indirect_dma source(%dma_start3A_35 : memref<10240x32xf32, #tpu.memory_space<hbm>>) target(%arg11 : memref<128x32xf32, #tpu.memory_space<vmem>>) offsets(%dma_start3A_32 : memref<128xi32, #tpu.memory_space<vmem>>) semaphore(%arg16 : memref<!tpu.dma_semaphore, #tpu.memory_space<semaphore_mem>>)
      %scan3A = arith.constant 0 : i32
      %scan3A_36 = arith.constant 0 : i32
      %scan3A_37 = arith.constant 39 : i32
      %scan3A_38 = arith.addi %scan3A_36, %scan3A_37 : i32
      %scan3A_39 = arith.constant 1 : i32
      scf.for %scan3A_47 = %scan3A_36 to %scan3A_38 step %scan3A_39  : i32 {
        %mul3A_48 = arith.constant 2 : i32
        %mul3A_49 = arith.muli %mul3A_48, %scan3A_47 : i32
        %add3A_50 = arith.constant 1 : i32
        %add3A_51 = arith.addi %add3A_50, %mul3A_49 : i32
        %dma_start3A_52 = arith.constant 0 : i32
        %dma_start3A_53 = tpu.memref_slice %arg9[%add3A_51, %dma_start3A_52] : memref<79x128xi32, #tpu.memory_space<vmem>> -> memref<1x128xi32, #tpu.memory_space<vmem>>
        %dma_start3A_54 = tpu.memref_squeeze %dma_start3A_53 : memref<1x128xi32, #tpu.memory_space<vmem>> -> memref<128xi32, #tpu.memory_space<vmem>>
        %dma_start3A_55 = arith.constant 0 : i32
        %dma_start3A_56 = arith.constant 0 : i32
        %dma_start3A_57 = tpu.memref_slice %arg2[%dma_start3A_55, %dma_start3A_56] : memref<10240x32xf32, #tpu.memory_space<hbm>> -> memref<10240x32xf32, #tpu.memory_space<hbm>>
        tpu.enqueue_indirect_dma source(%dma_start3A_57 : memref<10240x32xf32, #tpu.memory_space<hbm>>) target(%arg12 : memref<128x32xf32, #tpu.memory_space<vmem>>) offsets(%dma_start3A_54 : memref<128xi32, #tpu.memory_space<vmem>>) semaphore(%arg17 : memref<!tpu.dma_semaphore, #tpu.memory_space<semaphore_mem>>)
        %sub3A = arith.constant 1 : i32
        %sub3A_58 = arith.subi %add3A_51, %sub3A : i32
        %dma_wait3A_59 = arith.constant 0 : i32
        %dma_wait3A_60 = tpu.memref_slice %arg9[%sub3A_58, %dma_wait3A_59] : memref<79x128xi32, #tpu.memory_space<vmem>> -> memref<1x128xi32, #tpu.memory_space<vmem>>
        %dma_wait3A_61 = tpu.memref_squeeze %dma_wait3A_60 : memref<1x128xi32, #tpu.memory_space<vmem>> -> memref<128xi32, #tpu.memory_space<vmem>>
        %dma_wait3A_62 = arith.constant 0 : i32
        %dma_wait3A_63 = arith.constant 0 : i32
        %dma_wait3A_64 = tpu.memref_slice %arg2[%dma_wait3A_62, %dma_wait3A_63] : memref<10240x32xf32, #tpu.memory_space<hbm>> -> memref<10240x32xf32, #tpu.memory_space<hbm>>
        tpu.wait_indirect_dma semaphore(%arg16 : memref<!tpu.dma_semaphore, #tpu.memory_space<semaphore_mem>>) src(%dma_wait3A_64 : memref<10240x32xf32, #tpu.memory_space<hbm>>) dst(%arg11 : memref<128x32xf32, #tpu.memory_space<vmem>>)
        %sub3A_65 = arith.constant 1 : i32
        %sub3A_66 = arith.subi %add3A_51, %sub3A_65 : i32
        "tpu.region"() ({
          %run_scoped3A_81 = tpu.sem_alloc : memref<!tpu.dma_semaphore, #tpu.memory_space<semaphore_mem>>
          %dma_start3A_82 = arith.constant 0 : i32
          %dma_start3A_83 = tpu.memref_slice %arg10[%sub3A_66, %dma_start3A_82] : memref<79x128xi32, #tpu.memory_space<vmem>> -> memref<1x128xi32, #tpu.memory_space<vmem>>
          %dma_start3A_84 = tpu.memref_squeeze %dma_start3A_83 : memref<1x128xi32, #tpu.memory_space<vmem>> -> memref<128xi32, #tpu.memory_space<vmem>>
          %dma_start3A_85 = arith.constant 0 : i32
          %dma_start3A_86 = arith.constant 0 : i32
          %dma_start3A_87 = tpu.memref_slice %arg15[%dma_start3A_85, %dma_start3A_86] : memref<10240x32xf32, #tpu.memory_space<vmem_shared>> -> memref<10240x32xf32, #tpu.memory_space<vmem_shared>>
          tpu.enqueue_indirect_dma source(%arg11 : memref<128x32xf32, #tpu.memory_space<vmem>>) target(%dma_start3A_87 : memref<10240x32xf32, #tpu.memory_space<vmem_shared>>) offsets(%dma_start3A_84 : memref<128xi32, #tpu.memory_space<vmem>>) semaphore(%run_scoped3A_81 : memref<!tpu.dma_semaphore, #tpu.memory_space<semaphore_mem>>) {add = true}
          %dma_wait3A_88 = arith.constant 0 : i32
          %dma_wait3A_89 = tpu.memref_slice %arg10[%sub3A_66, %dma_wait3A_88] : memref<79x128xi32, #tpu.memory_space<vmem>> -> memref<1x128xi32, #tpu.memory_space<vmem>>
          %dma_wait3A_90 = tpu.memref_squeeze %dma_wait3A_89 : memref<1x128xi32, #tpu.memory_space<vmem>> -> memref<128xi32, #tpu.memory_space<vmem>>
          %dma_wait3A_91 = arith.constant 0 : i32
          %dma_wait3A_92 = arith.constant 0 : i32
          %dma_wait3A_93 = tpu.memref_slice %arg15[%dma_wait3A_91, %dma_wait3A_92] : memref<10240x32xf32, #tpu.memory_space<vmem_shared>> -> memref<10240x32xf32, #tpu.memory_space<vmem_shared>>
          tpu.wait_indirect_dma semaphore(%run_scoped3A_81 : memref<!tpu.dma_semaphore, #tpu.memory_space<semaphore_mem>>) src(%arg11 : memref<128x32xf32, #tpu.memory_space<vmem>>) dst(%dma_wait3A_93 : memref<10240x32xf32, #tpu.memory_space<vmem_shared>>)
          tpu.yield
        }) : () -> ()
        %add3A_67 = arith.constant 1 : i32
        %add3A_68 = arith.addi %add3A_51, %add3A_67 : i32
        %dma_start3A_69 = arith.constant 0 : i32
        %dma_start3A_70 = tpu.memref_slice %arg9[%add3A_68, %dma_start3A_69] : memref<79x128xi32, #tpu.memory_space<vmem>> -> memref<1x128xi32, #tpu.memory_space<vmem>>
        %dma_start3A_71 = tpu.memref_squeeze %dma_start3A_70 : memref<1x128xi32, #tpu.memory_space<vmem>> -> memref<128xi32, #tpu.memory_space<vmem>>
        %dma_start3A_72 = arith.constant 0 : i32
        %dma_start3A_73 = arith.constant 0 : i32
        %dma_start3A_74 = tpu.memref_slice %arg2[%dma_start3A_72, %dma_start3A_73] : memref<10240x32xf32, #tpu.memory_space<hbm>> -> memref<10240x32xf32, #tpu.memory_space<hbm>>
        tpu.enqueue_indirect_dma source(%dma_start3A_74 : memref<10240x32xf32, #tpu.memory_space<hbm>>) target(%arg11 : memref<128x32xf32, #tpu.memory_space<vmem>>) offsets(%dma_start3A_71 : memref<128xi32, #tpu.memory_space<vmem>>) semaphore(%arg16 : memref<!tpu.dma_semaphore, #tpu.memory_space<semaphore_mem>>)
        %dma_wait3A_75 = arith.constant 0 : i32
        %dma_wait3A_76 = tpu.memref_slice %arg9[%add3A_51, %dma_wait3A_75] : memref<79x128xi32, #tpu.memory_space<vmem>> -> memref<1x128xi32, #tpu.memory_space<vmem>>
        %dma_wait3A_77 = tpu.memref_squeeze %dma_wait3A_76 : memref<1x128xi32, #tpu.memory_space<vmem>> -> memref<128xi32, #tpu.memory_space<vmem>>
        %dma_wait3A_78 = arith.constant 0 : i32
        %dma_wait3A_79 = arith.constant 0 : i32
        %dma_wait3A_80 = tpu.memref_slice %arg2[%dma_wait3A_78, %dma_wait3A_79] : memref<10240x32xf32, #tpu.memory_space<hbm>> -> memref<10240x32xf32, #tpu.memory_space<hbm>>
        tpu.wait_indirect_dma semaphore(%arg17 : memref<!tpu.dma_semaphore, #tpu.memory_space<semaphore_mem>>) src(%dma_wait3A_80 : memref<10240x32xf32, #tpu.memory_space<hbm>>) dst(%arg12 : memref<128x32xf32, #tpu.memory_space<vmem>>)
        "tpu.region"() ({
          %run_scoped3A_81 = tpu.sem_alloc : memref<!tpu.dma_semaphore, #tpu.memory_space<semaphore_mem>>
          %dma_start3A_82 = arith.constant 0 : i32
          %dma_start3A_83 = tpu.memref_slice %arg10[%add3A_51, %dma_start3A_82] : memref<79x128xi32, #tpu.memory_space<vmem>> -> memref<1x128xi32, #tpu.memory_space<vmem>>
          %dma_start3A_84 = tpu.memref_squeeze %dma_start3A_83 : memref<1x128xi32, #tpu.memory_space<vmem>> -> memref<128xi32, #tpu.memory_space<vmem>>
          %dma_start3A_85 = arith.constant 0 : i32
          %dma_start3A_86 = arith.constant 0 : i32
          %dma_start3A_87 = tpu.memref_slice %arg15[%dma_start3A_85, %dma_start3A_86] : memref<10240x32xf32, #tpu.memory_space<vmem_shared>> -> memref<10240x32xf32, #tpu.memory_space<vmem_shared>>
          tpu.enqueue_indirect_dma source(%arg12 : memref<128x32xf32, #tpu.memory_space<vmem>>) target(%dma_start3A_87 : memref<10240x32xf32, #tpu.memory_space<vmem_shared>>) offsets(%dma_start3A_84 : memref<128xi32, #tpu.memory_space<vmem>>) semaphore(%run_scoped3A_81 : memref<!tpu.dma_semaphore, #tpu.memory_space<semaphore_mem>>) {add = true}
          %dma_wait3A_88 = arith.constant 0 : i32
          %dma_wait3A_89 = tpu.memref_slice %arg10[%add3A_51, %dma_wait3A_88] : memref<79x128xi32, #tpu.memory_space<vmem>> -> memref<1x128xi32, #tpu.memory_space<vmem>>
          %dma_wait3A_90 = tpu.memref_squeeze %dma_wait3A_89 : memref<1x128xi32, #tpu.memory_space<vmem>> -> memref<128xi32, #tpu.memory_space<vmem>>
          %dma_wait3A_91 = arith.constant 0 : i32
          %dma_wait3A_92 = arith.constant 0 : i32
          %dma_wait3A_93 = tpu.memref_slice %arg15[%dma_wait3A_91, %dma_wait3A_92] : memref<10240x32xf32, #tpu.memory_space<vmem_shared>> -> memref<10240x32xf32, #tpu.memory_space<vmem_shared>>
          tpu.wait_indirect_dma semaphore(%run_scoped3A_81 : memref<!tpu.dma_semaphore, #tpu.memory_space<semaphore_mem>>) src(%arg12 : memref<128x32xf32, #tpu.memory_space<vmem>>) dst(%dma_wait3A_93 : memref<10240x32xf32, #tpu.memory_space<vmem_shared>>)
          tpu.yield
        }) : () -> ()
      }
      %scan3A_40 = arith.constant 39 : i32
      %dma_wait3A = arith.constant 78 : i32
      %dma_wait3A_41 = arith.constant 0 : i32
      %dma_wait3A_42 = tpu.memref_slice %arg9[%dma_wait3A, %dma_wait3A_41] : memref<79x128xi32, #tpu.memory_space<vmem>> -> memref<1x128xi32, #tpu.memory_space<vmem>>
      %dma_wait3A_43 = tpu.memref_squeeze %dma_wait3A_42 : memref<1x128xi32, #tpu.memory_space<vmem>> -> memref<128xi32, #tpu.memory_space<vmem>>
      %dma_wait3A_44 = arith.constant 0 : i32
      %dma_wait3A_45 = arith.constant 0 : i32
      %dma_wait3A_46 = tpu.memref_slice %arg2[%dma_wait3A_44, %dma_wait3A_45] : memref<10240x32xf32, #tpu.memory_space<hbm>> -> memref<10240x32xf32, #tpu.memory_space<hbm>>
      tpu.wait_indirect_dma semaphore(%arg16 : memref<!tpu.dma_semaphore, #tpu.memory_space<semaphore_mem>>) src(%dma_wait3A_46 : memref<10240x32xf32, #tpu.memory_space<hbm>>) dst(%arg11 : memref<128x32xf32, #tpu.memory_space<vmem>>)
      %run_scoped3A = arith.constant 78 : i32
      "tpu.region"() ({
        %run_scoped3A_47 = tpu.sem_alloc : memref<!tpu.dma_semaphore, #tpu.memory_space<semaphore_mem>>
        %dma_start3A_48 = arith.constant 0 : i32
        %dma_start3A_49 = tpu.memref_slice %arg10[%run_scoped3A, %dma_start3A_48] : memref<79x128xi32, #tpu.memory_space<vmem>> -> memref<1x128xi32, #tpu.memory_space<vmem>>
        %dma_start3A_50 = tpu.memref_squeeze %dma_start3A_49 : memref<1x128xi32, #tpu.memory_space<vmem>> -> memref<128xi32, #tpu.memory_space<vmem>>
        %dma_start3A_51 = arith.constant 0 : i32
        %dma_start3A_52 = arith.constant 0 : i32
        %dma_start3A_53 = tpu.memref_slice %arg15[%dma_start3A_51, %dma_start3A_52] : memref<10240x32xf32, #tpu.memory_space<vmem_shared>> -> memref<10240x32xf32, #tpu.memory_space<vmem_shared>>
        tpu.enqueue_indirect_dma source(%arg11 : memref<128x32xf32, #tpu.memory_space<vmem>>) target(%dma_start3A_53 : memref<10240x32xf32, #tpu.memory_space<vmem_shared>>) offsets(%dma_start3A_50 : memref<128xi32, #tpu.memory_space<vmem>>) semaphore(%run_scoped3A_47 : memref<!tpu.dma_semaphore, #tpu.memory_space<semaphore_mem>>) {add = true}
        %dma_wait3A_54 = arith.constant 0 : i32
        %dma_wait3A_55 = tpu.memref_slice %arg10[%run_scoped3A, %dma_wait3A_54] : memref<79x128xi32, #tpu.memory_space<vmem>> -> memref<1x128xi32, #tpu.memory_space<vmem>>
        %dma_wait3A_56 = tpu.memref_squeeze %dma_wait3A_55 : memref<1x128xi32, #tpu.memory_space<vmem>> -> memref<128xi32, #tpu.memory_space<vmem>>
        %dma_wait3A_57 = arith.constant 0 : i32
        %dma_wait3A_58 = arith.constant 0 : i32
        %dma_wait3A_59 = tpu.memref_slice %arg15[%dma_wait3A_57, %dma_wait3A_58] : memref<10240x32xf32, #tpu.memory_space<vmem_shared>> -> memref<10240x32xf32, #tpu.memory_space<vmem_shared>>
        tpu.wait_indirect_dma semaphore(%run_scoped3A_47 : memref<!tpu.dma_semaphore, #tpu.memory_space<semaphore_mem>>) src(%arg11 : memref<128x32xf32, #tpu.memory_space<vmem>>) dst(%dma_wait3A_59 : memref<10240x32xf32, #tpu.memory_space<vmem_shared>>)
        tpu.yield
      }) : () -> ()
    } else {
    }
    %convert_element_type3A_18 = arith.extui %gt3A_15 : i1 to i32
    %cond3A_19 = arith.constant 0 : i32
    %cond3A_20 = arith.cmpi ne, %convert_element_type3A_18, %cond3A_19 : i32
    scf.if %cond3A_20 {
      "tpu.region"() ({
        %run_scoped3A = tpu.sem_alloc : memref<!tpu.dma_semaphore, #tpu.memory_space<semaphore_mem>>
        tpu.enqueue_dma source(%arg6 : memref<128x32xf32, #tpu.memory_space<hbm>>) target(%arg11 : memref<128x32xf32, #tpu.memory_space<vmem>>) target_semaphore(%run_scoped3A : memref<!tpu.dma_semaphore, #tpu.memory_space<semaphore_mem>>)
        tpu.wait_dma2 semaphore(%run_scoped3A : memref<!tpu.dma_semaphore, #tpu.memory_space<semaphore_mem>>) src(%arg6 : memref<128x32xf32, #tpu.memory_space<hbm>>) dst(%arg11 : memref<128x32xf32, #tpu.memory_space<vmem>>)
        tpu.yield
      }) : () -> ()
      %eq3A = arith.constant 0 : i32
      %eq3A_30 = arith.cmpi eq, %arg0, %eq3A : i32
      %convert_element_type3A_31 = arith.extui %eq3A_30 : i1 to i32
      %cond3A_32 = arith.constant 0 : i32
      %cond3A_33 = arith.cmpi ne, %convert_element_type3A_31, %cond3A_32 : i32
      scf.if %cond3A_33 {
        "tpu.region"() ({
          %run_scoped3A_53 = tpu.sem_alloc : memref<!tpu.dma_semaphore, #tpu.memory_space<semaphore_mem>>
          %dma_start3A = arith.constant 0 : i32
          %dma_start3A_54 = arith.constant 0 : i32
          %dma_start3A_55 = tpu.memref_slice %arg4[%arg1, %dma_start3A, %dma_start3A_54] : memref<32x79x128xi32, #tpu.memory_space<hbm>> -> memref<1x79x128xi32, #tpu.memory_space<hbm>>
          %dma_start3A_56 = tpu.memref_squeeze %dma_start3A_55 : memref<1x79x128xi32, #tpu.memory_space<hbm>> -> memref<79x128xi32, #tpu.memory_space<hbm>>
          %dma_start3A_57 = arith.constant 0 : i32
          %dma_start3A_58 = arith.constant 0 : i32
          %dma_start3A_59 = tpu.memref_slice %arg4[%arg1, %dma_start3A_57, %dma_start3A_58] : memref<32x79x128xi32, #tpu.memory_space<hbm>> -> memref<1x79x128xi32, #tpu.memory_space<hbm>>
          %dma_start3A_60 = tpu.memref_squeeze %dma_start3A_59 : memref<1x79x128xi32, #tpu.memory_space<hbm>> -> memref<79x128xi32, #tpu.memory_space<hbm>>
          tpu.enqueue_dma source(%dma_start3A_60 : memref<79x128xi32, #tpu.memory_space<hbm>>) target(%arg10 : memref<79x128xi32, #tpu.memory_space<vmem>>) target_semaphore(%run_scoped3A_53 : memref<!tpu.dma_semaphore, #tpu.memory_space<semaphore_mem>>)
          %dma_wait3A = arith.constant 0 : i32
          %dma_wait3A_61 = arith.constant 0 : i32
          %dma_wait3A_62 = tpu.memref_slice %arg4[%arg1, %dma_wait3A, %dma_wait3A_61] : memref<32x79x128xi32, #tpu.memory_space<hbm>> -> memref<1x79x128xi32, #tpu.memory_space<hbm>>
          %dma_wait3A_63 = tpu.memref_squeeze %dma_wait3A_62 : memref<1x79x128xi32, #tpu.memory_space<hbm>> -> memref<79x128xi32, #tpu.memory_space<hbm>>
          %dma_wait3A_64 = arith.constant 0 : i32
          %dma_wait3A_65 = arith.constant 0 : i32
          %dma_wait3A_66 = tpu.memref_slice %arg4[%arg1, %dma_wait3A_64, %dma_wait3A_65] : memref<32x79x128xi32, #tpu.memory_space<hbm>> -> memref<1x79x128xi32, #tpu.memory_space<hbm>>
          %dma_wait3A_67 = tpu.memref_squeeze %dma_wait3A_66 : memref<1x79x128xi32, #tpu.memory_space<hbm>> -> memref<79x128xi32, #tpu.memory_space<hbm>>
          tpu.wait_dma2 semaphore(%run_scoped3A_53 : memref<!tpu.dma_semaphore, #tpu.memory_space<semaphore_mem>>) src(%dma_wait3A_67 : memref<79x128xi32, #tpu.memory_space<hbm>>) dst(%arg10 : memref<79x128xi32, #tpu.memory_space<vmem>>)
          tpu.yield
        }) : () -> ()
        %scan3A = arith.constant 0 : i32
        %scan3A_39 = arith.constant 0 : i32
        %scan3A_40 = arith.constant 39 : i32
        %scan3A_41 = arith.addi %scan3A_39, %scan3A_40 : i32
        %scan3A_42 = arith.constant 1 : i32
        scf.for %scan3A_53 = %scan3A_39 to %scan3A_41 step %scan3A_42  : i32 {
          %mul3A_54 = arith.constant 2 : i32
          %mul3A_55 = arith.muli %mul3A_54, %scan3A_53 : i32
          %add3A_56 = arith.constant 1 : i32
          %add3A_57 = arith.addi %mul3A_55, %add3A_56 : i32
          %dma_start3A = arith.constant 0 : i32
          %dma_start3A_58 = tpu.memref_slice %arg10[%mul3A_55, %dma_start3A] : memref<79x128xi32, #tpu.memory_space<vmem>> -> memref<1x128xi32, #tpu.memory_space<vmem>>
          %dma_start3A_59 = tpu.memref_squeeze %dma_start3A_58 : memref<1x128xi32, #tpu.memory_space<vmem>> -> memref<128xi32, #tpu.memory_space<vmem>>
          %dma_start3A_60 = arith.constant 0 : i32
          %dma_start3A_61 = arith.constant 0 : i32
          %dma_start3A_62 = tpu.memref_slice %arg15[%dma_start3A_60, %dma_start3A_61] : memref<10240x32xf32, #tpu.memory_space<vmem_shared>> -> memref<10240x32xf32, #tpu.memory_space<vmem_shared>>
          tpu.enqueue_indirect_dma source(%arg11 : memref<128x32xf32, #tpu.memory_space<vmem>>) target(%dma_start3A_62 : memref<10240x32xf32, #tpu.memory_space<vmem_shared>>) offsets(%dma_start3A_59 : memref<128xi32, #tpu.memory_space<vmem>>) semaphore(%arg16 : memref<!tpu.dma_semaphore, #tpu.memory_space<semaphore_mem>>) {add = true}
          %dma_start3A_63 = arith.constant 0 : i32
          %dma_start3A_64 = tpu.memref_slice %arg10[%add3A_57, %dma_start3A_63] : memref<79x128xi32, #tpu.memory_space<vmem>> -> memref<1x128xi32, #tpu.memory_space<vmem>>
          %dma_start3A_65 = tpu.memref_squeeze %dma_start3A_64 : memref<1x128xi32, #tpu.memory_space<vmem>> -> memref<128xi32, #tpu.memory_space<vmem>>
          %dma_start3A_66 = arith.constant 0 : i32
          %dma_start3A_67 = arith.constant 0 : i32
          %dma_start3A_68 = tpu.memref_slice %arg15[%dma_start3A_66, %dma_start3A_67] : memref<10240x32xf32, #tpu.memory_space<vmem_shared>> -> memref<10240x32xf32, #tpu.memory_space<vmem_shared>>
          tpu.enqueue_indirect_dma source(%arg11 : memref<128x32xf32, #tpu.memory_space<vmem>>) target(%dma_start3A_68 : memref<10240x32xf32, #tpu.memory_space<vmem_shared>>) offsets(%dma_start3A_65 : memref<128xi32, #tpu.memory_space<vmem>>) semaphore(%arg17 : memref<!tpu.dma_semaphore, #tpu.memory_space<semaphore_mem>>) {add = true}
          %dma_wait3A = arith.constant 0 : i32
          %dma_wait3A_69 = tpu.memref_slice %arg10[%mul3A_55, %dma_wait3A] : memref<79x128xi32, #tpu.memory_space<vmem>> -> memref<1x128xi32, #tpu.memory_space<vmem>>
          %dma_wait3A_70 = tpu.memref_squeeze %dma_wait3A_69 : memref<1x128xi32, #tpu.memory_space<vmem>> -> memref<128xi32, #tpu.memory_space<vmem>>
          %dma_wait3A_71 = arith.constant 0 : i32
          %dma_wait3A_72 = arith.constant 0 : i32
          %dma_wait3A_73 = tpu.memref_slice %arg15[%dma_wait3A_71, %dma_wait3A_72] : memref<10240x32xf32, #tpu.memory_space<vmem_shared>> -> memref<10240x32xf32, #tpu.memory_space<vmem_shared>>
          tpu.wait_indirect_dma semaphore(%arg16 : memref<!tpu.dma_semaphore, #tpu.memory_space<semaphore_mem>>) src(%arg11 : memref<128x32xf32, #tpu.memory_space<vmem>>) dst(%dma_wait3A_73 : memref<10240x32xf32, #tpu.memory_space<vmem_shared>>)
          %dma_wait3A_74 = arith.constant 0 : i32
          %dma_wait3A_75 = tpu.memref_slice %arg10[%add3A_57, %dma_wait3A_74] : memref<79x128xi32, #tpu.memory_space<vmem>> -> memref<1x128xi32, #tpu.memory_space<vmem>>
          %dma_wait3A_76 = tpu.memref_squeeze %dma_wait3A_75 : memref<1x128xi32, #tpu.memory_space<vmem>> -> memref<128xi32, #tpu.memory_space<vmem>>
          %dma_wait3A_77 = arith.constant 0 : i32
          %dma_wait3A_78 = arith.constant 0 : i32
          %dma_wait3A_79 = tpu.memref_slice %arg15[%dma_wait3A_77, %dma_wait3A_78] : memref<10240x32xf32, #tpu.memory_space<vmem_shared>> -> memref<10240x32xf32, #tpu.memory_space<vmem_shared>>
          tpu.wait_indirect_dma semaphore(%arg17 : memref<!tpu.dma_semaphore, #tpu.memory_space<semaphore_mem>>) src(%arg11 : memref<128x32xf32, #tpu.memory_space<vmem>>) dst(%dma_wait3A_79 : memref<10240x32xf32, #tpu.memory_space<vmem_shared>>)
        }
        %scan3A_43 = arith.constant 39 : i32
        %run_scoped3A = arith.constant 78 : i32
        "tpu.region"() ({
          %run_scoped3A_53 = tpu.sem_alloc : memref<!tpu.dma_semaphore, #tpu.memory_space<semaphore_mem>>
          %dma_start3A = arith.constant 0 : i32
          %dma_start3A_54 = tpu.memref_slice %arg10[%run_scoped3A, %dma_start3A] : memref<79x128xi32, #tpu.memory_space<vmem>> -> memref<1x128xi32, #tpu.memory_space<vmem>>
          %dma_start3A_55 = tpu.memref_squeeze %dma_start3A_54 : memref<1x128xi32, #tpu.memory_space<vmem>> -> memref<128xi32, #tpu.memory_space<vmem>>
          %dma_start3A_56 = arith.constant 0 : i32
          %dma_start3A_57 = arith.constant 0 : i32
          %dma_start3A_58 = tpu.memref_slice %arg15[%dma_start3A_56, %dma_start3A_57] : memref<10240x32xf32, #tpu.memory_space<vmem_shared>> -> memref<10240x32xf32, #tpu.memory_space<vmem_shared>>
          tpu.enqueue_indirect_dma source(%arg11 : memref<128x32xf32, #tpu.memory_space<vmem>>) target(%dma_start3A_58 : memref<10240x32xf32, #tpu.memory_space<vmem_shared>>) offsets(%dma_start3A_55 : memref<128xi32, #tpu.memory_space<vmem>>) semaphore(%run_scoped3A_53 : memref<!tpu.dma_semaphore, #tpu.memory_space<semaphore_mem>>) {add = true}
          %dma_wait3A = arith.constant 0 : i32
          %dma_wait3A_59 = tpu.memref_slice %arg10[%run_scoped3A, %dma_wait3A] : memref<79x128xi32, #tpu.memory_space<vmem>> -> memref<1x128xi32, #tpu.memory_space<vmem>>
          %dma_wait3A_60 = tpu.memref_squeeze %dma_wait3A_59 : memref<1x128xi32, #tpu.memory_space<vmem>> -> memref<128xi32, #tpu.memory_space<vmem>>
          %dma_wait3A_61 = arith.constant 0 : i32
          %dma_wait3A_62 = arith.constant 0 : i32
          %dma_wait3A_63 = tpu.memref_slice %arg15[%dma_wait3A_61, %dma_wait3A_62] : memref<10240x32xf32, #tpu.memory_space<vmem_shared>> -> memref<10240x32xf32, #tpu.memory_space<vmem_shared>>
          tpu.wait_indirect_dma semaphore(%run_scoped3A_53 : memref<!tpu.dma_semaphore, #tpu.memory_space<semaphore_mem>>) src(%arg11 : memref<128x32xf32, #tpu.memory_space<vmem>>) dst(%dma_wait3A_63 : memref<10240x32xf32, #tpu.memory_space<vmem_shared>>)
          tpu.yield
        }) : () -> ()
        %add3A_44 = arith.constant 16 : i32
        %add3A_45 = arith.addi %arg1, %add3A_44 : i32
        "tpu.region"() ({
          %run_scoped3A_53 = tpu.sem_alloc : memref<!tpu.dma_semaphore, #tpu.memory_space<semaphore_mem>>
          %dma_start3A = arith.constant 0 : i32
          %dma_start3A_54 = arith.constant 0 : i32
          %dma_start3A_55 = tpu.memref_slice %arg4[%add3A_45, %dma_start3A, %dma_start3A_54] : memref<32x79x128xi32, #tpu.memory_space<hbm>> -> memref<1x79x128xi32, #tpu.memory_space<hbm>>
          %dma_start3A_56 = tpu.memref_squeeze %dma_start3A_55 : memref<1x79x128xi32, #tpu.memory_space<hbm>> -> memref<79x128xi32, #tpu.memory_space<hbm>>
          %dma_start3A_57 = arith.constant 0 : i32
          %dma_start3A_58 = arith.constant 0 : i32
          %dma_start3A_59 = tpu.memref_slice %arg4[%add3A_45, %dma_start3A_57, %dma_start3A_58] : memref<32x79x128xi32, #tpu.memory_space<hbm>> -> memref<1x79x128xi32, #tpu.memory_space<hbm>>
          %dma_start3A_60 = tpu.memref_squeeze %dma_start3A_59 : memref<1x79x128xi32, #tpu.memory_space<hbm>> -> memref<79x128xi32, #tpu.memory_space<hbm>>
          tpu.enqueue_dma source(%dma_start3A_60 : memref<79x128xi32, #tpu.memory_space<hbm>>) target(%arg10 : memref<79x128xi32, #tpu.memory_space<vmem>>) target_semaphore(%run_scoped3A_53 : memref<!tpu.dma_semaphore, #tpu.memory_space<semaphore_mem>>)
          %dma_wait3A = arith.constant 0 : i32
          %dma_wait3A_61 = arith.constant 0 : i32
          %dma_wait3A_62 = tpu.memref_slice %arg4[%add3A_45, %dma_wait3A, %dma_wait3A_61] : memref<32x79x128xi32, #tpu.memory_space<hbm>> -> memref<1x79x128xi32, #tpu.memory_space<hbm>>
          %dma_wait3A_63 = tpu.memref_squeeze %dma_wait3A_62 : memref<1x79x128xi32, #tpu.memory_space<hbm>> -> memref<79x128xi32, #tpu.memory_space<hbm>>
          %dma_wait3A_64 = arith.constant 0 : i32
          %dma_wait3A_65 = arith.constant 0 : i32
          %dma_wait3A_66 = tpu.memref_slice %arg4[%add3A_45, %dma_wait3A_64, %dma_wait3A_65] : memref<32x79x128xi32, #tpu.memory_space<hbm>> -> memref<1x79x128xi32, #tpu.memory_space<hbm>>
          %dma_wait3A_67 = tpu.memref_squeeze %dma_wait3A_66 : memref<1x79x128xi32, #tpu.memory_space<hbm>> -> memref<79x128xi32, #tpu.memory_space<hbm>>
          tpu.wait_dma2 semaphore(%run_scoped3A_53 : memref<!tpu.dma_semaphore, #tpu.memory_space<semaphore_mem>>) src(%dma_wait3A_67 : memref<79x128xi32, #tpu.memory_space<hbm>>) dst(%arg10 : memref<79x128xi32, #tpu.memory_space<vmem>>)
          tpu.yield
        }) : () -> ()
        %scan3A_46 = arith.constant 0 : i32
        %scan3A_47 = arith.constant 0 : i32
        %scan3A_48 = arith.constant 39 : i32
        %scan3A_49 = arith.addi %scan3A_47, %scan3A_48 : i32
        %scan3A_50 = arith.constant 1 : i32
        scf.for %scan3A_53 = %scan3A_47 to %scan3A_49 step %scan3A_50  : i32 {
          %mul3A_54 = arith.constant 2 : i32
          %mul3A_55 = arith.muli %mul3A_54, %scan3A_53 : i32
          %add3A_56 = arith.constant 1 : i32
          %add3A_57 = arith.addi %mul3A_55, %add3A_56 : i32
          %dma_start3A = arith.constant 0 : i32
          %dma_start3A_58 = tpu.memref_slice %arg10[%mul3A_55, %dma_start3A] : memref<79x128xi32, #tpu.memory_space<vmem>> -> memref<1x128xi32, #tpu.memory_space<vmem>>
          %dma_start3A_59 = tpu.memref_squeeze %dma_start3A_58 : memref<1x128xi32, #tpu.memory_space<vmem>> -> memref<128xi32, #tpu.memory_space<vmem>>
          %dma_start3A_60 = arith.constant 0 : i32
          %dma_start3A_61 = arith.constant 0 : i32
          %dma_start3A_62 = tpu.memref_slice %arg15[%dma_start3A_60, %dma_start3A_61] : memref<10240x32xf32, #tpu.memory_space<vmem_shared>> -> memref<10240x32xf32, #tpu.memory_space<vmem_shared>>
          tpu.enqueue_indirect_dma source(%arg11 : memref<128x32xf32, #tpu.memory_space<vmem>>) target(%dma_start3A_62 : memref<10240x32xf32, #tpu.memory_space<vmem_shared>>) offsets(%dma_start3A_59 : memref<128xi32, #tpu.memory_space<vmem>>) semaphore(%arg16 : memref<!tpu.dma_semaphore, #tpu.memory_space<semaphore_mem>>) {add = true}
          %dma_start3A_63 = arith.constant 0 : i32
          %dma_start3A_64 = tpu.memref_slice %arg10[%add3A_57, %dma_start3A_63] : memref<79x128xi32, #tpu.memory_space<vmem>> -> memref<1x128xi32, #tpu.memory_space<vmem>>
          %dma_start3A_65 = tpu.memref_squeeze %dma_start3A_64 : memref<1x128xi32, #tpu.memory_space<vmem>> -> memref<128xi32, #tpu.memory_space<vmem>>
          %dma_start3A_66 = arith.constant 0 : i32
          %dma_start3A_67 = arith.constant 0 : i32
          %dma_start3A_68 = tpu.memref_slice %arg15[%dma_start3A_66, %dma_start3A_67] : memref<10240x32xf32, #tpu.memory_space<vmem_shared>> -> memref<10240x32xf32, #tpu.memory_space<vmem_shared>>
          tpu.enqueue_indirect_dma source(%arg11 : memref<128x32xf32, #tpu.memory_space<vmem>>) target(%dma_start3A_68 : memref<10240x32xf32, #tpu.memory_space<vmem_shared>>) offsets(%dma_start3A_65 : memref<128xi32, #tpu.memory_space<vmem>>) semaphore(%arg17 : memref<!tpu.dma_semaphore, #tpu.memory_space<semaphore_mem>>) {add = true}
          %dma_wait3A = arith.constant 0 : i32
          %dma_wait3A_69 = tpu.memref_slice %arg10[%mul3A_55, %dma_wait3A] : memref<79x128xi32, #tpu.memory_space<vmem>> -> memref<1x128xi32, #tpu.memory_space<vmem>>
          %dma_wait3A_70 = tpu.memref_squeeze %dma_wait3A_69 : memref<1x128xi32, #tpu.memory_space<vmem>> -> memref<128xi32, #tpu.memory_space<vmem>>
          %dma_wait3A_71 = arith.constant 0 : i32
          %dma_wait3A_72 = arith.constant 0 : i32
          %dma_wait3A_73 = tpu.memref_slice %arg15[%dma_wait3A_71, %dma_wait3A_72] : memref<10240x32xf32, #tpu.memory_space<vmem_shared>> -> memref<10240x32xf32, #tpu.memory_space<vmem_shared>>
          tpu.wait_indirect_dma semaphore(%arg16 : memref<!tpu.dma_semaphore, #tpu.memory_space<semaphore_mem>>) src(%arg11 : memref<128x32xf32, #tpu.memory_space<vmem>>) dst(%dma_wait3A_73 : memref<10240x32xf32, #tpu.memory_space<vmem_shared>>)
          %dma_wait3A_74 = arith.constant 0 : i32
          %dma_wait3A_75 = tpu.memref_slice %arg10[%add3A_57, %dma_wait3A_74] : memref<79x128xi32, #tpu.memory_space<vmem>> -> memref<1x128xi32, #tpu.memory_space<vmem>>
          %dma_wait3A_76 = tpu.memref_squeeze %dma_wait3A_75 : memref<1x128xi32, #tpu.memory_space<vmem>> -> memref<128xi32, #tpu.memory_space<vmem>>
          %dma_wait3A_77 = arith.constant 0 : i32
          %dma_wait3A_78 = arith.constant 0 : i32
          %dma_wait3A_79 = tpu.memref_slice %arg15[%dma_wait3A_77, %dma_wait3A_78] : memref<10240x32xf32, #tpu.memory_space<vmem_shared>> -> memref<10240x32xf32, #tpu.memory_space<vmem_shared>>
          tpu.wait_indirect_dma semaphore(%arg17 : memref<!tpu.dma_semaphore, #tpu.memory_space<semaphore_mem>>) src(%arg11 : memref<128x32xf32, #tpu.memory_space<vmem>>) dst(%dma_wait3A_79 : memref<10240x32xf32, #tpu.memory_space<vmem_shared>>)
        }
        %scan3A_51 = arith.constant 39 : i32
        %run_scoped3A_52 = arith.constant 78 : i32
        "tpu.region"() ({
          %run_scoped3A_53 = tpu.sem_alloc : memref<!tpu.dma_semaphore, #tpu.memory_space<semaphore_mem>>
          %dma_start3A = arith.constant 0 : i32
          %dma_start3A_54 = tpu.memref_slice %arg10[%run_scoped3A_52, %dma_start3A] : memref<79x128xi32, #tpu.memory_space<vmem>> -> memref<1x128xi32, #tpu.memory_space<vmem>>
          %dma_start3A_55 = tpu.memref_squeeze %dma_start3A_54 : memref<1x128xi32, #tpu.memory_space<vmem>> -> memref<128xi32, #tpu.memory_space<vmem>>
          %dma_start3A_56 = arith.constant 0 : i32
          %dma_start3A_57 = arith.constant 0 : i32
          %dma_start3A_58 = tpu.memref_slice %arg15[%dma_start3A_56, %dma_start3A_57] : memref<10240x32xf32, #tpu.memory_space<vmem_shared>> -> memref<10240x32xf32, #tpu.memory_space<vmem_shared>>
          tpu.enqueue_indirect_dma source(%arg11 : memref<128x32xf32, #tpu.memory_space<vmem>>) target(%dma_start3A_58 : memref<10240x32xf32, #tpu.memory_space<vmem_shared>>) offsets(%dma_start3A_55 : memref<128xi32, #tpu.memory_space<vmem>>) semaphore(%run_scoped3A_53 : memref<!tpu.dma_semaphore, #tpu.memory_space<semaphore_mem>>) {add = true}
          %dma_wait3A = arith.constant 0 : i32
          %dma_wait3A_59 = tpu.memref_slice %arg10[%run_scoped3A_52, %dma_wait3A] : memref<79x128xi32, #tpu.memory_space<vmem>> -> memref<1x128xi32, #tpu.memory_space<vmem>>
          %dma_wait3A_60 = tpu.memref_squeeze %dma_wait3A_59 : memref<1x128xi32, #tpu.memory_space<vmem>> -> memref<128xi32, #tpu.memory_space<vmem>>
          %dma_wait3A_61 = arith.constant 0 : i32
          %dma_wait3A_62 = arith.constant 0 : i32
          %dma_wait3A_63 = tpu.memref_slice %arg15[%dma_wait3A_61, %dma_wait3A_62] : memref<10240x32xf32, #tpu.memory_space<vmem_shared>> -> memref<10240x32xf32, #tpu.memory_space<vmem_shared>>
          tpu.wait_indirect_dma semaphore(%run_scoped3A_53 : memref<!tpu.dma_semaphore, #tpu.memory_space<semaphore_mem>>) src(%arg11 : memref<128x32xf32, #tpu.memory_space<vmem>>) dst(%dma_wait3A_63 : memref<10240x32xf32, #tpu.memory_space<vmem_shared>>)
          tpu.yield
        }) : () -> ()
      } else {
      }
      %eq3A_34 = arith.constant 1 : i32
      %eq3A_35 = arith.cmpi eq, %arg0, %eq3A_34 : i32
      %convert_element_type3A_36 = arith.extui %eq3A_35 : i1 to i32
      %cond3A_37 = arith.constant 0 : i32
      %cond3A_38 = arith.cmpi ne, %convert_element_type3A_36, %cond3A_37 : i32
      scf.if %cond3A_38 {
        "tpu.region"() ({
          %run_scoped3A_53 = tpu.sem_alloc : memref<!tpu.dma_semaphore, #tpu.memory_space<semaphore_mem>>
          %dma_start3A = arith.constant 0 : i32
          %dma_start3A_54 = arith.constant 0 : i32
          %dma_start3A_55 = tpu.memref_slice %arg3[%arg1, %dma_start3A, %dma_start3A_54] : memref<32x79x128xi32, #tpu.memory_space<hbm>> -> memref<1x79x128xi32, #tpu.memory_space<hbm>>
          %dma_start3A_56 = tpu.memref_squeeze %dma_start3A_55 : memref<1x79x128xi32, #tpu.memory_space<hbm>> -> memref<79x128xi32, #tpu.memory_space<hbm>>
          %dma_start3A_57 = arith.constant 0 : i32
          %dma_start3A_58 = arith.constant 0 : i32
          %dma_start3A_59 = tpu.memref_slice %arg3[%arg1, %dma_start3A_57, %dma_start3A_58] : memref<32x79x128xi32, #tpu.memory_space<hbm>> -> memref<1x79x128xi32, #tpu.memory_space<hbm>>
          %dma_start3A_60 = tpu.memref_squeeze %dma_start3A_59 : memref<1x79x128xi32, #tpu.memory_space<hbm>> -> memref<79x128xi32, #tpu.memory_space<hbm>>
          tpu.enqueue_dma source(%dma_start3A_60 : memref<79x128xi32, #tpu.memory_space<hbm>>) target(%arg10 : memref<79x128xi32, #tpu.memory_space<vmem>>) target_semaphore(%run_scoped3A_53 : memref<!tpu.dma_semaphore, #tpu.memory_space<semaphore_mem>>)
          %dma_wait3A = arith.constant 0 : i32
          %dma_wait3A_61 = arith.constant 0 : i32
          %dma_wait3A_62 = tpu.memref_slice %arg3[%arg1, %dma_wait3A, %dma_wait3A_61] : memref<32x79x128xi32, #tpu.memory_space<hbm>> -> memref<1x79x128xi32, #tpu.memory_space<hbm>>
          %dma_wait3A_63 = tpu.memref_squeeze %dma_wait3A_62 : memref<1x79x128xi32, #tpu.memory_space<hbm>> -> memref<79x128xi32, #tpu.memory_space<hbm>>
          %dma_wait3A_64 = arith.constant 0 : i32
          %dma_wait3A_65 = arith.constant 0 : i32
          %dma_wait3A_66 = tpu.memref_slice %arg3[%arg1, %dma_wait3A_64, %dma_wait3A_65] : memref<32x79x128xi32, #tpu.memory_space<hbm>> -> memref<1x79x128xi32, #tpu.memory_space<hbm>>
          %dma_wait3A_67 = tpu.memref_squeeze %dma_wait3A_66 : memref<1x79x128xi32, #tpu.memory_space<hbm>> -> memref<79x128xi32, #tpu.memory_space<hbm>>
          tpu.wait_dma2 semaphore(%run_scoped3A_53 : memref<!tpu.dma_semaphore, #tpu.memory_space<semaphore_mem>>) src(%dma_wait3A_67 : memref<79x128xi32, #tpu.memory_space<hbm>>) dst(%arg10 : memref<79x128xi32, #tpu.memory_space<vmem>>)
          tpu.yield
        }) : () -> ()
        %scan3A = arith.constant 0 : i32
        %scan3A_39 = arith.constant 0 : i32
        %scan3A_40 = arith.constant 39 : i32
        %scan3A_41 = arith.addi %scan3A_39, %scan3A_40 : i32
        %scan3A_42 = arith.constant 1 : i32
        scf.for %scan3A_53 = %scan3A_39 to %scan3A_41 step %scan3A_42  : i32 {
          %mul3A_54 = arith.constant 2 : i32
          %mul3A_55 = arith.muli %mul3A_54, %scan3A_53 : i32
          %add3A_56 = arith.constant 1 : i32
          %add3A_57 = arith.addi %mul3A_55, %add3A_56 : i32
          %dma_start3A = arith.constant 0 : i32
          %dma_start3A_58 = tpu.memref_slice %arg10[%mul3A_55, %dma_start3A] : memref<79x128xi32, #tpu.memory_space<vmem>> -> memref<1x128xi32, #tpu.memory_space<vmem>>
          %dma_start3A_59 = tpu.memref_squeeze %dma_start3A_58 : memref<1x128xi32, #tpu.memory_space<vmem>> -> memref<128xi32, #tpu.memory_space<vmem>>
          %dma_start3A_60 = arith.constant 0 : i32
          %dma_start3A_61 = arith.constant 0 : i32
          %dma_start3A_62 = tpu.memref_slice %arg15[%dma_start3A_60, %dma_start3A_61] : memref<10240x32xf32, #tpu.memory_space<vmem_shared>> -> memref<10240x32xf32, #tpu.memory_space<vmem_shared>>
          tpu.enqueue_indirect_dma source(%arg11 : memref<128x32xf32, #tpu.memory_space<vmem>>) target(%dma_start3A_62 : memref<10240x32xf32, #tpu.memory_space<vmem_shared>>) offsets(%dma_start3A_59 : memref<128xi32, #tpu.memory_space<vmem>>) semaphore(%arg16 : memref<!tpu.dma_semaphore, #tpu.memory_space<semaphore_mem>>) {add = true}
          %dma_start3A_63 = arith.constant 0 : i32
          %dma_start3A_64 = tpu.memref_slice %arg10[%add3A_57, %dma_start3A_63] : memref<79x128xi32, #tpu.memory_space<vmem>> -> memref<1x128xi32, #tpu.memory_space<vmem>>
          %dma_start3A_65 = tpu.memref_squeeze %dma_start3A_64 : memref<1x128xi32, #tpu.memory_space<vmem>> -> memref<128xi32, #tpu.memory_space<vmem>>
          %dma_start3A_66 = arith.constant 0 : i32
          %dma_start3A_67 = arith.constant 0 : i32
          %dma_start3A_68 = tpu.memref_slice %arg15[%dma_start3A_66, %dma_start3A_67] : memref<10240x32xf32, #tpu.memory_space<vmem_shared>> -> memref<10240x32xf32, #tpu.memory_space<vmem_shared>>
          tpu.enqueue_indirect_dma source(%arg11 : memref<128x32xf32, #tpu.memory_space<vmem>>) target(%dma_start3A_68 : memref<10240x32xf32, #tpu.memory_space<vmem_shared>>) offsets(%dma_start3A_65 : memref<128xi32, #tpu.memory_space<vmem>>) semaphore(%arg17 : memref<!tpu.dma_semaphore, #tpu.memory_space<semaphore_mem>>) {add = true}
          %dma_wait3A = arith.constant 0 : i32
          %dma_wait3A_69 = tpu.memref_slice %arg10[%mul3A_55, %dma_wait3A] : memref<79x128xi32, #tpu.memory_space<vmem>> -> memref<1x128xi32, #tpu.memory_space<vmem>>
          %dma_wait3A_70 = tpu.memref_squeeze %dma_wait3A_69 : memref<1x128xi32, #tpu.memory_space<vmem>> -> memref<128xi32, #tpu.memory_space<vmem>>
          %dma_wait3A_71 = arith.constant 0 : i32
          %dma_wait3A_72 = arith.constant 0 : i32
          %dma_wait3A_73 = tpu.memref_slice %arg15[%dma_wait3A_71, %dma_wait3A_72] : memref<10240x32xf32, #tpu.memory_space<vmem_shared>> -> memref<10240x32xf32, #tpu.memory_space<vmem_shared>>
          tpu.wait_indirect_dma semaphore(%arg16 : memref<!tpu.dma_semaphore, #tpu.memory_space<semaphore_mem>>) src(%arg11 : memref<128x32xf32, #tpu.memory_space<vmem>>) dst(%dma_wait3A_73 : memref<10240x32xf32, #tpu.memory_space<vmem_shared>>)
          %dma_wait3A_74 = arith.constant 0 : i32
          %dma_wait3A_75 = tpu.memref_slice %arg10[%add3A_57, %dma_wait3A_74] : memref<79x128xi32, #tpu.memory_space<vmem>> -> memref<1x128xi32, #tpu.memory_space<vmem>>
          %dma_wait3A_76 = tpu.memref_squeeze %dma_wait3A_75 : memref<1x128xi32, #tpu.memory_space<vmem>> -> memref<128xi32, #tpu.memory_space<vmem>>
          %dma_wait3A_77 = arith.constant 0 : i32
          %dma_wait3A_78 = arith.constant 0 : i32
          %dma_wait3A_79 = tpu.memref_slice %arg15[%dma_wait3A_77, %dma_wait3A_78] : memref<10240x32xf32, #tpu.memory_space<vmem_shared>> -> memref<10240x32xf32, #tpu.memory_space<vmem_shared>>
          tpu.wait_indirect_dma semaphore(%arg17 : memref<!tpu.dma_semaphore, #tpu.memory_space<semaphore_mem>>) src(%arg11 : memref<128x32xf32, #tpu.memory_space<vmem>>) dst(%dma_wait3A_79 : memref<10240x32xf32, #tpu.memory_space<vmem_shared>>)
        }
        %scan3A_43 = arith.constant 39 : i32
        %run_scoped3A = arith.constant 78 : i32
        "tpu.region"() ({
          %run_scoped3A_53 = tpu.sem_alloc : memref<!tpu.dma_semaphore, #tpu.memory_space<semaphore_mem>>
          %dma_start3A = arith.constant 0 : i32
          %dma_start3A_54 = tpu.memref_slice %arg10[%run_scoped3A, %dma_start3A] : memref<79x128xi32, #tpu.memory_space<vmem>> -> memref<1x128xi32, #tpu.memory_space<vmem>>
          %dma_start3A_55 = tpu.memref_squeeze %dma_start3A_54 : memref<1x128xi32, #tpu.memory_space<vmem>> -> memref<128xi32, #tpu.memory_space<vmem>>
          %dma_start3A_56 = arith.constant 0 : i32
          %dma_start3A_57 = arith.constant 0 : i32
          %dma_start3A_58 = tpu.memref_slice %arg15[%dma_start3A_56, %dma_start3A_57] : memref<10240x32xf32, #tpu.memory_space<vmem_shared>> -> memref<10240x32xf32, #tpu.memory_space<vmem_shared>>
          tpu.enqueue_indirect_dma source(%arg11 : memref<128x32xf32, #tpu.memory_space<vmem>>) target(%dma_start3A_58 : memref<10240x32xf32, #tpu.memory_space<vmem_shared>>) offsets(%dma_start3A_55 : memref<128xi32, #tpu.memory_space<vmem>>) semaphore(%run_scoped3A_53 : memref<!tpu.dma_semaphore, #tpu.memory_space<semaphore_mem>>) {add = true}
          %dma_wait3A = arith.constant 0 : i32
          %dma_wait3A_59 = tpu.memref_slice %arg10[%run_scoped3A, %dma_wait3A] : memref<79x128xi32, #tpu.memory_space<vmem>> -> memref<1x128xi32, #tpu.memory_space<vmem>>
          %dma_wait3A_60 = tpu.memref_squeeze %dma_wait3A_59 : memref<1x128xi32, #tpu.memory_space<vmem>> -> memref<128xi32, #tpu.memory_space<vmem>>
          %dma_wait3A_61 = arith.constant 0 : i32
          %dma_wait3A_62 = arith.constant 0 : i32
          %dma_wait3A_63 = tpu.memref_slice %arg15[%dma_wait3A_61, %dma_wait3A_62] : memref<10240x32xf32, #tpu.memory_space<vmem_shared>> -> memref<10240x32xf32, #tpu.memory_space<vmem_shared>>
          tpu.wait_indirect_dma semaphore(%run_scoped3A_53 : memref<!tpu.dma_semaphore, #tpu.memory_space<semaphore_mem>>) src(%arg11 : memref<128x32xf32, #tpu.memory_space<vmem>>) dst(%dma_wait3A_63 : memref<10240x32xf32, #tpu.memory_space<vmem_shared>>)
          tpu.yield
        }) : () -> ()
        %add3A_44 = arith.constant 16 : i32
        %add3A_45 = arith.addi %arg1, %add3A_44 : i32
        "tpu.region"() ({
          %run_scoped3A_53 = tpu.sem_alloc : memref<!tpu.dma_semaphore, #tpu.memory_space<semaphore_mem>>
          %dma_start3A = arith.constant 0 : i32
          %dma_start3A_54 = arith.constant 0 : i32
          %dma_start3A_55 = tpu.memref_slice %arg3[%add3A_45, %dma_start3A, %dma_start3A_54] : memref<32x79x128xi32, #tpu.memory_space<hbm>> -> memref<1x79x128xi32, #tpu.memory_space<hbm>>
          %dma_start3A_56 = tpu.memref_squeeze %dma_start3A_55 : memref<1x79x128xi32, #tpu.memory_space<hbm>> -> memref<79x128xi32, #tpu.memory_space<hbm>>
          %dma_start3A_57 = arith.constant 0 : i32
          %dma_start3A_58 = arith.constant 0 : i32
          %dma_start3A_59 = tpu.memref_slice %arg3[%add3A_45, %dma_start3A_57, %dma_start3A_58] : memref<32x79x128xi32, #tpu.memory_space<hbm>> -> memref<1x79x128xi32, #tpu.memory_space<hbm>>
          %dma_start3A_60 = tpu.memref_squeeze %dma_start3A_59 : memref<1x79x128xi32, #tpu.memory_space<hbm>> -> memref<79x128xi32, #tpu.memory_space<hbm>>
          tpu.enqueue_dma source(%dma_start3A_60 : memref<79x128xi32, #tpu.memory_space<hbm>>) target(%arg10 : memref<79x128xi32, #tpu.memory_space<vmem>>) target_semaphore(%run_scoped3A_53 : memref<!tpu.dma_semaphore, #tpu.memory_space<semaphore_mem>>)
          %dma_wait3A = arith.constant 0 : i32
          %dma_wait3A_61 = arith.constant 0 : i32
          %dma_wait3A_62 = tpu.memref_slice %arg3[%add3A_45, %dma_wait3A, %dma_wait3A_61] : memref<32x79x128xi32, #tpu.memory_space<hbm>> -> memref<1x79x128xi32, #tpu.memory_space<hbm>>
          %dma_wait3A_63 = tpu.memref_squeeze %dma_wait3A_62 : memref<1x79x128xi32, #tpu.memory_space<hbm>> -> memref<79x128xi32, #tpu.memory_space<hbm>>
          %dma_wait3A_64 = arith.constant 0 : i32
          %dma_wait3A_65 = arith.constant 0 : i32
          %dma_wait3A_66 = tpu.memref_slice %arg3[%add3A_45, %dma_wait3A_64, %dma_wait3A_65] : memref<32x79x128xi32, #tpu.memory_space<hbm>> -> memref<1x79x128xi32, #tpu.memory_space<hbm>>
          %dma_wait3A_67 = tpu.memref_squeeze %dma_wait3A_66 : memref<1x79x128xi32, #tpu.memory_space<hbm>> -> memref<79x128xi32, #tpu.memory_space<hbm>>
          tpu.wait_dma2 semaphore(%run_scoped3A_53 : memref<!tpu.dma_semaphore, #tpu.memory_space<semaphore_mem>>) src(%dma_wait3A_67 : memref<79x128xi32, #tpu.memory_space<hbm>>) dst(%arg10 : memref<79x128xi32, #tpu.memory_space<vmem>>)
          tpu.yield
        }) : () -> ()
        %scan3A_46 = arith.constant 0 : i32
        %scan3A_47 = arith.constant 0 : i32
        %scan3A_48 = arith.constant 39 : i32
        %scan3A_49 = arith.addi %scan3A_47, %scan3A_48 : i32
        %scan3A_50 = arith.constant 1 : i32
        scf.for %scan3A_53 = %scan3A_47 to %scan3A_49 step %scan3A_50  : i32 {
          %mul3A_54 = arith.constant 2 : i32
          %mul3A_55 = arith.muli %mul3A_54, %scan3A_53 : i32
          %add3A_56 = arith.constant 1 : i32
          %add3A_57 = arith.addi %mul3A_55, %add3A_56 : i32
          %dma_start3A = arith.constant 0 : i32
          %dma_start3A_58 = tpu.memref_slice %arg10[%mul3A_55, %dma_start3A] : memref<79x128xi32, #tpu.memory_space<vmem>> -> memref<1x128xi32, #tpu.memory_space<vmem>>
          %dma_start3A_59 = tpu.memref_squeeze %dma_start3A_58 : memref<1x128xi32, #tpu.memory_space<vmem>> -> memref<128xi32, #tpu.memory_space<vmem>>
          %dma_start3A_60 = arith.constant 0 : i32
          %dma_start3A_61 = arith.constant 0 : i32
          %dma_start3A_62 = tpu.memref_slice %arg15[%dma_start3A_60, %dma_start3A_61] : memref<10240x32xf32, #tpu.memory_space<vmem_shared>> -> memref<10240x32xf32, #tpu.memory_space<vmem_shared>>
          tpu.enqueue_indirect_dma source(%arg11 : memref<128x32xf32, #tpu.memory_space<vmem>>) target(%dma_start3A_62 : memref<10240x32xf32, #tpu.memory_space<vmem_shared>>) offsets(%dma_start3A_59 : memref<128xi32, #tpu.memory_space<vmem>>) semaphore(%arg16 : memref<!tpu.dma_semaphore, #tpu.memory_space<semaphore_mem>>) {add = true}
          %dma_start3A_63 = arith.constant 0 : i32
          %dma_start3A_64 = tpu.memref_slice %arg10[%add3A_57, %dma_start3A_63] : memref<79x128xi32, #tpu.memory_space<vmem>> -> memref<1x128xi32, #tpu.memory_space<vmem>>
          %dma_start3A_65 = tpu.memref_squeeze %dma_start3A_64 : memref<1x128xi32, #tpu.memory_space<vmem>> -> memref<128xi32, #tpu.memory_space<vmem>>
          %dma_start3A_66 = arith.constant 0 : i32
          %dma_start3A_67 = arith.constant 0 : i32
          %dma_start3A_68 = tpu.memref_slice %arg15[%dma_start3A_66, %dma_start3A_67] : memref<10240x32xf32, #tpu.memory_space<vmem_shared>> -> memref<10240x32xf32, #tpu.memory_space<vmem_shared>>
          tpu.enqueue_indirect_dma source(%arg11 : memref<128x32xf32, #tpu.memory_space<vmem>>) target(%dma_start3A_68 : memref<10240x32xf32, #tpu.memory_space<vmem_shared>>) offsets(%dma_start3A_65 : memref<128xi32, #tpu.memory_space<vmem>>) semaphore(%arg17 : memref<!tpu.dma_semaphore, #tpu.memory_space<semaphore_mem>>) {add = true}
          %dma_wait3A = arith.constant 0 : i32
          %dma_wait3A_69 = tpu.memref_slice %arg10[%mul3A_55, %dma_wait3A] : memref<79x128xi32, #tpu.memory_space<vmem>> -> memref<1x128xi32, #tpu.memory_space<vmem>>
          %dma_wait3A_70 = tpu.memref_squeeze %dma_wait3A_69 : memref<1x128xi32, #tpu.memory_space<vmem>> -> memref<128xi32, #tpu.memory_space<vmem>>
          %dma_wait3A_71 = arith.constant 0 : i32
          %dma_wait3A_72 = arith.constant 0 : i32
          %dma_wait3A_73 = tpu.memref_slice %arg15[%dma_wait3A_71, %dma_wait3A_72] : memref<10240x32xf32, #tpu.memory_space<vmem_shared>> -> memref<10240x32xf32, #tpu.memory_space<vmem_shared>>
          tpu.wait_indirect_dma semaphore(%arg16 : memref<!tpu.dma_semaphore, #tpu.memory_space<semaphore_mem>>) src(%arg11 : memref<128x32xf32, #tpu.memory_space<vmem>>) dst(%dma_wait3A_73 : memref<10240x32xf32, #tpu.memory_space<vmem_shared>>)
          %dma_wait3A_74 = arith.constant 0 : i32
          %dma_wait3A_75 = tpu.memref_slice %arg10[%add3A_57, %dma_wait3A_74] : memref<79x128xi32, #tpu.memory_space<vmem>> -> memref<1x128xi32, #tpu.memory_space<vmem>>
          %dma_wait3A_76 = tpu.memref_squeeze %dma_wait3A_75 : memref<1x128xi32, #tpu.memory_space<vmem>> -> memref<128xi32, #tpu.memory_space<vmem>>
          %dma_wait3A_77 = arith.constant 0 : i32
          %dma_wait3A_78 = arith.constant 0 : i32
          %dma_wait3A_79 = tpu.memref_slice %arg15[%dma_wait3A_77, %dma_wait3A_78] : memref<10240x32xf32, #tpu.memory_space<vmem_shared>> -> memref<10240x32xf32, #tpu.memory_space<vmem_shared>>
          tpu.wait_indirect_dma semaphore(%arg17 : memref<!tpu.dma_semaphore, #tpu.memory_space<semaphore_mem>>) src(%arg11 : memref<128x32xf32, #tpu.memory_space<vmem>>) dst(%dma_wait3A_79 : memref<10240x32xf32, #tpu.memory_space<vmem_shared>>)
        }
        %scan3A_51 = arith.constant 39 : i32
        %run_scoped3A_52 = arith.constant 78 : i32
        "tpu.region"() ({
          %run_scoped3A_53 = tpu.sem_alloc : memref<!tpu.dma_semaphore, #tpu.memory_space<semaphore_mem>>
          %dma_start3A = arith.constant 0 : i32
          %dma_start3A_54 = tpu.memref_slice %arg10[%run_scoped3A_52, %dma_start3A] : memref<79x128xi32, #tpu.memory_space<vmem>> -> memref<1x128xi32, #tpu.memory_space<vmem>>
          %dma_start3A_55 = tpu.memref_squeeze %dma_start3A_54 : memref<1x128xi32, #tpu.memory_space<vmem>> -> memref<128xi32, #tpu.memory_space<vmem>>
          %dma_start3A_56 = arith.constant 0 : i32
          %dma_start3A_57 = arith.constant 0 : i32
          %dma_start3A_58 = tpu.memref_slice %arg15[%dma_start3A_56, %dma_start3A_57] : memref<10240x32xf32, #tpu.memory_space<vmem_shared>> -> memref<10240x32xf32, #tpu.memory_space<vmem_shared>>
          tpu.enqueue_indirect_dma source(%arg11 : memref<128x32xf32, #tpu.memory_space<vmem>>) target(%dma_start3A_58 : memref<10240x32xf32, #tpu.memory_space<vmem_shared>>) offsets(%dma_start3A_55 : memref<128xi32, #tpu.memory_space<vmem>>) semaphore(%run_scoped3A_53 : memref<!tpu.dma_semaphore, #tpu.memory_space<semaphore_mem>>) {add = true}
          %dma_wait3A = arith.constant 0 : i32
          %dma_wait3A_59 = tpu.memref_slice %arg10[%run_scoped3A_52, %dma_wait3A] : memref<79x128xi32, #tpu.memory_space<vmem>> -> memref<1x128xi32, #tpu.memory_space<vmem>>
          %dma_wait3A_60 = tpu.memref_squeeze %dma_wait3A_59 : memref<1x128xi32, #tpu.memory_space<vmem>> -> memref<128xi32, #tpu.memory_space<vmem>>
          %dma_wait3A_61 = arith.constant 0 : i32
          %dma_wait3A_62 = arith.constant 0 : i32
          %dma_wait3A_63 = tpu.memref_slice %arg15[%dma_wait3A_61, %dma_wait3A_62] : memref<10240x32xf32, #tpu.memory_space<vmem_shared>> -> memref<10240x32xf32, #tpu.memory_space<vmem_shared>>
          tpu.wait_indirect_dma semaphore(%run_scoped3A_53 : memref<!tpu.dma_semaphore, #tpu.memory_space<semaphore_mem>>) src(%arg11 : memref<128x32xf32, #tpu.memory_space<vmem>>) dst(%dma_wait3A_63 : memref<10240x32xf32, #tpu.memory_space<vmem_shared>>)
          tpu.yield
        }) : () -> ()
      } else {
      }
    } else {
    }
    %barrier3A_21 = arith.constant 0 : index
    tpu.barrier barrier_id(%barrier3A_21)
    %add3A_22 = arith.constant 0 : i32
    %add3A_23 = arith.addi %mul3A_2, %add3A_22 : i32
    "tpu.region"() ({
      %run_scoped3A = tpu.sem_alloc : memref<!tpu.dma_semaphore, #tpu.memory_space<semaphore_mem>>
      %dma_start3A = arith.constant 0 : i32
      %dma_start3A_30 = tpu.memref_slice %arg15[%add3A_23, %dma_start3A] : memref<10240x32xf32, #tpu.memory_space<vmem_shared>> -> memref<160x32xf32, #tpu.memory_space<vmem_shared>>
      %dma_start3A_31 = arith.constant 0 : i32
      %dma_start3A_32 = tpu.memref_slice %arg15[%add3A_23, %dma_start3A_31] : memref<10240x32xf32, #tpu.memory_space<vmem_shared>> -> memref<160x32xf32, #tpu.memory_space<vmem_shared>>
      tpu.enqueue_dma source(%dma_start3A_32 : memref<160x32xf32, #tpu.memory_space<vmem_shared>>) target(%arg13 : memref<160x32xf32, #tpu.memory_space<vmem>>) target_semaphore(%run_scoped3A : memref<!tpu.dma_semaphore, #tpu.memory_space<semaphore_mem>>)
      %dma_wait3A = arith.constant 0 : i32
      %dma_wait3A_33 = tpu.memref_slice %arg15[%add3A_23, %dma_wait3A] : memref<10240x32xf32, #tpu.memory_space<vmem_shared>> -> memref<160x32xf32, #tpu.memory_space<vmem_shared>>
      %dma_wait3A_34 = arith.constant 0 : i32
      %dma_wait3A_35 = tpu.memref_slice %arg15[%add3A_23, %dma_wait3A_34] : memref<10240x32xf32, #tpu.memory_space<vmem_shared>> -> memref<160x32xf32, #tpu.memory_space<vmem_shared>>
      tpu.wait_dma2 semaphore(%run_scoped3A : memref<!tpu.dma_semaphore, #tpu.memory_space<semaphore_mem>>) src(%dma_wait3A_35 : memref<160x32xf32, #tpu.memory_space<vmem_shared>>) dst(%arg13 : memref<160x32xf32, #tpu.memory_space<vmem>>)
      tpu.yield
    }) : () -> ()
    "tpu.region"() ({
      %run_scoped3A = tpu.sem_alloc : memref<!tpu.dma_semaphore, #tpu.memory_space<semaphore_mem>>
      %dma_start3A = arith.constant 0 : i32
      %dma_start3A_30 = tpu.memref_slice %arg8[%arg0, %add3A_23, %dma_start3A] : memref<2x10240x32xf32, #tpu.memory_space<hbm>> -> memref<1x160x32xf32, #tpu.memory_space<hbm>>
      %dma_start3A_31 = tpu.memref_squeeze %dma_start3A_30 : memref<1x160x32xf32, #tpu.memory_space<hbm>> -> memref<160x32xf32, #tpu.memory_space<hbm>>
      %dma_start3A_32 = arith.constant 0 : i32
      %dma_start3A_33 = tpu.memref_slice %arg8[%arg0, %add3A_23, %dma_start3A_32] : memref<2x10240x32xf32, #tpu.memory_space<hbm>> -> memref<1x160x32xf32, #tpu.memory_space<hbm>>
      %dma_start3A_34 = tpu.memref_squeeze %dma_start3A_33 : memref<1x160x32xf32, #tpu.memory_space<hbm>> -> memref<160x32xf32, #tpu.memory_space<hbm>>
      tpu.enqueue_dma source(%arg13 : memref<160x32xf32, #tpu.memory_space<vmem>>) target(%dma_start3A_34 : memref<160x32xf32, #tpu.memory_space<hbm>>) target_semaphore(%run_scoped3A : memref<!tpu.dma_semaphore, #tpu.memory_space<semaphore_mem>>)
      %dma_wait3A = arith.constant 0 : i32
      %dma_wait3A_35 = tpu.memref_slice %arg8[%arg0, %add3A_23, %dma_wait3A] : memref<2x10240x32xf32, #tpu.memory_space<hbm>> -> memref<1x160x32xf32, #tpu.memory_space<hbm>>
      %dma_wait3A_36 = tpu.memref_squeeze %dma_wait3A_35 : memref<1x160x32xf32, #tpu.memory_space<hbm>> -> memref<160x32xf32, #tpu.memory_space<hbm>>
      %dma_wait3A_37 = arith.constant 0 : i32
      %dma_wait3A_38 = tpu.memref_slice %arg8[%arg0, %add3A_23, %dma_wait3A_37] : memref<2x10240x32xf32, #tpu.memory_space<hbm>> -> memref<1x160x32xf32, #tpu.memory_space<hbm>>
      %dma_wait3A_39 = tpu.memref_squeeze %dma_wait3A_38 : memref<1x160x32xf32, #tpu.memory_space<hbm>> -> memref<160x32xf32, #tpu.memory_space<hbm>>
      tpu.wait_dma2 semaphore(%run_scoped3A : memref<!tpu.dma_semaphore, #tpu.memory_space<semaphore_mem>>) src(%arg13 : memref<160x32xf32, #tpu.memory_space<vmem>>) dst(%dma_wait3A_39 : memref<160x32xf32, #tpu.memory_space<hbm>>)
      tpu.yield
    }) : () -> ()
    %add3A_24 = arith.constant 160 : i32
    %add3A_25 = arith.addi %mul3A_2, %add3A_24 : i32
    "tpu.region"() ({
      %run_scoped3A = tpu.sem_alloc : memref<!tpu.dma_semaphore, #tpu.memory_space<semaphore_mem>>
      %dma_start3A = arith.constant 0 : i32
      %dma_start3A_30 = tpu.memref_slice %arg15[%add3A_25, %dma_start3A] : memref<10240x32xf32, #tpu.memory_space<vmem_shared>> -> memref<160x32xf32, #tpu.memory_space<vmem_shared>>
      %dma_start3A_31 = arith.constant 0 : i32
      %dma_start3A_32 = tpu.memref_slice %arg15[%add3A_25, %dma_start3A_31] : memref<10240x32xf32, #tpu.memory_space<vmem_shared>> -> memref<160x32xf32, #tpu.memory_space<vmem_shared>>
      tpu.enqueue_dma source(%dma_start3A_32 : memref<160x32xf32, #tpu.memory_space<vmem_shared>>) target(%arg13 : memref<160x32xf32, #tpu.memory_space<vmem>>) target_semaphore(%run_scoped3A : memref<!tpu.dma_semaphore, #tpu.memory_space<semaphore_mem>>)
      %dma_wait3A = arith.constant 0 : i32
      %dma_wait3A_33 = tpu.memref_slice %arg15[%add3A_25, %dma_wait3A] : memref<10240x32xf32, #tpu.memory_space<vmem_shared>> -> memref<160x32xf32, #tpu.memory_space<vmem_shared>>
      %dma_wait3A_34 = arith.constant 0 : i32
      %dma_wait3A_35 = tpu.memref_slice %arg15[%add3A_25, %dma_wait3A_34] : memref<10240x32xf32, #tpu.memory_space<vmem_shared>> -> memref<160x32xf32, #tpu.memory_space<vmem_shared>>
      tpu.wait_dma2 semaphore(%run_scoped3A : memref<!tpu.dma_semaphore, #tpu.memory_space<semaphore_mem>>) src(%dma_wait3A_35 : memref<160x32xf32, #tpu.memory_space<vmem_shared>>) dst(%arg13 : memref<160x32xf32, #tpu.memory_space<vmem>>)
      tpu.yield
    }) : () -> ()
    "tpu.region"() ({
      %run_scoped3A = tpu.sem_alloc : memref<!tpu.dma_semaphore, #tpu.memory_space<semaphore_mem>>
      %dma_start3A = arith.constant 0 : i32
      %dma_start3A_30 = tpu.memref_slice %arg8[%arg0, %add3A_25, %dma_start3A] : memref<2x10240x32xf32, #tpu.memory_space<hbm>> -> memref<1x160x32xf32, #tpu.memory_space<hbm>>
      %dma_start3A_31 = tpu.memref_squeeze %dma_start3A_30 : memref<1x160x32xf32, #tpu.memory_space<hbm>> -> memref<160x32xf32, #tpu.memory_space<hbm>>
      %dma_start3A_32 = arith.constant 0 : i32
      %dma_start3A_33 = tpu.memref_slice %arg8[%arg0, %add3A_25, %dma_start3A_32] : memref<2x10240x32xf32, #tpu.memory_space<hbm>> -> memref<1x160x32xf32, #tpu.memory_space<hbm>>
      %dma_start3A_34 = tpu.memref_squeeze %dma_start3A_33 : memref<1x160x32xf32, #tpu.memory_space<hbm>> -> memref<160x32xf32, #tpu.memory_space<hbm>>
      tpu.enqueue_dma source(%arg13 : memref<160x32xf32, #tpu.memory_space<vmem>>) target(%dma_start3A_34 : memref<160x32xf32, #tpu.memory_space<hbm>>) target_semaphore(%run_scoped3A : memref<!tpu.dma_semaphore, #tpu.memory_space<semaphore_mem>>)
      %dma_wait3A = arith.constant 0 : i32
      %dma_wait3A_35 = tpu.memref_slice %arg8[%arg0, %add3A_25, %dma_wait3A] : memref<2x10240x32xf32, #tpu.memory_space<hbm>> -> memref<1x160x32xf32, #tpu.memory_space<hbm>>
      %dma_wait3A_36 = tpu.memref_squeeze %dma_wait3A_35 : memref<1x160x32xf32, #tpu.memory_space<hbm>> -> memref<160x32xf32, #tpu.memory_space<hbm>>
      %dma_wait3A_37 = arith.constant 0 : i32
      %dma_wait3A_38 = tpu.memref_slice %arg8[%arg0, %add3A_25, %dma_wait3A_37] : memref<2x10240x32xf32, #tpu.memory_space<hbm>> -> memref<1x160x32xf32, #tpu.memory_space<hbm>>
      %dma_wait3A_39 = tpu.memref_squeeze %dma_wait3A_38 : memref<1x160x32xf32, #tpu.memory_space<hbm>> -> memref<160x32xf32, #tpu.memory_space<hbm>>
      tpu.wait_dma2 semaphore(%run_scoped3A : memref<!tpu.dma_semaphore, #tpu.memory_space<semaphore_mem>>) src(%arg13 : memref<160x32xf32, #tpu.memory_space<vmem>>) dst(%dma_wait3A_39 : memref<160x32xf32, #tpu.memory_space<hbm>>)
      tpu.yield
    }) : () -> ()
    %add3A_26 = arith.constant 320 : i32
    %add3A_27 = arith.addi %mul3A_2, %add3A_26 : i32
    "tpu.region"() ({
      %run_scoped3A = tpu.sem_alloc : memref<!tpu.dma_semaphore, #tpu.memory_space<semaphore_mem>>
      %dma_start3A = arith.constant 0 : i32
      %dma_start3A_30 = tpu.memref_slice %arg15[%add3A_27, %dma_start3A] : memref<10240x32xf32, #tpu.memory_space<vmem_shared>> -> memref<160x32xf32, #tpu.memory_space<vmem_shared>>
      %dma_start3A_31 = arith.constant 0 : i32
      %dma_start3A_32 = tpu.memref_slice %arg15[%add3A_27, %dma_start3A_31] : memref<10240x32xf32, #tpu.memory_space<vmem_shared>> -> memref<160x32xf32, #tpu.memory_space<vmem_shared>>
      tpu.enqueue_dma source(%dma_start3A_32 : memref<160x32xf32, #tpu.memory_space<vmem_shared>>) target(%arg13 : memref<160x32xf32, #tpu.memory_space<vmem>>) target_semaphore(%run_scoped3A : memref<!tpu.dma_semaphore, #tpu.memory_space<semaphore_mem>>)
      %dma_wait3A = arith.constant 0 : i32
      %dma_wait3A_33 = tpu.memref_slice %arg15[%add3A_27, %dma_wait3A] : memref<10240x32xf32, #tpu.memory_space<vmem_shared>> -> memref<160x32xf32, #tpu.memory_space<vmem_shared>>
      %dma_wait3A_34 = arith.constant 0 : i32
      %dma_wait3A_35 = tpu.memref_slice %arg15[%add3A_27, %dma_wait3A_34] : memref<10240x32xf32, #tpu.memory_space<vmem_shared>> -> memref<160x32xf32, #tpu.memory_space<vmem_shared>>
      tpu.wait_dma2 semaphore(%run_scoped3A : memref<!tpu.dma_semaphore, #tpu.memory_space<semaphore_mem>>) src(%dma_wait3A_35 : memref<160x32xf32, #tpu.memory_space<vmem_shared>>) dst(%arg13 : memref<160x32xf32, #tpu.memory_space<vmem>>)
      tpu.yield
    }) : () -> ()
    "tpu.region"() ({
      %run_scoped3A = tpu.sem_alloc : memref<!tpu.dma_semaphore, #tpu.memory_space<semaphore_mem>>
      %dma_start3A = arith.constant 0 : i32
      %dma_start3A_30 = tpu.memref_slice %arg8[%arg0, %add3A_27, %dma_start3A] : memref<2x10240x32xf32, #tpu.memory_space<hbm>> -> memref<1x160x32xf32, #tpu.memory_space<hbm>>
      %dma_start3A_31 = tpu.memref_squeeze %dma_start3A_30 : memref<1x160x32xf32, #tpu.memory_space<hbm>> -> memref<160x32xf32, #tpu.memory_space<hbm>>
      %dma_start3A_32 = arith.constant 0 : i32
      %dma_start3A_33 = tpu.memref_slice %arg8[%arg0, %add3A_27, %dma_start3A_32] : memref<2x10240x32xf32, #tpu.memory_space<hbm>> -> memref<1x160x32xf32, #tpu.memory_space<hbm>>
      %dma_start3A_34 = tpu.memref_squeeze %dma_start3A_33 : memref<1x160x32xf32, #tpu.memory_space<hbm>> -> memref<160x32xf32, #tpu.memory_space<hbm>>
      tpu.enqueue_dma source(%arg13 : memref<160x32xf32, #tpu.memory_space<vmem>>) target(%dma_start3A_34 : memref<160x32xf32, #tpu.memory_space<hbm>>) target_semaphore(%run_scoped3A : memref<!tpu.dma_semaphore, #tpu.memory_space<semaphore_mem>>)
      %dma_wait3A = arith.constant 0 : i32
      %dma_wait3A_35 = tpu.memref_slice %arg8[%arg0, %add3A_27, %dma_wait3A] : memref<2x10240x32xf32, #tpu.memory_space<hbm>> -> memref<1x160x32xf32, #tpu.memory_space<hbm>>
      %dma_wait3A_36 = tpu.memref_squeeze %dma_wait3A_35 : memref<1x160x32xf32, #tpu.memory_space<hbm>> -> memref<160x32xf32, #tpu.memory_space<hbm>>
      %dma_wait3A_37 = arith.constant 0 : i32
      %dma_wait3A_38 = tpu.memref_slice %arg8[%arg0, %add3A_27, %dma_wait3A_37] : memref<2x10240x32xf32, #tpu.memory_space<hbm>> -> memref<1x160x32xf32, #tpu.memory_space<hbm>>
      %dma_wait3A_39 = tpu.memref_squeeze %dma_wait3A_38 : memref<1x160x32xf32, #tpu.memory_space<hbm>> -> memref<160x32xf32, #tpu.memory_space<hbm>>
      tpu.wait_dma2 semaphore(%run_scoped3A : memref<!tpu.dma_semaphore, #tpu.memory_space<semaphore_mem>>) src(%arg13 : memref<160x32xf32, #tpu.memory_space<vmem>>) dst(%dma_wait3A_39 : memref<160x32xf32, #tpu.memory_space<hbm>>)
      tpu.yield
    }) : () -> ()
    %add3A_28 = arith.constant 480 : i32
    %add3A_29 = arith.addi %mul3A_2, %add3A_28 : i32
    "tpu.region"() ({
      %run_scoped3A = tpu.sem_alloc : memref<!tpu.dma_semaphore, #tpu.memory_space<semaphore_mem>>
      %dma_start3A = arith.constant 0 : i32
      %dma_start3A_30 = tpu.memref_slice %arg15[%add3A_29, %dma_start3A] : memref<10240x32xf32, #tpu.memory_space<vmem_shared>> -> memref<160x32xf32, #tpu.memory_space<vmem_shared>>
      %dma_start3A_31 = arith.constant 0 : i32
      %dma_start3A_32 = tpu.memref_slice %arg15[%add3A_29, %dma_start3A_31] : memref<10240x32xf32, #tpu.memory_space<vmem_shared>> -> memref<160x32xf32, #tpu.memory_space<vmem_shared>>
      tpu.enqueue_dma source(%dma_start3A_32 : memref<160x32xf32, #tpu.memory_space<vmem_shared>>) target(%arg13 : memref<160x32xf32, #tpu.memory_space<vmem>>) target_semaphore(%run_scoped3A : memref<!tpu.dma_semaphore, #tpu.memory_space<semaphore_mem>>)
      %dma_wait3A = arith.constant 0 : i32
      %dma_wait3A_33 = tpu.memref_slice %arg15[%add3A_29, %dma_wait3A] : memref<10240x32xf32, #tpu.memory_space<vmem_shared>> -> memref<160x32xf32, #tpu.memory_space<vmem_shared>>
      %dma_wait3A_34 = arith.constant 0 : i32
      %dma_wait3A_35 = tpu.memref_slice %arg15[%add3A_29, %dma_wait3A_34] : memref<10240x32xf32, #tpu.memory_space<vmem_shared>> -> memref<160x32xf32, #tpu.memory_space<vmem_shared>>
      tpu.wait_dma2 semaphore(%run_scoped3A : memref<!tpu.dma_semaphore, #tpu.memory_space<semaphore_mem>>) src(%dma_wait3A_35 : memref<160x32xf32, #tpu.memory_space<vmem_shared>>) dst(%arg13 : memref<160x32xf32, #tpu.memory_space<vmem>>)
      tpu.yield
    }) : () -> ()
    "tpu.region"() ({
      %run_scoped3A = tpu.sem_alloc : memref<!tpu.dma_semaphore, #tpu.memory_space<semaphore_mem>>
      %dma_start3A = arith.constant 0 : i32
      %dma_start3A_30 = tpu.memref_slice %arg8[%arg0, %add3A_29, %dma_start3A] : memref<2x10240x32xf32, #tpu.memory_space<hbm>> -> memref<1x160x32xf32, #tpu.memory_space<hbm>>
      %dma_start3A_31 = tpu.memref_squeeze %dma_start3A_30 : memref<1x160x32xf32, #tpu.memory_space<hbm>> -> memref<160x32xf32, #tpu.memory_space<hbm>>
      %dma_start3A_32 = arith.constant 0 : i32
      %dma_start3A_33 = tpu.memref_slice %arg8[%arg0, %add3A_29, %dma_start3A_32] : memref<2x10240x32xf32, #tpu.memory_space<hbm>> -> memref<1x160x32xf32, #tpu.memory_space<hbm>>
      %dma_start3A_34 = tpu.memref_squeeze %dma_start3A_33 : memref<1x160x32xf32, #tpu.memory_space<hbm>> -> memref<160x32xf32, #tpu.memory_space<hbm>>
      tpu.enqueue_dma source(%arg13 : memref<160x32xf32, #tpu.memory_space<vmem>>) target(%dma_start3A_34 : memref<160x32xf32, #tpu.memory_space<hbm>>) target_semaphore(%run_scoped3A : memref<!tpu.dma_semaphore, #tpu.memory_space<semaphore_mem>>)
      %dma_wait3A = arith.constant 0 : i32
      %dma_wait3A_35 = tpu.memref_slice %arg8[%arg0, %add3A_29, %dma_wait3A] : memref<2x10240x32xf32, #tpu.memory_space<hbm>> -> memref<1x160x32xf32, #tpu.memory_space<hbm>>
      %dma_wait3A_36 = tpu.memref_squeeze %dma_wait3A_35 : memref<1x160x32xf32, #tpu.memory_space<hbm>> -> memref<160x32xf32, #tpu.memory_space<hbm>>
      %dma_wait3A_37 = arith.constant 0 : i32
      %dma_wait3A_38 = tpu.memref_slice %arg8[%arg0, %add3A_29, %dma_wait3A_37] : memref<2x10240x32xf32, #tpu.memory_space<hbm>> -> memref<1x160x32xf32, #tpu.memory_space<hbm>>
      %dma_wait3A_39 = tpu.memref_squeeze %dma_wait3A_38 : memref<1x160x32xf32, #tpu.memory_space<hbm>> -> memref<160x32xf32, #tpu.memory_space<hbm>>
      tpu.wait_dma2 semaphore(%run_scoped3A : memref<!tpu.dma_semaphore, #tpu.memory_space<semaphore_mem>>) src(%arg13 : memref<160x32xf32, #tpu.memory_space<vmem>>) dst(%dma_wait3A_39 : memref<160x32xf32, #tpu.memory_space<hbm>>)
      tpu.yield
    }) : () -> ()
    return
  }
}

module attributes {stable_mosaic.version = 14 : i64} {
  func.func @_tc1_body(%arg0: i32, %arg1: memref<1000x128xf32, #tpu.memory_space<vmem>>, %arg2: memref<128x32xf32, #tpu.memory_space<vmem>>, %arg3: memref<1000x32xf32, #tpu.memory_space<vmem>>) attributes {dimension_semantics = [#tpu.dimension_semantics<arbitrary>], iteration_bounds = array<i64: 10>, scalar_prefetch = 0 : i64, scratch_operands = 0 : i64, tpu.core_type = #tpu.core_type<tc>, window_params = [{transform_indices = @transform_0, window_bounds = array<i64: 1000, 128>}, {pipeline_mode = #tpu.pipeline_mode<synchronous>, transform_indices = @transform_1, window_bounds = array<i64: 128, 32>}, {transform_indices = @transform_2, window_bounds = array<i64: 1000, 32>}]} {
    %get3A = arith.constant 0 : index
    %get3A_0 = arith.constant 0 : index
    %get3A_1 = vector.load %arg1[%get3A, %get3A_0] : memref<1000x128xf32, #tpu.memory_space<vmem>>, vector<1000x128xf32>
    %get3A_2 = arith.constant 0 : index
    %get3A_3 = arith.constant 0 : index
    %get3A_4 = vector.load %arg2[%get3A_2, %get3A_3] : memref<128x32xf32, #tpu.memory_space<vmem>>, vector<128x32xf32>
    %dot_general3A = arith.constant dense<0.000000e+00> : vector<1000x32xf32>
    %dot_general3A_5 = tpu.matmul %get3A_1, %get3A_4, %dot_general3A {dimension_numbers = #tpu.dot_dimension_numbers<[1], [0], [0], [1], [0, 0, 1, 1], [], []>, transpose_lhs_hint = false} : vector<1000x128xf32>, vector<128x32xf32>, vector<1000x32xf32> -> vector<1000x32xf32>
    %swap3A = arith.constant 0 : index
    %swap3A_6 = arith.constant 0 : index
    %swap3A_7 = vector.load %arg3[%swap3A, %swap3A_6] : memref<1000x32xf32, #tpu.memory_space<vmem>>, vector<1000x32xf32>
    tpu.vector_store %arg3[%swap3A, %swap3A_6], %dot_general3A_5 {strides = array<i32>} : memref<1000x32xf32, #tpu.memory_space<vmem>>, vector<1000x32xf32>,
    return
  }
  func.func @transform_0(%arg0: i32) -> (i32, i32) {
    %c0_i32 = arith.constant 0 : i32
    %c0_i32_0 = arith.constant 0 : i32
    return %arg0, %c0_i32 : i32, i32
  }
  func.func @transform_1(%arg0: i32) -> (i32, i32) {
    %c0_i32 = arith.constant 0 : i32
    %c0_i32_0 = arith.constant 0 : i32
    %c0_i32_1 = arith.constant 0 : i32
    return %c0_i32, %c0_i32_0 : i32, i32
  }
  func.func @transform_2(%arg0: i32) -> (i32, i32) {
    %c0_i32 = arith.constant 0 : i32
    %c0_i32_0 = arith.constant 0 : i32
    return %arg0, %c0_i32 : i32, i32
  }
}

module attributes {stable_mosaic.version = 14 : i64} {
  func.func @_tcs_body(%arg0: i32, %arg1: memref<512x128xf32, #tpu.memory_space<vmem>>, %arg2: memref<1x512x128xf32, #tpu.memory_space<vmem>>, %arg3: memref<512x128xf32, #tpu.memory_space<vmem>>) attributes {dimension_semantics = [#tpu.dimension_semantics<arbitrary>], iteration_bounds = array<i64: 5>, scalar_prefetch = 0 : i64, scratch_operands = 0 : i64, tpu.core_type = #tpu.core_type<tc>, window_params = [{transform_indices = @transform_0, window_bounds = array<i64: 512, 128>}, {transform_indices = @transform_1, window_bounds = array<i64: 1, 512, 128>}, {transform_indices = @transform_2, window_bounds = array<i64: 512, 128>}]} {
    %get3A = arith.constant 0 : index
    %get3A_0 = arith.constant 0 : index
    %get3A_1 = vector.load %arg1[%get3A, %get3A_0] : memref<512x128xf32, #tpu.memory_space<vmem>>, vector<512x128xf32>
    %get3A_2 = arith.constant 0 : index
    %get3A_3 = arith.constant 0 : index
    %get3A_4 = arith.constant 0 : index
    %get3A_5 = vector.load %arg2[%get3A_2, %get3A_3, %get3A_4] : memref<1x512x128xf32, #tpu.memory_space<vmem>>, vector<1x512x128xf32>
    %squeeze3A = vector.shape_cast %get3A_5 : vector<1x512x128xf32> to vector<512x128xf32>
    %gt3A = arith.constant 0.000000e+00 : f32
    %gt3A_6 = vector.broadcast %gt3A : f32 to vector<512x128xf32>
    %gt3A_7 = arith.cmpf ogt, %squeeze3A, %gt3A_6 : vector<512x128xf32>
    %max3A = arith.constant 1.000000e+00 : f32
    %max3A_8 = vector.broadcast %max3A : f32 to vector<512x128xf32>
    %max3A_9 = arith.maximumf %squeeze3A, %max3A_8 : vector<512x128xf32>
    %rsqrt3A = math.rsqrt %max3A_9 : vector<512x128xf32>
    %jit3A = arith.constant 0.000000e+00 : f32
    %broadcast_in_dim3A = vector.broadcast %jit3A : f32 to vector<512x128xf32>
    %select_n3A = arith.select %gt3A_7, %rsqrt3A, %broadcast_in_dim3A : vector<512x128xi1>, vector<512x128xf32>
    %mul3A = arith.mulf %get3A_1, %select_n3A : vector<512x128xf32>
    %swap3A = arith.constant 0 : index
    %swap3A_10 = arith.constant 0 : index
    %swap3A_11 = vector.load %arg3[%swap3A, %swap3A_10] : memref<512x128xf32, #tpu.memory_space<vmem>>, vector<512x128xf32>
    tpu.vector_store %arg3[%swap3A, %swap3A_10], %mul3A {strides = array<i32>} : memref<512x128xf32, #tpu.memory_space<vmem>>, vector<512x128xf32>,
    return
  }
  func.func @transform_0(%arg0: i32) -> (i32, i32) {
    %c0_i32 = arith.constant 0 : i32
    %c0_i32_0 = arith.constant 0 : i32
    return %arg0, %c0_i32 : i32, i32
  }
  func.func @transform_1(%arg0: i32) -> (i32, i32, i32) {
    %c1_i32 = arith.constant 1 : i32
    %c0_i32 = arith.constant 0 : i32
    %c0_i32_0 = arith.constant 0 : i32
    return %c1_i32, %arg0, %c0_i32 : i32, i32, i32
  }
  func.func @transform_2(%arg0: i32) -> (i32, i32) {
    %c0_i32 = arith.constant 0 : i32
    %c0_i32_0 = arith.constant 0 : i32
    return %arg0, %c0_i32 : i32, i32
  }
}

module attributes {stable_mosaic.version = 14 : i64} {
  func.func @_tc2_body(%arg0: i32, %arg1: memref<2x512x128xf32, #tpu.memory_space<vmem>>, %arg2: memref<1x512x128xf32, #tpu.memory_space<vmem>>, %arg3: memref<1x512x128xf32, #tpu.memory_space<vmem>>, %arg4: memref<1x128xf32, #tpu.memory_space<vmem>>, %arg5: memref<128x128xf32, #tpu.memory_space<vmem>>, %arg6: memref<512x128xf32, #tpu.memory_space<vmem>>) attributes {dimension_semantics = [#tpu.dimension_semantics<arbitrary>], iteration_bounds = array<i64: 5>, scalar_prefetch = 0 : i64, scratch_operands = 0 : i64, tpu.core_type = #tpu.core_type<tc>, window_params = [{transform_indices = @transform_0, window_bounds = array<i64: 2, 512, 128>}, {transform_indices = @transform_1, window_bounds = array<i64: 1, 512, 128>}, {transform_indices = @transform_2, window_bounds = array<i64: 1, 512, 128>}, {pipeline_mode = #tpu.pipeline_mode<synchronous>, transform_indices = @transform_3, window_bounds = array<i64: 1, 128>}, {pipeline_mode = #tpu.pipeline_mode<synchronous>, transform_indices = @transform_4, window_bounds = array<i64: 128, 128>}, {transform_indices = @transform_5, window_bounds = array<i64: 512, 128>}]} {
    %get3A = arith.constant 0 : index
    %get3A_0 = arith.constant 0 : index
    %get3A_1 = arith.constant 0 : index
    %get3A_2 = vector.load %arg1[%get3A, %get3A_0, %get3A_1] : memref<2x512x128xf32, #tpu.memory_space<vmem>>, vector<2x512x128xf32>
    %get3A_3 = arith.constant 0 : index
    %get3A_4 = arith.constant 0 : index
    %get3A_5 = arith.constant 0 : index
    %get3A_6 = vector.load %arg2[%get3A_3, %get3A_4, %get3A_5] : memref<1x512x128xf32, #tpu.memory_space<vmem>>, vector<1x512x128xf32>
    %squeeze3A = vector.shape_cast %get3A_6 : vector<1x512x128xf32> to vector<512x128xf32>
    %gt3A = arith.constant 0.000000e+00 : f32
    %gt3A_7 = vector.broadcast %gt3A : f32 to vector<512x128xf32>
    %gt3A_8 = arith.cmpf ogt, %squeeze3A, %gt3A_7 : vector<512x128xf32>
    %max3A = arith.constant 1.000000e+00 : f32
    %max3A_9 = vector.broadcast %max3A : f32 to vector<512x128xf32>
    %max3A_10 = arith.maximumf %squeeze3A, %max3A_9 : vector<512x128xf32>
    %rsqrt3A = math.rsqrt %max3A_10 : vector<512x128xf32>
    %jit3A = arith.constant 0.000000e+00 : f32
    %broadcast_in_dim3A = vector.broadcast %jit3A : f32 to vector<512x128xf32>
    %select_n3A = arith.select %gt3A_8, %rsqrt3A, %broadcast_in_dim3A : vector<512x128xi1>, vector<512x128xf32>
    %get3A_11 = arith.constant 0 : index
    %get3A_12 = arith.constant 0 : index
    %get3A_13 = arith.constant 0 : index
    %get3A_14 = vector.load %arg3[%get3A_11, %get3A_12, %get3A_13] : memref<1x512x128xf32, #tpu.memory_space<vmem>>, vector<1x512x128xf32>
    %squeeze3A_15 = vector.shape_cast %get3A_14 : vector<1x512x128xf32> to vector<512x128xf32>
    %gt3A_16 = arith.constant 0.000000e+00 : f32
    %gt3A_17 = vector.broadcast %gt3A_16 : f32 to vector<512x128xf32>
    %gt3A_18 = arith.cmpf ogt, %squeeze3A_15, %gt3A_17 : vector<512x128xf32>
    %max3A_19 = arith.constant 1.000000e+00 : f32
    %max3A_20 = vector.broadcast %max3A_19 : f32 to vector<512x128xf32>
    %max3A_21 = arith.maximumf %squeeze3A_15, %max3A_20 : vector<512x128xf32>
    %rsqrt3A_22 = math.rsqrt %max3A_21 : vector<512x128xf32>
    %jit3A_23 = arith.constant 0.000000e+00 : f32
    %broadcast_in_dim3A_24 = vector.broadcast %jit3A_23 : f32 to vector<512x128xf32>
    %select_n3A_25 = arith.select %gt3A_18, %rsqrt3A_22, %broadcast_in_dim3A_24 : vector<512x128xi1>, vector<512x128xf32>
    %slice3A = vector.extract_strided_slice %get3A_2 {offsets = [0, 0, 0], sizes = [1, 512, 128], strides = [1, 1, 1]} : vector<2x512x128xf32> to vector<1x512x128xf32>
    %squeeze3A_26 = vector.shape_cast %slice3A : vector<1x512x128xf32> to vector<512x128xf32>
    %slice3A_27 = vector.extract_strided_slice %get3A_2 {offsets = [1, 0, 0], sizes = [1, 512, 128], strides = [1, 1, 1]} : vector<2x512x128xf32> to vector<1x512x128xf32>
    %squeeze3A_28 = vector.shape_cast %slice3A_27 : vector<1x512x128xf32> to vector<512x128xf32>
    %add3A = arith.addf %squeeze3A_26, %squeeze3A_28 : vector<512x128xf32>
    %mul3A = arith.mulf %add3A, %select_n3A : vector<512x128xf32>
    %get3A_29 = arith.constant 0 : index
    %get3A_30 = arith.constant 0 : index
    %get3A_31 = vector.load %arg4[%get3A_29, %get3A_30] : memref<1x128xf32, #tpu.memory_space<vmem>>, vector<1x128xf32>
    %add3A_32 = vector.broadcast %get3A_31 : vector<1x128xf32> to vector<512x128xf32>
    %add3A_33 = arith.addf %mul3A, %add3A_32 : vector<512x128xf32>
    %max3A_34 = arith.constant 0.000000e+00 : f32
    %max3A_35 = vector.broadcast %max3A_34 : f32 to vector<512x128xf32>
    %max3A_36 = arith.maximumf %add3A_33, %max3A_35 : vector<512x128xf32>
    %mul3A_37 = arith.mulf %max3A_36, %select_n3A_25 : vector<512x128xf32>
    %get3A_38 = arith.constant 0 : index
    %get3A_39 = arith.constant 0 : index
    %get3A_40 = vector.load %arg5[%get3A_38, %get3A_39] : memref<128x128xf32, #tpu.memory_space<vmem>>, vector<128x128xf32>
    %dot_general3A = arith.constant dense<0.000000e+00> : vector<512x128xf32>
    %dot_general3A_41 = tpu.matmul %mul3A_37, %get3A_40, %dot_general3A {dimension_numbers = #tpu.dot_dimension_numbers<[1], [0], [0], [1], [0, 0, 1, 1], [], []>, transpose_lhs_hint = false} : vector<512x128xf32>, vector<128x128xf32>, vector<512x128xf32> -> vector<512x128xf32>
    %swap3A = arith.constant 0 : index
    %swap3A_42 = arith.constant 0 : index
    %swap3A_43 = vector.load %arg6[%swap3A, %swap3A_42] : memref<512x128xf32, #tpu.memory_space<vmem>>, vector<512x128xf32>
    tpu.vector_store %arg6[%swap3A, %swap3A_42], %dot_general3A_41 {strides = array<i32>} : memref<512x128xf32, #tpu.memory_space<vmem>>, vector<512x128xf32>,
    return
  }
  func.func @transform_0(%arg0: i32) -> (i32, i32, i32) {
    %c0_i32 = arith.constant 0 : i32
    %c0_i32_0 = arith.constant 0 : i32
    %c0_i32_1 = arith.constant 0 : i32
    return %c0_i32, %arg0, %c0_i32_0 : i32, i32, i32
  }
  func.func @transform_1(%arg0: i32) -> (i32, i32, i32) {
    %c0_i32 = arith.constant 0 : i32
    %c0_i32_0 = arith.constant 0 : i32
    %c0_i32_1 = arith.constant 0 : i32
    return %c0_i32, %arg0, %c0_i32_0 : i32, i32, i32
  }
  func.func @transform_2(%arg0: i32) -> (i32, i32, i32) {
    %c1_i32 = arith.constant 1 : i32
    %c0_i32 = arith.constant 0 : i32
    %c0_i32_0 = arith.constant 0 : i32
    return %c1_i32, %arg0, %c0_i32 : i32, i32, i32
  }
  func.func @transform_3(%arg0: i32) -> (i32, i32) {
    %c0_i32 = arith.constant 0 : i32
    %c0_i32_0 = arith.constant 0 : i32
    %c0_i32_1 = arith.constant 0 : i32
    return %c0_i32, %c0_i32_0 : i32, i32
  }
  func.func @transform_4(%arg0: i32) -> (i32, i32) {
    %c0_i32 = arith.constant 0 : i32
    %c0_i32_0 = arith.constant 0 : i32
    %c0_i32_1 = arith.constant 0 : i32
    return %c0_i32, %c0_i32_0 : i32, i32
  }
  func.func @transform_5(%arg0: i32) -> (i32, i32) {
    %c0_i32 = arith.constant 0 : i32
    %c0_i32_0 = arith.constant 0 : i32
    return %arg0, %c0_i32 : i32, i32
  }
}

module attributes {stable_mosaic.version = 14 : i64} {
  func.func @_tc3_body(%arg0: i32, %arg1: memref<2x512x128xf32, #tpu.memory_space<vmem>>, %arg2: memref<1x512x128xf32, #tpu.memory_space<vmem>>, %arg3: memref<1x128xf32, #tpu.memory_space<vmem>>, %arg4: memref<512x128xf32, #tpu.memory_space<vmem>>) attributes {dimension_semantics = [#tpu.dimension_semantics<arbitrary>], iteration_bounds = array<i64: 5>, scalar_prefetch = 0 : i64, scratch_operands = 0 : i64, tpu.core_type = #tpu.core_type<tc>, window_params = [{transform_indices = @transform_0, window_bounds = array<i64: 2, 512, 128>}, {transform_indices = @transform_1, window_bounds = array<i64: 1, 512, 128>}, {pipeline_mode = #tpu.pipeline_mode<synchronous>, transform_indices = @transform_2, window_bounds = array<i64: 1, 128>}, {transform_indices = @transform_3, window_bounds = array<i64: 512, 128>}]} {
    %get3A = arith.constant 0 : index
    %get3A_0 = arith.constant 0 : index
    %get3A_1 = arith.constant 0 : index
    %get3A_2 = vector.load %arg1[%get3A, %get3A_0, %get3A_1] : memref<2x512x128xf32, #tpu.memory_space<vmem>>, vector<2x512x128xf32>
    %get3A_3 = arith.constant 0 : index
    %get3A_4 = arith.constant 0 : index
    %get3A_5 = arith.constant 0 : index
    %get3A_6 = vector.load %arg2[%get3A_3, %get3A_4, %get3A_5] : memref<1x512x128xf32, #tpu.memory_space<vmem>>, vector<1x512x128xf32>
    %squeeze3A = vector.shape_cast %get3A_6 : vector<1x512x128xf32> to vector<512x128xf32>
    %gt3A = arith.constant 0.000000e+00 : f32
    %gt3A_7 = vector.broadcast %gt3A : f32 to vector<512x128xf32>
    %gt3A_8 = arith.cmpf ogt, %squeeze3A, %gt3A_7 : vector<512x128xf32>
    %max3A = arith.constant 1.000000e+00 : f32
    %max3A_9 = vector.broadcast %max3A : f32 to vector<512x128xf32>
    %max3A_10 = arith.maximumf %squeeze3A, %max3A_9 : vector<512x128xf32>
    %rsqrt3A = math.rsqrt %max3A_10 : vector<512x128xf32>
    %jit3A = arith.constant 0.000000e+00 : f32
    %broadcast_in_dim3A = vector.broadcast %jit3A : f32 to vector<512x128xf32>
    %select_n3A = arith.select %gt3A_8, %rsqrt3A, %broadcast_in_dim3A : vector<512x128xi1>, vector<512x128xf32>
    %slice3A = vector.extract_strided_slice %get3A_2 {offsets = [0, 0, 0], sizes = [1, 512, 128], strides = [1, 1, 1]} : vector<2x512x128xf32> to vector<1x512x128xf32>
    %squeeze3A_11 = vector.shape_cast %slice3A : vector<1x512x128xf32> to vector<512x128xf32>
    %slice3A_12 = vector.extract_strided_slice %get3A_2 {offsets = [1, 0, 0], sizes = [1, 512, 128], strides = [1, 1, 1]} : vector<2x512x128xf32> to vector<1x512x128xf32>
    %squeeze3A_13 = vector.shape_cast %slice3A_12 : vector<1x512x128xf32> to vector<512x128xf32>
    %add3A = arith.addf %squeeze3A_11, %squeeze3A_13 : vector<512x128xf32>
    %mul3A = arith.mulf %add3A, %select_n3A : vector<512x128xf32>
    %get3A_14 = arith.constant 0 : index
    %get3A_15 = arith.constant 0 : index
    %get3A_16 = vector.load %arg3[%get3A_14, %get3A_15] : memref<1x128xf32, #tpu.memory_space<vmem>>, vector<1x128xf32>
    %add3A_17 = vector.broadcast %get3A_16 : vector<1x128xf32> to vector<512x128xf32>
    %add3A_18 = arith.addf %mul3A, %add3A_17 : vector<512x128xf32>
    %swap3A = arith.constant 0 : index
    %swap3A_19 = arith.constant 0 : index
    %swap3A_20 = vector.load %arg4[%swap3A, %swap3A_19] : memref<512x128xf32, #tpu.memory_space<vmem>>, vector<512x128xf32>
    tpu.vector_store %arg4[%swap3A, %swap3A_19], %add3A_18 {strides = array<i32>} : memref<512x128xf32, #tpu.memory_space<vmem>>, vector<512x128xf32>,
    return
  }
  func.func @transform_0(%arg0: i32) -> (i32, i32, i32) {
    %c0_i32 = arith.constant 0 : i32
    %c0_i32_0 = arith.constant 0 : i32
    %c0_i32_1 = arith.constant 0 : i32
    return %c0_i32, %arg0, %c0_i32_0 : i32, i32, i32
  }
  func.func @transform_1(%arg0: i32) -> (i32, i32, i32) {
    %c0_i32 = arith.constant 0 : i32
    %c0_i32_0 = arith.constant 0 : i32
    %c0_i32_1 = arith.constant 0 : i32
    return %c0_i32, %arg0, %c0_i32_0 : i32, i32, i32
  }
  func.func @transform_2(%arg0: i32) -> (i32, i32) {
    %c0_i32 = arith.constant 0 : i32
    %c0_i32_0 = arith.constant 0 : i32
    %c0_i32_1 = arith.constant 0 : i32
    return %c0_i32, %c0_i32_0 : i32, i32
  }
  func.func @transform_3(%arg0: i32) -> (i32, i32) {
    %c0_i32 = arith.constant 0 : i32
    %c0_i32_0 = arith.constant 0 : i32
    return %arg0, %c0_i32 : i32, i32
  }
}

</mosaic_0001>

<sc_bundles>
// kernel: kernel.12.cloned.1.call-start
scs
__scs_entry_jumppad:
0x0: {  	(pc) =	sbr.rel $0x88, $3  }
0x1: {  	(tag) =	ssettag $0x0;
	lr =	simm.s32 $0x1  }
0x2: {  	[smem:$0x3F9B] =	sst lr;
	_ =	strace $0xD0000000  }
0x3: {  	_ = 	snop  }
0x4: {  	_ = 	snop  }
0x5: {  	_ = 	snop  }
0x6: {  	_ = 	snop  }
0x7: {  	_ = 	snop  }
__scs_overlays_trampoline_lowered:
0x8: {  	[smem:$0x3FAA] =	sst s0  }
0x9: {  	[smem:$0x3FAB] =	sst s1  }
0xa: {  	[smem:$0x3FAC] =	sst s2  }
0xb: {  	[smem:$0x3FAD] =	sst s3  }
0xc: {  	[smem:$0x3FAE] =	sst s4  }
0xd: {  	[smem:$0x3FAF] =	sst s5  }
0xe: {  	[smem:$0x3FB0] =	sst s6  }
0xf: {  	[smem:$0x3FB1] =	sst s7  }
0x10: {  	[smem:$0x3FB2] =	sst s8  }
0x11: {  	[smem:$0x3FB3] =	sst s9;
	s0 =	simm.s32 @!p0 $0x0  }
0x12: {  	s1 =	sld [smem:$0x3F99];
	s0 =	simm.s32 @p0 $0x1  }
0x13: {  	[smem:$0x3FB4] =	sst s0;
	s0 =	simm.s32 @!p1 $0x0  }
0x14: {  	s2 =	sld [smem:$0x3F98];
	s0 =	simm.s32 @p1 $0x1  }
0x15: {  	[smem:$0x3FB5] =	sst s0;
	s0 =	simm.s32 @!p2 $0x0  }
0x16: {  	s3 =	sld [smem:$0x3FDB];
	s0 =	simm.s32 @p2 $0x1  }
0x17: {  	s4 =	simm.s32 $0x1BF5;
	[smem:$0x3FB7] =	sst s0  }
0x18: {  	s0 =	sld [smem:$0x3F9A];
	_ =	swait.ge [sflag:s4], $0x0  }
0x19: {  	s7 =	sld [smem:$0x3F9B]  }
0x1a: {  	s8 =	sadd.s32 $0xFFFFE003, lr  }
0x1b: {  	s9 =	sadd.s32 $0xFFFFFEF7, lr;
	s5 =	simm.s32 $0xFFFFFFFF;
	p2 =	slt.u32 s8, $0xFFFFF086  }
0x1c: {  	p1 =	slt.u32 s9, $0xF7A;
	s5 =	simm.s32 @!p2 $0x0  }
0x1d: {  	s5 =	simm.s32 @p1 $0x1;
	p0 =	seq.s32 s7, s2  }
0x1e: {  	s7 =	smul.u32 @!p0 $0xF7A, s2;
	p2 =	seq.s32 @!p0 s5, $0x0  }
0x1f: {  	s9 =	smul.u32 $0xF7A, s1;
	s8 =	simm.s32 @!p0 $0x1BF5;
	p2 =	por !p2, p0  }
0x20: {  	[sflag:s8] =	ssyncset.s32 @!p0 $0xFFFFF086;
	s6 =	sadd.s32 @!p0 s3, s7;
	s7 =	simm.s32 @!p0 $0x108  }
0x21: {  	s3 =	sadd.s32 s3, s9;
	s6 =	sadd.s32 @!p0 $0x88, s6;
	s7 =	simm.s32 @p2 $0x1082  }
0x22: {  	[simem:s7], [sflag:s8] =	dma.local @!p0 [hbm:s6], $0xF7A  }
0x23: {  	s9 =	sor.u32 $0xD0000000, s2;
	s6 =	simm.s32 $0x108;
	_ =	swait.ge @!p0 [sflag:s8], $0x0  }
0x24: {  	s3 =	sadd.s32 $0x88, s3;
	s6 =	simm.s32 @!p1 $0x1082;
	[sflag:s4] =	ssyncset.s32 $0xFFFFF086  }
0x25: {  	[simem:s6], [sflag:s4] =	dma.local [hbm:s3], $0xF7A  }
0x26: {  	[smem:$0x3F9B] =	sst s1;
	(tag) =	ssettag s2;
	_ =	strace s9  }
0x27: {  	s1 =	sld [smem:$0x3FAB]  }
0x28: {  	s2 =	sld [smem:$0x3FAC]  }
0x29: {  	s4 =	sld [smem:$0x3FAE]  }
0x2a: {  	p0 =	seq.s32 s5, $0x0;
	s5 =	sld [smem:$0x3FAF]  }
0x2b: {  	s6 =	sld [smem:$0x3FB0]  }
0x2c: {  	s7 =	sld [smem:$0x3FB1]  }
0x2d: {  	s3 =	simm.s32 $0x108;
	s8 =	sld [smem:$0x3FB2]  }
0x2e: {  	s3 =	simm.s32 @!p0 $0x1082;
	s9 =	sld [smem:$0x3FB3]  }
0x2f: {  	lr =	sadd.s32 s0, s3;
	s0 =	sld [smem:$0x3FAA]  }
0x30: {  	s3 =	sld [smem:$0x3FAD]  }
0x31: {  	[smem:$0x3FB6] =	sst s10  }
0x32: {  	s10 =	sld [smem:$0x3FB4];
	_ =	sdelay $0x3  }
0x33: {  	p0 =	seq.s32 s10, $0x1;
	s10 =	sld [smem:$0x3FB6];
	_ =	sdelay $0x3  }
0x34: {  	[smem:$0x3FB6] =	sst s10  }
0x35: {  	s10 =	sld [smem:$0x3FB5];
	_ =	sdelay $0x3  }
0x36: {  	p1 =	seq.s32 s10, $0x1;
	s10 =	sld [smem:$0x3FB6];
	_ =	sdelay $0x3  }
0x37: {  	[smem:$0x3FB6] =	sst s10  }
0x38: {  	s10 =	sld [smem:$0x3FB7]  }
0x39: {  	_ = 	snop;
	(pc) =	sbr.ind lr, $3  }
0x3a: {  	_ = 	snop  }
0x3b: {  	_ = 	snop  }
0x3c: {  	p2 =	seq.s32 s10, $0x1;
	s10 =	sld [smem:$0x3FB6]  }
0x3d: {  	_ =	shalt  }
0x3e: {  	_ =	shalt  }
0x3f: {  	_ =	shalt  }
0x40: {  	_ =	shalt  }
0x41: {  	_ =	shalt  }
0x42: {  	_ =	shalt  }
0x43: {  	_ =	shalt  }
0x44: {  	_ =	shalt  }
0x45: {  	_ =	shalt  }
0x46: {  	_ =	shalt  }
0x47: {  	_ =	shalt  }
0x48: {  	_ =	shalt  }
0x49: {  	_ =	shalt  }
0x4a: {  	_ =	shalt  }
0x4b: {  	_ =	shalt  }
0x4c: {  	_ =	shalt  }
0x4d: {  	_ =	shalt  }
0x4e: {  	_ =	shalt  }
0x4f: {  	_ =	shalt  }
0x50: {  	_ =	shalt  }
0x51: {  	_ =	shalt  }
0x52: {  	_ =	shalt  }
0x53: {  	_ =	shalt  }
0x54: {  	_ =	shalt  }
0x55: {  	_ =	shalt  }
0x56: {  	_ =	shalt  }
0x57: {  	_ =	shalt  }
0x58: {  	_ =	shalt  }
0x59: {  	_ =	shalt  }
0x5a: {  	_ =	shalt  }
0x5b: {  	_ =	shalt  }
0x5c: {  	_ =	shalt  }
0x5d: {  	_ =	shalt  }
0x5e: {  	_ =	shalt  }
0x5f: {  	_ =	shalt  }
0x60: {  	_ =	shalt  }
0x61: {  	_ =	shalt  }
0x62: {  	_ =	shalt  }
0x63: {  	_ =	shalt  }
0x64: {  	_ =	shalt  }
0x65: {  	_ =	shalt  }
0x66: {  	_ =	shalt  }
0x67: {  	_ =	shalt  }
0x68: {  	_ =	shalt  }
0x69: {  	_ =	shalt  }
0x6a: {  	_ =	shalt  }
0x6b: {  	_ =	shalt  }
0x6c: {  	_ =	shalt  }
0x6d: {  	_ =	shalt  }
0x6e: {  	_ =	shalt  }
0x6f: {  	_ =	shalt  }
0x70: {  	_ =	shalt  }
0x71: {  	_ =	shalt  }
0x72: {  	_ =	shalt  }
0x73: {  	_ =	shalt  }
0x74: {  	_ =	shalt  }
0x75: {  	_ =	shalt  }
0x76: {  	_ =	shalt  }
0x77: {  	_ =	shalt  }
0x78: {  	_ =	shalt  }
0x79: {  	_ =	shalt  }
0x7a: {  	_ =	shalt  }
0x7b: {  	_ =	shalt  }
0x7c: {  	_ =	shalt  }
0x7d: {  	_ =	shalt  }
0x7e: {  	_ =	shalt  }
0x7f: {  	_ =	shalt  }
0x80: {  	_ =	shalt  }
0x81: {  	_ =	shalt  }
0x82: {  	_ =	shalt  }
0x83: {  	_ =	shalt  }
0x84: {  	_ =	shalt  }
0x85: {  	_ =	shalt  }
0x86: {  	_ =	shalt  }
0x87: {  	_ =	shalt  }
.Lfunc_end0:
.L_simem_size_0:
called_computation.1_lowered:
.L_overlay_start_0:
0x88: {  	s2 =	sld [smem:$0x3FD9]  }
0x89: {  	s3 =	sld [smem:$0x3FFE];
	_ =	sdelay $0x1  }
0x8a: {  	s1 =	srdreg.scid  }
0x8b: {  	s0 =	sand.u32 $0x1, s1  }
0x8c: {  	s17 =	sshll.u32 s0, $0xA;
	s2 =	sadd.s32 s3, s2  }
0x8d: {  	s2 =	sadd.s32 s2, s17  }
0x8e: {  	[smem:$0x3FC2] =	sst s2  }
0x8f: {  	_ = 	snop  }
0x90: {  	s2 =	sld [smem:$0x3FD0];
	(tm) =	ssettm $0x1  }
0x91: {  	s18 =	sld [smem:$0x3FFB];
	_ =	sdelay $0x3  }
0x92: {  	_ =	strace s18  }
0x93: {  	s3 =	sld [smem:$0x3FFC];
	_ =	sdelay $0x3  }
0x94: {  	_ =	strace s3  }
0x95: {  	s3 =	sld [smem:$0x3FFD];
	_ =	sdelay $0x3  }
0x96: {  	_ =	strace s3  }
0x97: {  	_ =	strace $0x8FFFFFFF  }
0x98: {  	s19 =	sld [smem:$0x3FDB];
	_ =	sdelay $0x1  }
0x99: {  	s4 =	simm.s32 $_scs_section_size  }
0x9a: {  	s5 =	simm.s32 $_size__tile_overlayer_lowered;
	s6 =	simm.s32 $_tile_overlayer_lowered  }
0x9b: {  	s22 =	simm.s32 $0x1BFF;
	s21 =	sshll.u32 s6, $0x1;
	s3 =	sadd.s32 s4, s19  }
0x9c: {  	s7 =	simm.s32 $0x0;
	s20 =	sshll.u32 s5, $0x1;
	s5 =	sadd.s32 s21, s3  }
0x9d: {  	[timem:s7], [sflag:s22] =	dma.local [hbm:s5], s20  }
0x9e: {  	_ =	swait.ge [sflag:s22], s20  }
0x9f: {  	s4 =	ssub.s32 $0x0, s20;
	[sflag:s22] =	ssyncset.done $0x0  }
0xa0: {  	[sflag:s22] =	ssyncadd.s32 s4;
	_ =	sdelay $0x1  }
0xa1: {  	s23 =	simm.s32 $0x1B8B  }
0xa2: {  	_ =	swait.ge [sflag:s23], $0x1  }
0xa3: {  	[sflag:s23] =	ssyncset.done $0x0  }
0xa4: {  	s25 =	simm.s32 $0x1B8E;
	s24 =	sld [smem:$0x3FFE];
	[sflag:s23] =	ssyncadd.s32 $0xFFFFFFFF  }
0xa5: {  	s26 =	simm.s32 $execute0_lowered;
	[smem:$0x3FD2] =	sst s25  }
0xa6: {  	s5 =	sshll.u32 s26, $0x1;
	_ =	strace $0x80000049;
	[dreg:$0x1] =	wrdreg $0xFFFFFFFF  }
0xa7: {  	s28 =	simm.s32 $_size_execute0_lowered;
	s3 =	sadd.s32 s3, s5;
	[dreg:$0x0] =	wrdreg $0x0  }
0xa8: {  	s5 =	sshll.u32 s28, $0x1;
	[dreg:$0x2] =	wrdreg s3  }
0xa9: {  	[dreg:$0x3] =	wrdreg s5  }
0xaa: {  	[dreg:$0x4] =	wrdreg $0xC0  }
0xab: {  	_ =	task [dreg:s7], $0x5FFFF  }
0xac: {  	[dreg:$0x1] =	wrdreg $0xFFFFFFFF  }
0xad: {  	[dreg:$0x0] =	wrdreg $0x60  }
0xae: {  	[dreg:$0x2] =	wrdreg s24  }
0xaf: {  	[dreg:$0x3] =	wrdreg s2  }
0xb0: {  	[dreg:$0x4] =	wrdreg $0x83100  }
0xb1: {  	[dreg:$0x5] =	wrdreg $0x9  }
0xb2: {  	_ =	task.clear_ibuf [dreg:s7], $0x6FFFF;
	_ =	strace $0x90000049  }
0xb3: {  	s29 =	simm.s32 $0x9;
	_ =	strace $0x8000004B  }
0xb4: {  	_ =	swait.ge [sflag:s29], $0x1  }
0xb5: {  	[sflag:s29] =	ssyncadd.s32 $0xFFFFFFFF  }
0xb6: {  	_ =	strace $0x9000004B  }
0xb7: {  	_ =	sfence  }
0xb8: {  	s30 =	sld [smem:$0x0];
	_ =	sdelay $0x2  }
0xb9: {  	s31 =	sshll.u32 s1, $0xD;
	s1 =	sshrl.u32 s1, $0x2  }
0xba: {  	s3 =	sand.u32 $0x4000, s31;
	s1 =	sadd.s32 s1, s30  }
0xbb: {  	s0 =	sor.u32 s3, s0;
	s1 =	sshll.u32 s1, $0x11  }
0xbc: {  	s0 =	sor.u32 s1, s0  }
0xbd: {  	s0 =	sadd.s32 $0x8F2B, s0  }
0xbe: {  	[sflag:s0] =	ssyncadd.remote.s32 $0x1  }
0xbf: {  	_ =	sfence.sel $0xFFFF  }
0xc0: {  	[dreg:$0x0] =	wrdreg $0xFFFFFFFF;
	(pc) =	sbr.abs _section_cstart, $3  }
0xc1: {  	[dreg:$0x1] =	wrdreg $0xFFFFFFFF  }
0xc2: {  	_ =	task.clear_ibuf [dreg:s7], $0x2FFFF;
	_ =	strace $0x9FFFFFFF  }
0xc3: {  	(tm) =	ssettm $0x7FFFFFFF  }
tec
execute0_lowered:
.L_overlay_start_1:
0x0: {  	(tag) =	ssettag $0x1  }
0x1: {  	s0 =	rddreg [dreg:$0x0]  }
0x2: {  	s4 =	rddreg [dreg:$0x1]  }
0x3: {  	s1 =	rddreg [dreg:$0x2]  }
0x4: {  	s2 =	simm.s32 $0x0;
	s6 =	srdreg.scid;
	s26 =	stileid.u32  }
0x5: {  	s28 =	simm.s32 $0x4F00;
	s29 =	simm.s32 $0x80;
	s30 =	simm.s32 $0x1  }
0x6: {  	s31 =	simm.s32 $0x2;
	[smem:$0x7FF] =	sst s2;
	s3 =	sadd.s32 $0xC200, s0  }
0x7: {  	s14 =	sadd.s32 $0x2400, s0;
	s5 =	sadd.s32 $0x16200, s0;
	s15 =	sand.u32 $0x1, s6  }
0x8: {  	s25 =	sadd.s32 $0x16600, s0;
	s7 =	sadd.s32 $0x16800, s0;
	s16 =	smul.u32 $0x5000, s26  }
0x9: {  	s0 =	sadd.s32 $0x16A00, s0;
	s12 =	sshll.u32 s26, $0x1;
	s17 =	smul.u32 $0x2780, s26  }
0xa: {  	s18 =	smul.u32 $0x4F0, s26;
	_ =	strace $0x8000004A;
	[dreg:$0x4] =	wrdreg s25  }
0xb: {  	s8 =	ssub.s32 $0x2, s15;
	s10 =	sor.u32 s15, s12;
	s23 =	smul.u32 $0x50000, s15  }
0xc: {  	p0 =	seq.s32 s15, $0x1;
	s9 =	sshrl.u32 s8, $0x1;
	s19 =	sadd.s32 $0x1400, s16  }
0xd: {  	s20 =	sadd.s32 $0x2800, s16;
	s13 =	smul.u32 $0x4F0, s10;
	s21 =	sadd.s32 $0x3C00, s16  }
0xe: {  	s17 =	sshrl.u32 s17, $0x3;
	s6 =	sadd.s32 s14, s18;
	s18 =	sadd.s32 s4, s18  }
0xf: {  	s22 =	ssub.s32 s8, s9;
	s8 =	sadd.s32 s16, s1;
	s9 =	sadd.s32 s19, s1  }
0x10: {  	s10 =	sadd.s32 s20, s1;
	s11 =	sadd.s32 s21, s1;
	[dreg:$0x6] =	wrdreg s6  }
0x11: {  	s16 =	sadd.s32 s16, s23;
	[dreg:$0x8] =	wrdreg s18;
	s24 =	sadd.s32 s23, s19  }
0x12: {  	s25 =	sadd.s32 s23, s20;
	s26 =	sadd.s32 s23, s21;
	s23 =	simm.s32 $0x6F00  }
0x13: {  	s12 =	sadd.s32 s14, s13;
	s13 =	sadd.s32 s4, s13;
	s15 =	sshrl.u32 s26, $0x3  }
0x14: {  	s22 =	smax.u32 s22, $0x1;
	[dreg:$0x5] =	wrdreg s13;
	s13 =	sadd.s32 $0x4F00, s17  }
0x15: {  	s26 =	simm.s32 $0x2780;
	s17 =	sshrl.u32 s16, $0x3;
	s14 =	sadd.s32 s14, s13  }
.Ltmp0:
0x16: {  	s4 =	sadd.s32 s4, s13;
	[dreg:$0x7] =	wrdreg s14;
	(pc) =	sbr.rel .LBB2_1-.Ltmp0, $4  }
0x17: {  	s21 =	sadd.s32 s0, s15;
	s18 =	sadd.s32 s0, s17;
	[dreg:$0x9] =	wrdreg s4  }
0x18: {  	s4 =	sshrl.u32 s24, $0x3;
	s14 =	sshrl.u32 s25, $0x3;
	s24 =	simm.s32 $0x3  }
0x19: {  	s25 =	simm.s32 $0x8300;
	s19 =	sadd.s32 s0, s4;
	s20 =	sadd.s32 s0, s14  }
0x1a: {  	s0 =	simm.s32 $0x4E80;
	s4 =	simm.s32 $0x5F00;
	s14 =	simm.s32 $0x0  }
.LBB2_15:
0x1b: {  	s6 =	sadd.s32 $0x80, s15;
	[sflag:s24] =	ssyncadd.s32 $0xFFFFF000  }
0x1c: {  	[tilespmem:s4], [sflag:$0x2] =	stream.indirect.gather [hbm4b:s3+s29], $0x20, s6, s29, $0xb8;
	[tilespmem:$0xD310] =	vst v63  }
0x1d: {  	_ =	swait.ge [sflag:s30], $0x1000  }
0x1e: {  	[sflag:s30] =	ssyncset.done $0x0  }
0x1f: {  	s13 =	sadd.s32 $0x2780, s15;
	[sflag:s30] =	ssyncadd.s32 $0xFFFFF000  }
0x20: {  	[spmem:s1] =	stream.indirect.scatter.add.f32 [tilespmem:s28], [sflag:$0x3], $0x20, s13, s29, $0xb8;
	[tilespmem:$0xD310] =	vst v63  }
0x21: {  	_ =	swait.ge [sflag:s24], $0x1000  }
0x22: {  	[sflag:s24] =	ssyncset.done $0x0  }
0x23: {  	s16 =	sadd.s32 $0x100, s15;
	[sflag:s24] =	ssyncadd.s32 $0xFFFFF000  }
0x24: {  	[tilespmem:s28], [sflag:$0x1] =	stream.indirect.gather [hbm4b:s3+s29], $0x20, s16, s29, $0xb8;
	[tilespmem:$0xD310] =	vst v63  }
0x25: {  	_ =	swait.ge [sflag:s31], $0x1000  }
0x26: {  	[sflag:s31] =	ssyncset.done $0x0  }
0x27: {  	s17 =	sadd.s32 $0x2800, s15;
	[sflag:s31] =	ssyncadd.s32 $0xFFFFF000  }
0x28: {  	[spmem:s1] =	stream.indirect.scatter.add.f32 [tilespmem:s4], [sflag:$0x3], $0x20, s17, s29, $0xb8;
	[tilespmem:$0xD310] =	vst v63  }
0x29: {  	_ =	swait.ge [sflag:s24], $0x1000  }
0x2a: {  	[sflag:s24] =	ssyncset.done $0x0  }
0x2b: {  	[sflag:s24] =	ssyncadd.s32 $0xFFFFF000  }
0x2c: {  	_ =	swait.ge [sflag:s30], $0x1000  }
0x2d: {  	[sflag:s30] =	ssyncset.done $0x0  }
0x2e: {  	[sflag:s30] =	ssyncadd.s32 $0xFFFFF000  }
.LBB2_16:
0x2f: {  	[spmem:s1] =	stream.indirect.scatter.add.f32 [tilespmem:s28], [sflag:$0x3], $0x20, s0, s29, $0xb8;
	[tilespmem:$0xD310] =	vst v63  }
0x30: {  	_ =	swait.ge [sflag:s24], $0x1000  }
0x31: {  	[sflag:s24] =	ssyncset.done $0x0  }
0x32: {  	[sflag:s24] =	ssyncadd.s32 $0xFFFFF000  }
0x33: {  	[bflag:$0x0] =	sbarrier.arrive $0xFFFF  }
0x34: {  	[tilespmem:s23], [sflag:$0x3] =	stream.linear.gather [spmem:s8], $0x1400, $0x38;
	[tilespmem:$0xD310] =	vst v63  }
0x35: {  	_ =	swait.ge [sflag:s24], $0x1400  }
0x36: {  	[sflag:s24] =	ssyncset.done $0x0  }
0x37: {  	[sflag:s24] =	ssyncadd.s32 $0xFFFFEC00  }
0x38: {  	[hbm4b:s18+s2] =	stream.linear.scatter [tilespmem:s23], [sflag:$0x3], $0x1400, $0x38;
	[tilespmem:$0xD310] =	vst v63  }
0x39: {  	_ =	swait.ge [sflag:s24], $0x1400  }
0x3a: {  	[sflag:s24] =	ssyncset.done $0x0  }
0x3b: {  	[sflag:s24] =	ssyncadd.s32 $0xFFFFEC00  }
0x3c: {  	[tilespmem:s23], [sflag:$0x3] =	stream.linear.gather [spmem:s9], $0x1400, $0x38;
	[tilespmem:$0xD310] =	vst v63  }
0x3d: {  	_ =	swait.ge [sflag:s24], $0x1400  }
0x3e: {  	[sflag:s24] =	ssyncset.done $0x0  }
0x3f: {  	[sflag:s24] =	ssyncadd.s32 $0xFFFFEC00  }
0x40: {  	[hbm4b:s19+s2] =	stream.linear.scatter [tilespmem:s23], [sflag:$0x3], $0x1400, $0x38;
	[tilespmem:$0xD310] =	vst v63  }
0x41: {  	_ =	swait.ge [sflag:s24], $0x1400  }
0x42: {  	[sflag:s24] =	ssyncset.done $0x0  }
0x43: {  	[sflag:s24] =	ssyncadd.s32 $0xFFFFEC00  }
0x44: {  	[tilespmem:s23], [sflag:$0x3] =	stream.linear.gather [spmem:s10], $0x1400, $0x38;
	[tilespmem:$0xD310] =	vst v63  }
0x45: {  	_ =	swait.ge [sflag:s24], $0x1400  }
0x46: {  	[sflag:s24] =	ssyncset.done $0x0  }
0x47: {  	[sflag:s24] =	ssyncadd.s32 $0xFFFFEC00  }
0x48: {  	[hbm4b:s20+s2] =	stream.linear.scatter [tilespmem:s23], [sflag:$0x3], $0x1400, $0x38;
	[tilespmem:$0xD310] =	vst v63  }
0x49: {  	_ =	swait.ge [sflag:s24], $0x1400  }
0x4a: {  	[sflag:s24] =	ssyncset.done $0x0  }
0x4b: {  	[sflag:s24] =	ssyncadd.s32 $0xFFFFEC00  }
0x4c: {  	[tilespmem:s23], [sflag:$0x3] =	stream.linear.gather [spmem:s11], $0x1400, $0x38;
	[tilespmem:$0xD310] =	vst v63  }
0x4d: {  	s14 =	sadd.s32 $0x1, s14;
	_ =	swait.ge [sflag:s24], $0x1400  }
0x4e: {  	p1 =	sne.s32 s14, s22;
	[sflag:s24] =	ssyncset.done $0x0  }
.Ltmp1:
0x4f: {  	[sflag:s24] =	ssyncadd.s32 $0xFFFFEC00;
	(pc) =	sbr.rel @!p1 .LBB2_17-.Ltmp1, $4  }
0x50: {  	[hbm4b:s21+s2] =	stream.linear.scatter [tilespmem:s23], [sflag:$0x3], $0x1400, $0x38;
	[tilespmem:$0xD310] =	vst v63  }
0x51: {  	_ =	swait.ge [sflag:s24], $0x1400  }
0x52: {  	[sflag:s24] =	ssyncset.done $0x0  }
0x53: {  	[sflag:s24] =	ssyncadd.s32 $0xFFFFEC00  }
.LBB2_1:
0x54: {  	[tilespmem:s23], [sflag:$0x3] =	stream.linear.gather [hbm4b:s5+s2], $0x1400, $0x38;
	[tilespmem:$0xD310] =	vst v63  }
0x55: {  	_ =	swait.ge [sflag:s24], $0x1400  }
0x56: {  	[sflag:s24] =	ssyncset.done $0x0  }
0x57: {  	[sflag:s24] =	ssyncadd.s32 $0xFFFFEC00  }
0x58: {  	[spmem:s8] =	stream.linear.scatter [tilespmem:s23], [sflag:$0x3], $0x1400, $0x38;
	[tilespmem:$0xD310] =	vst v63  }
0x59: {  	_ =	swait.ge [sflag:s24], $0x1400  }
0x5a: {  	[sflag:s24] =	ssyncset.done $0x0  }
0x5b: {  	[sflag:s24] =	ssyncadd.s32 $0xFFFFEC00  }
0x5c: {  	[spmem:s9] =	stream.linear.scatter [tilespmem:s23], [sflag:$0x3], $0x1400, $0x38;
	[tilespmem:$0xD310] =	vst v63  }
0x5d: {  	_ =	swait.ge [sflag:s24], $0x1400  }
0x5e: {  	[sflag:s24] =	ssyncset.done $0x0  }
0x5f: {  	[sflag:s24] =	ssyncadd.s32 $0xFFFFEC00  }
0x60: {  	[spmem:s10] =	stream.linear.scatter [tilespmem:s23], [sflag:$0x3], $0x1400, $0x38;
	[tilespmem:$0xD310] =	vst v63  }
0x61: {  	_ =	swait.ge [sflag:s24], $0x1400  }
0x62: {  	[sflag:s24] =	ssyncset.done $0x0  }
0x63: {  	[sflag:s24] =	ssyncadd.s32 $0xFFFFEC00  }
0x64: {  	[spmem:s11] =	stream.linear.scatter [tilespmem:s23], [sflag:$0x3], $0x1400, $0x38;
	[tilespmem:$0xD310] =	vst v63  }
0x65: {  	_ =	swait.ge [sflag:s24], $0x1400  }
0x66: {  	[sflag:s24] =	ssyncset.done $0x0  }
0x67: {  	[sflag:s24] =	ssyncadd.s32 $0xFFFFEC00  }
0x68: {  	[tilespmem:s25], [sflag:$0x3] =	stream.linear.gather [hbm4b:s7+s2], $0x10, $0x38;
	[tilespmem:$0xD310] =	vst v63  }
0x69: {  	_ =	swait.ge [sflag:s24], $0x10  }
0x6a: {  	[sflag:s24] =	ssyncset.done $0x0  }
0x6b: {  	[sflag:s24] =	ssyncadd.s32 $0xFFFFFFF0  }
0x6c: {  	[tilespmem:s26], [sflag:$0x3] =	stream.linear.gather [hbm4b:s12+s2], $0x2780, $0x38;
	[tilespmem:$0xD310] =	vst v63  }
0x6d: {  	_ =	swait.ge [sflag:s24], $0x2780  }
0x6e: {  	[sflag:s24] =	ssyncset.done $0x0  }
0x6f: {  	[sflag:s24] =	ssyncadd.s32 $0xFFFFD880  }
0x70: {  	v0 =	vld [tilespmem:$0x8300];
	_ =	sdelay $0x4  }
0x71: {  	(xrf2) =	vadd.scan.msk.f32 $0xffff, v0;
	_ =	sdelay $0x9  }
0x72: {  	v0, _, _ =	vpop (xrf2)  }
0x73: {  	(v2sf) =	vpush v0, $0xF;
	_ =	sdelay $0xe  }
0x74: {  	s15 =	spop (v2sf)  }
0x75: {  	p1 =	sgt.f32 s15, $5.000000000e-01  }
.Ltmp2:
0x76: {  	_ = 	snop;
	(pc) =	sbr.rel @!p1 .LBB2_13-.Ltmp2, $2  }
0x77: {  	_ =	sdelay $0x1  }
0x78: {  	[bflag:$0x0] =	sbarrier.arrive $0xFFFF;
	_ =	sdelay $0x1  }
.Ltmp3:
0x79: {  	s6 =	rddreg [dreg:$0x4];
	(pc) =	sbr.rel @!p0 .LBB2_3-.Ltmp3, $4  }
0x7a: {  	[tilespmem:s28], [sflag:$0x3] =	stream.linear.gather [hbm4b:s6+s2], $0x1000, $0x38;
	[tilespmem:$0xD310] =	vst v63  }
0x7b: {  	_ =	swait.ge [sflag:s24], $0x1000  }
0x7c: {  	[sflag:s24] =	ssyncset.done $0x0  }
0x7d: {  	[sflag:s24] =	ssyncadd.s32 $0xFFFFF000  }
0x7e: {  	s6 =	simm.s32 $0x0;
	s13 =	rddreg [dreg:$0x8]  }
0x7f: {  	[tilespmem:s26], [sflag:$0x3] =	stream.linear.gather [hbm4b:s13+s6], $0x2780, $0x38;
	[tilespmem:$0xD310] =	vst v63  }
0x80: {  	_ =	swait.ge [sflag:s24], $0x2780  }
0x81: {  	[sflag:s24] =	ssyncset.done $0x0  }
0x82: {  	s16 =	simm.s32 $0x2780;
	[sflag:s24] =	ssyncadd.s32 $0xFFFFD880  }
0x83: {  	[spmem:s1] =	stream.indirect.scatter.add.f32 [tilespmem:s28], [sflag:$0x1], $0x20, s16, s29, $0xb8;
	[tilespmem:$0xD310] =	vst v63  }
0x84: {  	s17 =	simm.s32 $0x2800  }
0x85: {  	[spmem:s1] =	stream.indirect.scatter.add.f32 [tilespmem:s28], [sflag:$0x2], $0x20, s17, s29, $0xb8;
	[tilespmem:$0xD310] =	vst v63  }
0x86: {  	_ =	swait.ge [sflag:s30], $0x1000  }
0x87: {  	[sflag:s30] =	ssyncset.done $0x0  }
0x88: {  	[sflag:s30] =	ssyncadd.s32 $0xFFFFF000  }
0x89: {  	_ =	swait.ge [sflag:s31], $0x1000  }
0x8a: {  	s15 =	simm.s32 $0x100;
	s16 =	simm.s32 $0x800;
	[sflag:s31] =	ssyncset.done $0x0  }
.LBB2_9:
0x8b: {  	s6 =	sadd.s32 $0x2780, s15  }
0x8c: {  	[sflag:s31] =	ssyncadd.s32 $0xFFFFF000;
	s13 =	smov.u32 s16;
	s17 =	sadd.s32 $0x400, s16  }
0x8d: {  	[spmem:s1] =	stream.indirect.scatter.add.f32 [tilespmem:s28], [sflag:$0x1], $0x20, s6, s29, $0xb8;
	[tilespmem:$0xD310] =	vst v63  }
0x8e: {  	p1 =	sne.s32 s16, $0x9800;
	s6 =	sadd.s32 $0x2800, s15  }
0x8f: {  	[spmem:s1] =	stream.indirect.scatter.add.f32 [tilespmem:s28], [sflag:$0x2], $0x20, s6, s29, $0xb8;
	[tilespmem:$0xD310] =	vst v63  }
.Ltmp4:
0x90: {  	_ =	swait.ge [sflag:s30], $0x1000;
	(pc) =	sbr.rel @p1 .LBB2_9-.Ltmp4, $4  }
0x91: {  	[sflag:s30] =	ssyncset.done $0x0  }
0x92: {  	[sflag:s30] =	ssyncadd.s32 $0xFFFFF000  }
0x93: {  	_ =	swait.ge [sflag:s31], $0x1000  }
0x94: {  	s15 =	sshra.s32 s13, $0x2;
	s16 =	smov.u32 s17;
	[sflag:s31] =	ssyncset.done $0x0  }
0x95: {  	s6 =	sadd.s32 $0x2780, s15;
	[sflag:s31] =	ssyncadd.s32 $0xFFFFF000  }
0x96: {  	[spmem:s1] =	stream.indirect.scatter.add.f32 [tilespmem:s28], [sflag:$0x1], $0x20, s6, s29, $0xb8;
	[tilespmem:$0xD310] =	vst v63  }
0x97: {  	s13 =	sadd.s32 $0x2800, s15  }
0x98: {  	[spmem:s1] =	stream.indirect.scatter.add.f32 [tilespmem:s28], [sflag:$0x2], $0x20, s13, s29, $0xb8;
	[tilespmem:$0xD310] =	vst v63  }
0x99: {  	_ =	swait.ge [sflag:s30], $0x1000  }
0x9a: {  	[sflag:s30] =	ssyncset.done $0x0  }
0x9b: {  	[sflag:s30] =	ssyncadd.s32 $0xFFFFF000  }
0x9c: {  	_ =	swait.ge [sflag:s31], $0x1000  }
0x9d: {  	[sflag:s31] =	ssyncset.done $0x0  }
0x9e: {  	[sflag:s31] =	ssyncadd.s32 $0xFFFFF000  }
0x9f: {  	[spmem:s1] =	stream.indirect.scatter.add.f32 [tilespmem:s28], [sflag:$0x3], $0x20, s0, s29, $0xb8;
	[tilespmem:$0xD310] =	vst v63  }
0xa0: {  	_ =	swait.ge [sflag:s24], $0x1000  }
0xa1: {  	[sflag:s24] =	ssyncset.done $0x0  }
0xa2: {  	s15 =	simm.s32 $0x0;
	s13 =	rddreg [dreg:$0x9];
	[sflag:s24] =	ssyncadd.s32 $0xFFFFF000  }
0xa3: {  	[tilespmem:s26], [sflag:$0x3] =	stream.linear.gather [hbm4b:s13+s15], $0x2780, $0x38;
	[tilespmem:$0xD310] =	vst v63  }
0xa4: {  	_ =	swait.ge [sflag:s24], $0x2780  }
0xa5: {  	[sflag:s24] =	ssyncset.done $0x0  }
0xa6: {  	s16 =	simm.s32 $0x2780;
	[sflag:s24] =	ssyncadd.s32 $0xFFFFD880  }
0xa7: {  	[spmem:s1] =	stream.indirect.scatter.add.f32 [tilespmem:s28], [sflag:$0x1], $0x20, s16, s29, $0xb8;
	[tilespmem:$0xD310] =	vst v63  }
0xa8: {  	s17 =	simm.s32 $0x2800  }
0xa9: {  	[spmem:s1] =	stream.indirect.scatter.add.f32 [tilespmem:s28], [sflag:$0x2], $0x20, s17, s29, $0xb8;
	[tilespmem:$0xD310] =	vst v63  }
0xaa: {  	_ =	swait.ge [sflag:s30], $0x1000  }
0xab: {  	[sflag:s30] =	ssyncset.done $0x0  }
0xac: {  	[sflag:s30] =	ssyncadd.s32 $0xFFFFF000  }
0xad: {  	_ =	swait.ge [sflag:s31], $0x1000  }
0xae: {  	s15 =	simm.s32 $0x100;
	s16 =	simm.s32 $0x800;
	[sflag:s31] =	ssyncset.done $0x0  }
.LBB2_11:
0xaf: {  	s6 =	sadd.s32 $0x2780, s15  }
0xb0: {  	[sflag:s31] =	ssyncadd.s32 $0xFFFFF000;
	s13 =	smov.u32 s16;
	s17 =	sadd.s32 $0x400, s16  }
0xb1: {  	[spmem:s1] =	stream.indirect.scatter.add.f32 [tilespmem:s28], [sflag:$0x1], $0x20, s6, s29, $0xb8;
	[tilespmem:$0xD310] =	vst v63  }
0xb2: {  	p1 =	seq.s32 s16, $0x9800;
	s6 =	sadd.s32 $0x2800, s15  }
0xb3: {  	[spmem:s1] =	stream.indirect.scatter.add.f32 [tilespmem:s28], [sflag:$0x2], $0x20, s6, s29, $0xb8;
	[tilespmem:$0xD310] =	vst v63  }
.Ltmp5:
0xb4: {  	_ =	swait.ge [sflag:s30], $0x1000;
	(pc) =	sbr.rel @!p1 .LBB2_11-.Ltmp5, $4  }
0xb5: {  	[sflag:s30] =	ssyncset.done $0x0  }
0xb6: {  	[sflag:s30] =	ssyncadd.s32 $0xFFFFF000  }
0xb7: {  	_ =	swait.ge [sflag:s31], $0x1000  }
0xb8: {  	s15 =	sshra.s32 s13, $0x2;
	s16 =	smov.u32 s17;
	[sflag:s31] =	ssyncset.done $0x0  }
0xb9: {  	s6 =	sadd.s32 $0x2780, s15;
	[sflag:s31] =	ssyncadd.s32 $0xFFFFF000  }
0xba: {  	[spmem:s1] =	stream.indirect.scatter.add.f32 [tilespmem:s28], [sflag:$0x1], $0x20, s6, s29, $0xb8;
	[tilespmem:$0xD310] =	vst v63  }
0xbb: {  	s17 =	sadd.s32 $0x2800, s15  }
0xbc: {  	[spmem:s1] =	stream.indirect.scatter.add.f32 [tilespmem:s28], [sflag:$0x2], $0x20, s17, s29, $0xb8;
	[tilespmem:$0xD310] =	vst v63  }
0xbd: {  	_ =	swait.ge [sflag:s30], $0x1000  }
.Ltmp6:
0xbe: {  	[sflag:s30] =	ssyncset.done $0x0;
	(pc) =	sbr.rel .LBB2_16-.Ltmp6, $4  }
0xbf: {  	[sflag:s30] =	ssyncadd.s32 $0xFFFFF000  }
0xc0: {  	_ =	swait.ge [sflag:s31], $0x1000  }
0xc1: {  	[sflag:s31] =	ssyncset.done $0x0  }
0xc2: {  	[sflag:s31] =	ssyncadd.s32 $0xFFFFF000  }
.LBB2_13:
0xc3: {  	s6 =	simm.s32 $0x0;
	s13 =	rddreg [dreg:$0x5]  }
0xc4: {  	[tilespmem:s6], [sflag:$0x3] =	stream.linear.gather [hbm4b:s13+s6], $0x2780, $0x38;
	[tilespmem:$0xD310] =	vst v63  }
0xc5: {  	_ =	swait.ge [sflag:s24], $0x2780  }
0xc6: {  	[sflag:s24] =	ssyncset.done $0x0  }
0xc7: {  	[sflag:s24] =	ssyncadd.s32 $0xFFFFD880  }
0xc8: {  	[tilespmem:s28], [sflag:$0x1] =	stream.indirect.gather [hbm4b:s3+s29], $0x20, s6, s29, $0xb8;
	[tilespmem:$0xD310] =	vst v63  }
0xc9: {  	s13 =	simm.s32 $0x80  }
0xca: {  	[tilespmem:s4], [sflag:$0x2] =	stream.indirect.gather [hbm4b:s3+s29], $0x20, s13, s29, $0xb8;
	[tilespmem:$0xD310] =	vst v63  }
0xcb: {  	_ =	swait.ge [sflag:s30], $0x1000  }
0xcc: {  	[sflag:s30] =	ssyncset.done $0x0  }
0xcd: {  	s15 =	simm.s32 $0x2780;
	[sflag:s30] =	ssyncadd.s32 $0xFFFFF000  }
0xce: {  	[spmem:s1] =	stream.indirect.scatter.add.f32 [tilespmem:s28], [sflag:$0x3], $0x20, s15, s29, $0xb8;
	[tilespmem:$0xD310] =	vst v63  }
0xcf: {  	_ =	swait.ge [sflag:s24], $0x1000  }
0xd0: {  	[sflag:s24] =	ssyncset.done $0x0  }
0xd1: {  	s16 =	simm.s32 $0x100;
	[sflag:s24] =	ssyncadd.s32 $0xFFFFF000  }
0xd2: {  	[tilespmem:s28], [sflag:$0x1] =	stream.indirect.gather [hbm4b:s3+s29], $0x20, s16, s29, $0xb8;
	[tilespmem:$0xD310] =	vst v63  }
0xd3: {  	_ =	swait.ge [sflag:s31], $0x1000  }
0xd4: {  	[sflag:s31] =	ssyncset.done $0x0  }
0xd5: {  	s17 =	simm.s32 $0x2800;
	[sflag:s31] =	ssyncadd.s32 $0xFFFFF000  }
0xd6: {  	[spmem:s1] =	stream.indirect.scatter.add.f32 [tilespmem:s4], [sflag:$0x3], $0x20, s17, s29, $0xb8;
	[tilespmem:$0xD310] =	vst v63  }
0xd7: {  	_ =	swait.ge [sflag:s24], $0x1000  }
0xd8: {  	s15 =	simm.s32 $0x100;
	s16 =	simm.s32 $0x800;
	[sflag:s24] =	ssyncset.done $0x0  }
.LBB2_14:
0xd9: {  	s6 =	sadd.s32 $0x80, s15  }
0xda: {  	[sflag:s24] =	ssyncadd.s32 $0xFFFFF000;
	s13 =	smov.u32 s16;
	s17 =	sadd.s32 $0x400, s16  }
0xdb: {  	[tilespmem:s4], [sflag:$0x2] =	stream.indirect.gather [hbm4b:s3+s29], $0x20, s6, s29, $0xb8;
	[tilespmem:$0xD310] =	vst v63  }
0xdc: {  	p1 =	sne.s32 s16, $0x9800;
	_ =	swait.ge [sflag:s30], $0x1000  }
0xdd: {  	[sflag:s30] =	ssyncset.done $0x0  }
0xde: {  	s6 =	sadd.s32 $0x2780, s15;
	[sflag:s30] =	ssyncadd.s32 $0xFFFFF000  }
0xdf: {  	[spmem:s1] =	stream.indirect.scatter.add.f32 [tilespmem:s28], [sflag:$0x3], $0x20, s6, s29, $0xb8;
	[tilespmem:$0xD310] =	vst v63  }
0xe0: {  	_ =	swait.ge [sflag:s24], $0x1000  }
0xe1: {  	[sflag:s24] =	ssyncset.done $0x0  }
0xe2: {  	s6 =	sadd.s32 $0x100, s15;
	[sflag:s24] =	ssyncadd.s32 $0xFFFFF000  }
0xe3: {  	[tilespmem:s28], [sflag:$0x1] =	stream.indirect.gather [hbm4b:s3+s29], $0x20, s6, s29, $0xb8;
	[tilespmem:$0xD310] =	vst v63  }
0xe4: {  	_ =	swait.ge [sflag:s31], $0x1000  }
.Ltmp7:
0xe5: {  	[sflag:s31] =	ssyncset.done $0x0;
	(pc) =	sbr.rel @p1 .LBB2_14-.Ltmp7, $4  }
0xe6: {  	s6 =	sadd.s32 $0x2800, s15;
	[sflag:s31] =	ssyncadd.s32 $0xFFFFF000  }
0xe7: {  	[spmem:s1] =	stream.indirect.scatter.add.f32 [tilespmem:s4], [sflag:$0x3], $0x20, s6, s29, $0xb8;
	[tilespmem:$0xD310] =	vst v63  }
0xe8: {  	_ =	swait.ge [sflag:s24], $0x1000  }
0xe9: {  	s16 =	smov.u32 s17;
	s15 =	sshra.s32 s13, $0x2;
	[sflag:s24] =	ssyncset.done $0x0  }
.Ltmp8:
0xea: {  	_ = 	snop;
	(pc) =	sbr.rel .LBB2_15-.Ltmp8, $1  }
0xeb: {  	_ =	sdelay $0x3  }
.LBB2_3:
0xec: {  	s15 =	simm.s32 $0x0;
	s6 =	rddreg [dreg:$0x6]  }
0xed: {  	[tilespmem:s26], [sflag:$0x3] =	stream.linear.gather [hbm4b:s6+s15], $0x2780, $0x38;
	[tilespmem:$0xD310] =	vst v63  }
0xee: {  	_ =	swait.ge [sflag:s24], $0x2780  }
0xef: {  	[sflag:s24] =	ssyncset.done $0x0  }
0xf0: {  	s16 =	simm.s32 $0x2780;
	[sflag:s24] =	ssyncadd.s32 $0xFFFFD880  }
0xf1: {  	[spmem:s1] =	stream.indirect.scatter.add.f32 [tilespmem:s28], [sflag:$0x1], $0x20, s16, s29, $0xb8;
	[tilespmem:$0xD310] =	vst v63  }
0xf2: {  	s17 =	simm.s32 $0x2800  }
0xf3: {  	[spmem:s1] =	stream.indirect.scatter.add.f32 [tilespmem:s28], [sflag:$0x2], $0x20, s17, s29, $0xb8;
	[tilespmem:$0xD310] =	vst v63  }
0xf4: {  	_ =	swait.ge [sflag:s30], $0x1000  }
0xf5: {  	[sflag:s30] =	ssyncset.done $0x0  }
0xf6: {  	[sflag:s30] =	ssyncadd.s32 $0xFFFFF000  }
0xf7: {  	_ =	swait.ge [sflag:s31], $0x1000  }
0xf8: {  	s15 =	simm.s32 $0x100;
	s16 =	simm.s32 $0x800;
	[sflag:s31] =	ssyncset.done $0x0  }
.LBB2_4:
0xf9: {  	s17 =	sadd.s32 $0x2780, s15  }
0xfa: {  	[sflag:s31] =	ssyncadd.s32 $0xFFFFF000;
	s6 =	smov.u32 s16;
	s13 =	sadd.s32 $0x400, s16  }
0xfb: {  	[spmem:s1] =	stream.indirect.scatter.add.f32 [tilespmem:s28], [sflag:$0x1], $0x20, s17, s29, $0xb8;
	[tilespmem:$0xD310] =	vst v63  }
0xfc: {  	p1 =	sne.s32 s16, $0x9800;
	s15 =	sadd.s32 $0x2800, s15  }
0xfd: {  	[spmem:s1] =	stream.indirect.scatter.add.f32 [tilespmem:s28], [sflag:$0x2], $0x20, s15, s29, $0xb8;
	[tilespmem:$0xD310] =	vst v63  }
.Ltmp9:
0xfe: {  	_ =	swait.ge [sflag:s30], $0x1000;
	(pc) =	sbr.rel @p1 .LBB2_4-.Ltmp9, $4  }
0xff: {  	[sflag:s30] =	ssyncset.done $0x0  }
0x100: {  	[sflag:s30] =	ssyncadd.s32 $0xFFFFF000  }
0x101: {  	_ =	swait.ge [sflag:s31], $0x1000  }
0x102: {  	s16 =	smov.u32 s13;
	s15 =	sshra.s32 s6, $0x2;
	[sflag:s31] =	ssyncset.done $0x0  }
0x103: {  	s6 =	sadd.s32 $0x2780, s15;
	[sflag:s31] =	ssyncadd.s32 $0xFFFFF000  }
0x104: {  	[spmem:s1] =	stream.indirect.scatter.add.f32 [tilespmem:s28], [sflag:$0x1], $0x20, s6, s29, $0xb8;
	[tilespmem:$0xD310] =	vst v63  }
0x105: {  	s13 =	sadd.s32 $0x2800, s15  }
0x106: {  	[spmem:s1] =	stream.indirect.scatter.add.f32 [tilespmem:s28], [sflag:$0x2], $0x20, s13, s29, $0xb8;
	[tilespmem:$0xD310] =	vst v63  }
0x107: {  	_ =	swait.ge [sflag:s30], $0x1000  }
0x108: {  	[sflag:s30] =	ssyncset.done $0x0  }
0x109: {  	[sflag:s30] =	ssyncadd.s32 $0xFFFFF000  }
0x10a: {  	_ =	swait.ge [sflag:s31], $0x1000  }
0x10b: {  	[sflag:s31] =	ssyncset.done $0x0  }
0x10c: {  	[sflag:s31] =	ssyncadd.s32 $0xFFFFF000  }
0x10d: {  	[spmem:s1] =	stream.indirect.scatter.add.f32 [tilespmem:s28], [sflag:$0x3], $0x20, s0, s29, $0xb8;
	[tilespmem:$0xD310] =	vst v63  }
0x10e: {  	_ =	swait.ge [sflag:s24], $0x1000  }
0x10f: {  	[sflag:s24] =	ssyncset.done $0x0  }
0x110: {  	s15 =	simm.s32 $0x0;
	s13 =	rddreg [dreg:$0x7];
	[sflag:s24] =	ssyncadd.s32 $0xFFFFF000  }
0x111: {  	[tilespmem:s26], [sflag:$0x3] =	stream.linear.gather [hbm4b:s13+s15], $0x2780, $0x38;
	[tilespmem:$0xD310] =	vst v63  }
0x112: {  	_ =	swait.ge [sflag:s24], $0x2780  }
0x113: {  	[sflag:s24] =	ssyncset.done $0x0  }
0x114: {  	s16 =	simm.s32 $0x2780;
	[sflag:s24] =	ssyncadd.s32 $0xFFFFD880  }
0x115: {  	[spmem:s1] =	stream.indirect.scatter.add.f32 [tilespmem:s28], [sflag:$0x1], $0x20, s16, s29, $0xb8;
	[tilespmem:$0xD310] =	vst v63  }
0x116: {  	s17 =	simm.s32 $0x2800  }
0x117: {  	[spmem:s1] =	stream.indirect.scatter.add.f32 [tilespmem:s28], [sflag:$0x2], $0x20, s17, s29, $0xb8;
	[tilespmem:$0xD310] =	vst v63  }
0x118: {  	_ =	swait.ge [sflag:s30], $0x1000  }
0x119: {  	[sflag:s30] =	ssyncset.done $0x0  }
0x11a: {  	[sflag:s30] =	ssyncadd.s32 $0xFFFFF000  }
0x11b: {  	_ =	swait.ge [sflag:s31], $0x1000  }
0x11c: {  	s15 =	simm.s32 $0x100;
	s16 =	simm.s32 $0x800;
	[sflag:s31] =	ssyncset.done $0x0  }
.LBB2_6:
0x11d: {  	s6 =	sadd.s32 $0x2780, s15  }
0x11e: {  	[sflag:s31] =	ssyncadd.s32 $0xFFFFF000;
	s13 =	smov.u32 s16;
	s17 =	sadd.s32 $0x400, s16  }
0x11f: {  	[spmem:s1] =	stream.indirect.scatter.add.f32 [tilespmem:s28], [sflag:$0x1], $0x20, s6, s29, $0xb8;
	[tilespmem:$0xD310] =	vst v63  }
0x120: {  	p1 =	seq.s32 s16, $0x9800;
	s6 =	sadd.s32 $0x2800, s15  }
0x121: {  	[spmem:s1] =	stream.indirect.scatter.add.f32 [tilespmem:s28], [sflag:$0x2], $0x20, s6, s29, $0xb8;
	[tilespmem:$0xD310] =	vst v63  }
.Ltmp10:
0x122: {  	_ =	swait.ge [sflag:s30], $0x1000;
	(pc) =	sbr.rel @!p1 .LBB2_6-.Ltmp10, $4  }
0x123: {  	[sflag:s30] =	ssyncset.done $0x0  }
0x124: {  	[sflag:s30] =	ssyncadd.s32 $0xFFFFF000  }
0x125: {  	_ =	swait.ge [sflag:s31], $0x1000  }
0x126: {  	s15 =	sshra.s32 s13, $0x2;
	s16 =	smov.u32 s17;
	[sflag:s31] =	ssyncset.done $0x0  }
0x127: {  	s6 =	sadd.s32 $0x2780, s15;
	[sflag:s31] =	ssyncadd.s32 $0xFFFFF000  }
0x128: {  	[spmem:s1] =	stream.indirect.scatter.add.f32 [tilespmem:s28], [sflag:$0x1], $0x20, s6, s29, $0xb8;
	[tilespmem:$0xD310] =	vst v63  }
0x129: {  	s17 =	sadd.s32 $0x2800, s15  }
0x12a: {  	[spmem:s1] =	stream.indirect.scatter.add.f32 [tilespmem:s28], [sflag:$0x2], $0x20, s17, s29, $0xb8;
	[tilespmem:$0xD310] =	vst v63  }
0x12b: {  	_ =	swait.ge [sflag:s30], $0x1000  }
.Ltmp11:
0x12c: {  	[sflag:s30] =	ssyncset.done $0x0;
	(pc) =	sbr.rel .LBB2_16-.Ltmp11, $4  }
0x12d: {  	[sflag:s30] =	ssyncadd.s32 $0xFFFFF000  }
0x12e: {  	_ =	swait.ge [sflag:s31], $0x1000  }
0x12f: {  	[sflag:s31] =	ssyncset.done $0x0  }
0x130: {  	[sflag:s31] =	ssyncadd.s32 $0xFFFFF000  }
.LBB2_17:
0x131: {  	_ =	sfence.sel $0x180000  }
0x132: {  	[bflag:$0x0] =	sbarrier.arrive $0xFFFF  }
0x133: {  	_ =	strace $0x9000004A  }
0x134: {  	s0 =	stileid.u32;
	[bflag:$0x2] =	sbarrier.arrive $0xFFFF  }
0x135: {  	p0 =	sne.s32 s0, $0x0;
	s0 =	rddreg [dreg:$0x3]  }
0x136: {  	s0 =	sadd.s32 @!p0 $0x100000, s0  }
0x137: {  	[sflag:s0] =	ssyncadd.tile.s32 @!p0 $0x1;
	_ =	shalt  }
.Lfunc_end2:
_tile_overlayer_lowered:
.L_overlay_start_2:
0x138: {  	(tag) =	ssettag $0x2  }
0x139: {  	s0 =	rddreg [dreg:$0x0];
	s2 =	stileid.u32  }
0x13a: {  	s1 =	rddreg [dreg:$0x1];
	p0 =	sne.s32 s2, $0x0  }
0x13b: {  	s3 =	rddreg [dreg:$0x2];
	[bflag:$0x3] =	sbarrier.arrive $0xFFFF;
	s2 =	simm.s32 @!p0 $0x1C03  }
0x13c: {  	[timem:s3], [sflag:s2] =	dma.local @!p0 [hbm:s0], s1  }
0x13d: {  	s0 =	simm.s32 @!p0 $0x3  }
0x13e: {  	_ =	swait.ge @!p0 [sflag:s0], s1  }
0x13f: {  	s1 =	ssub.s32 @!p0 $0x0, s1;
	[sflag:s0] =	ssyncset.done @!p0 $0x0  }
0x140: {  	[sflag:s0] =	ssyncadd.s32 @!p0 s1  }
0x141: {  	[bflag:$0x3] =	sbarrier.arrive $0xFFFF  }
0x142: {  	_ =	shalt  }

// kernel: kernel.15.cloned.1.call-start
scs
__scs_entry_jumppad:
0x0: {  	(pc) =	sbr.rel $0x88, $3  }
0x1: {  	(tag) =	ssettag $0x0;
	lr =	simm.s32 $0x1  }
0x2: {  	[smem:$0x3F9B] =	sst lr;
	_ =	strace $0xD0000000  }
0x3: {  	_ = 	snop  }
0x4: {  	_ = 	snop  }
0x5: {  	_ = 	snop  }
0x6: {  	_ = 	snop  }
0x7: {  	_ = 	snop  }
__scs_overlays_trampoline_lowered:
0x8: {  	[smem:$0x3FAA] =	sst s0  }
0x9: {  	[smem:$0x3FAB] =	sst s1  }
0xa: {  	[smem:$0x3FAC] =	sst s2  }
0xb: {  	[smem:$0x3FAD] =	sst s3  }
0xc: {  	[smem:$0x3FAE] =	sst s4  }
0xd: {  	[smem:$0x3FAF] =	sst s5  }
0xe: {  	[smem:$0x3FB0] =	sst s6  }
0xf: {  	[smem:$0x3FB1] =	sst s7  }
0x10: {  	[smem:$0x3FB2] =	sst s8  }
0x11: {  	[smem:$0x3FB3] =	sst s9;
	s0 =	simm.s32 @!p0 $0x0  }
0x12: {  	s1 =	sld [smem:$0x3F99];
	s0 =	simm.s32 @p0 $0x1  }
0x13: {  	[smem:$0x3FB4] =	sst s0;
	s0 =	simm.s32 @!p1 $0x0  }
0x14: {  	s2 =	sld [smem:$0x3F98];
	s0 =	simm.s32 @p1 $0x1  }
0x15: {  	[smem:$0x3FB5] =	sst s0;
	s0 =	simm.s32 @!p2 $0x0  }
0x16: {  	s3 =	sld [smem:$0x3FDB];
	s0 =	simm.s32 @p2 $0x1  }
0x17: {  	s4 =	simm.s32 $0x1BF5;
	[smem:$0x3FB7] =	sst s0  }
0x18: {  	s0 =	sld [smem:$0x3F9A];
	_ =	swait.ge [sflag:s4], $0x0  }
0x19: {  	s7 =	sld [smem:$0x3F9B]  }
0x1a: {  	s8 =	sadd.s32 $0xFFFFE003, lr  }
0x1b: {  	s9 =	sadd.s32 $0xFFFFFEF7, lr;
	s5 =	simm.s32 $0xFFFFFFFF;
	p2 =	slt.u32 s8, $0xFFFFF086  }
0x1c: {  	p1 =	slt.u32 s9, $0xF7A;
	s5 =	simm.s32 @!p2 $0x0  }
0x1d: {  	s5 =	simm.s32 @p1 $0x1;
	p0 =	seq.s32 s7, s2  }
0x1e: {  	s7 =	smul.u32 @!p0 $0xF7A, s2;
	p2 =	seq.s32 @!p0 s5, $0x0  }
0x1f: {  	s9 =	smul.u32 $0xF7A, s1;
	s8 =	simm.s32 @!p0 $0x1BF5;
	p2 =	por !p2, p0  }
0x20: {  	[sflag:s8] =	ssyncset.s32 @!p0 $0xFFFFF086;
	s6 =	sadd.s32 @!p0 s3, s7;
	s7 =	simm.s32 @!p0 $0x108  }
0x21: {  	s3 =	sadd.s32 s3, s9;
	s6 =	sadd.s32 @!p0 $0x88, s6;
	s7 =	simm.s32 @p2 $0x1082  }
0x22: {  	[simem:s7], [sflag:s8] =	dma.local @!p0 [hbm:s6], $0xF7A  }
0x23: {  	s9 =	sor.u32 $0xD0000000, s2;
	s6 =	simm.s32 $0x108;
	_ =	swait.ge @!p0 [sflag:s8], $0x0  }
0x24: {  	s3 =	sadd.s32 $0x88, s3;
	s6 =	simm.s32 @!p1 $0x1082;
	[sflag:s4] =	ssyncset.s32 $0xFFFFF086  }
0x25: {  	[simem:s6], [sflag:s4] =	dma.local [hbm:s3], $0xF7A  }
0x26: {  	[smem:$0x3F9B] =	sst s1;
	(tag) =	ssettag s2;
	_ =	strace s9  }
0x27: {  	s1 =	sld [smem:$0x3FAB]  }
0x28: {  	s2 =	sld [smem:$0x3FAC]  }
0x29: {  	s4 =	sld [smem:$0x3FAE]  }
0x2a: {  	p0 =	seq.s32 s5, $0x0;
	s5 =	sld [smem:$0x3FAF]  }
0x2b: {  	s6 =	sld [smem:$0x3FB0]  }
0x2c: {  	s7 =	sld [smem:$0x3FB1]  }
0x2d: {  	s3 =	simm.s32 $0x108;
	s8 =	sld [smem:$0x3FB2]  }
0x2e: {  	s3 =	simm.s32 @!p0 $0x1082;
	s9 =	sld [smem:$0x3FB3]  }
0x2f: {  	lr =	sadd.s32 s0, s3;
	s0 =	sld [smem:$0x3FAA]  }
0x30: {  	s3 =	sld [smem:$0x3FAD]  }
0x31: {  	[smem:$0x3FB6] =	sst s10  }
0x32: {  	s10 =	sld [smem:$0x3FB4];
	_ =	sdelay $0x3  }
0x33: {  	p0 =	seq.s32 s10, $0x1;
	s10 =	sld [smem:$0x3FB6];
	_ =	sdelay $0x3  }
0x34: {  	[smem:$0x3FB6] =	sst s10  }
0x35: {  	s10 =	sld [smem:$0x3FB5];
	_ =	sdelay $0x3  }
0x36: {  	p1 =	seq.s32 s10, $0x1;
	s10 =	sld [smem:$0x3FB6];
	_ =	sdelay $0x3  }
0x37: {  	[smem:$0x3FB6] =	sst s10  }
0x38: {  	s10 =	sld [smem:$0x3FB7]  }
0x39: {  	_ = 	snop;
	(pc) =	sbr.ind lr, $3  }
0x3a: {  	_ = 	snop  }
0x3b: {  	_ = 	snop  }
0x3c: {  	p2 =	seq.s32 s10, $0x1;
	s10 =	sld [smem:$0x3FB6]  }
0x3d: {  	_ =	shalt  }
0x3e: {  	_ =	shalt  }
0x3f: {  	_ =	shalt  }
0x40: {  	_ =	shalt  }
0x41: {  	_ =	shalt  }
0x42: {  	_ =	shalt  }
0x43: {  	_ =	shalt  }
0x44: {  	_ =	shalt  }
0x45: {  	_ =	shalt  }
0x46: {  	_ =	shalt  }
0x47: {  	_ =	shalt  }
0x48: {  	_ =	shalt  }
0x49: {  	_ =	shalt  }
0x4a: {  	_ =	shalt  }
0x4b: {  	_ =	shalt  }
0x4c: {  	_ =	shalt  }
0x4d: {  	_ =	shalt  }
0x4e: {  	_ =	shalt  }
0x4f: {  	_ =	shalt  }
0x50: {  	_ =	shalt  }
0x51: {  	_ =	shalt  }
0x52: {  	_ =	shalt  }
0x53: {  	_ =	shalt  }
0x54: {  	_ =	shalt  }
0x55: {  	_ =	shalt  }
0x56: {  	_ =	shalt  }
0x57: {  	_ =	shalt  }
0x58: {  	_ =	shalt  }
0x59: {  	_ =	shalt  }
0x5a: {  	_ =	shalt  }
0x5b: {  	_ =	shalt  }
0x5c: {  	_ =	shalt  }
0x5d: {  	_ =	shalt  }
0x5e: {  	_ =	shalt  }
0x5f: {  	_ =	shalt  }
0x60: {  	_ =	shalt  }
0x61: {  	_ =	shalt  }
0x62: {  	_ =	shalt  }
0x63: {  	_ =	shalt  }
0x64: {  	_ =	shalt  }
0x65: {  	_ =	shalt  }
0x66: {  	_ =	shalt  }
0x67: {  	_ =	shalt  }
0x68: {  	_ =	shalt  }
0x69: {  	_ =	shalt  }
0x6a: {  	_ =	shalt  }
0x6b: {  	_ =	shalt  }
0x6c: {  	_ =	shalt  }
0x6d: {  	_ =	shalt  }
0x6e: {  	_ =	shalt  }
0x6f: {  	_ =	shalt  }
0x70: {  	_ =	shalt  }
0x71: {  	_ =	shalt  }
0x72: {  	_ =	shalt  }
0x73: {  	_ =	shalt  }
0x74: {  	_ =	shalt  }
0x75: {  	_ =	shalt  }
0x76: {  	_ =	shalt  }
0x77: {  	_ =	shalt  }
0x78: {  	_ =	shalt  }
0x79: {  	_ =	shalt  }
0x7a: {  	_ =	shalt  }
0x7b: {  	_ =	shalt  }
0x7c: {  	_ =	shalt  }
0x7d: {  	_ =	shalt  }
0x7e: {  	_ =	shalt  }
0x7f: {  	_ =	shalt  }
0x80: {  	_ =	shalt  }
0x81: {  	_ =	shalt  }
0x82: {  	_ =	shalt  }
0x83: {  	_ =	shalt  }
0x84: {  	_ =	shalt  }
0x85: {  	_ =	shalt  }
0x86: {  	_ =	shalt  }
0x87: {  	_ =	shalt  }
.Lfunc_end0:
.L_simem_size_0:
called_computation.2_lowered:
.L_overlay_start_0:
0x88: {  	s2 =	sld [smem:$0x3FD9]  }
0x89: {  	s3 =	sld [smem:$0x3FFE];
	_ =	sdelay $0x1  }
0x8a: {  	s1 =	srdreg.scid  }
0x8b: {  	s0 =	sand.u32 $0x1, s1  }
0x8c: {  	s17 =	sshll.u32 s0, $0xA;
	s2 =	sadd.s32 s3, s2  }
0x8d: {  	s2 =	sadd.s32 s2, s17  }
0x8e: {  	[smem:$0x3FC2] =	sst s2  }
0x8f: {  	_ = 	snop  }
0x90: {  	s2 =	sld [smem:$0x3FD0];
	(tm) =	ssettm $0x1  }
0x91: {  	s18 =	sld [smem:$0x3FFB];
	_ =	sdelay $0x3  }
0x92: {  	_ =	strace s18  }
0x93: {  	s3 =	sld [smem:$0x3FFC];
	_ =	sdelay $0x3  }
0x94: {  	_ =	strace s3  }
0x95: {  	s3 =	sld [smem:$0x3FFD];
	_ =	sdelay $0x3  }
0x96: {  	_ =	strace s3  }
0x97: {  	_ =	strace $0x8FFFFFFF  }
0x98: {  	s19 =	sld [smem:$0x3FDB];
	_ =	sdelay $0x1  }
0x99: {  	s4 =	simm.s32 $_scs_section_size  }
0x9a: {  	s5 =	simm.s32 $_size__tile_overlayer_lowered;
	s6 =	simm.s32 $_tile_overlayer_lowered  }
0x9b: {  	s22 =	simm.s32 $0x1BFF;
	s21 =	sshll.u32 s6, $0x1;
	s3 =	sadd.s32 s4, s19  }
0x9c: {  	s7 =	simm.s32 $0x0;
	s20 =	sshll.u32 s5, $0x1;
	s5 =	sadd.s32 s21, s3  }
0x9d: {  	[timem:s7], [sflag:s22] =	dma.local [hbm:s5], s20  }
0x9e: {  	_ =	swait.ge [sflag:s22], s20  }
0x9f: {  	s4 =	ssub.s32 $0x0, s20;
	[sflag:s22] =	ssyncset.done $0x0  }
0xa0: {  	[sflag:s22] =	ssyncadd.s32 s4;
	_ =	sdelay $0x1  }
0xa1: {  	s23 =	simm.s32 $0x1B8B  }
0xa2: {  	_ =	swait.ge [sflag:s23], $0x1  }
0xa3: {  	[sflag:s23] =	ssyncset.done $0x0  }
0xa4: {  	s25 =	simm.s32 $0x1B8E;
	s24 =	sld [smem:$0x3FFE];
	[sflag:s23] =	ssyncadd.s32 $0xFFFFFFFF  }
0xa5: {  	s26 =	simm.s32 $execute0_lowered;
	[smem:$0x3FD2] =	sst s25  }
0xa6: {  	s5 =	sshll.u32 s26, $0x1;
	_ =	strace $0x8000004C;
	[dreg:$0x1] =	wrdreg $0xFFFFFFFF  }
0xa7: {  	s28 =	simm.s32 $_size_execute0_lowered;
	s3 =	sadd.s32 s3, s5;
	[dreg:$0x0] =	wrdreg $0x0  }
0xa8: {  	s5 =	sshll.u32 s28, $0x1;
	[dreg:$0x2] =	wrdreg s3  }
0xa9: {  	[dreg:$0x3] =	wrdreg s5  }
0xaa: {  	[dreg:$0x4] =	wrdreg $0xC0  }
0xab: {  	_ =	task [dreg:s7], $0x5FFFF  }
0xac: {  	[dreg:$0x1] =	wrdreg $0xFFFFFFFF  }
0xad: {  	[dreg:$0x0] =	wrdreg $0x60  }
0xae: {  	[dreg:$0x2] =	wrdreg s24  }
0xaf: {  	[dreg:$0x3] =	wrdreg s2  }
0xb0: {  	[dreg:$0x4] =	wrdreg $0x83100  }
0xb1: {  	[dreg:$0x5] =	wrdreg $0x9  }
0xb2: {  	_ =	task.clear_ibuf [dreg:s7], $0x6FFFF;
	_ =	strace $0x9000004C  }
0xb3: {  	s29 =	simm.s32 $0x9;
	_ =	strace $0x8000004E  }
0xb4: {  	_ =	swait.ge [sflag:s29], $0x1  }
0xb5: {  	[sflag:s29] =	ssyncadd.s32 $0xFFFFFFFF  }
0xb6: {  	_ =	strace $0x9000004E  }
0xb7: {  	_ =	sfence  }
0xb8: {  	s30 =	sld [smem:$0x0];
	_ =	sdelay $0x2  }
0xb9: {  	s31 =	sshll.u32 s1, $0xD;
	s1 =	sshrl.u32 s1, $0x2  }
0xba: {  	s3 =	sand.u32 $0x4000, s31;
	s1 =	sadd.s32 s1, s30  }
0xbb: {  	s0 =	sor.u32 s3, s0;
	s1 =	sshll.u32 s1, $0x11  }
0xbc: {  	s0 =	sor.u32 s1, s0  }
0xbd: {  	s0 =	sadd.s32 $0x8F2B, s0  }
0xbe: {  	[sflag:s0] =	ssyncadd.remote.s32 $0x1  }
0xbf: {  	_ =	sfence.sel $0xFFFF  }
0xc0: {  	[dreg:$0x0] =	wrdreg $0xFFFFFFFF;
	(pc) =	sbr.abs _section_cstart, $3  }
0xc1: {  	[dreg:$0x1] =	wrdreg $0xFFFFFFFF  }
0xc2: {  	_ =	task.clear_ibuf [dreg:s7], $0x2FFFF;
	_ =	strace $0x9FFFFFFF  }
0xc3: {  	(tm) =	ssettm $0x7FFFFFFF  }
tec
execute0_lowered:
.L_overlay_start_1:
0x0: {  	(tag) =	ssettag $0x1  }
0x1: {  	s0 =	rddreg [dreg:$0x0]  }
0x2: {  	s4 =	rddreg [dreg:$0x1]  }
0x3: {  	s1 =	rddreg [dreg:$0x2]  }
0x4: {  	s2 =	simm.s32 $0x0;
	s6 =	srdreg.scid;
	s26 =	stileid.u32  }
0x5: {  	s28 =	simm.s32 $0x4F00;
	s29 =	simm.s32 $0x80;
	s30 =	simm.s32 $0x1  }
0x6: {  	s31 =	simm.s32 $0x2;
	[smem:$0x7FF] =	sst s2;
	s3 =	sadd.s32 $0xC200, s0  }
0x7: {  	s14 =	sadd.s32 $0x2400, s0;
	s5 =	sadd.s32 $0x16200, s0;
	s15 =	sand.u32 $0x1, s6  }
0x8: {  	s25 =	sadd.s32 $0x16600, s0;
	s7 =	sadd.s32 $0x16800, s0;
	s16 =	smul.u32 $0x5000, s26  }
0x9: {  	s0 =	sadd.s32 $0x16A00, s0;
	s12 =	sshll.u32 s26, $0x1;
	s17 =	smul.u32 $0x2780, s26  }
0xa: {  	s18 =	smul.u32 $0x4F0, s26;
	_ =	strace $0x8000004D;
	[dreg:$0x4] =	wrdreg s25  }
0xb: {  	s8 =	ssub.s32 $0x2, s15;
	s10 =	sor.u32 s15, s12;
	s23 =	smul.u32 $0x50000, s15  }
0xc: {  	p0 =	seq.s32 s15, $0x1;
	s9 =	sshrl.u32 s8, $0x1;
	s19 =	sadd.s32 $0x1400, s16  }
0xd: {  	s20 =	sadd.s32 $0x2800, s16;
	s13 =	smul.u32 $0x4F0, s10;
	s21 =	sadd.s32 $0x3C00, s16  }
0xe: {  	s17 =	sshrl.u32 s17, $0x3;
	s6 =	sadd.s32 s14, s18;
	s18 =	sadd.s32 s4, s18  }
0xf: {  	s22 =	ssub.s32 s8, s9;
	s8 =	sadd.s32 s16, s1;
	s9 =	sadd.s32 s19, s1  }
0x10: {  	s10 =	sadd.s32 s20, s1;
	s11 =	sadd.s32 s21, s1;
	[dreg:$0x6] =	wrdreg s6  }
0x11: {  	s16 =	sadd.s32 s16, s23;
	[dreg:$0x8] =	wrdreg s18;
	s24 =	sadd.s32 s23, s19  }
0x12: {  	s25 =	sadd.s32 s23, s20;
	s26 =	sadd.s32 s23, s21;
	s23 =	simm.s32 $0x6F00  }
0x13: {  	s12 =	sadd.s32 s14, s13;
	s13 =	sadd.s32 s4, s13;
	s15 =	sshrl.u32 s26, $0x3  }
0x14: {  	s22 =	smax.u32 s22, $0x1;
	[dreg:$0x5] =	wrdreg s13;
	s13 =	sadd.s32 $0x4F00, s17  }
0x15: {  	s26 =	simm.s32 $0x2780;
	s17 =	sshrl.u32 s16, $0x3;
	s14 =	sadd.s32 s14, s13  }
.Ltmp0:
0x16: {  	s4 =	sadd.s32 s4, s13;
	[dreg:$0x7] =	wrdreg s14;
	(pc) =	sbr.rel .LBB2_1-.Ltmp0, $4  }
0x17: {  	s21 =	sadd.s32 s0, s15;
	s18 =	sadd.s32 s0, s17;
	[dreg:$0x9] =	wrdreg s4  }
0x18: {  	s4 =	sshrl.u32 s24, $0x3;
	s14 =	sshrl.u32 s25, $0x3;
	s24 =	simm.s32 $0x3  }
0x19: {  	s25 =	simm.s32 $0x8300;
	s19 =	sadd.s32 s0, s4;
	s20 =	sadd.s32 s0, s14  }
0x1a: {  	s0 =	simm.s32 $0x4E80;
	s4 =	simm.s32 $0x5F00;
	s14 =	simm.s32 $0x0  }
.LBB2_15:
0x1b: {  	s6 =	sadd.s32 $0x80, s15;
	[sflag:s24] =	ssyncadd.s32 $0xFFFFF000  }
0x1c: {  	[tilespmem:s4], [sflag:$0x2] =	stream.indirect.gather [hbm4b:s3+s29], $0x20, s6, s29, $0xb8;
	[tilespmem:$0xD310] =	vst v63  }
0x1d: {  	_ =	swait.ge [sflag:s30], $0x1000  }
0x1e: {  	[sflag:s30] =	ssyncset.done $0x0  }
0x1f: {  	s13 =	sadd.s32 $0x2780, s15;
	[sflag:s30] =	ssyncadd.s32 $0xFFFFF000  }
0x20: {  	[spmem:s1] =	stream.indirect.scatter.add.f32 [tilespmem:s28], [sflag:$0x3], $0x20, s13, s29, $0xb8;
	[tilespmem:$0xD310] =	vst v63  }
0x21: {  	_ =	swait.ge [sflag:s24], $0x1000  }
0x22: {  	[sflag:s24] =	ssyncset.done $0x0  }
0x23: {  	s16 =	sadd.s32 $0x100, s15;
	[sflag:s24] =	ssyncadd.s32 $0xFFFFF000  }
0x24: {  	[tilespmem:s28], [sflag:$0x1] =	stream.indirect.gather [hbm4b:s3+s29], $0x20, s16, s29, $0xb8;
	[tilespmem:$0xD310] =	vst v63  }
0x25: {  	_ =	swait.ge [sflag:s31], $0x1000  }
0x26: {  	[sflag:s31] =	ssyncset.done $0x0  }
0x27: {  	s17 =	sadd.s32 $0x2800, s15;
	[sflag:s31] =	ssyncadd.s32 $0xFFFFF000  }
0x28: {  	[spmem:s1] =	stream.indirect.scatter.add.f32 [tilespmem:s4], [sflag:$0x3], $0x20, s17, s29, $0xb8;
	[tilespmem:$0xD310] =	vst v63  }
0x29: {  	_ =	swait.ge [sflag:s24], $0x1000  }
0x2a: {  	[sflag:s24] =	ssyncset.done $0x0  }
0x2b: {  	[sflag:s24] =	ssyncadd.s32 $0xFFFFF000  }
0x2c: {  	_ =	swait.ge [sflag:s30], $0x1000  }
0x2d: {  	[sflag:s30] =	ssyncset.done $0x0  }
0x2e: {  	[sflag:s30] =	ssyncadd.s32 $0xFFFFF000  }
.LBB2_16:
0x2f: {  	[spmem:s1] =	stream.indirect.scatter.add.f32 [tilespmem:s28], [sflag:$0x3], $0x20, s0, s29, $0xb8;
	[tilespmem:$0xD310] =	vst v63  }
0x30: {  	_ =	swait.ge [sflag:s24], $0x1000  }
0x31: {  	[sflag:s24] =	ssyncset.done $0x0  }
0x32: {  	[sflag:s24] =	ssyncadd.s32 $0xFFFFF000  }
0x33: {  	[bflag:$0x0] =	sbarrier.arrive $0xFFFF  }
0x34: {  	[tilespmem:s23], [sflag:$0x3] =	stream.linear.gather [spmem:s8], $0x1400, $0x38;
	[tilespmem:$0xD310] =	vst v63  }
0x35: {  	_ =	swait.ge [sflag:s24], $0x1400  }
0x36: {  	[sflag:s24] =	ssyncset.done $0x0  }
0x37: {  	[sflag:s24] =	ssyncadd.s32 $0xFFFFEC00  }
0x38: {  	[hbm4b:s18+s2] =	stream.linear.scatter [tilespmem:s23], [sflag:$0x3], $0x1400, $0x38;
	[tilespmem:$0xD310] =	vst v63  }
0x39: {  	_ =	swait.ge [sflag:s24], $0x1400  }
0x3a: {  	[sflag:s24] =	ssyncset.done $0x0  }
0x3b: {  	[sflag:s24] =	ssyncadd.s32 $0xFFFFEC00  }
0x3c: {  	[tilespmem:s23], [sflag:$0x3] =	stream.linear.gather [spmem:s9], $0x1400, $0x38;
	[tilespmem:$0xD310] =	vst v63  }
0x3d: {  	_ =	swait.ge [sflag:s24], $0x1400  }
0x3e: {  	[sflag:s24] =	ssyncset.done $0x0  }
0x3f: {  	[sflag:s24] =	ssyncadd.s32 $0xFFFFEC00  }
0x40: {  	[hbm4b:s19+s2] =	stream.linear.scatter [tilespmem:s23], [sflag:$0x3], $0x1400, $0x38;
	[tilespmem:$0xD310] =	vst v63  }
0x41: {  	_ =	swait.ge [sflag:s24], $0x1400  }
0x42: {  	[sflag:s24] =	ssyncset.done $0x0  }
0x43: {  	[sflag:s24] =	ssyncadd.s32 $0xFFFFEC00  }
0x44: {  	[tilespmem:s23], [sflag:$0x3] =	stream.linear.gather [spmem:s10], $0x1400, $0x38;
	[tilespmem:$0xD310] =	vst v63  }
0x45: {  	_ =	swait.ge [sflag:s24], $0x1400  }
0x46: {  	[sflag:s24] =	ssyncset.done $0x0  }
0x47: {  	[sflag:s24] =	ssyncadd.s32 $0xFFFFEC00  }
0x48: {  	[hbm4b:s20+s2] =	stream.linear.scatter [tilespmem:s23], [sflag:$0x3], $0x1400, $0x38;
	[tilespmem:$0xD310] =	vst v63  }
0x49: {  	_ =	swait.ge [sflag:s24], $0x1400  }
0x4a: {  	[sflag:s24] =	ssyncset.done $0x0  }
0x4b: {  	[sflag:s24] =	ssyncadd.s32 $0xFFFFEC00  }
0x4c: {  	[tilespmem:s23], [sflag:$0x3] =	stream.linear.gather [spmem:s11], $0x1400, $0x38;
	[tilespmem:$0xD310] =	vst v63  }
0x4d: {  	s14 =	sadd.s32 $0x1, s14;
	_ =	swait.ge [sflag:s24], $0x1400  }
0x4e: {  	p1 =	sne.s32 s14, s22;
	[sflag:s24] =	ssyncset.done $0x0  }
.Ltmp1:
0x4f: {  	[sflag:s24] =	ssyncadd.s32 $0xFFFFEC00;
	(pc) =	sbr.rel @!p1 .LBB2_17-.Ltmp1, $4  }
0x50: {  	[hbm4b:s21+s2] =	stream.linear.scatter [tilespmem:s23], [sflag:$0x3], $0x1400, $0x38;
	[tilespmem:$0xD310] =	vst v63  }
0x51: {  	_ =	swait.ge [sflag:s24], $0x1400  }
0x52: {  	[sflag:s24] =	ssyncset.done $0x0  }
0x53: {  	[sflag:s24] =	ssyncadd.s32 $0xFFFFEC00  }
.LBB2_1:
0x54: {  	[tilespmem:s23], [sflag:$0x3] =	stream.linear.gather [hbm4b:s5+s2], $0x1400, $0x38;
	[tilespmem:$0xD310] =	vst v63  }
0x55: {  	_ =	swait.ge [sflag:s24], $0x1400  }
0x56: {  	[sflag:s24] =	ssyncset.done $0x0  }
0x57: {  	[sflag:s24] =	ssyncadd.s32 $0xFFFFEC00  }
0x58: {  	[spmem:s8] =	stream.linear.scatter [tilespmem:s23], [sflag:$0x3], $0x1400, $0x38;
	[tilespmem:$0xD310] =	vst v63  }
0x59: {  	_ =	swait.ge [sflag:s24], $0x1400  }
0x5a: {  	[sflag:s24] =	ssyncset.done $0x0  }
0x5b: {  	[sflag:s24] =	ssyncadd.s32 $0xFFFFEC00  }
0x5c: {  	[spmem:s9] =	stream.linear.scatter [tilespmem:s23], [sflag:$0x3], $0x1400, $0x38;
	[tilespmem:$0xD310] =	vst v63  }
0x5d: {  	_ =	swait.ge [sflag:s24], $0x1400  }
0x5e: {  	[sflag:s24] =	ssyncset.done $0x0  }
0x5f: {  	[sflag:s24] =	ssyncadd.s32 $0xFFFFEC00  }
0x60: {  	[spmem:s10] =	stream.linear.scatter [tilespmem:s23], [sflag:$0x3], $0x1400, $0x38;
	[tilespmem:$0xD310] =	vst v63  }
0x61: {  	_ =	swait.ge [sflag:s24], $0x1400  }
0x62: {  	[sflag:s24] =	ssyncset.done $0x0  }
0x63: {  	[sflag:s24] =	ssyncadd.s32 $0xFFFFEC00  }
0x64: {  	[spmem:s11] =	stream.linear.scatter [tilespmem:s23], [sflag:$0x3], $0x1400, $0x38;
	[tilespmem:$0xD310] =	vst v63  }
0x65: {  	_ =	swait.ge [sflag:s24], $0x1400  }
0x66: {  	[sflag:s24] =	ssyncset.done $0x0  }
0x67: {  	[sflag:s24] =	ssyncadd.s32 $0xFFFFEC00  }
0x68: {  	[tilespmem:s25], [sflag:$0x3] =	stream.linear.gather [hbm4b:s7+s2], $0x10, $0x38;
	[tilespmem:$0xD310] =	vst v63  }
0x69: {  	_ =	swait.ge [sflag:s24], $0x10  }
0x6a: {  	[sflag:s24] =	ssyncset.done $0x0  }
0x6b: {  	[sflag:s24] =	ssyncadd.s32 $0xFFFFFFF0  }
0x6c: {  	[tilespmem:s26], [sflag:$0x3] =	stream.linear.gather [hbm4b:s12+s2], $0x2780, $0x38;
	[tilespmem:$0xD310] =	vst v63  }
0x6d: {  	_ =	swait.ge [sflag:s24], $0x2780  }
0x6e: {  	[sflag:s24] =	ssyncset.done $0x0  }
0x6f: {  	[sflag:s24] =	ssyncadd.s32 $0xFFFFD880  }
0x70: {  	v0 =	vld [tilespmem:$0x8300];
	_ =	sdelay $0x4  }
0x71: {  	(xrf2) =	vadd.scan.msk.f32 $0xffff, v0;
	_ =	sdelay $0x9  }
0x72: {  	v0, _, _ =	vpop (xrf2)  }
0x73: {  	(v2sf) =	vpush v0, $0xF;
	_ =	sdelay $0xe  }
0x74: {  	s15 =	spop (v2sf)  }
0x75: {  	p1 =	sgt.f32 s15, $5.000000000e-01  }
.Ltmp2:
0x76: {  	_ = 	snop;
	(pc) =	sbr.rel @!p1 .LBB2_13-.Ltmp2, $2  }
0x77: {  	_ =	sdelay $0x1  }
0x78: {  	[bflag:$0x0] =	sbarrier.arrive $0xFFFF;
	_ =	sdelay $0x1  }
.Ltmp3:
0x79: {  	s6 =	rddreg [dreg:$0x4];
	(pc) =	sbr.rel @!p0 .LBB2_3-.Ltmp3, $4  }
0x7a: {  	[tilespmem:s28], [sflag:$0x3] =	stream.linear.gather [hbm4b:s6+s2], $0x1000, $0x38;
	[tilespmem:$0xD310] =	vst v63  }
0x7b: {  	_ =	swait.ge [sflag:s24], $0x1000  }
0x7c: {  	[sflag:s24] =	ssyncset.done $0x0  }
0x7d: {  	[sflag:s24] =	ssyncadd.s32 $0xFFFFF000  }
0x7e: {  	s6 =	simm.s32 $0x0;
	s13 =	rddreg [dreg:$0x8]  }
0x7f: {  	[tilespmem:s26], [sflag:$0x3] =	stream.linear.gather [hbm4b:s13+s6], $0x2780, $0x38;
	[tilespmem:$0xD310] =	vst v63  }
0x80: {  	_ =	swait.ge [sflag:s24], $0x2780  }
0x81: {  	[sflag:s24] =	ssyncset.done $0x0  }
0x82: {  	s16 =	simm.s32 $0x2780;
	[sflag:s24] =	ssyncadd.s32 $0xFFFFD880  }
0x83: {  	[spmem:s1] =	stream.indirect.scatter.add.f32 [tilespmem:s28], [sflag:$0x1], $0x20, s16, s29, $0xb8;
	[tilespmem:$0xD310] =	vst v63  }
0x84: {  	s17 =	simm.s32 $0x2800  }
0x85: {  	[spmem:s1] =	stream.indirect.scatter.add.f32 [tilespmem:s28], [sflag:$0x2], $0x20, s17, s29, $0xb8;
	[tilespmem:$0xD310] =	vst v63  }
0x86: {  	_ =	swait.ge [sflag:s30], $0x1000  }
0x87: {  	[sflag:s30] =	ssyncset.done $0x0  }
0x88: {  	[sflag:s30] =	ssyncadd.s32 $0xFFFFF000  }
0x89: {  	_ =	swait.ge [sflag:s31], $0x1000  }
0x8a: {  	s15 =	simm.s32 $0x100;
	s16 =	simm.s32 $0x800;
	[sflag:s31] =	ssyncset.done $0x0  }
.LBB2_9:
0x8b: {  	s6 =	sadd.s32 $0x2780, s15  }
0x8c: {  	[sflag:s31] =	ssyncadd.s32 $0xFFFFF000;
	s13 =	smov.u32 s16;
	s17 =	sadd.s32 $0x400, s16  }
0x8d: {  	[spmem:s1] =	stream.indirect.scatter.add.f32 [tilespmem:s28], [sflag:$0x1], $0x20, s6, s29, $0xb8;
	[tilespmem:$0xD310] =	vst v63  }
0x8e: {  	p1 =	sne.s32 s16, $0x9800;
	s6 =	sadd.s32 $0x2800, s15  }
0x8f: {  	[spmem:s1] =	stream.indirect.scatter.add.f32 [tilespmem:s28], [sflag:$0x2], $0x20, s6, s29, $0xb8;
	[tilespmem:$0xD310] =	vst v63  }
.Ltmp4:
0x90: {  	_ =	swait.ge [sflag:s30], $0x1000;
	(pc) =	sbr.rel @p1 .LBB2_9-.Ltmp4, $4  }
0x91: {  	[sflag:s30] =	ssyncset.done $0x0  }
0x92: {  	[sflag:s30] =	ssyncadd.s32 $0xFFFFF000  }
0x93: {  	_ =	swait.ge [sflag:s31], $0x1000  }
0x94: {  	s15 =	sshra.s32 s13, $0x2;
	s16 =	smov.u32 s17;
	[sflag:s31] =	ssyncset.done $0x0  }
0x95: {  	s6 =	sadd.s32 $0x2780, s15;
	[sflag:s31] =	ssyncadd.s32 $0xFFFFF000  }
0x96: {  	[spmem:s1] =	stream.indirect.scatter.add.f32 [tilespmem:s28], [sflag:$0x1], $0x20, s6, s29, $0xb8;
	[tilespmem:$0xD310] =	vst v63  }
0x97: {  	s13 =	sadd.s32 $0x2800, s15  }
0x98: {  	[spmem:s1] =	stream.indirect.scatter.add.f32 [tilespmem:s28], [sflag:$0x2], $0x20, s13, s29, $0xb8;
	[tilespmem:$0xD310] =	vst v63  }
0x99: {  	_ =	swait.ge [sflag:s30], $0x1000  }
0x9a: {  	[sflag:s30] =	ssyncset.done $0x0  }
0x9b: {  	[sflag:s30] =	ssyncadd.s32 $0xFFFFF000  }
0x9c: {  	_ =	swait.ge [sflag:s31], $0x1000  }
0x9d: {  	[sflag:s31] =	ssyncset.done $0x0  }
0x9e: {  	[sflag:s31] =	ssyncadd.s32 $0xFFFFF000  }
0x9f: {  	[spmem:s1] =	stream.indirect.scatter.add.f32 [tilespmem:s28], [sflag:$0x3], $0x20, s0, s29, $0xb8;
	[tilespmem:$0xD310] =	vst v63  }
0xa0: {  	_ =	swait.ge [sflag:s24], $0x1000  }
0xa1: {  	[sflag:s24] =	ssyncset.done $0x0  }
0xa2: {  	s15 =	simm.s32 $0x0;
	s13 =	rddreg [dreg:$0x9];
	[sflag:s24] =	ssyncadd.s32 $0xFFFFF000  }
0xa3: {  	[tilespmem:s26], [sflag:$0x3] =	stream.linear.gather [hbm4b:s13+s15], $0x2780, $0x38;
	[tilespmem:$0xD310] =	vst v63  }
0xa4: {  	_ =	swait.ge [sflag:s24], $0x2780  }
0xa5: {  	[sflag:s24] =	ssyncset.done $0x0  }
0xa6: {  	s16 =	simm.s32 $0x2780;
	[sflag:s24] =	ssyncadd.s32 $0xFFFFD880  }
0xa7: {  	[spmem:s1] =	stream.indirect.scatter.add.f32 [tilespmem:s28], [sflag:$0x1], $0x20, s16, s29, $0xb8;
	[tilespmem:$0xD310] =	vst v63  }
0xa8: {  	s17 =	simm.s32 $0x2800  }
0xa9: {  	[spmem:s1] =	stream.indirect.scatter.add.f32 [tilespmem:s28], [sflag:$0x2], $0x20, s17, s29, $0xb8;
	[tilespmem:$0xD310] =	vst v63  }
0xaa: {  	_ =	swait.ge [sflag:s30], $0x1000  }
0xab: {  	[sflag:s30] =	ssyncset.done $0x0  }
0xac: {  	[sflag:s30] =	ssyncadd.s32 $0xFFFFF000  }
0xad: {  	_ =	swait.ge [sflag:s31], $0x1000  }
0xae: {  	s15 =	simm.s32 $0x100;
	s16 =	simm.s32 $0x800;
	[sflag:s31] =	ssyncset.done $0x0  }
.LBB2_11:
0xaf: {  	s6 =	sadd.s32 $0x2780, s15  }
0xb0: {  	[sflag:s31] =	ssyncadd.s32 $0xFFFFF000;
	s13 =	smov.u32 s16;
	s17 =	sadd.s32 $0x400, s16  }
0xb1: {  	[spmem:s1] =	stream.indirect.scatter.add.f32 [tilespmem:s28], [sflag:$0x1], $0x20, s6, s29, $0xb8;
	[tilespmem:$0xD310] =	vst v63  }
0xb2: {  	p1 =	seq.s32 s16, $0x9800;
	s6 =	sadd.s32 $0x2800, s15  }
0xb3: {  	[spmem:s1] =	stream.indirect.scatter.add.f32 [tilespmem:s28], [sflag:$0x2], $0x20, s6, s29, $0xb8;
	[tilespmem:$0xD310] =	vst v63  }
.Ltmp5:
0xb4: {  	_ =	swait.ge [sflag:s30], $0x1000;
	(pc) =	sbr.rel @!p1 .LBB2_11-.Ltmp5, $4  }
0xb5: {  	[sflag:s30] =	ssyncset.done $0x0  }
0xb6: {  	[sflag:s30] =	ssyncadd.s32 $0xFFFFF000  }
0xb7: {  	_ =	swait.ge [sflag:s31], $0x1000  }
0xb8: {  	s15 =	sshra.s32 s13, $0x2;
	s16 =	smov.u32 s17;
	[sflag:s31] =	ssyncset.done $0x0  }
0xb9: {  	s6 =	sadd.s32 $0x2780, s15;
	[sflag:s31] =	ssyncadd.s32 $0xFFFFF000  }
0xba: {  	[spmem:s1] =	stream.indirect.scatter.add.f32 [tilespmem:s28], [sflag:$0x1], $0x20, s6, s29, $0xb8;
	[tilespmem:$0xD310] =	vst v63  }
0xbb: {  	s17 =	sadd.s32 $0x2800, s15  }
0xbc: {  	[spmem:s1] =	stream.indirect.scatter.add.f32 [tilespmem:s28], [sflag:$0x2], $0x20, s17, s29, $0xb8;
	[tilespmem:$0xD310] =	vst v63  }
0xbd: {  	_ =	swait.ge [sflag:s30], $0x1000  }
.Ltmp6:
0xbe: {  	[sflag:s30] =	ssyncset.done $0x0;
	(pc) =	sbr.rel .LBB2_16-.Ltmp6, $4  }
0xbf: {  	[sflag:s30] =	ssyncadd.s32 $0xFFFFF000  }
0xc0: {  	_ =	swait.ge [sflag:s31], $0x1000  }
0xc1: {  	[sflag:s31] =	ssyncset.done $0x0  }
0xc2: {  	[sflag:s31] =	ssyncadd.s32 $0xFFFFF000  }
.LBB2_13:
0xc3: {  	s6 =	simm.s32 $0x0;
	s13 =	rddreg [dreg:$0x5]  }
0xc4: {  	[tilespmem:s6], [sflag:$0x3] =	stream.linear.gather [hbm4b:s13+s6], $0x2780, $0x38;
	[tilespmem:$0xD310] =	vst v63  }
0xc5: {  	_ =	swait.ge [sflag:s24], $0x2780  }
0xc6: {  	[sflag:s24] =	ssyncset.done $0x0  }
0xc7: {  	[sflag:s24] =	ssyncadd.s32 $0xFFFFD880  }
0xc8: {  	[tilespmem:s28], [sflag:$0x1] =	stream.indirect.gather [hbm4b:s3+s29], $0x20, s6, s29, $0xb8;
	[tilespmem:$0xD310] =	vst v63  }
0xc9: {  	s13 =	simm.s32 $0x80  }
0xca: {  	[tilespmem:s4], [sflag:$0x2] =	stream.indirect.gather [hbm4b:s3+s29], $0x20, s13, s29, $0xb8;
	[tilespmem:$0xD310] =	vst v63  }
0xcb: {  	_ =	swait.ge [sflag:s30], $0x1000  }
0xcc: {  	[sflag:s30] =	ssyncset.done $0x0  }
0xcd: {  	s15 =	simm.s32 $0x2780;
	[sflag:s30] =	ssyncadd.s32 $0xFFFFF000  }
0xce: {  	[spmem:s1] =	stream.indirect.scatter.add.f32 [tilespmem:s28], [sflag:$0x3], $0x20, s15, s29, $0xb8;
	[tilespmem:$0xD310] =	vst v63  }
0xcf: {  	_ =	swait.ge [sflag:s24], $0x1000  }
0xd0: {  	[sflag:s24] =	ssyncset.done $0x0  }
0xd1: {  	s16 =	simm.s32 $0x100;
	[sflag:s24] =	ssyncadd.s32 $0xFFFFF000  }
0xd2: {  	[tilespmem:s28], [sflag:$0x1] =	stream.indirect.gather [hbm4b:s3+s29], $0x20, s16, s29, $0xb8;
	[tilespmem:$0xD310] =	vst v63  }
0xd3: {  	_ =	swait.ge [sflag:s31], $0x1000  }
0xd4: {  	[sflag:s31] =	ssyncset.done $0x0  }
0xd5: {  	s17 =	simm.s32 $0x2800;
	[sflag:s31] =	ssyncadd.s32 $0xFFFFF000  }
0xd6: {  	[spmem:s1] =	stream.indirect.scatter.add.f32 [tilespmem:s4], [sflag:$0x3], $0x20, s17, s29, $0xb8;
	[tilespmem:$0xD310] =	vst v63  }
0xd7: {  	_ =	swait.ge [sflag:s24], $0x1000  }
0xd8: {  	s15 =	simm.s32 $0x100;
	s16 =	simm.s32 $0x800;
	[sflag:s24] =	ssyncset.done $0x0  }
.LBB2_14:
0xd9: {  	s6 =	sadd.s32 $0x80, s15  }
0xda: {  	[sflag:s24] =	ssyncadd.s32 $0xFFFFF000;
	s13 =	smov.u32 s16;
	s17 =	sadd.s32 $0x400, s16  }
0xdb: {  	[tilespmem:s4], [sflag:$0x2] =	stream.indirect.gather [hbm4b:s3+s29], $0x20, s6, s29, $0xb8;
	[tilespmem:$0xD310] =	vst v63  }
0xdc: {  	p1 =	sne.s32 s16, $0x9800;
	_ =	swait.ge [sflag:s30], $0x1000  }
0xdd: {  	[sflag:s30] =	ssyncset.done $0x0  }
0xde: {  	s6 =	sadd.s32 $0x2780, s15;
	[sflag:s30] =	ssyncadd.s32 $0xFFFFF000  }
0xdf: {  	[spmem:s1] =	stream.indirect.scatter.add.f32 [tilespmem:s28], [sflag:$0x3], $0x20, s6, s29, $0xb8;
	[tilespmem:$0xD310] =	vst v63  }
0xe0: {  	_ =	swait.ge [sflag:s24], $0x1000  }
0xe1: {  	[sflag:s24] =	ssyncset.done $0x0  }
0xe2: {  	s6 =	sadd.s32 $0x100, s15;
	[sflag:s24] =	ssyncadd.s32 $0xFFFFF000  }
0xe3: {  	[tilespmem:s28], [sflag:$0x1] =	stream.indirect.gather [hbm4b:s3+s29], $0x20, s6, s29, $0xb8;
	[tilespmem:$0xD310] =	vst v63  }
0xe4: {  	_ =	swait.ge [sflag:s31], $0x1000  }
.Ltmp7:
0xe5: {  	[sflag:s31] =	ssyncset.done $0x0;
	(pc) =	sbr.rel @p1 .LBB2_14-.Ltmp7, $4  }
0xe6: {  	s6 =	sadd.s32 $0x2800, s15;
	[sflag:s31] =	ssyncadd.s32 $0xFFFFF000  }
0xe7: {  	[spmem:s1] =	stream.indirect.scatter.add.f32 [tilespmem:s4], [sflag:$0x3], $0x20, s6, s29, $0xb8;
	[tilespmem:$0xD310] =	vst v63  }
0xe8: {  	_ =	swait.ge [sflag:s24], $0x1000  }
0xe9: {  	s16 =	smov.u32 s17;
	s15 =	sshra.s32 s13, $0x2;
	[sflag:s24] =	ssyncset.done $0x0  }
.Ltmp8:
0xea: {  	_ = 	snop;
	(pc) =	sbr.rel .LBB2_15-.Ltmp8, $1  }
0xeb: {  	_ =	sdelay $0x3  }
.LBB2_3:
0xec: {  	s15 =	simm.s32 $0x0;
	s6 =	rddreg [dreg:$0x6]  }
0xed: {  	[tilespmem:s26], [sflag:$0x3] =	stream.linear.gather [hbm4b:s6+s15], $0x2780, $0x38;
	[tilespmem:$0xD310] =	vst v63  }
0xee: {  	_ =	swait.ge [sflag:s24], $0x2780  }
0xef: {  	[sflag:s24] =	ssyncset.done $0x0  }
0xf0: {  	s16 =	simm.s32 $0x2780;
	[sflag:s24] =	ssyncadd.s32 $0xFFFFD880  }
0xf1: {  	[spmem:s1] =	stream.indirect.scatter.add.f32 [tilespmem:s28], [sflag:$0x1], $0x20, s16, s29, $0xb8;
	[tilespmem:$0xD310] =	vst v63  }
0xf2: {  	s17 =	simm.s32 $0x2800  }
0xf3: {  	[spmem:s1] =	stream.indirect.scatter.add.f32 [tilespmem:s28], [sflag:$0x2], $0x20, s17, s29, $0xb8;
	[tilespmem:$0xD310] =	vst v63  }
0xf4: {  	_ =	swait.ge [sflag:s30], $0x1000  }
0xf5: {  	[sflag:s30] =	ssyncset.done $0x0  }
0xf6: {  	[sflag:s30] =	ssyncadd.s32 $0xFFFFF000  }
0xf7: {  	_ =	swait.ge [sflag:s31], $0x1000  }
0xf8: {  	s15 =	simm.s32 $0x100;
	s16 =	simm.s32 $0x800;
	[sflag:s31] =	ssyncset.done $0x0  }
.LBB2_4:
0xf9: {  	s17 =	sadd.s32 $0x2780, s15  }
0xfa: {  	[sflag:s31] =	ssyncadd.s32 $0xFFFFF000;
	s6 =	smov.u32 s16;
	s13 =	sadd.s32 $0x400, s16  }
0xfb: {  	[spmem:s1] =	stream.indirect.scatter.add.f32 [tilespmem:s28], [sflag:$0x1], $0x20, s17, s29, $0xb8;
	[tilespmem:$0xD310] =	vst v63  }
0xfc: {  	p1 =	sne.s32 s16, $0x9800;
	s15 =	sadd.s32 $0x2800, s15  }
0xfd: {  	[spmem:s1] =	stream.indirect.scatter.add.f32 [tilespmem:s28], [sflag:$0x2], $0x20, s15, s29, $0xb8;
	[tilespmem:$0xD310] =	vst v63  }
.Ltmp9:
0xfe: {  	_ =	swait.ge [sflag:s30], $0x1000;
	(pc) =	sbr.rel @p1 .LBB2_4-.Ltmp9, $4  }
0xff: {  	[sflag:s30] =	ssyncset.done $0x0  }
0x100: {  	[sflag:s30] =	ssyncadd.s32 $0xFFFFF000  }
0x101: {  	_ =	swait.ge [sflag:s31], $0x1000  }
0x102: {  	s16 =	smov.u32 s13;
	s15 =	sshra.s32 s6, $0x2;
	[sflag:s31] =	ssyncset.done $0x0  }
0x103: {  	s6 =	sadd.s32 $0x2780, s15;
	[sflag:s31] =	ssyncadd.s32 $0xFFFFF000  }
0x104: {  	[spmem:s1] =	stream.indirect.scatter.add.f32 [tilespmem:s28], [sflag:$0x1], $0x20, s6, s29, $0xb8;
	[tilespmem:$0xD310] =	vst v63  }
0x105: {  	s13 =	sadd.s32 $0x2800, s15  }
0x106: {  	[spmem:s1] =	stream.indirect.scatter.add.f32 [tilespmem:s28], [sflag:$0x2], $0x20, s13, s29, $0xb8;
	[tilespmem:$0xD310] =	vst v63  }
0x107: {  	_ =	swait.ge [sflag:s30], $0x1000  }
0x108: {  	[sflag:s30] =	ssyncset.done $0x0  }
0x109: {  	[sflag:s30] =	ssyncadd.s32 $0xFFFFF000  }
0x10a: {  	_ =	swait.ge [sflag:s31], $0x1000  }
0x10b: {  	[sflag:s31] =	ssyncset.done $0x0  }
0x10c: {  	[sflag:s31] =	ssyncadd.s32 $0xFFFFF000  }
0x10d: {  	[spmem:s1] =	stream.indirect.scatter.add.f32 [tilespmem:s28], [sflag:$0x3], $0x20, s0, s29, $0xb8;
	[tilespmem:$0xD310] =	vst v63  }
0x10e: {  	_ =	swait.ge [sflag:s24], $0x1000  }
0x10f: {  	[sflag:s24] =	ssyncset.done $0x0  }
0x110: {  	s15 =	simm.s32 $0x0;
	s13 =	rddreg [dreg:$0x7];
	[sflag:s24] =	ssyncadd.s32 $0xFFFFF000  }
0x111: {  	[tilespmem:s26], [sflag:$0x3] =	stream.linear.gather [hbm4b:s13+s15], $0x2780, $0x38;
	[tilespmem:$0xD310] =	vst v63  }
0x112: {  	_ =	swait.ge [sflag:s24], $0x2780  }
0x113: {  	[sflag:s24] =	ssyncset.done $0x0  }
0x114: {  	s16 =	simm.s32 $0x2780;
	[sflag:s24] =	ssyncadd.s32 $0xFFFFD880  }
0x115: {  	[spmem:s1] =	stream.indirect.scatter.add.f32 [tilespmem:s28], [sflag:$0x1], $0x20, s16, s29, $0xb8;
	[tilespmem:$0xD310] =	vst v63  }
0x116: {  	s17 =	simm.s32 $0x2800  }
0x117: {  	[spmem:s1] =	stream.indirect.scatter.add.f32 [tilespmem:s28], [sflag:$0x2], $0x20, s17, s29, $0xb8;
	[tilespmem:$0xD310] =	vst v63  }
0x118: {  	_ =	swait.ge [sflag:s30], $0x1000  }
0x119: {  	[sflag:s30] =	ssyncset.done $0x0  }
0x11a: {  	[sflag:s30] =	ssyncadd.s32 $0xFFFFF000  }
0x11b: {  	_ =	swait.ge [sflag:s31], $0x1000  }
0x11c: {  	s15 =	simm.s32 $0x100;
	s16 =	simm.s32 $0x800;
	[sflag:s31] =	ssyncset.done $0x0  }
.LBB2_6:
0x11d: {  	s6 =	sadd.s32 $0x2780, s15  }
0x11e: {  	[sflag:s31] =	ssyncadd.s32 $0xFFFFF000;
	s13 =	smov.u32 s16;
	s17 =	sadd.s32 $0x400, s16  }
0x11f: {  	[spmem:s1] =	stream.indirect.scatter.add.f32 [tilespmem:s28], [sflag:$0x1], $0x20, s6, s29, $0xb8;
	[tilespmem:$0xD310] =	vst v63  }
0x120: {  	p1 =	seq.s32 s16, $0x9800;
	s6 =	sadd.s32 $0x2800, s15  }
0x121: {  	[spmem:s1] =	stream.indirect.scatter.add.f32 [tilespmem:s28], [sflag:$0x2], $0x20, s6, s29, $0xb8;
	[tilespmem:$0xD310] =	vst v63  }
.Ltmp10:
0x122: {  	_ =	swait.ge [sflag:s30], $0x1000;
	(pc) =	sbr.rel @!p1 .LBB2_6-.Ltmp10, $4  }
0x123: {  	[sflag:s30] =	ssyncset.done $0x0  }
0x124: {  	[sflag:s30] =	ssyncadd.s32 $0xFFFFF000  }
0x125: {  	_ =	swait.ge [sflag:s31], $0x1000  }
0x126: {  	s15 =	sshra.s32 s13, $0x2;
	s16 =	smov.u32 s17;
	[sflag:s31] =	ssyncset.done $0x0  }
0x127: {  	s6 =	sadd.s32 $0x2780, s15;
	[sflag:s31] =	ssyncadd.s32 $0xFFFFF000  }
0x128: {  	[spmem:s1] =	stream.indirect.scatter.add.f32 [tilespmem:s28], [sflag:$0x1], $0x20, s6, s29, $0xb8;
	[tilespmem:$0xD310] =	vst v63  }
0x129: {  	s17 =	sadd.s32 $0x2800, s15  }
0x12a: {  	[spmem:s1] =	stream.indirect.scatter.add.f32 [tilespmem:s28], [sflag:$0x2], $0x20, s17, s29, $0xb8;
	[tilespmem:$0xD310] =	vst v63  }
0x12b: {  	_ =	swait.ge [sflag:s30], $0x1000  }
.Ltmp11:
0x12c: {  	[sflag:s30] =	ssyncset.done $0x0;
	(pc) =	sbr.rel .LBB2_16-.Ltmp11, $4  }
0x12d: {  	[sflag:s30] =	ssyncadd.s32 $0xFFFFF000  }
0x12e: {  	_ =	swait.ge [sflag:s31], $0x1000  }
0x12f: {  	[sflag:s31] =	ssyncset.done $0x0  }
0x130: {  	[sflag:s31] =	ssyncadd.s32 $0xFFFFF000  }
.LBB2_17:
0x131: {  	_ =	sfence.sel $0x180000  }
0x132: {  	[bflag:$0x0] =	sbarrier.arrive $0xFFFF  }
0x133: {  	_ =	strace $0x9000004D  }
0x134: {  	s0 =	stileid.u32;
	[bflag:$0x2] =	sbarrier.arrive $0xFFFF  }
0x135: {  	p0 =	sne.s32 s0, $0x0;
	s0 =	rddreg [dreg:$0x3]  }
0x136: {  	s0 =	sadd.s32 @!p0 $0x100000, s0  }
0x137: {  	[sflag:s0] =	ssyncadd.tile.s32 @!p0 $0x1;
	_ =	shalt  }
.Lfunc_end2:
_tile_overlayer_lowered:
.L_overlay_start_2:
0x138: {  	(tag) =	ssettag $0x2  }
0x139: {  	s0 =	rddreg [dreg:$0x0];
	s2 =	stileid.u32  }
0x13a: {  	s1 =	rddreg [dreg:$0x1];
	p0 =	sne.s32 s2, $0x0  }
0x13b: {  	s3 =	rddreg [dreg:$0x2];
	[bflag:$0x3] =	sbarrier.arrive $0xFFFF;
	s2 =	simm.s32 @!p0 $0x1C03  }
0x13c: {  	[timem:s3], [sflag:s2] =	dma.local @!p0 [hbm:s0], s1  }
0x13d: {  	s0 =	simm.s32 @!p0 $0x3  }
0x13e: {  	_ =	swait.ge @!p0 [sflag:s0], s1  }
0x13f: {  	s1 =	ssub.s32 @!p0 $0x0, s1;
	[sflag:s0] =	ssyncset.done @!p0 $0x0  }
0x140: {  	[sflag:s0] =	ssyncadd.s32 @!p0 s1  }
0x141: {  	[bflag:$0x3] =	sbarrier.arrive $0xFFFF  }
0x142: {  	_ =	shalt  }

// kernel: kernel.9.cloned.1.call-start
scs
__scs_entry_jumppad:
0x0: {  	(pc) =	sbr.rel $0x88, $3  }
0x1: {  	(tag) =	ssettag $0x0;
	lr =	simm.s32 $0x1  }
0x2: {  	[smem:$0x3F9B] =	sst lr;
	_ =	strace $0xD0000000  }
0x3: {  	_ = 	snop  }
0x4: {  	_ = 	snop  }
0x5: {  	_ = 	snop  }
0x6: {  	_ = 	snop  }
0x7: {  	_ = 	snop  }
__scs_overlays_trampoline_lowered:
0x8: {  	[smem:$0x3FAA] =	sst s0  }
0x9: {  	[smem:$0x3FAB] =	sst s1  }
0xa: {  	[smem:$0x3FAC] =	sst s2  }
0xb: {  	[smem:$0x3FAD] =	sst s3  }
0xc: {  	[smem:$0x3FAE] =	sst s4  }
0xd: {  	[smem:$0x3FAF] =	sst s5  }
0xe: {  	[smem:$0x3FB0] =	sst s6  }
0xf: {  	[smem:$0x3FB1] =	sst s7  }
0x10: {  	[smem:$0x3FB2] =	sst s8  }
0x11: {  	[smem:$0x3FB3] =	sst s9;
	s0 =	simm.s32 @!p0 $0x0  }
0x12: {  	s1 =	sld [smem:$0x3F99];
	s0 =	simm.s32 @p0 $0x1  }
0x13: {  	[smem:$0x3FB4] =	sst s0;
	s0 =	simm.s32 @!p1 $0x0  }
0x14: {  	s2 =	sld [smem:$0x3F98];
	s0 =	simm.s32 @p1 $0x1  }
0x15: {  	[smem:$0x3FB5] =	sst s0;
	s0 =	simm.s32 @!p2 $0x0  }
0x16: {  	s3 =	sld [smem:$0x3FDB];
	s0 =	simm.s32 @p2 $0x1  }
0x17: {  	s4 =	simm.s32 $0x1BF5;
	[smem:$0x3FB7] =	sst s0  }
0x18: {  	s0 =	sld [smem:$0x3F9A];
	_ =	swait.ge [sflag:s4], $0x0  }
0x19: {  	s7 =	sld [smem:$0x3F9B]  }
0x1a: {  	s8 =	sadd.s32 $0xFFFFE003, lr  }
0x1b: {  	s9 =	sadd.s32 $0xFFFFFEF7, lr;
	s5 =	simm.s32 $0xFFFFFFFF;
	p2 =	slt.u32 s8, $0xFFFFF086  }
0x1c: {  	p1 =	slt.u32 s9, $0xF7A;
	s5 =	simm.s32 @!p2 $0x0  }
0x1d: {  	s5 =	simm.s32 @p1 $0x1;
	p0 =	seq.s32 s7, s2  }
0x1e: {  	s7 =	smul.u32 @!p0 $0xF7A, s2;
	p2 =	seq.s32 @!p0 s5, $0x0  }
0x1f: {  	s9 =	smul.u32 $0xF7A, s1;
	s8 =	simm.s32 @!p0 $0x1BF5;
	p2 =	por !p2, p0  }
0x20: {  	[sflag:s8] =	ssyncset.s32 @!p0 $0xFFFFF086;
	s6 =	sadd.s32 @!p0 s3, s7;
	s7 =	simm.s32 @!p0 $0x108  }
0x21: {  	s3 =	sadd.s32 s3, s9;
	s6 =	sadd.s32 @!p0 $0x88, s6;
	s7 =	simm.s32 @p2 $0x1082  }
0x22: {  	[simem:s7], [sflag:s8] =	dma.local @!p0 [hbm:s6], $0xF7A  }
0x23: {  	s9 =	sor.u32 $0xD0000000, s2;
	s6 =	simm.s32 $0x108;
	_ =	swait.ge @!p0 [sflag:s8], $0x0  }
0x24: {  	s3 =	sadd.s32 $0x88, s3;
	s6 =	simm.s32 @!p1 $0x1082;
	[sflag:s4] =	ssyncset.s32 $0xFFFFF086  }
0x25: {  	[simem:s6], [sflag:s4] =	dma.local [hbm:s3], $0xF7A  }
0x26: {  	[smem:$0x3F9B] =	sst s1;
	(tag) =	ssettag s2;
	_ =	strace s9  }
0x27: {  	s1 =	sld [smem:$0x3FAB]  }
0x28: {  	s2 =	sld [smem:$0x3FAC]  }
0x29: {  	s4 =	sld [smem:$0x3FAE]  }
0x2a: {  	p0 =	seq.s32 s5, $0x0;
	s5 =	sld [smem:$0x3FAF]  }
0x2b: {  	s6 =	sld [smem:$0x3FB0]  }
0x2c: {  	s7 =	sld [smem:$0x3FB1]  }
0x2d: {  	s3 =	simm.s32 $0x108;
	s8 =	sld [smem:$0x3FB2]  }
0x2e: {  	s3 =	simm.s32 @!p0 $0x1082;
	s9 =	sld [smem:$0x3FB3]  }
0x2f: {  	lr =	sadd.s32 s0, s3;
	s0 =	sld [smem:$0x3FAA]  }
0x30: {  	s3 =	sld [smem:$0x3FAD]  }
0x31: {  	[smem:$0x3FB6] =	sst s10  }
0x32: {  	s10 =	sld [smem:$0x3FB4];
	_ =	sdelay $0x3  }
0x33: {  	p0 =	seq.s32 s10, $0x1;
	s10 =	sld [smem:$0x3FB6];
	_ =	sdelay $0x3  }
0x34: {  	[smem:$0x3FB6] =	sst s10  }
0x35: {  	s10 =	sld [smem:$0x3FB5];
	_ =	sdelay $0x3  }
0x36: {  	p1 =	seq.s32 s10, $0x1;
	s10 =	sld [smem:$0x3FB6];
	_ =	sdelay $0x3  }
0x37: {  	[smem:$0x3FB6] =	sst s10  }
0x38: {  	s10 =	sld [smem:$0x3FB7]  }
0x39: {  	_ = 	snop;
	(pc) =	sbr.ind lr, $3  }
0x3a: {  	_ = 	snop  }
0x3b: {  	_ = 	snop  }
0x3c: {  	p2 =	seq.s32 s10, $0x1;
	s10 =	sld [smem:$0x3FB6]  }
0x3d: {  	_ =	shalt  }
0x3e: {  	_ =	shalt  }
0x3f: {  	_ =	shalt  }
0x40: {  	_ =	shalt  }
0x41: {  	_ =	shalt  }
0x42: {  	_ =	shalt  }
0x43: {  	_ =	shalt  }
0x44: {  	_ =	shalt  }
0x45: {  	_ =	shalt  }
0x46: {  	_ =	shalt  }
0x47: {  	_ =	shalt  }
0x48: {  	_ =	shalt  }
0x49: {  	_ =	shalt  }
0x4a: {  	_ =	shalt  }
0x4b: {  	_ =	shalt  }
0x4c: {  	_ =	shalt  }
0x4d: {  	_ =	shalt  }
0x4e: {  	_ =	shalt  }
0x4f: {  	_ =	shalt  }
0x50: {  	_ =	shalt  }
0x51: {  	_ =	shalt  }
0x52: {  	_ =	shalt  }
0x53: {  	_ =	shalt  }
0x54: {  	_ =	shalt  }
0x55: {  	_ =	shalt  }
0x56: {  	_ =	shalt  }
0x57: {  	_ =	shalt  }
0x58: {  	_ =	shalt  }
0x59: {  	_ =	shalt  }
0x5a: {  	_ =	shalt  }
0x5b: {  	_ =	shalt  }
0x5c: {  	_ =	shalt  }
0x5d: {  	_ =	shalt  }
0x5e: {  	_ =	shalt  }
0x5f: {  	_ =	shalt  }
0x60: {  	_ =	shalt  }
0x61: {  	_ =	shalt  }
0x62: {  	_ =	shalt  }
0x63: {  	_ =	shalt  }
0x64: {  	_ =	shalt  }
0x65: {  	_ =	shalt  }
0x66: {  	_ =	shalt  }
0x67: {  	_ =	shalt  }
0x68: {  	_ =	shalt  }
0x69: {  	_ =	shalt  }
0x6a: {  	_ =	shalt  }
0x6b: {  	_ =	shalt  }
0x6c: {  	_ =	shalt  }
0x6d: {  	_ =	shalt  }
0x6e: {  	_ =	shalt  }
0x6f: {  	_ =	shalt  }
0x70: {  	_ =	shalt  }
0x71: {  	_ =	shalt  }
0x72: {  	_ =	shalt  }
0x73: {  	_ =	shalt  }
0x74: {  	_ =	shalt  }
0x75: {  	_ =	shalt  }
0x76: {  	_ =	shalt  }
0x77: {  	_ =	shalt  }
0x78: {  	_ =	shalt  }
0x79: {  	_ =	shalt  }
0x7a: {  	_ =	shalt  }
0x7b: {  	_ =	shalt  }
0x7c: {  	_ =	shalt  }
0x7d: {  	_ =	shalt  }
0x7e: {  	_ =	shalt  }
0x7f: {  	_ =	shalt  }
0x80: {  	_ =	shalt  }
0x81: {  	_ =	shalt  }
0x82: {  	_ =	shalt  }
0x83: {  	_ =	shalt  }
0x84: {  	_ =	shalt  }
0x85: {  	_ =	shalt  }
0x86: {  	_ =	shalt  }
0x87: {  	_ =	shalt  }
.Lfunc_end0:
.L_simem_size_0:
called_computation_lowered:
.L_overlay_start_0:
0x88: {  	s2 =	sld [smem:$0x3FD9]  }
0x89: {  	s3 =	sld [smem:$0x3FFE];
	_ =	sdelay $0x1  }
0x8a: {  	s1 =	srdreg.scid  }
0x8b: {  	s0 =	sand.u32 $0x1, s1  }
0x8c: {  	s17 =	sshll.u32 s0, $0xA;
	s2 =	sadd.s32 s3, s2  }
0x8d: {  	s2 =	sadd.s32 s2, s17  }
0x8e: {  	[smem:$0x3FC2] =	sst s2  }
0x8f: {  	_ = 	snop  }
0x90: {  	s2 =	sld [smem:$0x3FD0];
	(tm) =	ssettm $0x1  }
0x91: {  	s18 =	sld [smem:$0x3FFB];
	_ =	sdelay $0x3  }
0x92: {  	_ =	strace s18  }
0x93: {  	s3 =	sld [smem:$0x3FFC];
	_ =	sdelay $0x3  }
0x94: {  	_ =	strace s3  }
0x95: {  	s3 =	sld [smem:$0x3FFD];
	_ =	sdelay $0x3  }
0x96: {  	_ =	strace s3  }
0x97: {  	_ =	strace $0x8FFFFFFF  }
0x98: {  	s19 =	sld [smem:$0x3FDB];
	_ =	sdelay $0x1  }
0x99: {  	s4 =	simm.s32 $_scs_section_size  }
0x9a: {  	s5 =	simm.s32 $_size__tile_overlayer_lowered;
	s6 =	simm.s32 $_tile_overlayer_lowered  }
0x9b: {  	s22 =	simm.s32 $0x1BFF;
	s21 =	sshll.u32 s6, $0x1;
	s3 =	sadd.s32 s4, s19  }
0x9c: {  	s7 =	simm.s32 $0x0;
	s20 =	sshll.u32 s5, $0x1;
	s5 =	sadd.s32 s21, s3  }
0x9d: {  	[timem:s7], [sflag:s22] =	dma.local [hbm:s5], s20  }
0x9e: {  	_ =	swait.ge [sflag:s22], s20  }
0x9f: {  	s4 =	ssub.s32 $0x0, s20;
	[sflag:s22] =	ssyncset.done $0x0  }
0xa0: {  	[sflag:s22] =	ssyncadd.s32 s4;
	_ =	sdelay $0x1  }
0xa1: {  	s23 =	simm.s32 $0x1B8B  }
0xa2: {  	_ =	swait.ge [sflag:s23], $0x1  }
0xa3: {  	[sflag:s23] =	ssyncset.done $0x0  }
0xa4: {  	s25 =	simm.s32 $0x1B8E;
	s24 =	sld [smem:$0x3FFE];
	[sflag:s23] =	ssyncadd.s32 $0xFFFFFFFF  }
0xa5: {  	s26 =	simm.s32 $execute0_lowered;
	[smem:$0x3FD2] =	sst s25  }
0xa6: {  	s5 =	sshll.u32 s26, $0x1;
	_ =	strace $0x80000046;
	[dreg:$0x1] =	wrdreg $0xFFFFFFFF  }
0xa7: {  	s28 =	simm.s32 $_size_execute0_lowered;
	s3 =	sadd.s32 s3, s5;
	[dreg:$0x0] =	wrdreg $0x0  }
0xa8: {  	s5 =	sshll.u32 s28, $0x1;
	[dreg:$0x2] =	wrdreg s3  }
0xa9: {  	[dreg:$0x3] =	wrdreg s5  }
0xaa: {  	[dreg:$0x4] =	wrdreg $0xC0  }
0xab: {  	_ =	task [dreg:s7], $0x5FFFF  }
0xac: {  	[dreg:$0x1] =	wrdreg $0xFFFFFFFF  }
0xad: {  	[dreg:$0x0] =	wrdreg $0x60  }
0xae: {  	[dreg:$0x2] =	wrdreg s24  }
0xaf: {  	[dreg:$0x3] =	wrdreg s2  }
0xb0: {  	[dreg:$0x4] =	wrdreg $0x83100  }
0xb1: {  	[dreg:$0x5] =	wrdreg $0x9  }
0xb2: {  	_ =	task.clear_ibuf [dreg:s7], $0x6FFFF;
	_ =	strace $0x90000046  }
0xb3: {  	s29 =	simm.s32 $0x9;
	_ =	strace $0x80000048  }
0xb4: {  	_ =	swait.ge [sflag:s29], $0x1  }
0xb5: {  	[sflag:s29] =	ssyncadd.s32 $0xFFFFFFFF  }
0xb6: {  	_ =	strace $0x90000048  }
0xb7: {  	_ =	sfence  }
0xb8: {  	s30 =	sld [smem:$0x0];
	_ =	sdelay $0x2  }
0xb9: {  	s31 =	sshll.u32 s1, $0xD;
	s1 =	sshrl.u32 s1, $0x2  }
0xba: {  	s3 =	sand.u32 $0x4000, s31;
	s1 =	sadd.s32 s1, s30  }
0xbb: {  	s0 =	sor.u32 s3, s0;
	s1 =	sshll.u32 s1, $0x11  }
0xbc: {  	s0 =	sor.u32 s1, s0  }
0xbd: {  	s0 =	sadd.s32 $0x8F2B, s0  }
0xbe: {  	[sflag:s0] =	ssyncadd.remote.s32 $0x1  }
0xbf: {  	_ =	sfence.sel $0xFFFF  }
0xc0: {  	[dreg:$0x0] =	wrdreg $0xFFFFFFFF;
	(pc) =	sbr.abs _section_cstart, $3  }
0xc1: {  	[dreg:$0x1] =	wrdreg $0xFFFFFFFF  }
0xc2: {  	_ =	task.clear_ibuf [dreg:s7], $0x2FFFF;
	_ =	strace $0x9FFFFFFF  }
0xc3: {  	(tm) =	ssettm $0x7FFFFFFF  }
tec
execute0_lowered:
.L_overlay_start_1:
0x0: {  	(tag) =	ssettag $0x1  }
0x1: {  	s0 =	rddreg [dreg:$0x0]  }
0x2: {  	s4 =	rddreg [dreg:$0x1]  }
0x3: {  	s1 =	rddreg [dreg:$0x2]  }
0x4: {  	s2 =	simm.s32 $0x0;
	s6 =	srdreg.scid;
	s26 =	stileid.u32  }
0x5: {  	s28 =	simm.s32 $0x4F00;
	s29 =	simm.s32 $0x80;
	s30 =	simm.s32 $0x1  }
0x6: {  	s31 =	simm.s32 $0x2;
	[smem:$0x7FF] =	sst s2;
	s3 =	sadd.s32 $0xC200, s0  }
0x7: {  	s14 =	sadd.s32 $0x2400, s0;
	s5 =	sadd.s32 $0x16200, s0;
	s15 =	sand.u32 $0x1, s6  }
0x8: {  	s25 =	sadd.s32 $0x16600, s0;
	s7 =	sadd.s32 $0x16800, s0;
	s16 =	smul.u32 $0x5000, s26  }
0x9: {  	s0 =	sadd.s32 $0x16A00, s0;
	s12 =	sshll.u32 s26, $0x1;
	s17 =	smul.u32 $0x2780, s26  }
0xa: {  	s18 =	smul.u32 $0x4F0, s26;
	_ =	strace $0x80000047;
	[dreg:$0x4] =	wrdreg s25  }
0xb: {  	s8 =	ssub.s32 $0x2, s15;
	s10 =	sor.u32 s15, s12;
	s23 =	smul.u32 $0x50000, s15  }
0xc: {  	p0 =	seq.s32 s15, $0x1;
	s9 =	sshrl.u32 s8, $0x1;
	s19 =	sadd.s32 $0x1400, s16  }
0xd: {  	s20 =	sadd.s32 $0x2800, s16;
	s13 =	smul.u32 $0x4F0, s10;
	s21 =	sadd.s32 $0x3C00, s16  }
0xe: {  	s17 =	sshrl.u32 s17, $0x3;
	s6 =	sadd.s32 s14, s18;
	s18 =	sadd.s32 s4, s18  }
0xf: {  	s22 =	ssub.s32 s8, s9;
	s8 =	sadd.s32 s16, s1;
	s9 =	sadd.s32 s19, s1  }
0x10: {  	s10 =	sadd.s32 s20, s1;
	s11 =	sadd.s32 s21, s1;
	[dreg:$0x6] =	wrdreg s6  }
0x11: {  	s16 =	sadd.s32 s16, s23;
	[dreg:$0x8] =	wrdreg s18;
	s24 =	sadd.s32 s23, s19  }
0x12: {  	s25 =	sadd.s32 s23, s20;
	s26 =	sadd.s32 s23, s21;
	s23 =	simm.s32 $0x6F00  }
0x13: {  	s12 =	sadd.s32 s14, s13;
	s13 =	sadd.s32 s4, s13;
	s15 =	sshrl.u32 s26, $0x3  }
0x14: {  	s22 =	smax.u32 s22, $0x1;
	[dreg:$0x5] =	wrdreg s13;
	s13 =	sadd.s32 $0x4F00, s17  }
0x15: {  	s26 =	simm.s32 $0x2780;
	s17 =	sshrl.u32 s16, $0x3;
	s14 =	sadd.s32 s14, s13  }
.Ltmp0:
0x16: {  	s4 =	sadd.s32 s4, s13;
	[dreg:$0x7] =	wrdreg s14;
	(pc) =	sbr.rel .LBB2_1-.Ltmp0, $4  }
0x17: {  	s21 =	sadd.s32 s0, s15;
	s18 =	sadd.s32 s0, s17;
	[dreg:$0x9] =	wrdreg s4  }
0x18: {  	s4 =	sshrl.u32 s24, $0x3;
	s14 =	sshrl.u32 s25, $0x3;
	s24 =	simm.s32 $0x3  }
0x19: {  	s25 =	simm.s32 $0x8300;
	s19 =	sadd.s32 s0, s4;
	s20 =	sadd.s32 s0, s14  }
0x1a: {  	s0 =	simm.s32 $0x4E80;
	s4 =	simm.s32 $0x5F00;
	s14 =	simm.s32 $0x0  }
.LBB2_15:
0x1b: {  	s6 =	sadd.s32 $0x80, s15;
	[sflag:s24] =	ssyncadd.s32 $0xFFFFF000  }
0x1c: {  	[tilespmem:s4], [sflag:$0x2] =	stream.indirect.gather [hbm4b:s3+s29], $0x20, s6, s29, $0xb8;
	[tilespmem:$0xD310] =	vst v63  }
0x1d: {  	_ =	swait.ge [sflag:s30], $0x1000  }
0x1e: {  	[sflag:s30] =	ssyncset.done $0x0  }
0x1f: {  	s13 =	sadd.s32 $0x2780, s15;
	[sflag:s30] =	ssyncadd.s32 $0xFFFFF000  }
0x20: {  	[spmem:s1] =	stream.indirect.scatter.add.f32 [tilespmem:s28], [sflag:$0x3], $0x20, s13, s29, $0xb8;
	[tilespmem:$0xD310] =	vst v63  }
0x21: {  	_ =	swait.ge [sflag:s24], $0x1000  }
0x22: {  	[sflag:s24] =	ssyncset.done $0x0  }
0x23: {  	s16 =	sadd.s32 $0x100, s15;
	[sflag:s24] =	ssyncadd.s32 $0xFFFFF000  }
0x24: {  	[tilespmem:s28], [sflag:$0x1] =	stream.indirect.gather [hbm4b:s3+s29], $0x20, s16, s29, $0xb8;
	[tilespmem:$0xD310] =	vst v63  }
0x25: {  	_ =	swait.ge [sflag:s31], $0x1000  }
0x26: {  	[sflag:s31] =	ssyncset.done $0x0  }
0x27: {  	s17 =	sadd.s32 $0x2800, s15;
	[sflag:s31] =	ssyncadd.s32 $0xFFFFF000  }
0x28: {  	[spmem:s1] =	stream.indirect.scatter.add.f32 [tilespmem:s4], [sflag:$0x3], $0x20, s17, s29, $0xb8;
	[tilespmem:$0xD310] =	vst v63  }
0x29: {  	_ =	swait.ge [sflag:s24], $0x1000  }
0x2a: {  	[sflag:s24] =	ssyncset.done $0x0  }
0x2b: {  	[sflag:s24] =	ssyncadd.s32 $0xFFFFF000  }
0x2c: {  	_ =	swait.ge [sflag:s30], $0x1000  }
0x2d: {  	[sflag:s30] =	ssyncset.done $0x0  }
0x2e: {  	[sflag:s30] =	ssyncadd.s32 $0xFFFFF000  }
.LBB2_16:
0x2f: {  	[spmem:s1] =	stream.indirect.scatter.add.f32 [tilespmem:s28], [sflag:$0x3], $0x20, s0, s29, $0xb8;
	[tilespmem:$0xD310] =	vst v63  }
0x30: {  	_ =	swait.ge [sflag:s24], $0x1000  }
0x31: {  	[sflag:s24] =	ssyncset.done $0x0  }
0x32: {  	[sflag:s24] =	ssyncadd.s32 $0xFFFFF000  }
0x33: {  	[bflag:$0x0] =	sbarrier.arrive $0xFFFF  }
0x34: {  	[tilespmem:s23], [sflag:$0x3] =	stream.linear.gather [spmem:s8], $0x1400, $0x38;
	[tilespmem:$0xD310] =	vst v63  }
0x35: {  	_ =	swait.ge [sflag:s24], $0x1400  }
0x36: {  	[sflag:s24] =	ssyncset.done $0x0  }
0x37: {  	[sflag:s24] =	ssyncadd.s32 $0xFFFFEC00  }
0x38: {  	[hbm4b:s18+s2] =	stream.linear.scatter [tilespmem:s23], [sflag:$0x3], $0x1400, $0x38;
	[tilespmem:$0xD310] =	vst v63  }
0x39: {  	_ =	swait.ge [sflag:s24], $0x1400  }
0x3a: {  	[sflag:s24] =	ssyncset.done $0x0  }
0x3b: {  	[sflag:s24] =	ssyncadd.s32 $0xFFFFEC00  }
0x3c: {  	[tilespmem:s23], [sflag:$0x3] =	stream.linear.gather [spmem:s9], $0x1400, $0x38;
	[tilespmem:$0xD310] =	vst v63  }
0x3d: {  	_ =	swait.ge [sflag:s24], $0x1400  }
0x3e: {  	[sflag:s24] =	ssyncset.done $0x0  }
0x3f: {  	[sflag:s24] =	ssyncadd.s32 $0xFFFFEC00  }
0x40: {  	[hbm4b:s19+s2] =	stream.linear.scatter [tilespmem:s23], [sflag:$0x3], $0x1400, $0x38;
	[tilespmem:$0xD310] =	vst v63  }
0x41: {  	_ =	swait.ge [sflag:s24], $0x1400  }
0x42: {  	[sflag:s24] =	ssyncset.done $0x0  }
0x43: {  	[sflag:s24] =	ssyncadd.s32 $0xFFFFEC00  }
0x44: {  	[tilespmem:s23], [sflag:$0x3] =	stream.linear.gather [spmem:s10], $0x1400, $0x38;
	[tilespmem:$0xD310] =	vst v63  }
0x45: {  	_ =	swait.ge [sflag:s24], $0x1400  }
0x46: {  	[sflag:s24] =	ssyncset.done $0x0  }
0x47: {  	[sflag:s24] =	ssyncadd.s32 $0xFFFFEC00  }
0x48: {  	[hbm4b:s20+s2] =	stream.linear.scatter [tilespmem:s23], [sflag:$0x3], $0x1400, $0x38;
	[tilespmem:$0xD310] =	vst v63  }
0x49: {  	_ =	swait.ge [sflag:s24], $0x1400  }
0x4a: {  	[sflag:s24] =	ssyncset.done $0x0  }
0x4b: {  	[sflag:s24] =	ssyncadd.s32 $0xFFFFEC00  }
0x4c: {  	[tilespmem:s23], [sflag:$0x3] =	stream.linear.gather [spmem:s11], $0x1400, $0x38;
	[tilespmem:$0xD310] =	vst v63  }
0x4d: {  	s14 =	sadd.s32 $0x1, s14;
	_ =	swait.ge [sflag:s24], $0x1400  }
0x4e: {  	p1 =	sne.s32 s14, s22;
	[sflag:s24] =	ssyncset.done $0x0  }
.Ltmp1:
0x4f: {  	[sflag:s24] =	ssyncadd.s32 $0xFFFFEC00;
	(pc) =	sbr.rel @!p1 .LBB2_17-.Ltmp1, $4  }
0x50: {  	[hbm4b:s21+s2] =	stream.linear.scatter [tilespmem:s23], [sflag:$0x3], $0x1400, $0x38;
	[tilespmem:$0xD310] =	vst v63  }
0x51: {  	_ =	swait.ge [sflag:s24], $0x1400  }
0x52: {  	[sflag:s24] =	ssyncset.done $0x0  }
0x53: {  	[sflag:s24] =	ssyncadd.s32 $0xFFFFEC00  }
.LBB2_1:
0x54: {  	[tilespmem:s23], [sflag:$0x3] =	stream.linear.gather [hbm4b:s5+s2], $0x1400, $0x38;
	[tilespmem:$0xD310] =	vst v63  }
0x55: {  	_ =	swait.ge [sflag:s24], $0x1400  }
0x56: {  	[sflag:s24] =	ssyncset.done $0x0  }
0x57: {  	[sflag:s24] =	ssyncadd.s32 $0xFFFFEC00  }
0x58: {  	[spmem:s8] =	stream.linear.scatter [tilespmem:s23], [sflag:$0x3], $0x1400, $0x38;
	[tilespmem:$0xD310] =	vst v63  }
0x59: {  	_ =	swait.ge [sflag:s24], $0x1400  }
0x5a: {  	[sflag:s24] =	ssyncset.done $0x0  }
0x5b: {  	[sflag:s24] =	ssyncadd.s32 $0xFFFFEC00  }
0x5c: {  	[spmem:s9] =	stream.linear.scatter [tilespmem:s23], [sflag:$0x3], $0x1400, $0x38;
	[tilespmem:$0xD310] =	vst v63  }
0x5d: {  	_ =	swait.ge [sflag:s24], $0x1400  }
0x5e: {  	[sflag:s24] =	ssyncset.done $0x0  }
0x5f: {  	[sflag:s24] =	ssyncadd.s32 $0xFFFFEC00  }
0x60: {  	[spmem:s10] =	stream.linear.scatter [tilespmem:s23], [sflag:$0x3], $0x1400, $0x38;
	[tilespmem:$0xD310] =	vst v63  }
0x61: {  	_ =	swait.ge [sflag:s24], $0x1400  }
0x62: {  	[sflag:s24] =	ssyncset.done $0x0  }
0x63: {  	[sflag:s24] =	ssyncadd.s32 $0xFFFFEC00  }
0x64: {  	[spmem:s11] =	stream.linear.scatter [tilespmem:s23], [sflag:$0x3], $0x1400, $0x38;
	[tilespmem:$0xD310] =	vst v63  }
0x65: {  	_ =	swait.ge [sflag:s24], $0x1400  }
0x66: {  	[sflag:s24] =	ssyncset.done $0x0  }
0x67: {  	[sflag:s24] =	ssyncadd.s32 $0xFFFFEC00  }
0x68: {  	[tilespmem:s25], [sflag:$0x3] =	stream.linear.gather [hbm4b:s7+s2], $0x10, $0x38;
	[tilespmem:$0xD310] =	vst v63  }
0x69: {  	_ =	swait.ge [sflag:s24], $0x10  }
0x6a: {  	[sflag:s24] =	ssyncset.done $0x0  }
0x6b: {  	[sflag:s24] =	ssyncadd.s32 $0xFFFFFFF0  }
0x6c: {  	[tilespmem:s26], [sflag:$0x3] =	stream.linear.gather [hbm4b:s12+s2], $0x2780, $0x38;
	[tilespmem:$0xD310] =	vst v63  }
0x6d: {  	_ =	swait.ge [sflag:s24], $0x2780  }
0x6e: {  	[sflag:s24] =	ssyncset.done $0x0  }
0x6f: {  	[sflag:s24] =	ssyncadd.s32 $0xFFFFD880  }
0x70: {  	v0 =	vld [tilespmem:$0x8300];
	_ =	sdelay $0x4  }
0x71: {  	(xrf2) =	vadd.scan.msk.f32 $0xffff, v0;
	_ =	sdelay $0x9  }
0x72: {  	v0, _, _ =	vpop (xrf2)  }
0x73: {  	(v2sf) =	vpush v0, $0xF;
	_ =	sdelay $0xe  }
0x74: {  	s15 =	spop (v2sf)  }
0x75: {  	p1 =	sgt.f32 s15, $5.000000000e-01  }
.Ltmp2:
0x76: {  	_ = 	snop;
	(pc) =	sbr.rel @!p1 .LBB2_13-.Ltmp2, $2  }
0x77: {  	_ =	sdelay $0x1  }
0x78: {  	[bflag:$0x0] =	sbarrier.arrive $0xFFFF;
	_ =	sdelay $0x1  }
.Ltmp3:
0x79: {  	s6 =	rddreg [dreg:$0x4];
	(pc) =	sbr.rel @!p0 .LBB2_3-.Ltmp3, $4  }
0x7a: {  	[tilespmem:s28], [sflag:$0x3] =	stream.linear.gather [hbm4b:s6+s2], $0x1000, $0x38;
	[tilespmem:$0xD310] =	vst v63  }
0x7b: {  	_ =	swait.ge [sflag:s24], $0x1000  }
0x7c: {  	[sflag:s24] =	ssyncset.done $0x0  }
0x7d: {  	[sflag:s24] =	ssyncadd.s32 $0xFFFFF000  }
0x7e: {  	s6 =	simm.s32 $0x0;
	s13 =	rddreg [dreg:$0x8]  }
0x7f: {  	[tilespmem:s26], [sflag:$0x3] =	stream.linear.gather [hbm4b:s13+s6], $0x2780, $0x38;
	[tilespmem:$0xD310] =	vst v63  }
0x80: {  	_ =	swait.ge [sflag:s24], $0x2780  }
0x81: {  	[sflag:s24] =	ssyncset.done $0x0  }
0x82: {  	s16 =	simm.s32 $0x2780;
	[sflag:s24] =	ssyncadd.s32 $0xFFFFD880  }
0x83: {  	[spmem:s1] =	stream.indirect.scatter.add.f32 [tilespmem:s28], [sflag:$0x1], $0x20, s16, s29, $0xb8;
	[tilespmem:$0xD310] =	vst v63  }
0x84: {  	s17 =	simm.s32 $0x2800  }
0x85: {  	[spmem:s1] =	stream.indirect.scatter.add.f32 [tilespmem:s28], [sflag:$0x2], $0x20, s17, s29, $0xb8;
	[tilespmem:$0xD310] =	vst v63  }
0x86: {  	_ =	swait.ge [sflag:s30], $0x1000  }
0x87: {  	[sflag:s30] =	ssyncset.done $0x0  }
0x88: {  	[sflag:s30] =	ssyncadd.s32 $0xFFFFF000  }
0x89: {  	_ =	swait.ge [sflag:s31], $0x1000  }
0x8a: {  	s15 =	simm.s32 $0x100;
	s16 =	simm.s32 $0x800;
	[sflag:s31] =	ssyncset.done $0x0  }
.LBB2_9:
0x8b: {  	s6 =	sadd.s32 $0x2780, s15  }
0x8c: {  	[sflag:s31] =	ssyncadd.s32 $0xFFFFF000;
	s13 =	smov.u32 s16;
	s17 =	sadd.s32 $0x400, s16  }
0x8d: {  	[spmem:s1] =	stream.indirect.scatter.add.f32 [tilespmem:s28], [sflag:$0x1], $0x20, s6, s29, $0xb8;
	[tilespmem:$0xD310] =	vst v63  }
0x8e: {  	p1 =	sne.s32 s16, $0x9800;
	s6 =	sadd.s32 $0x2800, s15  }
0x8f: {  	[spmem:s1] =	stream.indirect.scatter.add.f32 [tilespmem:s28], [sflag:$0x2], $0x20, s6, s29, $0xb8;
	[tilespmem:$0xD310] =	vst v63  }
.Ltmp4:
0x90: {  	_ =	swait.ge [sflag:s30], $0x1000;
	(pc) =	sbr.rel @p1 .LBB2_9-.Ltmp4, $4  }
0x91: {  	[sflag:s30] =	ssyncset.done $0x0  }
0x92: {  	[sflag:s30] =	ssyncadd.s32 $0xFFFFF000  }
0x93: {  	_ =	swait.ge [sflag:s31], $0x1000  }
0x94: {  	s15 =	sshra.s32 s13, $0x2;
	s16 =	smov.u32 s17;
	[sflag:s31] =	ssyncset.done $0x0  }
0x95: {  	s6 =	sadd.s32 $0x2780, s15;
	[sflag:s31] =	ssyncadd.s32 $0xFFFFF000  }
0x96: {  	[spmem:s1] =	stream.indirect.scatter.add.f32 [tilespmem:s28], [sflag:$0x1], $0x20, s6, s29, $0xb8;
	[tilespmem:$0xD310] =	vst v63  }
0x97: {  	s13 =	sadd.s32 $0x2800, s15  }
0x98: {  	[spmem:s1] =	stream.indirect.scatter.add.f32 [tilespmem:s28], [sflag:$0x2], $0x20, s13, s29, $0xb8;
	[tilespmem:$0xD310] =	vst v63  }
0x99: {  	_ =	swait.ge [sflag:s30], $0x1000  }
0x9a: {  	[sflag:s30] =	ssyncset.done $0x0  }
0x9b: {  	[sflag:s30] =	ssyncadd.s32 $0xFFFFF000  }
0x9c: {  	_ =	swait.ge [sflag:s31], $0x1000  }
0x9d: {  	[sflag:s31] =	ssyncset.done $0x0  }
0x9e: {  	[sflag:s31] =	ssyncadd.s32 $0xFFFFF000  }
0x9f: {  	[spmem:s1] =	stream.indirect.scatter.add.f32 [tilespmem:s28], [sflag:$0x3], $0x20, s0, s29, $0xb8;
	[tilespmem:$0xD310] =	vst v63  }
0xa0: {  	_ =	swait.ge [sflag:s24], $0x1000  }
0xa1: {  	[sflag:s24] =	ssyncset.done $0x0  }
0xa2: {  	s15 =	simm.s32 $0x0;
	s13 =	rddreg [dreg:$0x9];
	[sflag:s24] =	ssyncadd.s32 $0xFFFFF000  }
0xa3: {  	[tilespmem:s26], [sflag:$0x3] =	stream.linear.gather [hbm4b:s13+s15], $0x2780, $0x38;
	[tilespmem:$0xD310] =	vst v63  }
0xa4: {  	_ =	swait.ge [sflag:s24], $0x2780  }
0xa5: {  	[sflag:s24] =	ssyncset.done $0x0  }
0xa6: {  	s16 =	simm.s32 $0x2780;
	[sflag:s24] =	ssyncadd.s32 $0xFFFFD880  }
0xa7: {  	[spmem:s1] =	stream.indirect.scatter.add.f32 [tilespmem:s28], [sflag:$0x1], $0x20, s16, s29, $0xb8;
	[tilespmem:$0xD310] =	vst v63  }
0xa8: {  	s17 =	simm.s32 $0x2800  }
0xa9: {  	[spmem:s1] =	stream.indirect.scatter.add.f32 [tilespmem:s28], [sflag:$0x2], $0x20, s17, s29, $0xb8;
	[tilespmem:$0xD310] =	vst v63  }
0xaa: {  	_ =	swait.ge [sflag:s30], $0x1000  }
0xab: {  	[sflag:s30] =	ssyncset.done $0x0  }
0xac: {  	[sflag:s30] =	ssyncadd.s32 $0xFFFFF000  }
0xad: {  	_ =	swait.ge [sflag:s31], $0x1000  }
0xae: {  	s15 =	simm.s32 $0x100;
	s16 =	simm.s32 $0x800;
	[sflag:s31] =	ssyncset.done $0x0  }
.LBB2_11:
0xaf: {  	s6 =	sadd.s32 $0x2780, s15  }
0xb0: {  	[sflag:s31] =	ssyncadd.s32 $0xFFFFF000;
	s13 =	smov.u32 s16;
	s17 =	sadd.s32 $0x400, s16  }
0xb1: {  	[spmem:s1] =	stream.indirect.scatter.add.f32 [tilespmem:s28], [sflag:$0x1], $0x20, s6, s29, $0xb8;
	[tilespmem:$0xD310] =	vst v63  }
0xb2: {  	p1 =	seq.s32 s16, $0x9800;
	s6 =	sadd.s32 $0x2800, s15  }
0xb3: {  	[spmem:s1] =	stream.indirect.scatter.add.f32 [tilespmem:s28], [sflag:$0x2], $0x20, s6, s29, $0xb8;
	[tilespmem:$0xD310] =	vst v63  }
.Ltmp5:
0xb4: {  	_ =	swait.ge [sflag:s30], $0x1000;
	(pc) =	sbr.rel @!p1 .LBB2_11-.Ltmp5, $4  }
0xb5: {  	[sflag:s30] =	ssyncset.done $0x0  }
0xb6: {  	[sflag:s30] =	ssyncadd.s32 $0xFFFFF000  }
0xb7: {  	_ =	swait.ge [sflag:s31], $0x1000  }
0xb8: {  	s15 =	sshra.s32 s13, $0x2;
	s16 =	smov.u32 s17;
	[sflag:s31] =	ssyncset.done $0x0  }
0xb9: {  	s6 =	sadd.s32 $0x2780, s15;
	[sflag:s31] =	ssyncadd.s32 $0xFFFFF000  }
0xba: {  	[spmem:s1] =	stream.indirect.scatter.add.f32 [tilespmem:s28], [sflag:$0x1], $0x20, s6, s29, $0xb8;
	[tilespmem:$0xD310] =	vst v63  }
0xbb: {  	s17 =	sadd.s32 $0x2800, s15  }
0xbc: {  	[spmem:s1] =	stream.indirect.scatter.add.f32 [tilespmem:s28], [sflag:$0x2], $0x20, s17, s29, $0xb8;
	[tilespmem:$0xD310] =	vst v63  }
0xbd: {  	_ =	swait.ge [sflag:s30], $0x1000  }
.Ltmp6:
0xbe: {  	[sflag:s30] =	ssyncset.done $0x0;
	(pc) =	sbr.rel .LBB2_16-.Ltmp6, $4  }
0xbf: {  	[sflag:s30] =	ssyncadd.s32 $0xFFFFF000  }
0xc0: {  	_ =	swait.ge [sflag:s31], $0x1000  }
0xc1: {  	[sflag:s31] =	ssyncset.done $0x0  }
0xc2: {  	[sflag:s31] =	ssyncadd.s32 $0xFFFFF000  }
.LBB2_13:
0xc3: {  	s6 =	simm.s32 $0x0;
	s13 =	rddreg [dreg:$0x5]  }
0xc4: {  	[tilespmem:s6], [sflag:$0x3] =	stream.linear.gather [hbm4b:s13+s6], $0x2780, $0x38;
	[tilespmem:$0xD310] =	vst v63  }
0xc5: {  	_ =	swait.ge [sflag:s24], $0x2780  }
0xc6: {  	[sflag:s24] =	ssyncset.done $0x0  }
0xc7: {  	[sflag:s24] =	ssyncadd.s32 $0xFFFFD880  }
0xc8: {  	[tilespmem:s28], [sflag:$0x1] =	stream.indirect.gather [hbm4b:s3+s29], $0x20, s6, s29, $0xb8;
	[tilespmem:$0xD310] =	vst v63  }
0xc9: {  	s13 =	simm.s32 $0x80  }
0xca: {  	[tilespmem:s4], [sflag:$0x2] =	stream.indirect.gather [hbm4b:s3+s29], $0x20, s13, s29, $0xb8;
	[tilespmem:$0xD310] =	vst v63  }
0xcb: {  	_ =	swait.ge [sflag:s30], $0x1000  }
0xcc: {  	[sflag:s30] =	ssyncset.done $0x0  }
0xcd: {  	s15 =	simm.s32 $0x2780;
	[sflag:s30] =	ssyncadd.s32 $0xFFFFF000  }
0xce: {  	[spmem:s1] =	stream.indirect.scatter.add.f32 [tilespmem:s28], [sflag:$0x3], $0x20, s15, s29, $0xb8;
	[tilespmem:$0xD310] =	vst v63  }
0xcf: {  	_ =	swait.ge [sflag:s24], $0x1000  }
0xd0: {  	[sflag:s24] =	ssyncset.done $0x0  }
0xd1: {  	s16 =	simm.s32 $0x100;
	[sflag:s24] =	ssyncadd.s32 $0xFFFFF000  }
0xd2: {  	[tilespmem:s28], [sflag:$0x1] =	stream.indirect.gather [hbm4b:s3+s29], $0x20, s16, s29, $0xb8;
	[tilespmem:$0xD310] =	vst v63  }
0xd3: {  	_ =	swait.ge [sflag:s31], $0x1000  }
0xd4: {  	[sflag:s31] =	ssyncset.done $0x0  }
0xd5: {  	s17 =	simm.s32 $0x2800;
	[sflag:s31] =	ssyncadd.s32 $0xFFFFF000  }
0xd6: {  	[spmem:s1] =	stream.indirect.scatter.add.f32 [tilespmem:s4], [sflag:$0x3], $0x20, s17, s29, $0xb8;
	[tilespmem:$0xD310] =	vst v63  }
0xd7: {  	_ =	swait.ge [sflag:s24], $0x1000  }
0xd8: {  	s15 =	simm.s32 $0x100;
	s16 =	simm.s32 $0x800;
	[sflag:s24] =	ssyncset.done $0x0  }
.LBB2_14:
0xd9: {  	s6 =	sadd.s32 $0x80, s15  }
0xda: {  	[sflag:s24] =	ssyncadd.s32 $0xFFFFF000;
	s13 =	smov.u32 s16;
	s17 =	sadd.s32 $0x400, s16  }
0xdb: {  	[tilespmem:s4], [sflag:$0x2] =	stream.indirect.gather [hbm4b:s3+s29], $0x20, s6, s29, $0xb8;
	[tilespmem:$0xD310] =	vst v63  }
0xdc: {  	p1 =	sne.s32 s16, $0x9800;
	_ =	swait.ge [sflag:s30], $0x1000  }
0xdd: {  	[sflag:s30] =	ssyncset.done $0x0  }
0xde: {  	s6 =	sadd.s32 $0x2780, s15;
	[sflag:s30] =	ssyncadd.s32 $0xFFFFF000  }
0xdf: {  	[spmem:s1] =	stream.indirect.scatter.add.f32 [tilespmem:s28], [sflag:$0x3], $0x20, s6, s29, $0xb8;
	[tilespmem:$0xD310] =	vst v63  }
0xe0: {  	_ =	swait.ge [sflag:s24], $0x1000  }
0xe1: {  	[sflag:s24] =	ssyncset.done $0x0  }
0xe2: {  	s6 =	sadd.s32 $0x100, s15;
	[sflag:s24] =	ssyncadd.s32 $0xFFFFF000  }
0xe3: {  	[tilespmem:s28], [sflag:$0x1] =	stream.indirect.gather [hbm4b:s3+s29], $0x20, s6, s29, $0xb8;
	[tilespmem:$0xD310] =	vst v63  }
0xe4: {  	_ =	swait.ge [sflag:s31], $0x1000  }
.Ltmp7:
0xe5: {  	[sflag:s31] =	ssyncset.done $0x0;
	(pc) =	sbr.rel @p1 .LBB2_14-.Ltmp7, $4  }
0xe6: {  	s6 =	sadd.s32 $0x2800, s15;
	[sflag:s31] =	ssyncadd.s32 $0xFFFFF000  }
0xe7: {  	[spmem:s1] =	stream.indirect.scatter.add.f32 [tilespmem:s4], [sflag:$0x3], $0x20, s6, s29, $0xb8;
	[tilespmem:$0xD310] =	vst v63  }
0xe8: {  	_ =	swait.ge [sflag:s24], $0x1000  }
0xe9: {  	s16 =	smov.u32 s17;
	s15 =	sshra.s32 s13, $0x2;
	[sflag:s24] =	ssyncset.done $0x0  }
.Ltmp8:
0xea: {  	_ = 	snop;
	(pc) =	sbr.rel .LBB2_15-.Ltmp8, $1  }
0xeb: {  	_ =	sdelay $0x3  }
.LBB2_3:
0xec: {  	s15 =	simm.s32 $0x0;
	s6 =	rddreg [dreg:$0x6]  }
0xed: {  	[tilespmem:s26], [sflag:$0x3] =	stream.linear.gather [hbm4b:s6+s15], $0x2780, $0x38;
	[tilespmem:$0xD310] =	vst v63  }
0xee: {  	_ =	swait.ge [sflag:s24], $0x2780  }
0xef: {  	[sflag:s24] =	ssyncset.done $0x0  }
0xf0: {  	s16 =	simm.s32 $0x2780;
	[sflag:s24] =	ssyncadd.s32 $0xFFFFD880  }
0xf1: {  	[spmem:s1] =	stream.indirect.scatter.add.f32 [tilespmem:s28], [sflag:$0x1], $0x20, s16, s29, $0xb8;
	[tilespmem:$0xD310] =	vst v63  }
0xf2: {  	s17 =	simm.s32 $0x2800  }
0xf3: {  	[spmem:s1] =	stream.indirect.scatter.add.f32 [tilespmem:s28], [sflag:$0x2], $0x20, s17, s29, $0xb8;
	[tilespmem:$0xD310] =	vst v63  }
0xf4: {  	_ =	swait.ge [sflag:s30], $0x1000  }
0xf5: {  	[sflag:s30] =	ssyncset.done $0x0  }
0xf6: {  	[sflag:s30] =	ssyncadd.s32 $0xFFFFF000  }
0xf7: {  	_ =	swait.ge [sflag:s31], $0x1000  }
0xf8: {  	s15 =	simm.s32 $0x100;
	s16 =	simm.s32 $0x800;
	[sflag:s31] =	ssyncset.done $0x0  }
.LBB2_4:
0xf9: {  	s17 =	sadd.s32 $0x2780, s15  }
0xfa: {  	[sflag:s31] =	ssyncadd.s32 $0xFFFFF000;
	s6 =	smov.u32 s16;
	s13 =	sadd.s32 $0x400, s16  }
0xfb: {  	[spmem:s1] =	stream.indirect.scatter.add.f32 [tilespmem:s28], [sflag:$0x1], $0x20, s17, s29, $0xb8;
	[tilespmem:$0xD310] =	vst v63  }
0xfc: {  	p1 =	sne.s32 s16, $0x9800;
	s15 =	sadd.s32 $0x2800, s15  }
0xfd: {  	[spmem:s1] =	stream.indirect.scatter.add.f32 [tilespmem:s28], [sflag:$0x2], $0x20, s15, s29, $0xb8;
	[tilespmem:$0xD310] =	vst v63  }
.Ltmp9:
0xfe: {  	_ =	swait.ge [sflag:s30], $0x1000;
	(pc) =	sbr.rel @p1 .LBB2_4-.Ltmp9, $4  }
0xff: {  	[sflag:s30] =	ssyncset.done $0x0  }
0x100: {  	[sflag:s30] =	ssyncadd.s32 $0xFFFFF000  }
0x101: {  	_ =	swait.ge [sflag:s31], $0x1000  }
0x102: {  	s16 =	smov.u32 s13;
	s15 =	sshra.s32 s6, $0x2;
	[sflag:s31] =	ssyncset.done $0x0  }
0x103: {  	s6 =	sadd.s32 $0x2780, s15;
	[sflag:s31] =	ssyncadd.s32 $0xFFFFF000  }
0x104: {  	[spmem:s1] =	stream.indirect.scatter.add.f32 [tilespmem:s28], [sflag:$0x1], $0x20, s6, s29, $0xb8;
	[tilespmem:$0xD310] =	vst v63  }
0x105: {  	s13 =	sadd.s32 $0x2800, s15  }
0x106: {  	[spmem:s1] =	stream.indirect.scatter.add.f32 [tilespmem:s28], [sflag:$0x2], $0x20, s13, s29, $0xb8;
	[tilespmem:$0xD310] =	vst v63  }
0x107: {  	_ =	swait.ge [sflag:s30], $0x1000  }
0x108: {  	[sflag:s30] =	ssyncset.done $0x0  }
0x109: {  	[sflag:s30] =	ssyncadd.s32 $0xFFFFF000  }
0x10a: {  	_ =	swait.ge [sflag:s31], $0x1000  }
0x10b: {  	[sflag:s31] =	ssyncset.done $0x0  }
0x10c: {  	[sflag:s31] =	ssyncadd.s32 $0xFFFFF000  }
0x10d: {  	[spmem:s1] =	stream.indirect.scatter.add.f32 [tilespmem:s28], [sflag:$0x3], $0x20, s0, s29, $0xb8;
	[tilespmem:$0xD310] =	vst v63  }
0x10e: {  	_ =	swait.ge [sflag:s24], $0x1000  }
0x10f: {  	[sflag:s24] =	ssyncset.done $0x0  }
0x110: {  	s15 =	simm.s32 $0x0;
	s13 =	rddreg [dreg:$0x7];
	[sflag:s24] =	ssyncadd.s32 $0xFFFFF000  }
0x111: {  	[tilespmem:s26], [sflag:$0x3] =	stream.linear.gather [hbm4b:s13+s15], $0x2780, $0x38;
	[tilespmem:$0xD310] =	vst v63  }
0x112: {  	_ =	swait.ge [sflag:s24], $0x2780  }
0x113: {  	[sflag:s24] =	ssyncset.done $0x0  }
0x114: {  	s16 =	simm.s32 $0x2780;
	[sflag:s24] =	ssyncadd.s32 $0xFFFFD880  }
0x115: {  	[spmem:s1] =	stream.indirect.scatter.add.f32 [tilespmem:s28], [sflag:$0x1], $0x20, s16, s29, $0xb8;
	[tilespmem:$0xD310] =	vst v63  }
0x116: {  	s17 =	simm.s32 $0x2800  }
0x117: {  	[spmem:s1] =	stream.indirect.scatter.add.f32 [tilespmem:s28], [sflag:$0x2], $0x20, s17, s29, $0xb8;
	[tilespmem:$0xD310] =	vst v63  }
0x118: {  	_ =	swait.ge [sflag:s30], $0x1000  }
0x119: {  	[sflag:s30] =	ssyncset.done $0x0  }
0x11a: {  	[sflag:s30] =	ssyncadd.s32 $0xFFFFF000  }
0x11b: {  	_ =	swait.ge [sflag:s31], $0x1000  }
0x11c: {  	s15 =	simm.s32 $0x100;
	s16 =	simm.s32 $0x800;
	[sflag:s31] =	ssyncset.done $0x0  }
.LBB2_6:
0x11d: {  	s6 =	sadd.s32 $0x2780, s15  }
0x11e: {  	[sflag:s31] =	ssyncadd.s32 $0xFFFFF000;
	s13 =	smov.u32 s16;
	s17 =	sadd.s32 $0x400, s16  }
0x11f: {  	[spmem:s1] =	stream.indirect.scatter.add.f32 [tilespmem:s28], [sflag:$0x1], $0x20, s6, s29, $0xb8;
	[tilespmem:$0xD310] =	vst v63  }
0x120: {  	p1 =	seq.s32 s16, $0x9800;
	s6 =	sadd.s32 $0x2800, s15  }
0x121: {  	[spmem:s1] =	stream.indirect.scatter.add.f32 [tilespmem:s28], [sflag:$0x2], $0x20, s6, s29, $0xb8;
	[tilespmem:$0xD310] =	vst v63  }
.Ltmp10:
0x122: {  	_ =	swait.ge [sflag:s30], $0x1000;
	(pc) =	sbr.rel @!p1 .LBB2_6-.Ltmp10, $4  }
0x123: {  	[sflag:s30] =	ssyncset.done $0x0  }
0x124: {  	[sflag:s30] =	ssyncadd.s32 $0xFFFFF000  }
0x125: {  	_ =	swait.ge [sflag:s31], $0x1000  }
0x126: {  	s15 =	sshra.s32 s13, $0x2;
	s16 =	smov.u32 s17;
	[sflag:s31] =	ssyncset.done $0x0  }
0x127: {  	s6 =	sadd.s32 $0x2780, s15;
	[sflag:s31] =	ssyncadd.s32 $0xFFFFF000  }
0x128: {  	[spmem:s1] =	stream.indirect.scatter.add.f32 [tilespmem:s28], [sflag:$0x1], $0x20, s6, s29, $0xb8;
	[tilespmem:$0xD310] =	vst v63  }
0x129: {  	s17 =	sadd.s32 $0x2800, s15  }
0x12a: {  	[spmem:s1] =	stream.indirect.scatter.add.f32 [tilespmem:s28], [sflag:$0x2], $0x20, s17, s29, $0xb8;
	[tilespmem:$0xD310] =	vst v63  }
0x12b: {  	_ =	swait.ge [sflag:s30], $0x1000  }
.Ltmp11:
0x12c: {  	[sflag:s30] =	ssyncset.done $0x0;
	(pc) =	sbr.rel .LBB2_16-.Ltmp11, $4  }
0x12d: {  	[sflag:s30] =	ssyncadd.s32 $0xFFFFF000  }
0x12e: {  	_ =	swait.ge [sflag:s31], $0x1000  }
0x12f: {  	[sflag:s31] =	ssyncset.done $0x0  }
0x130: {  	[sflag:s31] =	ssyncadd.s32 $0xFFFFF000  }
.LBB2_17:
0x131: {  	_ =	sfence.sel $0x180000  }
0x132: {  	[bflag:$0x0] =	sbarrier.arrive $0xFFFF  }
0x133: {  	_ =	strace $0x90000047  }
0x134: {  	s0 =	stileid.u32;
	[bflag:$0x2] =	sbarrier.arrive $0xFFFF  }
0x135: {  	p0 =	sne.s32 s0, $0x0;
	s0 =	rddreg [dreg:$0x3]  }
0x136: {  	s0 =	sadd.s32 @!p0 $0x100000, s0  }
0x137: {  	[sflag:s0] =	ssyncadd.tile.s32 @!p0 $0x1;
	_ =	shalt  }
.Lfunc_end2:
_tile_overlayer_lowered:
.L_overlay_start_2:
0x138: {  	(tag) =	ssettag $0x2  }
0x139: {  	s0 =	rddreg [dreg:$0x0];
	s2 =	stileid.u32  }
0x13a: {  	s1 =	rddreg [dreg:$0x1];
	p0 =	sne.s32 s2, $0x0  }
0x13b: {  	s3 =	rddreg [dreg:$0x2];
	[bflag:$0x3] =	sbarrier.arrive $0xFFFF;
	s2 =	simm.s32 @!p0 $0x1C03  }
0x13c: {  	[timem:s3], [sflag:s2] =	dma.local @!p0 [hbm:s0], s1  }
0x13d: {  	s0 =	simm.s32 @!p0 $0x3  }
0x13e: {  	_ =	swait.ge @!p0 [sflag:s0], s1  }
0x13f: {  	s1 =	ssub.s32 @!p0 $0x0, s1;
	[sflag:s0] =	ssyncset.done @!p0 $0x0  }
0x140: {  	[sflag:s0] =	ssyncadd.s32 @!p0 s1  }
0x141: {  	[bflag:$0x3] =	sbarrier.arrive $0xFFFF  }
0x142: {  	_ =	shalt  }

</sc_bundles>
